<compile_context>
chip_gen: v7x
topology: tpu7x:2x2x1
jax: 0.10.2.dev20260603
libtpu: 0.0.44.dev20260713+nightly
codegen_flags: <defaults>
</compile_context>

<pallas_src>
import jax
import jax.numpy as jnp
from jax import lax
from jax.experimental import pallas as pl
from jax.experimental.pallas import tpu as pltpu
from jax.experimental.pallas import tpu_sc as plsc

N = 10000
E = 320000
D = 128
NP = 10240
NC = 2
NS = 16
B = 128
NH = 2
H = 40
NCH = NH * H
BD = 128
NCHD = 40
EP = NC * NS * NCH * B
RPS = NP // NS
DCOL = 16
BLK = 1024

_mesh = plsc.VectorSubcoreMesh(
    core_axis_name="c", subcore_axis_name="s", num_cores=NC, num_subcores=NS)


def _deg_body(dst_hbm, dcnt_out, dst_v, deg_t):
    c = lax.axis_index("c")
    s = lax.axis_index("s")
    pltpu.sync_copy(dst_hbm.at[c, s], dst_v)

    zero16 = jnp.zeros((16,), jnp.float32)

    def _z(i, carry):
        deg_t[pl.ds(i * 16, 16)] = zero16
        return carry

    lax.fori_loop(0, NP // 16, _z, 0)

    one16 = jnp.ones((16,), jnp.float32)

    def _cnt(i, carry):
        for k in range(B // 16):
            idx = dst_v[i, pl.ds(k * 16, 16)]
            plsc.addupdate_scatter(deg_t, [idx], one16)
        return carry

    lax.fori_loop(0, NCH, _cnt, 0)
    pltpu.sync_copy(deg_t, dcnt_out.at[c, s])


_deg = pl.kernel(
    _deg_body,
    out_type=[jax.ShapeDtypeStruct((NC, NS, NP), jnp.float32)],
    mesh=_mesh,
    scratch_types=[
        pltpu.VMEM((NCH, B), jnp.int32),
        pltpu.VMEM((NP,), jnp.float32),
    ],
    compiler_params=pltpu.CompilerParams(needs_layout_passes=False),
    name="deg_count")


def _seg_body(z_hbm, src_hbm, dst_hbm, acc_out, src_v, dst_v, rows_v, acc_s, sem0, sem1):
    if True:
        c = lax.axis_index("c")
        s = lax.axis_index("s")

        zero16 = jnp.zeros((16,), jnp.float32)

        def _zrow(i, carry):
            for j in range(D // 16):
                rows_v[0, i, pl.ds(j * 16, 16)] = zero16
            return carry

        lax.fori_loop(0, B, _zrow, 0)
        for k in range(RPS // B):
            pltpu.async_copy(rows_v.at[0], acc_s.at[pl.ds(s * RPS + k * B, B)], sem0)
        for k in range(RPS // B):
            pltpu.make_async_copy(
                rows_v.at[0], acc_s.at[pl.ds(s * RPS + k * B, B)], sem0).wait()

        plsc.subcore_barrier()

        for half in range(NH):
            pltpu.sync_copy(src_hbm.at[c, s, half], src_v)
            pltpu.sync_copy(dst_hbm.at[c, s, half], dst_v)
            pltpu.async_copy(z_hbm.at[src_v.at[0]], rows_v.at[0], sem0)

            def _pair(t, carry):
                j0 = 2 * t
                pltpu.async_copy(z_hbm.at[src_v.at[j0 + 1]], rows_v.at[1], sem1)
                pltpu.make_async_copy(z_hbm.at[src_v.at[j0]], rows_v.at[0], sem0).wait()
                pltpu.sync_copy(rows_v.at[0], acc_s.at[dst_v.at[j0]], add=True)
                pltpu.async_copy(
                    z_hbm.at[src_v.at[jnp.minimum(j0 + 2, H - 1)]], rows_v.at[0], sem0)
                pltpu.make_async_copy(z_hbm.at[src_v.at[j0 + 1]], rows_v.at[1], sem1).wait()
                pltpu.sync_copy(rows_v.at[1], acc_s.at[dst_v.at[j0 + 1]], add=True)
                return carry

            lax.fori_loop(0, H // 2, _pair, 0)
            pltpu.make_async_copy(z_hbm.at[src_v.at[0]], rows_v.at[0], sem0).wait()

        plsc.subcore_barrier()
        for k in range(RPS // B):
            pltpu.sync_copy(acc_s.at[pl.ds(s * RPS + k * B, B)], rows_v.at[k % 2])
            pltpu.sync_copy(rows_v.at[k % 2], acc_out.at[c, pl.ds(s * RPS + k * B, B)])

_SEG_SCRATCH = [
    pltpu.VMEM((H, B), jnp.int32),
    pltpu.VMEM((H, B), jnp.int32),
    pltpu.VMEM((2, B, D), jnp.float32),
    pltpu.VMEM_SHARED((NP, D), jnp.float32),
    pltpu.SemaphoreType.DMA,
    pltpu.SemaphoreType.DMA,
]

_seg = pl.kernel(
    _seg_body,
    out_type=[jax.ShapeDtypeStruct((NC, NP, D), jnp.float32)],
    mesh=_mesh,
    scratch_types=_SEG_SCRATCH,
    name="seg_sum")


def _pre_body(x_ref, wl_ref, wr_ref, bl_ref, z_ref, r_ref):
    xb = x_ref[...]
    z_ref[...] = jnp.dot(xb, wl_ref[...], preferred_element_type=jnp.float32)
    r_ref[...] = jnp.dot(xb, wr_ref[...], preferred_element_type=jnp.float32) + bl_ref[...]


def _mid_body(acc_ref, cnt_ref, r1_ref, wl_ref, wr_ref, bl_ref, z_ref, r_ref):
    agg = acc_ref[0] + acc_ref[1]
    deg = jnp.sum(cnt_ref[...], axis=0)[:, None]
    h1 = jnp.maximum(agg / jnp.maximum(deg, 1.0) + r1_ref[...], 0.0)
    z_ref[...] = jnp.dot(h1, wl_ref[...], preferred_element_type=jnp.float32)
    r_ref[...] = jnp.dot(h1, wr_ref[...], preferred_element_type=jnp.float32) + bl_ref[...]


def _fin_body(acc_ref, cnt_ref, r2_ref, o_ref):
    agg = acc_ref[0] + acc_ref[1]
    deg = jnp.sum(cnt_ref[...], axis=0)[:, None]
    o_ref[...] = jax.nn.sigmoid(agg / jnp.maximum(deg, 1.0) + r2_ref[...])


_row_spec = pl.BlockSpec((BLK, D), lambda i: (i, 0))
_w_spec = pl.BlockSpec((D, D), lambda i: (0, 0))
_b_spec = pl.BlockSpec((1, D), lambda i: (0, 0))
_acc_spec = pl.BlockSpec((NC, BLK, D), lambda i: (0, i, 0))
_cnt_spec = pl.BlockSpec((NC * NS, BLK), lambda i: (0, i))
_rows_out = jax.ShapeDtypeStruct((NP, D), jnp.float32)

_pre = pl.pallas_call(
    _pre_body, grid=(NP // BLK,),
    in_specs=[_row_spec, _w_spec, _w_spec, _b_spec],
    out_specs=[_row_spec, _row_spec],
    out_shape=[_rows_out, _rows_out],
)

_mid = pl.pallas_call(
    _mid_body, grid=(NP // BLK,),
    in_specs=[_acc_spec, _cnt_spec, _row_spec, _w_spec, _w_spec, _b_spec],
    out_specs=[_row_spec, _row_spec],
    out_shape=[_rows_out, _rows_out],
)

_fin = pl.pallas_call(
    _fin_body, grid=(NP // BLK,),
    in_specs=[_acc_spec, _cnt_spec, _row_spec],
    out_specs=_row_spec,
    out_shape=_rows_out,
)


def kernel(x, edge_index, edge_attr, Wl1, bl1, Wr1, Wl2, bl2, Wr2):
    del edge_attr
    xp = jnp.zeros((NP, D), jnp.float32).at[:N].set(x)
    pad = N + jnp.arange(EP - E, dtype=jnp.int32) % (NP - N)
    eip = jnp.concatenate([edge_index, jnp.tile(pad, (2, 1))], axis=1)
    srcp = eip[0].reshape(NC, NS, NH, H, B)
    dstp = eip[1].reshape(NC, NS, NH, H, B)
    dstp_d = dstp.reshape(NC, NS, NCH, B)

    (cnt,) = _deg(dstp_d)
    cnt = cnt.reshape(NC * NS, NP)
    z1, r1 = _pre(xp, Wl1.T, Wr1.T, bl1.reshape(1, D))
    (acc1,) = _seg(z1, srcp, dstp)
    z2, r2 = _mid(acc1, cnt, r1, Wl2.T, Wr2.T, bl2.reshape(1, D))
    (acc2,) = _seg(z2, srcp, dstp)
    return _fin(acc2, cnt, r2)[:N]

# --- scband reference (transcript-rebuilt; emitter-appended) ---
"""Pipeline reference for scband-sagenet-ray-1769526526168 (READ-ONLY COPY).

The authoritative reference and input builder live on the scoring server;
editing this copy changes nothing except your own understanding.
"""

import jax, jax.numpy as jnp
import numpy as np

N = 10000
E = 320000
D = 128


def setup_inputs(seed: int = 0) -> dict:
    key = jax.random.key(seed)
    ks = jax.random.split(key, 10)
    x = jax.random.normal(ks[0], (N, D), dtype=jnp.float32)
    edge_index = jax.random.randint(ks[1], (2, E), 0, N, dtype=jnp.int32)
    edge_attr = jax.random.normal(ks[2], (E, 4), dtype=jnp.float32)
    s = 1.0 / np.sqrt(D)
    Wl1 = jax.random.uniform(ks[3], (D, D), dtype=jnp.float32, minval=-s, maxval=s)
    bl1 = jax.random.uniform(ks[4], (D,), dtype=jnp.float32, minval=-s, maxval=s)
    Wr1 = jax.random.uniform(ks[5], (D, D), dtype=jnp.float32, minval=-s, maxval=s)
    Wl2 = jax.random.uniform(ks[6], (D, D), dtype=jnp.float32, minval=-s, maxval=s)
    bl2 = jax.random.uniform(ks[7], (D,), dtype=jnp.float32, minval=-s, maxval=s)
    Wr2 = jax.random.uniform(ks[8], (D, D), dtype=jnp.float32, minval=-s, maxval=s)
    return {"x": x, "edge_index": edge_index, "edge_attr": edge_attr,
            "Wl1": Wl1, "bl1": bl1, "Wr1": Wr1,
            "Wl2": Wl2, "bl2": bl2, "Wr2": Wr2}


def _sage_conv(h, edge_index, Wl, bl, Wr):
    # PyG SAGEConv: out = lin_l(mean_{j in N(i)} x_j) + lin_r(x_i)
    src = edge_index[0]
    dst = edge_index[1]
    msg = jnp.take(h, src, axis=0)               # gather (SparseCore)
    agg = jax.ops.segment_sum(msg, dst, num_segments=N)   # scatter-add
    deg = jax.ops.segment_sum(jnp.ones((E,), dtype=h.dtype), dst, num_segments=N)
    mean = agg / jnp.clip(deg, 1.0, None)[:, None]
    return mean @ Wl.T + bl + h @ Wr.T


def reference(x, edge_index, edge_attr, Wl1, bl1, Wr1, Wl2, bl2, Wr2):
    # edge_attr is unpacked by the original module but never used by SAGEConv
    h = _sage_conv(x, edge_index, Wl1, bl1, Wr1)
    h = jax.nn.relu(h)                            # layer 1 activation 'relu'
    h = _sage_conv(h, edge_index, Wl2, bl2, Wr2)  # layer 2 activation 'None'
    return jax.nn.sigmoid(h)                      # final_sigmoid_layer=True

if __name__ == "__main__":
    import jax
    _d = setup_inputs()
    print(jax.jit(kernel)(*tuple(_d.values())))

</pallas_src>

<mosaic_0001>
#map = affine_map<(d0, d1) -> (0, 0)>
#map1 = affine_map<(d0, d1) -> (0, 0, 0, 0, 0)>
#map2 = affine_map<(d0, d1) -> (0, 0, 0)>
module attributes {stable_mosaic.version = 14 : i64} {
  func.func @seg_sum(%arg0: i32, %arg1: i32, %arg2: memref<10240x128xf32, #tpu.memory_space<hbm>>, %arg3: memref<2x16x2x40x128xi32, #tpu.memory_space<hbm>>, %arg4: memref<2x16x2x40x128xi32, #tpu.memory_space<hbm>>, %arg5: memref<2x10240x128xf32, #tpu.memory_space<hbm>>, %arg6: memref<40x128xi32, #tpu.memory_space<vmem>>, %arg7: memref<40x128xi32, #tpu.memory_space<vmem>>, %arg8: memref<2x128x128xf32, #tpu.memory_space<vmem>>, %arg9: memref<10240x128xf32, #tpu.memory_space<vmem_shared>>, %arg10: memref<!tpu.dma_semaphore, #tpu.memory_space<semaphore_mem>>, %arg11: memref<!tpu.dma_semaphore, #tpu.memory_space<semaphore_mem>>) attributes {dimension_semantics = [#tpu.dimension_semantics<core_parallel>, #tpu.dimension_semantics<subcore_parallel>], iteration_bounds = array<i64: 2, 16>, scalar_prefetch = 0 : i64, scratch_operands = 6 : i64, tpu.core_type = #tpu.core_type<sc_vector_subcore>, window_params = [{transform_indices = #map}, {transform_indices = #map1}, {transform_indices = #map1}, {transform_indices = #map2}]} {
    %broadcast_in_dim3A = arith.constant 0.000000e+00 : f32
    %broadcast_in_dim3A_0 = vector.broadcast %broadcast_in_dim3A : f32 to vector<16xf32>
    %scan3A = arith.constant 0 : i32
    %scan3A_1 = arith.constant 0 : i32
    %scan3A_2 = arith.constant 128 : i32
    %scan3A_3 = arith.addi %scan3A_1, %scan3A_2 : i32
    %scan3A_4 = arith.constant 1 : i32
    scf.for %scan3A_286 = %scan3A_1 to %scan3A_3 step %scan3A_4  : i32 {
      %swap3A = arith.constant 0 : i32
      %swap3A_287 = arith.index_cast %swap3A : i32 to index
      %swap3A_288 = arith.index_cast %scan3A_286 : i32 to index
      %swap3A_289 = arith.constant 0 : index
      %swap3A_290 = tpu.vector_load %arg8[%swap3A_287, %swap3A_288, %swap3A_289] {strides = array<i32>} : memref<2x128x128xf32, #tpu.memory_space<vmem>>, vector<1x1x16xf32>,
      %swap3A_291 = vector.shape_cast %swap3A_290 : vector<1x1x16xf32> to vector<16xf32>
      %swap3A_292 = vector.shape_cast %broadcast_in_dim3A_0 : vector<16xf32> to vector<1x1x16xf32>
      tpu.vector_store %arg8[%swap3A_287, %swap3A_288, %swap3A_289], %swap3A_292 {strides = array<i32>} : memref<2x128x128xf32, #tpu.memory_space<vmem>>, vector<1x1x16xf32>,
      %swap3A_293 = arith.constant 0 : i32
      %swap3A_294 = arith.index_cast %swap3A_293 : i32 to index
      %swap3A_295 = arith.index_cast %scan3A_286 : i32 to index
      %swap3A_296 = arith.constant 16 : index
      %swap3A_297 = tpu.vector_load %arg8[%swap3A_294, %swap3A_295, %swap3A_296] {strides = array<i32>} : memref<2x128x128xf32, #tpu.memory_space<vmem>>, vector<1x1x16xf32>,
      %swap3A_298 = vector.shape_cast %swap3A_297 : vector<1x1x16xf32> to vector<16xf32>
      %swap3A_299 = vector.shape_cast %broadcast_in_dim3A_0 : vector<16xf32> to vector<1x1x16xf32>
      tpu.vector_store %arg8[%swap3A_294, %swap3A_295, %swap3A_296], %swap3A_299 {strides = array<i32>} : memref<2x128x128xf32, #tpu.memory_space<vmem>>, vector<1x1x16xf32>,
      %swap3A_300 = arith.constant 0 : i32
      %swap3A_301 = arith.index_cast %swap3A_300 : i32 to index
      %swap3A_302 = arith.index_cast %scan3A_286 : i32 to index
      %swap3A_303 = arith.constant 32 : index
      %swap3A_304 = tpu.vector_load %arg8[%swap3A_301, %swap3A_302, %swap3A_303] {strides = array<i32>} : memref<2x128x128xf32, #tpu.memory_space<vmem>>, vector<1x1x16xf32>,
      %swap3A_305 = vector.shape_cast %swap3A_304 : vector<1x1x16xf32> to vector<16xf32>
      %swap3A_306 = vector.shape_cast %broadcast_in_dim3A_0 : vector<16xf32> to vector<1x1x16xf32>
      tpu.vector_store %arg8[%swap3A_301, %swap3A_302, %swap3A_303], %swap3A_306 {strides = array<i32>} : memref<2x128x128xf32, #tpu.memory_space<vmem>>, vector<1x1x16xf32>,
      %swap3A_307 = arith.constant 0 : i32
      %swap3A_308 = arith.index_cast %swap3A_307 : i32 to index
      %swap3A_309 = arith.index_cast %scan3A_286 : i32 to index
      %swap3A_310 = arith.constant 48 : index
      %swap3A_311 = tpu.vector_load %arg8[%swap3A_308, %swap3A_309, %swap3A_310] {strides = array<i32>} : memref<2x128x128xf32, #tpu.memory_space<vmem>>, vector<1x1x16xf32>,
      %swap3A_312 = vector.shape_cast %swap3A_311 : vector<1x1x16xf32> to vector<16xf32>
      %swap3A_313 = vector.shape_cast %broadcast_in_dim3A_0 : vector<16xf32> to vector<1x1x16xf32>
      tpu.vector_store %arg8[%swap3A_308, %swap3A_309, %swap3A_310], %swap3A_313 {strides = array<i32>} : memref<2x128x128xf32, #tpu.memory_space<vmem>>, vector<1x1x16xf32>,
      %swap3A_314 = arith.constant 0 : i32
      %swap3A_315 = arith.index_cast %swap3A_314 : i32 to index
      %swap3A_316 = arith.index_cast %scan3A_286 : i32 to index
      %swap3A_317 = arith.constant 64 : index
      %swap3A_318 = tpu.vector_load %arg8[%swap3A_315, %swap3A_316, %swap3A_317] {strides = array<i32>} : memref<2x128x128xf32, #tpu.memory_space<vmem>>, vector<1x1x16xf32>,
      %swap3A_319 = vector.shape_cast %swap3A_318 : vector<1x1x16xf32> to vector<16xf32>
      %swap3A_320 = vector.shape_cast %broadcast_in_dim3A_0 : vector<16xf32> to vector<1x1x16xf32>
      tpu.vector_store %arg8[%swap3A_315, %swap3A_316, %swap3A_317], %swap3A_320 {strides = array<i32>} : memref<2x128x128xf32, #tpu.memory_space<vmem>>, vector<1x1x16xf32>,
      %swap3A_321 = arith.constant 0 : i32
      %swap3A_322 = arith.index_cast %swap3A_321 : i32 to index
      %swap3A_323 = arith.index_cast %scan3A_286 : i32 to index
      %swap3A_324 = arith.constant 80 : index
      %swap3A_325 = tpu.vector_load %arg8[%swap3A_322, %swap3A_323, %swap3A_324] {strides = array<i32>} : memref<2x128x128xf32, #tpu.memory_space<vmem>>, vector<1x1x16xf32>,
      %swap3A_326 = vector.shape_cast %swap3A_325 : vector<1x1x16xf32> to vector<16xf32>
      %swap3A_327 = vector.shape_cast %broadcast_in_dim3A_0 : vector<16xf32> to vector<1x1x16xf32>
      tpu.vector_store %arg8[%swap3A_322, %swap3A_323, %swap3A_324], %swap3A_327 {strides = array<i32>} : memref<2x128x128xf32, #tpu.memory_space<vmem>>, vector<1x1x16xf32>,
      %swap3A_328 = arith.constant 0 : i32
      %swap3A_329 = arith.index_cast %swap3A_328 : i32 to index
      %swap3A_330 = arith.index_cast %scan3A_286 : i32 to index
      %swap3A_331 = arith.constant 96 : index
      %swap3A_332 = tpu.vector_load %arg8[%swap3A_329, %swap3A_330, %swap3A_331] {strides = array<i32>} : memref<2x128x128xf32, #tpu.memory_space<vmem>>, vector<1x1x16xf32>,
      %swap3A_333 = vector.shape_cast %swap3A_332 : vector<1x1x16xf32> to vector<16xf32>
      %swap3A_334 = vector.shape_cast %broadcast_in_dim3A_0 : vector<16xf32> to vector<1x1x16xf32>
      tpu.vector_store %arg8[%swap3A_329, %swap3A_330, %swap3A_331], %swap3A_334 {strides = array<i32>} : memref<2x128x128xf32, #tpu.memory_space<vmem>>, vector<1x1x16xf32>,
      %swap3A_335 = arith.constant 0 : i32
      %swap3A_336 = arith.index_cast %swap3A_335 : i32 to index
      %swap3A_337 = arith.index_cast %scan3A_286 : i32 to index
      %swap3A_338 = arith.constant 112 : index
      %swap3A_339 = tpu.vector_load %arg8[%swap3A_336, %swap3A_337, %swap3A_338] {strides = array<i32>} : memref<2x128x128xf32, #tpu.memory_space<vmem>>, vector<1x1x16xf32>,
      %swap3A_340 = vector.shape_cast %swap3A_339 : vector<1x1x16xf32> to vector<16xf32>
      %swap3A_341 = vector.shape_cast %broadcast_in_dim3A_0 : vector<16xf32> to vector<1x1x16xf32>
      tpu.vector_store %arg8[%swap3A_336, %swap3A_337, %swap3A_338], %swap3A_341 {strides = array<i32>} : memref<2x128x128xf32, #tpu.memory_space<vmem>>, vector<1x1x16xf32>,
    }
    %scan3A_5 = arith.constant 128 : i32
    %mul3A = arith.constant 640 : i32
    %mul3A_6 = arith.muli %arg1, %mul3A : i32
    %add3A = arith.constant 0 : i32
    %add3A_7 = arith.addi %mul3A_6, %add3A : i32
    %dma_start3A = arith.constant 0 : i32
    %dma_start3A_8 = arith.constant 0 : i32
    %dma_start3A_9 = arith.constant 0 : i32
    %dma_start3A_10 = tpu.memref_slice %arg8[%dma_start3A, %dma_start3A_8, %dma_start3A_9] : memref<2x128x128xf32, #tpu.memory_space<vmem>> -> memref<1x128x128xf32, #tpu.memory_space<vmem>>
    %dma_start3A_11 = tpu.memref_squeeze %dma_start3A_10 : memref<1x128x128xf32, #tpu.memory_space<vmem>> -> memref<128x128xf32, #tpu.memory_space<vmem>>
    %dma_start3A_12 = arith.constant 0 : i32
    %dma_start3A_13 = tpu.memref_slice %arg9[%add3A_7, %dma_start3A_12] : memref<10240x128xf32, #tpu.memory_space<vmem_shared>> -> memref<128x128xf32, #tpu.memory_space<vmem_shared>>
    %dma_start3A_14 = arith.constant 0 : i32
    %dma_start3A_15 = tpu.memref_slice %arg9[%add3A_7, %dma_start3A_14] : memref<10240x128xf32, #tpu.memory_space<vmem_shared>> -> memref<128x128xf32, #tpu.memory_space<vmem_shared>>
    %dma_start3A_16 = arith.constant 0 : i32
    %dma_start3A_17 = arith.constant 0 : i32
    %dma_start3A_18 = tpu.memref_slice %arg8[%dma_start3A, %dma_start3A_16, %dma_start3A_17] : memref<2x128x128xf32, #tpu.memory_space<vmem>> -> memref<1x128x128xf32, #tpu.memory_space<vmem>>
    %dma_start3A_19 = tpu.memref_squeeze %dma_start3A_18 : memref<1x128x128xf32, #tpu.memory_space<vmem>> -> memref<128x128xf32, #tpu.memory_space<vmem>>
    tpu.enqueue_dma source(%dma_start3A_19 : memref<128x128xf32, #tpu.memory_space<vmem>>) target(%dma_start3A_15 : memref<128x128xf32, #tpu.memory_space<vmem_shared>>) target_semaphore(%arg10 : memref<!tpu.dma_semaphore, #tpu.memory_space<semaphore_mem>>)
    %mul3A_20 = arith.constant 640 : i32
    %mul3A_21 = arith.muli %arg1, %mul3A_20 : i32
    %add3A_22 = arith.constant 128 : i32
    %add3A_23 = arith.addi %mul3A_21, %add3A_22 : i32
    %dma_start3A_24 = arith.constant 0 : i32
    %dma_start3A_25 = arith.constant 0 : i32
    %dma_start3A_26 = arith.constant 0 : i32
    %dma_start3A_27 = tpu.memref_slice %arg8[%dma_start3A_24, %dma_start3A_25, %dma_start3A_26] : memref<2x128x128xf32, #tpu.memory_space<vmem>> -> memref<1x128x128xf32, #tpu.memory_space<vmem>>
    %dma_start3A_28 = tpu.memref_squeeze %dma_start3A_27 : memref<1x128x128xf32, #tpu.memory_space<vmem>> -> memref<128x128xf32, #tpu.memory_space<vmem>>
    %dma_start3A_29 = arith.constant 0 : i32
    %dma_start3A_30 = tpu.memref_slice %arg9[%add3A_23, %dma_start3A_29] : memref<10240x128xf32, #tpu.memory_space<vmem_shared>> -> memref<128x128xf32, #tpu.memory_space<vmem_shared>>
    %dma_start3A_31 = arith.constant 0 : i32
    %dma_start3A_32 = tpu.memref_slice %arg9[%add3A_23, %dma_start3A_31] : memref<10240x128xf32, #tpu.memory_space<vmem_shared>> -> memref<128x128xf32, #tpu.memory_space<vmem_shared>>
    %dma_start3A_33 = arith.constant 0 : i32
    %dma_start3A_34 = arith.constant 0 : i32
    %dma_start3A_35 = tpu.memref_slice %arg8[%dma_start3A_24, %dma_start3A_33, %dma_start3A_34] : memref<2x128x128xf32, #tpu.memory_space<vmem>> -> memref<1x128x128xf32, #tpu.memory_space<vmem>>
    %dma_start3A_36 = tpu.memref_squeeze %dma_start3A_35 : memref<1x128x128xf32, #tpu.memory_space<vmem>> -> memref<128x128xf32, #tpu.memory_space<vmem>>
    tpu.enqueue_dma source(%dma_start3A_36 : memref<128x128xf32, #tpu.memory_space<vmem>>) target(%dma_start3A_32 : memref<128x128xf32, #tpu.memory_space<vmem_shared>>) target_semaphore(%arg10 : memref<!tpu.dma_semaphore, #tpu.memory_space<semaphore_mem>>)
    %mul3A_37 = arith.constant 640 : i32
    %mul3A_38 = arith.muli %arg1, %mul3A_37 : i32
    %add3A_39 = arith.constant 256 : i32
    %add3A_40 = arith.addi %mul3A_38, %add3A_39 : i32
    %dma_start3A_41 = arith.constant 0 : i32
    %dma_start3A_42 = arith.constant 0 : i32
    %dma_start3A_43 = arith.constant 0 : i32
    %dma_start3A_44 = tpu.memref_slice %arg8[%dma_start3A_41, %dma_start3A_42, %dma_start3A_43] : memref<2x128x128xf32, #tpu.memory_space<vmem>> -> memref<1x128x128xf32, #tpu.memory_space<vmem>>
    %dma_start3A_45 = tpu.memref_squeeze %dma_start3A_44 : memref<1x128x128xf32, #tpu.memory_space<vmem>> -> memref<128x128xf32, #tpu.memory_space<vmem>>
    %dma_start3A_46 = arith.constant 0 : i32
    %dma_start3A_47 = tpu.memref_slice %arg9[%add3A_40, %dma_start3A_46] : memref<10240x128xf32, #tpu.memory_space<vmem_shared>> -> memref<128x128xf32, #tpu.memory_space<vmem_shared>>
    %dma_start3A_48 = arith.constant 0 : i32
    %dma_start3A_49 = tpu.memref_slice %arg9[%add3A_40, %dma_start3A_48] : memref<10240x128xf32, #tpu.memory_space<vmem_shared>> -> memref<128x128xf32, #tpu.memory_space<vmem_shared>>
    %dma_start3A_50 = arith.constant 0 : i32
    %dma_start3A_51 = arith.constant 0 : i32
    %dma_start3A_52 = tpu.memref_slice %arg8[%dma_start3A_41, %dma_start3A_50, %dma_start3A_51] : memref<2x128x128xf32, #tpu.memory_space<vmem>> -> memref<1x128x128xf32, #tpu.memory_space<vmem>>
    %dma_start3A_53 = tpu.memref_squeeze %dma_start3A_52 : memref<1x128x128xf32, #tpu.memory_space<vmem>> -> memref<128x128xf32, #tpu.memory_space<vmem>>
    tpu.enqueue_dma source(%dma_start3A_53 : memref<128x128xf32, #tpu.memory_space<vmem>>) target(%dma_start3A_49 : memref<128x128xf32, #tpu.memory_space<vmem_shared>>) target_semaphore(%arg10 : memref<!tpu.dma_semaphore, #tpu.memory_space<semaphore_mem>>)
    %mul3A_54 = arith.constant 640 : i32
    %mul3A_55 = arith.muli %arg1, %mul3A_54 : i32
    %add3A_56 = arith.constant 384 : i32
    %add3A_57 = arith.addi %mul3A_55, %add3A_56 : i32
    %dma_start3A_58 = arith.constant 0 : i32
    %dma_start3A_59 = arith.constant 0 : i32
    %dma_start3A_60 = arith.constant 0 : i32
    %dma_start3A_61 = tpu.memref_slice %arg8[%dma_start3A_58, %dma_start3A_59, %dma_start3A_60] : memref<2x128x128xf32, #tpu.memory_space<vmem>> -> memref<1x128x128xf32, #tpu.memory_space<vmem>>
    %dma_start3A_62 = tpu.memref_squeeze %dma_start3A_61 : memref<1x128x128xf32, #tpu.memory_space<vmem>> -> memref<128x128xf32, #tpu.memory_space<vmem>>
    %dma_start3A_63 = arith.constant 0 : i32
    %dma_start3A_64 = tpu.memref_slice %arg9[%add3A_57, %dma_start3A_63] : memref<10240x128xf32, #tpu.memory_space<vmem_shared>> -> memref<128x128xf32, #tpu.memory_space<vmem_shared>>
    %dma_start3A_65 = arith.constant 0 : i32
    %dma_start3A_66 = tpu.memref_slice %arg9[%add3A_57, %dma_start3A_65] : memref<10240x128xf32, #tpu.memory_space<vmem_shared>> -> memref<128x128xf32, #tpu.memory_space<vmem_shared>>
    %dma_start3A_67 = arith.constant 0 : i32
    %dma_start3A_68 = arith.constant 0 : i32
    %dma_start3A_69 = tpu.memref_slice %arg8[%dma_start3A_58, %dma_start3A_67, %dma_start3A_68] : memref<2x128x128xf32, #tpu.memory_space<vmem>> -> memref<1x128x128xf32, #tpu.memory_space<vmem>>
    %dma_start3A_70 = tpu.memref_squeeze %dma_start3A_69 : memref<1x128x128xf32, #tpu.memory_space<vmem>> -> memref<128x128xf32, #tpu.memory_space<vmem>>
    tpu.enqueue_dma source(%dma_start3A_70 : memref<128x128xf32, #tpu.memory_space<vmem>>) target(%dma_start3A_66 : memref<128x128xf32, #tpu.memory_space<vmem_shared>>) target_semaphore(%arg10 : memref<!tpu.dma_semaphore, #tpu.memory_space<semaphore_mem>>)
    %mul3A_71 = arith.constant 640 : i32
    %mul3A_72 = arith.muli %arg1, %mul3A_71 : i32
    %add3A_73 = arith.constant 512 : i32
    %add3A_74 = arith.addi %mul3A_72, %add3A_73 : i32
    %dma_start3A_75 = arith.constant 0 : i32
    %dma_start3A_76 = arith.constant 0 : i32
    %dma_start3A_77 = arith.constant 0 : i32
    %dma_start3A_78 = tpu.memref_slice %arg8[%dma_start3A_75, %dma_start3A_76, %dma_start3A_77] : memref<2x128x128xf32, #tpu.memory_space<vmem>> -> memref<1x128x128xf32, #tpu.memory_space<vmem>>
    %dma_start3A_79 = tpu.memref_squeeze %dma_start3A_78 : memref<1x128x128xf32, #tpu.memory_space<vmem>> -> memref<128x128xf32, #tpu.memory_space<vmem>>
    %dma_start3A_80 = arith.constant 0 : i32
    %dma_start3A_81 = tpu.memref_slice %arg9[%add3A_74, %dma_start3A_80] : memref<10240x128xf32, #tpu.memory_space<vmem_shared>> -> memref<128x128xf32, #tpu.memory_space<vmem_shared>>
    %dma_start3A_82 = arith.constant 0 : i32
    %dma_start3A_83 = tpu.memref_slice %arg9[%add3A_74, %dma_start3A_82] : memref<10240x128xf32, #tpu.memory_space<vmem_shared>> -> memref<128x128xf32, #tpu.memory_space<vmem_shared>>
    %dma_start3A_84 = arith.constant 0 : i32
    %dma_start3A_85 = arith.constant 0 : i32
    %dma_start3A_86 = tpu.memref_slice %arg8[%dma_start3A_75, %dma_start3A_84, %dma_start3A_85] : memref<2x128x128xf32, #tpu.memory_space<vmem>> -> memref<1x128x128xf32, #tpu.memory_space<vmem>>
    %dma_start3A_87 = tpu.memref_squeeze %dma_start3A_86 : memref<1x128x128xf32, #tpu.memory_space<vmem>> -> memref<128x128xf32, #tpu.memory_space<vmem>>
    tpu.enqueue_dma source(%dma_start3A_87 : memref<128x128xf32, #tpu.memory_space<vmem>>) target(%dma_start3A_83 : memref<128x128xf32, #tpu.memory_space<vmem_shared>>) target_semaphore(%arg10 : memref<!tpu.dma_semaphore, #tpu.memory_space<semaphore_mem>>)
    %mul3A_88 = arith.constant 640 : i32
    %mul3A_89 = arith.muli %arg1, %mul3A_88 : i32
    %add3A_90 = arith.constant 0 : i32
    %add3A_91 = arith.addi %mul3A_89, %add3A_90 : i32
    %dma_wait3A = arith.constant 0 : i32
    %dma_wait3A_92 = arith.constant 0 : i32
    %dma_wait3A_93 = arith.constant 0 : i32
    %dma_wait3A_94 = tpu.memref_slice %arg8[%dma_wait3A, %dma_wait3A_92, %dma_wait3A_93] : memref<2x128x128xf32, #tpu.memory_space<vmem>> -> memref<1x128x128xf32, #tpu.memory_space<vmem>>
    %dma_wait3A_95 = tpu.memref_squeeze %dma_wait3A_94 : memref<1x128x128xf32, #tpu.memory_space<vmem>> -> memref<128x128xf32, #tpu.memory_space<vmem>>
    %dma_wait3A_96 = arith.constant 0 : i32
    %dma_wait3A_97 = tpu.memref_slice %arg9[%add3A_91, %dma_wait3A_96] : memref<10240x128xf32, #tpu.memory_space<vmem_shared>> -> memref<128x128xf32, #tpu.memory_space<vmem_shared>>
    %dma_wait3A_98 = arith.constant 0 : i32
    %dma_wait3A_99 = tpu.memref_slice %arg9[%add3A_91, %dma_wait3A_98] : memref<10240x128xf32, #tpu.memory_space<vmem_shared>> -> memref<128x128xf32, #tpu.memory_space<vmem_shared>>
    %dma_wait3A_100 = arith.constant 0 : i32
    %dma_wait3A_101 = arith.constant 0 : i32
    %dma_wait3A_102 = tpu.memref_slice %arg8[%dma_wait3A, %dma_wait3A_100, %dma_wait3A_101] : memref<2x128x128xf32, #tpu.memory_space<vmem>> -> memref<1x128x128xf32, #tpu.memory_space<vmem>>
    %dma_wait3A_103 = tpu.memref_squeeze %dma_wait3A_102 : memref<1x128x128xf32, #tpu.memory_space<vmem>> -> memref<128x128xf32, #tpu.memory_space<vmem>>
    tpu.wait_dma2 semaphore(%arg10 : memref<!tpu.dma_semaphore, #tpu.memory_space<semaphore_mem>>) src(%dma_wait3A_103 : memref<128x128xf32, #tpu.memory_space<vmem>>) dst(%dma_wait3A_99 : memref<128x128xf32, #tpu.memory_space<vmem_shared>>)
    %mul3A_104 = arith.constant 640 : i32
    %mul3A_105 = arith.muli %arg1, %mul3A_104 : i32
    %add3A_106 = arith.constant 128 : i32
    %add3A_107 = arith.addi %mul3A_105, %add3A_106 : i32
    %dma_wait3A_108 = arith.constant 0 : i32
    %dma_wait3A_109 = arith.constant 0 : i32
    %dma_wait3A_110 = arith.constant 0 : i32
    %dma_wait3A_111 = tpu.memref_slice %arg8[%dma_wait3A_108, %dma_wait3A_109, %dma_wait3A_110] : memref<2x128x128xf32, #tpu.memory_space<vmem>> -> memref<1x128x128xf32, #tpu.memory_space<vmem>>
    %dma_wait3A_112 = tpu.memref_squeeze %dma_wait3A_111 : memref<1x128x128xf32, #tpu.memory_space<vmem>> -> memref<128x128xf32, #tpu.memory_space<vmem>>
    %dma_wait3A_113 = arith.constant 0 : i32
    %dma_wait3A_114 = tpu.memref_slice %arg9[%add3A_107, %dma_wait3A_113] : memref<10240x128xf32, #tpu.memory_space<vmem_shared>> -> memref<128x128xf32, #tpu.memory_space<vmem_shared>>
    %dma_wait3A_115 = arith.constant 0 : i32
    %dma_wait3A_116 = tpu.memref_slice %arg9[%add3A_107, %dma_wait3A_115] : memref<10240x128xf32, #tpu.memory_space<vmem_shared>> -> memref<128x128xf32, #tpu.memory_space<vmem_shared>>
    %dma_wait3A_117 = arith.constant 0 : i32
    %dma_wait3A_118 = arith.constant 0 : i32
    %dma_wait3A_119 = tpu.memref_slice %arg8[%dma_wait3A_108, %dma_wait3A_117, %dma_wait3A_118] : memref<2x128x128xf32, #tpu.memory_space<vmem>> -> memref<1x128x128xf32, #tpu.memory_space<vmem>>
    %dma_wait3A_120 = tpu.memref_squeeze %dma_wait3A_119 : memref<1x128x128xf32, #tpu.memory_space<vmem>> -> memref<128x128xf32, #tpu.memory_space<vmem>>
    tpu.wait_dma2 semaphore(%arg10 : memref<!tpu.dma_semaphore, #tpu.memory_space<semaphore_mem>>) src(%dma_wait3A_120 : memref<128x128xf32, #tpu.memory_space<vmem>>) dst(%dma_wait3A_116 : memref<128x128xf32, #tpu.memory_space<vmem_shared>>)
    %mul3A_121 = arith.constant 640 : i32
    %mul3A_122 = arith.muli %arg1, %mul3A_121 : i32
    %add3A_123 = arith.constant 256 : i32
    %add3A_124 = arith.addi %mul3A_122, %add3A_123 : i32
    %dma_wait3A_125 = arith.constant 0 : i32
    %dma_wait3A_126 = arith.constant 0 : i32
    %dma_wait3A_127 = arith.constant 0 : i32
    %dma_wait3A_128 = tpu.memref_slice %arg8[%dma_wait3A_125, %dma_wait3A_126, %dma_wait3A_127] : memref<2x128x128xf32, #tpu.memory_space<vmem>> -> memref<1x128x128xf32, #tpu.memory_space<vmem>>
    %dma_wait3A_129 = tpu.memref_squeeze %dma_wait3A_128 : memref<1x128x128xf32, #tpu.memory_space<vmem>> -> memref<128x128xf32, #tpu.memory_space<vmem>>
    %dma_wait3A_130 = arith.constant 0 : i32
    %dma_wait3A_131 = tpu.memref_slice %arg9[%add3A_124, %dma_wait3A_130] : memref<10240x128xf32, #tpu.memory_space<vmem_shared>> -> memref<128x128xf32, #tpu.memory_space<vmem_shared>>
    %dma_wait3A_132 = arith.constant 0 : i32
    %dma_wait3A_133 = tpu.memref_slice %arg9[%add3A_124, %dma_wait3A_132] : memref<10240x128xf32, #tpu.memory_space<vmem_shared>> -> memref<128x128xf32, #tpu.memory_space<vmem_shared>>
    %dma_wait3A_134 = arith.constant 0 : i32
    %dma_wait3A_135 = arith.constant 0 : i32
    %dma_wait3A_136 = tpu.memref_slice %arg8[%dma_wait3A_125, %dma_wait3A_134, %dma_wait3A_135] : memref<2x128x128xf32, #tpu.memory_space<vmem>> -> memref<1x128x128xf32, #tpu.memory_space<vmem>>
    %dma_wait3A_137 = tpu.memref_squeeze %dma_wait3A_136 : memref<1x128x128xf32, #tpu.memory_space<vmem>> -> memref<128x128xf32, #tpu.memory_space<vmem>>
    tpu.wait_dma2 semaphore(%arg10 : memref<!tpu.dma_semaphore, #tpu.memory_space<semaphore_mem>>) src(%dma_wait3A_137 : memref<128x128xf32, #tpu.memory_space<vmem>>) dst(%dma_wait3A_133 : memref<128x128xf32, #tpu.memory_space<vmem_shared>>)
    %mul3A_138 = arith.constant 640 : i32
    %mul3A_139 = arith.muli %arg1, %mul3A_138 : i32
    %add3A_140 = arith.constant 384 : i32
    %add3A_141 = arith.addi %mul3A_139, %add3A_140 : i32
    %dma_wait3A_142 = arith.constant 0 : i32
    %dma_wait3A_143 = arith.constant 0 : i32
    %dma_wait3A_144 = arith.constant 0 : i32
    %dma_wait3A_145 = tpu.memref_slice %arg8[%dma_wait3A_142, %dma_wait3A_143, %dma_wait3A_144] : memref<2x128x128xf32, #tpu.memory_space<vmem>> -> memref<1x128x128xf32, #tpu.memory_space<vmem>>
    %dma_wait3A_146 = tpu.memref_squeeze %dma_wait3A_145 : memref<1x128x128xf32, #tpu.memory_space<vmem>> -> memref<128x128xf32, #tpu.memory_space<vmem>>
    %dma_wait3A_147 = arith.constant 0 : i32
    %dma_wait3A_148 = tpu.memref_slice %arg9[%add3A_141, %dma_wait3A_147] : memref<10240x128xf32, #tpu.memory_space<vmem_shared>> -> memref<128x128xf32, #tpu.memory_space<vmem_shared>>
    %dma_wait3A_149 = arith.constant 0 : i32
    %dma_wait3A_150 = tpu.memref_slice %arg9[%add3A_141, %dma_wait3A_149] : memref<10240x128xf32, #tpu.memory_space<vmem_shared>> -> memref<128x128xf32, #tpu.memory_space<vmem_shared>>
    %dma_wait3A_151 = arith.constant 0 : i32
    %dma_wait3A_152 = arith.constant 0 : i32
    %dma_wait3A_153 = tpu.memref_slice %arg8[%dma_wait3A_142, %dma_wait3A_151, %dma_wait3A_152] : memref<2x128x128xf32, #tpu.memory_space<vmem>> -> memref<1x128x128xf32, #tpu.memory_space<vmem>>
    %dma_wait3A_154 = tpu.memref_squeeze %dma_wait3A_153 : memref<1x128x128xf32, #tpu.memory_space<vmem>> -> memref<128x128xf32, #tpu.memory_space<vmem>>
    tpu.wait_dma2 semaphore(%arg10 : memref<!tpu.dma_semaphore, #tpu.memory_space<semaphore_mem>>) src(%dma_wait3A_154 : memref<128x128xf32, #tpu.memory_space<vmem>>) dst(%dma_wait3A_150 : memref<128x128xf32, #tpu.memory_space<vmem_shared>>)
    %mul3A_155 = arith.constant 640 : i32
    %mul3A_156 = arith.muli %arg1, %mul3A_155 : i32
    %add3A_157 = arith.constant 512 : i32
    %add3A_158 = arith.addi %mul3A_156, %add3A_157 : i32
    %dma_wait3A_159 = arith.constant 0 : i32
    %dma_wait3A_160 = arith.constant 0 : i32
    %dma_wait3A_161 = arith.constant 0 : i32
    %dma_wait3A_162 = tpu.memref_slice %arg8[%dma_wait3A_159, %dma_wait3A_160, %dma_wait3A_161] : memref<2x128x128xf32, #tpu.memory_space<vmem>> -> memref<1x128x128xf32, #tpu.memory_space<vmem>>
    %dma_wait3A_163 = tpu.memref_squeeze %dma_wait3A_162 : memref<1x128x128xf32, #tpu.memory_space<vmem>> -> memref<128x128xf32, #tpu.memory_space<vmem>>
    %dma_wait3A_164 = arith.constant 0 : i32
    %dma_wait3A_165 = tpu.memref_slice %arg9[%add3A_158, %dma_wait3A_164] : memref<10240x128xf32, #tpu.memory_space<vmem_shared>> -> memref<128x128xf32, #tpu.memory_space<vmem_shared>>
    %dma_wait3A_166 = arith.constant 0 : i32
    %dma_wait3A_167 = tpu.memref_slice %arg9[%add3A_158, %dma_wait3A_166] : memref<10240x128xf32, #tpu.memory_space<vmem_shared>> -> memref<128x128xf32, #tpu.memory_space<vmem_shared>>
    %dma_wait3A_168 = arith.constant 0 : i32
    %dma_wait3A_169 = arith.constant 0 : i32
    %dma_wait3A_170 = tpu.memref_slice %arg8[%dma_wait3A_159, %dma_wait3A_168, %dma_wait3A_169] : memref<2x128x128xf32, #tpu.memory_space<vmem>> -> memref<1x128x128xf32, #tpu.memory_space<vmem>>
    %dma_wait3A_171 = tpu.memref_squeeze %dma_wait3A_170 : memref<1x128x128xf32, #tpu.memory_space<vmem>> -> memref<128x128xf32, #tpu.memory_space<vmem>>
    tpu.wait_dma2 semaphore(%arg10 : memref<!tpu.dma_semaphore, #tpu.memory_space<semaphore_mem>>) src(%dma_wait3A_171 : memref<128x128xf32, #tpu.memory_space<vmem>>) dst(%dma_wait3A_167 : memref<128x128xf32, #tpu.memory_space<vmem_shared>>)
    %barrier3A = arith.constant 0 : index
    tpu.barrier barrier_id(%barrier3A)
    %run_scoped3A = arith.constant 0 : i32
    "tpu.region"() ({
      %run_scoped3A_286 = tpu.sem_alloc : memref<!tpu.dma_semaphore, #tpu.memory_space<semaphore_mem>>
      %dma_start3A_287 = arith.constant 0 : i32
      %dma_start3A_288 = arith.constant 0 : i32
      %dma_start3A_289 = tpu.memref_slice %arg3[%arg0, %arg1, %run_scoped3A, %dma_start3A_287, %dma_start3A_288] : memref<2x16x2x40x128xi32, #tpu.memory_space<hbm>> -> memref<1x1x1x40x128xi32, #tpu.memory_space<hbm>>
      %dma_start3A_290 = tpu.memref_squeeze %dma_start3A_289 : memref<1x1x1x40x128xi32, #tpu.memory_space<hbm>> -> memref<40x128xi32, #tpu.memory_space<hbm>>
      %dma_start3A_291 = arith.constant 0 : i32
      %dma_start3A_292 = arith.constant 0 : i32
      %dma_start3A_293 = tpu.memref_slice %arg3[%arg0, %arg1, %run_scoped3A, %dma_start3A_291, %dma_start3A_292] : memref<2x16x2x40x128xi32, #tpu.memory_space<hbm>> -> memref<1x1x1x40x128xi32, #tpu.memory_space<hbm>>
      %dma_start3A_294 = tpu.memref_squeeze %dma_start3A_293 : memref<1x1x1x40x128xi32, #tpu.memory_space<hbm>> -> memref<40x128xi32, #tpu.memory_space<hbm>>
      tpu.enqueue_dma source(%dma_start3A_294 : memref<40x128xi32, #tpu.memory_space<hbm>>) target(%arg6 : memref<40x128xi32, #tpu.memory_space<vmem>>) target_semaphore(%run_scoped3A_286 : memref<!tpu.dma_semaphore, #tpu.memory_space<semaphore_mem>>)
      %dma_wait3A_295 = arith.constant 0 : i32
      %dma_wait3A_296 = arith.constant 0 : i32
      %dma_wait3A_297 = tpu.memref_slice %arg3[%arg0, %arg1, %run_scoped3A, %dma_wait3A_295, %dma_wait3A_296] : memref<2x16x2x40x128xi32, #tpu.memory_space<hbm>> -> memref<1x1x1x40x128xi32, #tpu.memory_space<hbm>>
      %dma_wait3A_298 = tpu.memref_squeeze %dma_wait3A_297 : memref<1x1x1x40x128xi32, #tpu.memory_space<hbm>> -> memref<40x128xi32, #tpu.memory_space<hbm>>
      %dma_wait3A_299 = arith.constant 0 : i32
      %dma_wait3A_300 = arith.constant 0 : i32
      %dma_wait3A_301 = tpu.memref_slice %arg3[%arg0, %arg1, %run_scoped3A, %dma_wait3A_299, %dma_wait3A_300] : memref<2x16x2x40x128xi32, #tpu.memory_space<hbm>> -> memref<1x1x1x40x128xi32, #tpu.memory_space<hbm>>
      %dma_wait3A_302 = tpu.memref_squeeze %dma_wait3A_301 : memref<1x1x1x40x128xi32, #tpu.memory_space<hbm>> -> memref<40x128xi32, #tpu.memory_space<hbm>>
      tpu.wait_dma2 semaphore(%run_scoped3A_286 : memref<!tpu.dma_semaphore, #tpu.memory_space<semaphore_mem>>) src(%dma_wait3A_302 : memref<40x128xi32, #tpu.memory_space<hbm>>) dst(%arg6 : memref<40x128xi32, #tpu.memory_space<vmem>>)
      tpu.yield
    }) : () -> ()
    %run_scoped3A_172 = arith.constant 0 : i32
    "tpu.region"() ({
      %run_scoped3A_286 = tpu.sem_alloc : memref<!tpu.dma_semaphore, #tpu.memory_space<semaphore_mem>>
      %dma_start3A_287 = arith.constant 0 : i32
      %dma_start3A_288 = arith.constant 0 : i32
      %dma_start3A_289 = tpu.memref_slice %arg4[%arg0, %arg1, %run_scoped3A_172, %dma_start3A_287, %dma_start3A_288] : memref<2x16x2x40x128xi32, #tpu.memory_space<hbm>> -> memref<1x1x1x40x128xi32, #tpu.memory_space<hbm>>
      %dma_start3A_290 = tpu.memref_squeeze %dma_start3A_289 : memref<1x1x1x40x128xi32, #tpu.memory_space<hbm>> -> memref<40x128xi32, #tpu.memory_space<hbm>>
      %dma_start3A_291 = arith.constant 0 : i32
      %dma_start3A_292 = arith.constant 0 : i32
      %dma_start3A_293 = tpu.memref_slice %arg4[%arg0, %arg1, %run_scoped3A_172, %dma_start3A_291, %dma_start3A_292] : memref<2x16x2x40x128xi32, #tpu.memory_space<hbm>> -> memref<1x1x1x40x128xi32, #tpu.memory_space<hbm>>
      %dma_start3A_294 = tpu.memref_squeeze %dma_start3A_293 : memref<1x1x1x40x128xi32, #tpu.memory_space<hbm>> -> memref<40x128xi32, #tpu.memory_space<hbm>>
      tpu.enqueue_dma source(%dma_start3A_294 : memref<40x128xi32, #tpu.memory_space<hbm>>) target(%arg7 : memref<40x128xi32, #tpu.memory_space<vmem>>) target_semaphore(%run_scoped3A_286 : memref<!tpu.dma_semaphore, #tpu.memory_space<semaphore_mem>>)
      %dma_wait3A_295 = arith.constant 0 : i32
      %dma_wait3A_296 = arith.constant 0 : i32
      %dma_wait3A_297 = tpu.memref_slice %arg4[%arg0, %arg1, %run_scoped3A_172, %dma_wait3A_295, %dma_wait3A_296] : memref<2x16x2x40x128xi32, #tpu.memory_space<hbm>> -> memref<1x1x1x40x128xi32, #tpu.memory_space<hbm>>
      %dma_wait3A_298 = tpu.memref_squeeze %dma_wait3A_297 : memref<1x1x1x40x128xi32, #tpu.memory_space<hbm>> -> memref<40x128xi32, #tpu.memory_space<hbm>>
      %dma_wait3A_299 = arith.constant 0 : i32
      %dma_wait3A_300 = arith.constant 0 : i32
      %dma_wait3A_301 = tpu.memref_slice %arg4[%arg0, %arg1, %run_scoped3A_172, %dma_wait3A_299, %dma_wait3A_300] : memref<2x16x2x40x128xi32, #tpu.memory_space<hbm>> -> memref<1x1x1x40x128xi32, #tpu.memory_space<hbm>>
      %dma_wait3A_302 = tpu.memref_squeeze %dma_wait3A_301 : memref<1x1x1x40x128xi32, #tpu.memory_space<hbm>> -> memref<40x128xi32, #tpu.memory_space<hbm>>
      tpu.wait_dma2 semaphore(%run_scoped3A_286 : memref<!tpu.dma_semaphore, #tpu.memory_space<semaphore_mem>>) src(%dma_wait3A_302 : memref<40x128xi32, #tpu.memory_space<hbm>>) dst(%arg7 : memref<40x128xi32, #tpu.memory_space<vmem>>)
      tpu.yield
    }) : () -> ()
    %dma_start3A_173 = arith.constant 0 : i32
    %dma_start3A_174 = arith.constant 0 : i32
    %dma_start3A_175 = arith.constant 0 : i32
    %dma_start3A_176 = arith.constant 0 : i32
    %dma_start3A_177 = tpu.memref_slice %arg8[%dma_start3A_174, %dma_start3A_175, %dma_start3A_176] : memref<2x128x128xf32, #tpu.memory_space<vmem>> -> memref<1x128x128xf32, #tpu.memory_space<vmem>>
    %dma_start3A_178 = tpu.memref_squeeze %dma_start3A_177 : memref<1x128x128xf32, #tpu.memory_space<vmem>> -> memref<128x128xf32, #tpu.memory_space<vmem>>
    %dma_start3A_179 = arith.constant 0 : i32
    %dma_start3A_180 = tpu.memref_slice %arg6[%dma_start3A_173, %dma_start3A_179] : memref<40x128xi32, #tpu.memory_space<vmem>> -> memref<1x128xi32, #tpu.memory_space<vmem>>
    %dma_start3A_181 = tpu.memref_squeeze %dma_start3A_180 : memref<1x128xi32, #tpu.memory_space<vmem>> -> memref<128xi32, #tpu.memory_space<vmem>>
    %dma_start3A_182 = arith.constant 0 : i32
    %dma_start3A_183 = arith.constant 0 : i32
    %dma_start3A_184 = tpu.memref_slice %arg2[%dma_start3A_182, %dma_start3A_183] : memref<10240x128xf32, #tpu.memory_space<hbm>> -> memref<10240x128xf32, #tpu.memory_space<hbm>>
    tpu.enqueue_indirect_dma source(%dma_start3A_184 : memref<10240x128xf32, #tpu.memory_space<hbm>>) target(%dma_start3A_178 : memref<128x128xf32, #tpu.memory_space<vmem>>) offsets(%dma_start3A_181 : memref<128xi32, #tpu.memory_space<vmem>>) semaphore(%arg10 : memref<!tpu.dma_semaphore, #tpu.memory_space<semaphore_mem>>)
    %scan3A_185 = arith.constant 0 : i32
    %scan3A_186 = arith.constant 0 : i32
    %scan3A_187 = arith.constant 20 : i32
    %scan3A_188 = arith.addi %scan3A_186, %scan3A_187 : i32
    %scan3A_189 = arith.constant 1 : i32
    scf.for %scan3A_286 = %scan3A_186 to %scan3A_188 step %scan3A_189  : i32 {
      %mul3A_287 = arith.constant 2 : i32
      %mul3A_288 = arith.muli %mul3A_287, %scan3A_286 : i32
      %add3A_289 = arith.constant 1 : i32
      %add3A_290 = arith.addi %mul3A_288, %add3A_289 : i32
      %dma_start3A_291 = arith.constant 1 : i32
      %dma_start3A_292 = arith.constant 0 : i32
      %dma_start3A_293 = arith.constant 0 : i32
      %dma_start3A_294 = tpu.memref_slice %arg8[%dma_start3A_291, %dma_start3A_292, %dma_start3A_293] : memref<2x128x128xf32, #tpu.memory_space<vmem>> -> memref<1x128x128xf32, #tpu.memory_space<vmem>>
      %dma_start3A_295 = tpu.memref_squeeze %dma_start3A_294 : memref<1x128x128xf32, #tpu.memory_space<vmem>> -> memref<128x128xf32, #tpu.memory_space<vmem>>
      %dma_start3A_296 = arith.constant 0 : i32
      %dma_start3A_297 = tpu.memref_slice %arg6[%add3A_290, %dma_start3A_296] : memref<40x128xi32, #tpu.memory_space<vmem>> -> memref<1x128xi32, #tpu.memory_space<vmem>>
      %dma_start3A_298 = tpu.memref_squeeze %dma_start3A_297 : memref<1x128xi32, #tpu.memory_space<vmem>> -> memref<128xi32, #tpu.memory_space<vmem>>
      %dma_start3A_299 = arith.constant 0 : i32
      %dma_start3A_300 = arith.constant 0 : i32
      %dma_start3A_301 = tpu.memref_slice %arg2[%dma_start3A_299, %dma_start3A_300] : memref<10240x128xf32, #tpu.memory_space<hbm>> -> memref<10240x128xf32, #tpu.memory_space<hbm>>
      tpu.enqueue_indirect_dma source(%dma_start3A_301 : memref<10240x128xf32, #tpu.memory_space<hbm>>) target(%dma_start3A_295 : memref<128x128xf32, #tpu.memory_space<vmem>>) offsets(%dma_start3A_298 : memref<128xi32, #tpu.memory_space<vmem>>) semaphore(%arg11 : memref<!tpu.dma_semaphore, #tpu.memory_space<semaphore_mem>>)
      %dma_wait3A_302 = arith.constant 0 : i32
      %dma_wait3A_303 = arith.constant 0 : i32
      %dma_wait3A_304 = arith.constant 0 : i32
      %dma_wait3A_305 = tpu.memref_slice %arg8[%dma_wait3A_302, %dma_wait3A_303, %dma_wait3A_304] : memref<2x128x128xf32, #tpu.memory_space<vmem>> -> memref<1x128x128xf32, #tpu.memory_space<vmem>>
      %dma_wait3A_306 = tpu.memref_squeeze %dma_wait3A_305 : memref<1x128x128xf32, #tpu.memory_space<vmem>> -> memref<128x128xf32, #tpu.memory_space<vmem>>
      %dma_wait3A_307 = arith.constant 0 : i32
      %dma_wait3A_308 = tpu.memref_slice %arg6[%mul3A_288, %dma_wait3A_307] : memref<40x128xi32, #tpu.memory_space<vmem>> -> memref<1x128xi32, #tpu.memory_space<vmem>>
      %dma_wait3A_309 = tpu.memref_squeeze %dma_wait3A_308 : memref<1x128xi32, #tpu.memory_space<vmem>> -> memref<128xi32, #tpu.memory_space<vmem>>
      %dma_wait3A_310 = arith.constant 0 : i32
      %dma_wait3A_311 = arith.constant 0 : i32
      %dma_wait3A_312 = tpu.memref_slice %arg2[%dma_wait3A_310, %dma_wait3A_311] : memref<10240x128xf32, #tpu.memory_space<hbm>> -> memref<10240x128xf32, #tpu.memory_space<hbm>>
      tpu.wait_indirect_dma semaphore(%arg10 : memref<!tpu.dma_semaphore, #tpu.memory_space<semaphore_mem>>) src(%dma_wait3A_312 : memref<10240x128xf32, #tpu.memory_space<hbm>>) dst(%dma_wait3A_306 : memref<128x128xf32, #tpu.memory_space<vmem>>)
      %run_scoped3A_313 = arith.constant 0 : i32
      "tpu.region"() ({
        %run_scoped3A_344 = tpu.sem_alloc : memref<!tpu.dma_semaphore, #tpu.memory_space<semaphore_mem>>
        %dma_start3A_345 = arith.constant 0 : i32
        %dma_start3A_346 = arith.constant 0 : i32
        %dma_start3A_347 = tpu.memref_slice %arg8[%run_scoped3A_313, %dma_start3A_345, %dma_start3A_346] : memref<2x128x128xf32, #tpu.memory_space<vmem>> -> memref<1x128x128xf32, #tpu.memory_space<vmem>>
        %dma_start3A_348 = tpu.memref_squeeze %dma_start3A_347 : memref<1x128x128xf32, #tpu.memory_space<vmem>> -> memref<128x128xf32, #tpu.memory_space<vmem>>
        %dma_start3A_349 = arith.constant 0 : i32
        %dma_start3A_350 = tpu.memref_slice %arg7[%mul3A_288, %dma_start3A_349] : memref<40x128xi32, #tpu.memory_space<vmem>> -> memref<1x128xi32, #tpu.memory_space<vmem>>
        %dma_start3A_351 = tpu.memref_squeeze %dma_start3A_350 : memref<1x128xi32, #tpu.memory_space<vmem>> -> memref<128xi32, #tpu.memory_space<vmem>>
        %dma_start3A_352 = arith.constant 0 : i32
        %dma_start3A_353 = arith.constant 0 : i32
        %dma_start3A_354 = tpu.memref_slice %arg9[%dma_start3A_352, %dma_start3A_353] : memref<10240x128xf32, #tpu.memory_space<vmem_shared>> -> memref<10240x128xf32, #tpu.memory_space<vmem_shared>>
        tpu.enqueue_indirect_dma source(%dma_start3A_348 : memref<128x128xf32, #tpu.memory_space<vmem>>) target(%dma_start3A_354 : memref<10240x128xf32, #tpu.memory_space<vmem_shared>>) offsets(%dma_start3A_351 : memref<128xi32, #tpu.memory_space<vmem>>) semaphore(%run_scoped3A_344 : memref<!tpu.dma_semaphore, #tpu.memory_space<semaphore_mem>>) {add = true}
        %dma_wait3A_355 = arith.constant 0 : i32
        %dma_wait3A_356 = arith.constant 0 : i32
        %dma_wait3A_357 = tpu.memref_slice %arg8[%run_scoped3A_313, %dma_wait3A_355, %dma_wait3A_356] : memref<2x128x128xf32, #tpu.memory_space<vmem>> -> memref<1x128x128xf32, #tpu.memory_space<vmem>>
        %dma_wait3A_358 = tpu.memref_squeeze %dma_wait3A_357 : memref<1x128x128xf32, #tpu.memory_space<vmem>> -> memref<128x128xf32, #tpu.memory_space<vmem>>
        %dma_wait3A_359 = arith.constant 0 : i32
        %dma_wait3A_360 = tpu.memref_slice %arg7[%mul3A_288, %dma_wait3A_359] : memref<40x128xi32, #tpu.memory_space<vmem>> -> memref<1x128xi32, #tpu.memory_space<vmem>>
        %dma_wait3A_361 = tpu.memref_squeeze %dma_wait3A_360 : memref<1x128xi32, #tpu.memory_space<vmem>> -> memref<128xi32, #tpu.memory_space<vmem>>
        %dma_wait3A_362 = arith.constant 0 : i32
        %dma_wait3A_363 = arith.constant 0 : i32
        %dma_wait3A_364 = tpu.memref_slice %arg9[%dma_wait3A_362, %dma_wait3A_363] : memref<10240x128xf32, #tpu.memory_space<vmem_shared>> -> memref<10240x128xf32, #tpu.memory_space<vmem_shared>>
        tpu.wait_indirect_dma semaphore(%run_scoped3A_344 : memref<!tpu.dma_semaphore, #tpu.memory_space<semaphore_mem>>) src(%dma_wait3A_358 : memref<128x128xf32, #tpu.memory_space<vmem>>) dst(%dma_wait3A_364 : memref<10240x128xf32, #tpu.memory_space<vmem_shared>>)
        tpu.yield
      }) : () -> ()
      %add3A_314 = arith.constant 2 : i32
      %add3A_315 = arith.addi %mul3A_288, %add3A_314 : i32
      %min3A = arith.constant 39 : i32
      %min3A_316 = arith.minsi %add3A_315, %min3A : i32
      %dma_start3A_317 = arith.constant 0 : i32
      %dma_start3A_318 = arith.constant 0 : i32
      %dma_start3A_319 = arith.constant 0 : i32
      %dma_start3A_320 = tpu.memref_slice %arg8[%dma_start3A_317, %dma_start3A_318, %dma_start3A_319] : memref<2x128x128xf32, #tpu.memory_space<vmem>> -> memref<1x128x128xf32, #tpu.memory_space<vmem>>
      %dma_start3A_321 = tpu.memref_squeeze %dma_start3A_320 : memref<1x128x128xf32, #tpu.memory_space<vmem>> -> memref<128x128xf32, #tpu.memory_space<vmem>>
      %dma_start3A_322 = arith.constant 0 : i32
      %dma_start3A_323 = tpu.memref_slice %arg6[%min3A_316, %dma_start3A_322] : memref<40x128xi32, #tpu.memory_space<vmem>> -> memref<1x128xi32, #tpu.memory_space<vmem>>
      %dma_start3A_324 = tpu.memref_squeeze %dma_start3A_323 : memref<1x128xi32, #tpu.memory_space<vmem>> -> memref<128xi32, #tpu.memory_space<vmem>>
      %dma_start3A_325 = arith.constant 0 : i32
      %dma_start3A_326 = arith.constant 0 : i32
      %dma_start3A_327 = tpu.memref_slice %arg2[%dma_start3A_325, %dma_start3A_326] : memref<10240x128xf32, #tpu.memory_space<hbm>> -> memref<10240x128xf32, #tpu.memory_space<hbm>>
      tpu.enqueue_indirect_dma source(%dma_start3A_327 : memref<10240x128xf32, #tpu.memory_space<hbm>>) target(%dma_start3A_321 : memref<128x128xf32, #tpu.memory_space<vmem>>) offsets(%dma_start3A_324 : memref<128xi32, #tpu.memory_space<vmem>>) semaphore(%arg10 : memref<!tpu.dma_semaphore, #tpu.memory_space<semaphore_mem>>)
      %add3A_328 = arith.constant 1 : i32
      %add3A_329 = arith.addi %mul3A_288, %add3A_328 : i32
      %dma_wait3A_330 = arith.constant 1 : i32
      %dma_wait3A_331 = arith.constant 0 : i32
      %dma_wait3A_332 = arith.constant 0 : i32
      %dma_wait3A_333 = tpu.memref_slice %arg8[%dma_wait3A_330, %dma_wait3A_331, %dma_wait3A_332] : memref<2x128x128xf32, #tpu.memory_space<vmem>> -> memref<1x128x128xf32, #tpu.memory_space<vmem>>
      %dma_wait3A_334 = tpu.memref_squeeze %dma_wait3A_333 : memref<1x128x128xf32, #tpu.memory_space<vmem>> -> memref<128x128xf32, #tpu.memory_space<vmem>>
      %dma_wait3A_335 = arith.constant 0 : i32
      %dma_wait3A_336 = tpu.memref_slice %arg6[%add3A_329, %dma_wait3A_335] : memref<40x128xi32, #tpu.memory_space<vmem>> -> memref<1x128xi32, #tpu.memory_space<vmem>>
      %dma_wait3A_337 = tpu.memref_squeeze %dma_wait3A_336 : memref<1x128xi32, #tpu.memory_space<vmem>> -> memref<128xi32, #tpu.memory_space<vmem>>
      %dma_wait3A_338 = arith.constant 0 : i32
      %dma_wait3A_339 = arith.constant 0 : i32
      %dma_wait3A_340 = tpu.memref_slice %arg2[%dma_wait3A_338, %dma_wait3A_339] : memref<10240x128xf32, #tpu.memory_space<hbm>> -> memref<10240x128xf32, #tpu.memory_space<hbm>>
      tpu.wait_indirect_dma semaphore(%arg11 : memref<!tpu.dma_semaphore, #tpu.memory_space<semaphore_mem>>) src(%dma_wait3A_340 : memref<10240x128xf32, #tpu.memory_space<hbm>>) dst(%dma_wait3A_334 : memref<128x128xf32, #tpu.memory_space<vmem>>)
      %add3A_341 = arith.constant 1 : i32
      %add3A_342 = arith.addi %mul3A_288, %add3A_341 : i32
      %run_scoped3A_343 = arith.constant 1 : i32
      "tpu.region"() ({
        %run_scoped3A_344 = tpu.sem_alloc : memref<!tpu.dma_semaphore, #tpu.memory_space<semaphore_mem>>
        %dma_start3A_345 = arith.constant 0 : i32
        %dma_start3A_346 = arith.constant 0 : i32
        %dma_start3A_347 = tpu.memref_slice %arg8[%run_scoped3A_343, %dma_start3A_345, %dma_start3A_346] : memref<2x128x128xf32, #tpu.memory_space<vmem>> -> memref<1x128x128xf32, #tpu.memory_space<vmem>>
        %dma_start3A_348 = tpu.memref_squeeze %dma_start3A_347 : memref<1x128x128xf32, #tpu.memory_space<vmem>> -> memref<128x128xf32, #tpu.memory_space<vmem>>
        %dma_start3A_349 = arith.constant 0 : i32
        %dma_start3A_350 = tpu.memref_slice %arg7[%add3A_342, %dma_start3A_349] : memref<40x128xi32, #tpu.memory_space<vmem>> -> memref<1x128xi32, #tpu.memory_space<vmem>>
        %dma_start3A_351 = tpu.memref_squeeze %dma_start3A_350 : memref<1x128xi32, #tpu.memory_space<vmem>> -> memref<128xi32, #tpu.memory_space<vmem>>
        %dma_start3A_352 = arith.constant 0 : i32
        %dma_start3A_353 = arith.constant 0 : i32
        %dma_start3A_354 = tpu.memref_slice %arg9[%dma_start3A_352, %dma_start3A_353] : memref<10240x128xf32, #tpu.memory_space<vmem_shared>> -> memref<10240x128xf32, #tpu.memory_space<vmem_shared>>
        tpu.enqueue_indirect_dma source(%dma_start3A_348 : memref<128x128xf32, #tpu.memory_space<vmem>>) target(%dma_start3A_354 : memref<10240x128xf32, #tpu.memory_space<vmem_shared>>) offsets(%dma_start3A_351 : memref<128xi32, #tpu.memory_space<vmem>>) semaphore(%run_scoped3A_344 : memref<!tpu.dma_semaphore, #tpu.memory_space<semaphore_mem>>) {add = true}
        %dma_wait3A_355 = arith.constant 0 : i32
        %dma_wait3A_356 = arith.constant 0 : i32
        %dma_wait3A_357 = tpu.memref_slice %arg8[%run_scoped3A_343, %dma_wait3A_355, %dma_wait3A_356] : memref<2x128x128xf32, #tpu.memory_space<vmem>> -> memref<1x128x128xf32, #tpu.memory_space<vmem>>
        %dma_wait3A_358 = tpu.memref_squeeze %dma_wait3A_357 : memref<1x128x128xf32, #tpu.memory_space<vmem>> -> memref<128x128xf32, #tpu.memory_space<vmem>>
        %dma_wait3A_359 = arith.constant 0 : i32
        %dma_wait3A_360 = tpu.memref_slice %arg7[%add3A_342, %dma_wait3A_359] : memref<40x128xi32, #tpu.memory_space<vmem>> -> memref<1x128xi32, #tpu.memory_space<vmem>>
        %dma_wait3A_361 = tpu.memref_squeeze %dma_wait3A_360 : memref<1x128xi32, #tpu.memory_space<vmem>> -> memref<128xi32, #tpu.memory_space<vmem>>
        %dma_wait3A_362 = arith.constant 0 : i32
        %dma_wait3A_363 = arith.constant 0 : i32
        %dma_wait3A_364 = tpu.memref_slice %arg9[%dma_wait3A_362, %dma_wait3A_363] : memref<10240x128xf32, #tpu.memory_space<vmem_shared>> -> memref<10240x128xf32, #tpu.memory_space<vmem_shared>>
        tpu.wait_indirect_dma semaphore(%run_scoped3A_344 : memref<!tpu.dma_semaphore, #tpu.memory_space<semaphore_mem>>) src(%dma_wait3A_358 : memref<128x128xf32, #tpu.memory_space<vmem>>) dst(%dma_wait3A_364 : memref<10240x128xf32, #tpu.memory_space<vmem_shared>>)
        tpu.yield
      }) : () -> ()
    }
    %scan3A_190 = arith.constant 20 : i32
    %dma_wait3A_191 = arith.constant 0 : i32
    %dma_wait3A_192 = arith.constant 0 : i32
    %dma_wait3A_193 = arith.constant 0 : i32
    %dma_wait3A_194 = arith.constant 0 : i32
    %dma_wait3A_195 = tpu.memref_slice %arg8[%dma_wait3A_192, %dma_wait3A_193, %dma_wait3A_194] : memref<2x128x128xf32, #tpu.memory_space<vmem>> -> memref<1x128x128xf32, #tpu.memory_space<vmem>>
    %dma_wait3A_196 = tpu.memref_squeeze %dma_wait3A_195 : memref<1x128x128xf32, #tpu.memory_space<vmem>> -> memref<128x128xf32, #tpu.memory_space<vmem>>
    %dma_wait3A_197 = arith.constant 0 : i32
    %dma_wait3A_198 = tpu.memref_slice %arg6[%dma_wait3A_191, %dma_wait3A_197] : memref<40x128xi32, #tpu.memory_space<vmem>> -> memref<1x128xi32, #tpu.memory_space<vmem>>
    %dma_wait3A_199 = tpu.memref_squeeze %dma_wait3A_198 : memref<1x128xi32, #tpu.memory_space<vmem>> -> memref<128xi32, #tpu.memory_space<vmem>>
    %dma_wait3A_200 = arith.constant 0 : i32
    %dma_wait3A_201 = arith.constant 0 : i32
    %dma_wait3A_202 = tpu.memref_slice %arg2[%dma_wait3A_200, %dma_wait3A_201] : memref<10240x128xf32, #tpu.memory_space<hbm>> -> memref<10240x128xf32, #tpu.memory_space<hbm>>
    tpu.wait_indirect_dma semaphore(%arg10 : memref<!tpu.dma_semaphore, #tpu.memory_space<semaphore_mem>>) src(%dma_wait3A_202 : memref<10240x128xf32, #tpu.memory_space<hbm>>) dst(%dma_wait3A_196 : memref<128x128xf32, #tpu.memory_space<vmem>>)
    %run_scoped3A_203 = arith.constant 1 : i32
    "tpu.region"() ({
      %run_scoped3A_286 = tpu.sem_alloc : memref<!tpu.dma_semaphore, #tpu.memory_space<semaphore_mem>>
      %dma_start3A_287 = arith.constant 0 : i32
      %dma_start3A_288 = arith.constant 0 : i32
      %dma_start3A_289 = tpu.memref_slice %arg3[%arg0, %arg1, %run_scoped3A_203, %dma_start3A_287, %dma_start3A_288] : memref<2x16x2x40x128xi32, #tpu.memory_space<hbm>> -> memref<1x1x1x40x128xi32, #tpu.memory_space<hbm>>
      %dma_start3A_290 = tpu.memref_squeeze %dma_start3A_289 : memref<1x1x1x40x128xi32, #tpu.memory_space<hbm>> -> memref<40x128xi32, #tpu.memory_space<hbm>>
      %dma_start3A_291 = arith.constant 0 : i32
      %dma_start3A_292 = arith.constant 0 : i32
      %dma_start3A_293 = tpu.memref_slice %arg3[%arg0, %arg1, %run_scoped3A_203, %dma_start3A_291, %dma_start3A_292] : memref<2x16x2x40x128xi32, #tpu.memory_space<hbm>> -> memref<1x1x1x40x128xi32, #tpu.memory_space<hbm>>
      %dma_start3A_294 = tpu.memref_squeeze %dma_start3A_293 : memref<1x1x1x40x128xi32, #tpu.memory_space<hbm>> -> memref<40x128xi32, #tpu.memory_space<hbm>>
      tpu.enqueue_dma source(%dma_start3A_294 : memref<40x128xi32, #tpu.memory_space<hbm>>) target(%arg6 : memref<40x128xi32, #tpu.memory_space<vmem>>) target_semaphore(%run_scoped3A_286 : memref<!tpu.dma_semaphore, #tpu.memory_space<semaphore_mem>>)
      %dma_wait3A_295 = arith.constant 0 : i32
      %dma_wait3A_296 = arith.constant 0 : i32
      %dma_wait3A_297 = tpu.memref_slice %arg3[%arg0, %arg1, %run_scoped3A_203, %dma_wait3A_295, %dma_wait3A_296] : memref<2x16x2x40x128xi32, #tpu.memory_space<hbm>> -> memref<1x1x1x40x128xi32, #tpu.memory_space<hbm>>
      %dma_wait3A_298 = tpu.memref_squeeze %dma_wait3A_297 : memref<1x1x1x40x128xi32, #tpu.memory_space<hbm>> -> memref<40x128xi32, #tpu.memory_space<hbm>>
      %dma_wait3A_299 = arith.constant 0 : i32
      %dma_wait3A_300 = arith.constant 0 : i32
      %dma_wait3A_301 = tpu.memref_slice %arg3[%arg0, %arg1, %run_scoped3A_203, %dma_wait3A_299, %dma_wait3A_300] : memref<2x16x2x40x128xi32, #tpu.memory_space<hbm>> -> memref<1x1x1x40x128xi32, #tpu.memory_space<hbm>>
      %dma_wait3A_302 = tpu.memref_squeeze %dma_wait3A_301 : memref<1x1x1x40x128xi32, #tpu.memory_space<hbm>> -> memref<40x128xi32, #tpu.memory_space<hbm>>
      tpu.wait_dma2 semaphore(%run_scoped3A_286 : memref<!tpu.dma_semaphore, #tpu.memory_space<semaphore_mem>>) src(%dma_wait3A_302 : memref<40x128xi32, #tpu.memory_space<hbm>>) dst(%arg6 : memref<40x128xi32, #tpu.memory_space<vmem>>)
      tpu.yield
    }) : () -> ()
    %run_scoped3A_204 = arith.constant 1 : i32
    "tpu.region"() ({
      %run_scoped3A_286 = tpu.sem_alloc : memref<!tpu.dma_semaphore, #tpu.memory_space<semaphore_mem>>
      %dma_start3A_287 = arith.constant 0 : i32
      %dma_start3A_288 = arith.constant 0 : i32
      %dma_start3A_289 = tpu.memref_slice %arg4[%arg0, %arg1, %run_scoped3A_204, %dma_start3A_287, %dma_start3A_288] : memref<2x16x2x40x128xi32, #tpu.memory_space<hbm>> -> memref<1x1x1x40x128xi32, #tpu.memory_space<hbm>>
      %dma_start3A_290 = tpu.memref_squeeze %dma_start3A_289 : memref<1x1x1x40x128xi32, #tpu.memory_space<hbm>> -> memref<40x128xi32, #tpu.memory_space<hbm>>
      %dma_start3A_291 = arith.constant 0 : i32
      %dma_start3A_292 = arith.constant 0 : i32
      %dma_start3A_293 = tpu.memref_slice %arg4[%arg0, %arg1, %run_scoped3A_204, %dma_start3A_291, %dma_start3A_292] : memref<2x16x2x40x128xi32, #tpu.memory_space<hbm>> -> memref<1x1x1x40x128xi32, #tpu.memory_space<hbm>>
      %dma_start3A_294 = tpu.memref_squeeze %dma_start3A_293 : memref<1x1x1x40x128xi32, #tpu.memory_space<hbm>> -> memref<40x128xi32, #tpu.memory_space<hbm>>
      tpu.enqueue_dma source(%dma_start3A_294 : memref<40x128xi32, #tpu.memory_space<hbm>>) target(%arg7 : memref<40x128xi32, #tpu.memory_space<vmem>>) target_semaphore(%run_scoped3A_286 : memref<!tpu.dma_semaphore, #tpu.memory_space<semaphore_mem>>)
      %dma_wait3A_295 = arith.constant 0 : i32
      %dma_wait3A_296 = arith.constant 0 : i32
      %dma_wait3A_297 = tpu.memref_slice %arg4[%arg0, %arg1, %run_scoped3A_204, %dma_wait3A_295, %dma_wait3A_296] : memref<2x16x2x40x128xi32, #tpu.memory_space<hbm>> -> memref<1x1x1x40x128xi32, #tpu.memory_space<hbm>>
      %dma_wait3A_298 = tpu.memref_squeeze %dma_wait3A_297 : memref<1x1x1x40x128xi32, #tpu.memory_space<hbm>> -> memref<40x128xi32, #tpu.memory_space<hbm>>
      %dma_wait3A_299 = arith.constant 0 : i32
      %dma_wait3A_300 = arith.constant 0 : i32
      %dma_wait3A_301 = tpu.memref_slice %arg4[%arg0, %arg1, %run_scoped3A_204, %dma_wait3A_299, %dma_wait3A_300] : memref<2x16x2x40x128xi32, #tpu.memory_space<hbm>> -> memref<1x1x1x40x128xi32, #tpu.memory_space<hbm>>
      %dma_wait3A_302 = tpu.memref_squeeze %dma_wait3A_301 : memref<1x1x1x40x128xi32, #tpu.memory_space<hbm>> -> memref<40x128xi32, #tpu.memory_space<hbm>>
      tpu.wait_dma2 semaphore(%run_scoped3A_286 : memref<!tpu.dma_semaphore, #tpu.memory_space<semaphore_mem>>) src(%dma_wait3A_302 : memref<40x128xi32, #tpu.memory_space<hbm>>) dst(%arg7 : memref<40x128xi32, #tpu.memory_space<vmem>>)
      tpu.yield
    }) : () -> ()
    %dma_start3A_205 = arith.constant 0 : i32
    %dma_start3A_206 = arith.constant 0 : i32
    %dma_start3A_207 = arith.constant 0 : i32
    %dma_start3A_208 = arith.constant 0 : i32
    %dma_start3A_209 = tpu.memref_slice %arg8[%dma_start3A_206, %dma_start3A_207, %dma_start3A_208] : memref<2x128x128xf32, #tpu.memory_space<vmem>> -> memref<1x128x128xf32, #tpu.memory_space<vmem>>
    %dma_start3A_210 = tpu.memref_squeeze %dma_start3A_209 : memref<1x128x128xf32, #tpu.memory_space<vmem>> -> memref<128x128xf32, #tpu.memory_space<vmem>>
    %dma_start3A_211 = arith.constant 0 : i32
    %dma_start3A_212 = tpu.memref_slice %arg6[%dma_start3A_205, %dma_start3A_211] : memref<40x128xi32, #tpu.memory_space<vmem>> -> memref<1x128xi32, #tpu.memory_space<vmem>>
    %dma_start3A_213 = tpu.memref_squeeze %dma_start3A_212 : memref<1x128xi32, #tpu.memory_space<vmem>> -> memref<128xi32, #tpu.memory_space<vmem>>
    %dma_start3A_214 = arith.constant 0 : i32
    %dma_start3A_215 = arith.constant 0 : i32
    %dma_start3A_216 = tpu.memref_slice %arg2[%dma_start3A_214, %dma_start3A_215] : memref<10240x128xf32, #tpu.memory_space<hbm>> -> memref<10240x128xf32, #tpu.memory_space<hbm>>
    tpu.enqueue_indirect_dma source(%dma_start3A_216 : memref<10240x128xf32, #tpu.memory_space<hbm>>) target(%dma_start3A_210 : memref<128x128xf32, #tpu.memory_space<vmem>>) offsets(%dma_start3A_213 : memref<128xi32, #tpu.memory_space<vmem>>) semaphore(%arg10 : memref<!tpu.dma_semaphore, #tpu.memory_space<semaphore_mem>>)
    %scan3A_217 = arith.constant 0 : i32
    %scan3A_218 = arith.constant 0 : i32
    %scan3A_219 = arith.constant 20 : i32
    %scan3A_220 = arith.addi %scan3A_218, %scan3A_219 : i32
    %scan3A_221 = arith.constant 1 : i32
    scf.for %scan3A_286 = %scan3A_218 to %scan3A_220 step %scan3A_221  : i32 {
      %mul3A_287 = arith.constant 2 : i32
      %mul3A_288 = arith.muli %mul3A_287, %scan3A_286 : i32
      %add3A_289 = arith.constant 1 : i32
      %add3A_290 = arith.addi %mul3A_288, %add3A_289 : i32
      %dma_start3A_291 = arith.constant 1 : i32
      %dma_start3A_292 = arith.constant 0 : i32
      %dma_start3A_293 = arith.constant 0 : i32
      %dma_start3A_294 = tpu.memref_slice %arg8[%dma_start3A_291, %dma_start3A_292, %dma_start3A_293] : memref<2x128x128xf32, #tpu.memory_space<vmem>> -> memref<1x128x128xf32, #tpu.memory_space<vmem>>
      %dma_start3A_295 = tpu.memref_squeeze %dma_start3A_294 : memref<1x128x128xf32, #tpu.memory_space<vmem>> -> memref<128x128xf32, #tpu.memory_space<vmem>>
      %dma_start3A_296 = arith.constant 0 : i32
      %dma_start3A_297 = tpu.memref_slice %arg6[%add3A_290, %dma_start3A_296] : memref<40x128xi32, #tpu.memory_space<vmem>> -> memref<1x128xi32, #tpu.memory_space<vmem>>
      %dma_start3A_298 = tpu.memref_squeeze %dma_start3A_297 : memref<1x128xi32, #tpu.memory_space<vmem>> -> memref<128xi32, #tpu.memory_space<vmem>>
      %dma_start3A_299 = arith.constant 0 : i32
      %dma_start3A_300 = arith.constant 0 : i32
      %dma_start3A_301 = tpu.memref_slice %arg2[%dma_start3A_299, %dma_start3A_300] : memref<10240x128xf32, #tpu.memory_space<hbm>> -> memref<10240x128xf32, #tpu.memory_space<hbm>>
      tpu.enqueue_indirect_dma source(%dma_start3A_301 : memref<10240x128xf32, #tpu.memory_space<hbm>>) target(%dma_start3A_295 : memref<128x128xf32, #tpu.memory_space<vmem>>) offsets(%dma_start3A_298 : memref<128xi32, #tpu.memory_space<vmem>>) semaphore(%arg11 : memref<!tpu.dma_semaphore, #tpu.memory_space<semaphore_mem>>)
      %dma_wait3A_302 = arith.constant 0 : i32
      %dma_wait3A_303 = arith.constant 0 : i32
      %dma_wait3A_304 = arith.constant 0 : i32
      %dma_wait3A_305 = tpu.memref_slice %arg8[%dma_wait3A_302, %dma_wait3A_303, %dma_wait3A_304] : memref<2x128x128xf32, #tpu.memory_space<vmem>> -> memref<1x128x128xf32, #tpu.memory_space<vmem>>
      %dma_wait3A_306 = tpu.memref_squeeze %dma_wait3A_305 : memref<1x128x128xf32, #tpu.memory_space<vmem>> -> memref<128x128xf32, #tpu.memory_space<vmem>>
      %dma_wait3A_307 = arith.constant 0 : i32
      %dma_wait3A_308 = tpu.memref_slice %arg6[%mul3A_288, %dma_wait3A_307] : memref<40x128xi32, #tpu.memory_space<vmem>> -> memref<1x128xi32, #tpu.memory_space<vmem>>
      %dma_wait3A_309 = tpu.memref_squeeze %dma_wait3A_308 : memref<1x128xi32, #tpu.memory_space<vmem>> -> memref<128xi32, #tpu.memory_space<vmem>>
      %dma_wait3A_310 = arith.constant 0 : i32
      %dma_wait3A_311 = arith.constant 0 : i32
      %dma_wait3A_312 = tpu.memref_slice %arg2[%dma_wait3A_310, %dma_wait3A_311] : memref<10240x128xf32, #tpu.memory_space<hbm>> -> memref<10240x128xf32, #tpu.memory_space<hbm>>
      tpu.wait_indirect_dma semaphore(%arg10 : memref<!tpu.dma_semaphore, #tpu.memory_space<semaphore_mem>>) src(%dma_wait3A_312 : memref<10240x128xf32, #tpu.memory_space<hbm>>) dst(%dma_wait3A_306 : memref<128x128xf32, #tpu.memory_space<vmem>>)
      %run_scoped3A_313 = arith.constant 0 : i32
      "tpu.region"() ({
        %run_scoped3A_344 = tpu.sem_alloc : memref<!tpu.dma_semaphore, #tpu.memory_space<semaphore_mem>>
        %dma_start3A_345 = arith.constant 0 : i32
        %dma_start3A_346 = arith.constant 0 : i32
        %dma_start3A_347 = tpu.memref_slice %arg8[%run_scoped3A_313, %dma_start3A_345, %dma_start3A_346] : memref<2x128x128xf32, #tpu.memory_space<vmem>> -> memref<1x128x128xf32, #tpu.memory_space<vmem>>
        %dma_start3A_348 = tpu.memref_squeeze %dma_start3A_347 : memref<1x128x128xf32, #tpu.memory_space<vmem>> -> memref<128x128xf32, #tpu.memory_space<vmem>>
        %dma_start3A_349 = arith.constant 0 : i32
        %dma_start3A_350 = tpu.memref_slice %arg7[%mul3A_288, %dma_start3A_349] : memref<40x128xi32, #tpu.memory_space<vmem>> -> memref<1x128xi32, #tpu.memory_space<vmem>>
        %dma_start3A_351 = tpu.memref_squeeze %dma_start3A_350 : memref<1x128xi32, #tpu.memory_space<vmem>> -> memref<128xi32, #tpu.memory_space<vmem>>
        %dma_start3A_352 = arith.constant 0 : i32
        %dma_start3A_353 = arith.constant 0 : i32
        %dma_start3A_354 = tpu.memref_slice %arg9[%dma_start3A_352, %dma_start3A_353] : memref<10240x128xf32, #tpu.memory_space<vmem_shared>> -> memref<10240x128xf32, #tpu.memory_space<vmem_shared>>
        tpu.enqueue_indirect_dma source(%dma_start3A_348 : memref<128x128xf32, #tpu.memory_space<vmem>>) target(%dma_start3A_354 : memref<10240x128xf32, #tpu.memory_space<vmem_shared>>) offsets(%dma_start3A_351 : memref<128xi32, #tpu.memory_space<vmem>>) semaphore(%run_scoped3A_344 : memref<!tpu.dma_semaphore, #tpu.memory_space<semaphore_mem>>) {add = true}
        %dma_wait3A_355 = arith.constant 0 : i32
        %dma_wait3A_356 = arith.constant 0 : i32
        %dma_wait3A_357 = tpu.memref_slice %arg8[%run_scoped3A_313, %dma_wait3A_355, %dma_wait3A_356] : memref<2x128x128xf32, #tpu.memory_space<vmem>> -> memref<1x128x128xf32, #tpu.memory_space<vmem>>
        %dma_wait3A_358 = tpu.memref_squeeze %dma_wait3A_357 : memref<1x128x128xf32, #tpu.memory_space<vmem>> -> memref<128x128xf32, #tpu.memory_space<vmem>>
        %dma_wait3A_359 = arith.constant 0 : i32
        %dma_wait3A_360 = tpu.memref_slice %arg7[%mul3A_288, %dma_wait3A_359] : memref<40x128xi32, #tpu.memory_space<vmem>> -> memref<1x128xi32, #tpu.memory_space<vmem>>
        %dma_wait3A_361 = tpu.memref_squeeze %dma_wait3A_360 : memref<1x128xi32, #tpu.memory_space<vmem>> -> memref<128xi32, #tpu.memory_space<vmem>>
        %dma_wait3A_362 = arith.constant 0 : i32
        %dma_wait3A_363 = arith.constant 0 : i32
        %dma_wait3A_364 = tpu.memref_slice %arg9[%dma_wait3A_362, %dma_wait3A_363] : memref<10240x128xf32, #tpu.memory_space<vmem_shared>> -> memref<10240x128xf32, #tpu.memory_space<vmem_shared>>
        tpu.wait_indirect_dma semaphore(%run_scoped3A_344 : memref<!tpu.dma_semaphore, #tpu.memory_space<semaphore_mem>>) src(%dma_wait3A_358 : memref<128x128xf32, #tpu.memory_space<vmem>>) dst(%dma_wait3A_364 : memref<10240x128xf32, #tpu.memory_space<vmem_shared>>)
        tpu.yield
      }) : () -> ()
      %add3A_314 = arith.constant 2 : i32
      %add3A_315 = arith.addi %mul3A_288, %add3A_314 : i32
      %min3A = arith.constant 39 : i32
      %min3A_316 = arith.minsi %add3A_315, %min3A : i32
      %dma_start3A_317 = arith.constant 0 : i32
      %dma_start3A_318 = arith.constant 0 : i32
      %dma_start3A_319 = arith.constant 0 : i32
      %dma_start3A_320 = tpu.memref_slice %arg8[%dma_start3A_317, %dma_start3A_318, %dma_start3A_319] : memref<2x128x128xf32, #tpu.memory_space<vmem>> -> memref<1x128x128xf32, #tpu.memory_space<vmem>>
      %dma_start3A_321 = tpu.memref_squeeze %dma_start3A_320 : memref<1x128x128xf32, #tpu.memory_space<vmem>> -> memref<128x128xf32, #tpu.memory_space<vmem>>
      %dma_start3A_322 = arith.constant 0 : i32
      %dma_start3A_323 = tpu.memref_slice %arg6[%min3A_316, %dma_start3A_322] : memref<40x128xi32, #tpu.memory_space<vmem>> -> memref<1x128xi32, #tpu.memory_space<vmem>>
      %dma_start3A_324 = tpu.memref_squeeze %dma_start3A_323 : memref<1x128xi32, #tpu.memory_space<vmem>> -> memref<128xi32, #tpu.memory_space<vmem>>
      %dma_start3A_325 = arith.constant 0 : i32
      %dma_start3A_326 = arith.constant 0 : i32
      %dma_start3A_327 = tpu.memref_slice %arg2[%dma_start3A_325, %dma_start3A_326] : memref<10240x128xf32, #tpu.memory_space<hbm>> -> memref<10240x128xf32, #tpu.memory_space<hbm>>
      tpu.enqueue_indirect_dma source(%dma_start3A_327 : memref<10240x128xf32, #tpu.memory_space<hbm>>) target(%dma_start3A_321 : memref<128x128xf32, #tpu.memory_space<vmem>>) offsets(%dma_start3A_324 : memref<128xi32, #tpu.memory_space<vmem>>) semaphore(%arg10 : memref<!tpu.dma_semaphore, #tpu.memory_space<semaphore_mem>>)
      %add3A_328 = arith.constant 1 : i32
      %add3A_329 = arith.addi %mul3A_288, %add3A_328 : i32
      %dma_wait3A_330 = arith.constant 1 : i32
      %dma_wait3A_331 = arith.constant 0 : i32
      %dma_wait3A_332 = arith.constant 0 : i32
      %dma_wait3A_333 = tpu.memref_slice %arg8[%dma_wait3A_330, %dma_wait3A_331, %dma_wait3A_332] : memref<2x128x128xf32, #tpu.memory_space<vmem>> -> memref<1x128x128xf32, #tpu.memory_space<vmem>>
      %dma_wait3A_334 = tpu.memref_squeeze %dma_wait3A_333 : memref<1x128x128xf32, #tpu.memory_space<vmem>> -> memref<128x128xf32, #tpu.memory_space<vmem>>
      %dma_wait3A_335 = arith.constant 0 : i32
      %dma_wait3A_336 = tpu.memref_slice %arg6[%add3A_329, %dma_wait3A_335] : memref<40x128xi32, #tpu.memory_space<vmem>> -> memref<1x128xi32, #tpu.memory_space<vmem>>
      %dma_wait3A_337 = tpu.memref_squeeze %dma_wait3A_336 : memref<1x128xi32, #tpu.memory_space<vmem>> -> memref<128xi32, #tpu.memory_space<vmem>>
      %dma_wait3A_338 = arith.constant 0 : i32
      %dma_wait3A_339 = arith.constant 0 : i32
      %dma_wait3A_340 = tpu.memref_slice %arg2[%dma_wait3A_338, %dma_wait3A_339] : memref<10240x128xf32, #tpu.memory_space<hbm>> -> memref<10240x128xf32, #tpu.memory_space<hbm>>
      tpu.wait_indirect_dma semaphore(%arg11 : memref<!tpu.dma_semaphore, #tpu.memory_space<semaphore_mem>>) src(%dma_wait3A_340 : memref<10240x128xf32, #tpu.memory_space<hbm>>) dst(%dma_wait3A_334 : memref<128x128xf32, #tpu.memory_space<vmem>>)
      %add3A_341 = arith.constant 1 : i32
      %add3A_342 = arith.addi %mul3A_288, %add3A_341 : i32
      %run_scoped3A_343 = arith.constant 1 : i32
      "tpu.region"() ({
        %run_scoped3A_344 = tpu.sem_alloc : memref<!tpu.dma_semaphore, #tpu.memory_space<semaphore_mem>>
        %dma_start3A_345 = arith.constant 0 : i32
        %dma_start3A_346 = arith.constant 0 : i32
        %dma_start3A_347 = tpu.memref_slice %arg8[%run_scoped3A_343, %dma_start3A_345, %dma_start3A_346] : memref<2x128x128xf32, #tpu.memory_space<vmem>> -> memref<1x128x128xf32, #tpu.memory_space<vmem>>
        %dma_start3A_348 = tpu.memref_squeeze %dma_start3A_347 : memref<1x128x128xf32, #tpu.memory_space<vmem>> -> memref<128x128xf32, #tpu.memory_space<vmem>>
        %dma_start3A_349 = arith.constant 0 : i32
        %dma_start3A_350 = tpu.memref_slice %arg7[%add3A_342, %dma_start3A_349] : memref<40x128xi32, #tpu.memory_space<vmem>> -> memref<1x128xi32, #tpu.memory_space<vmem>>
        %dma_start3A_351 = tpu.memref_squeeze %dma_start3A_350 : memref<1x128xi32, #tpu.memory_space<vmem>> -> memref<128xi32, #tpu.memory_space<vmem>>
        %dma_start3A_352 = arith.constant 0 : i32
        %dma_start3A_353 = arith.constant 0 : i32
        %dma_start3A_354 = tpu.memref_slice %arg9[%dma_start3A_352, %dma_start3A_353] : memref<10240x128xf32, #tpu.memory_space<vmem_shared>> -> memref<10240x128xf32, #tpu.memory_space<vmem_shared>>
        tpu.enqueue_indirect_dma source(%dma_start3A_348 : memref<128x128xf32, #tpu.memory_space<vmem>>) target(%dma_start3A_354 : memref<10240x128xf32, #tpu.memory_space<vmem_shared>>) offsets(%dma_start3A_351 : memref<128xi32, #tpu.memory_space<vmem>>) semaphore(%run_scoped3A_344 : memref<!tpu.dma_semaphore, #tpu.memory_space<semaphore_mem>>) {add = true}
        %dma_wait3A_355 = arith.constant 0 : i32
        %dma_wait3A_356 = arith.constant 0 : i32
        %dma_wait3A_357 = tpu.memref_slice %arg8[%run_scoped3A_343, %dma_wait3A_355, %dma_wait3A_356] : memref<2x128x128xf32, #tpu.memory_space<vmem>> -> memref<1x128x128xf32, #tpu.memory_space<vmem>>
        %dma_wait3A_358 = tpu.memref_squeeze %dma_wait3A_357 : memref<1x128x128xf32, #tpu.memory_space<vmem>> -> memref<128x128xf32, #tpu.memory_space<vmem>>
        %dma_wait3A_359 = arith.constant 0 : i32
        %dma_wait3A_360 = tpu.memref_slice %arg7[%add3A_342, %dma_wait3A_359] : memref<40x128xi32, #tpu.memory_space<vmem>> -> memref<1x128xi32, #tpu.memory_space<vmem>>
        %dma_wait3A_361 = tpu.memref_squeeze %dma_wait3A_360 : memref<1x128xi32, #tpu.memory_space<vmem>> -> memref<128xi32, #tpu.memory_space<vmem>>
        %dma_wait3A_362 = arith.constant 0 : i32
        %dma_wait3A_363 = arith.constant 0 : i32
        %dma_wait3A_364 = tpu.memref_slice %arg9[%dma_wait3A_362, %dma_wait3A_363] : memref<10240x128xf32, #tpu.memory_space<vmem_shared>> -> memref<10240x128xf32, #tpu.memory_space<vmem_shared>>
        tpu.wait_indirect_dma semaphore(%run_scoped3A_344 : memref<!tpu.dma_semaphore, #tpu.memory_space<semaphore_mem>>) src(%dma_wait3A_358 : memref<128x128xf32, #tpu.memory_space<vmem>>) dst(%dma_wait3A_364 : memref<10240x128xf32, #tpu.memory_space<vmem_shared>>)
        tpu.yield
      }) : () -> ()
    }
    %scan3A_222 = arith.constant 20 : i32
    %dma_wait3A_223 = arith.constant 0 : i32
    %dma_wait3A_224 = arith.constant 0 : i32
    %dma_wait3A_225 = arith.constant 0 : i32
    %dma_wait3A_226 = arith.constant 0 : i32
    %dma_wait3A_227 = tpu.memref_slice %arg8[%dma_wait3A_224, %dma_wait3A_225, %dma_wait3A_226] : memref<2x128x128xf32, #tpu.memory_space<vmem>> -> memref<1x128x128xf32, #tpu.memory_space<vmem>>
    %dma_wait3A_228 = tpu.memref_squeeze %dma_wait3A_227 : memref<1x128x128xf32, #tpu.memory_space<vmem>> -> memref<128x128xf32, #tpu.memory_space<vmem>>
    %dma_wait3A_229 = arith.constant 0 : i32
    %dma_wait3A_230 = tpu.memref_slice %arg6[%dma_wait3A_223, %dma_wait3A_229] : memref<40x128xi32, #tpu.memory_space<vmem>> -> memref<1x128xi32, #tpu.memory_space<vmem>>
    %dma_wait3A_231 = tpu.memref_squeeze %dma_wait3A_230 : memref<1x128xi32, #tpu.memory_space<vmem>> -> memref<128xi32, #tpu.memory_space<vmem>>
    %dma_wait3A_232 = arith.constant 0 : i32
    %dma_wait3A_233 = arith.constant 0 : i32
    %dma_wait3A_234 = tpu.memref_slice %arg2[%dma_wait3A_232, %dma_wait3A_233] : memref<10240x128xf32, #tpu.memory_space<hbm>> -> memref<10240x128xf32, #tpu.memory_space<hbm>>
    tpu.wait_indirect_dma semaphore(%arg10 : memref<!tpu.dma_semaphore, #tpu.memory_space<semaphore_mem>>) src(%dma_wait3A_234 : memref<10240x128xf32, #tpu.memory_space<hbm>>) dst(%dma_wait3A_228 : memref<128x128xf32, #tpu.memory_space<vmem>>)
    %barrier3A_235 = arith.constant 0 : index
    tpu.barrier barrier_id(%barrier3A_235)
    %mul3A_236 = arith.constant 640 : i32
    %mul3A_237 = arith.muli %arg1, %mul3A_236 : i32
    %add3A_238 = arith.constant 0 : i32
    %add3A_239 = arith.addi %mul3A_237, %add3A_238 : i32
    %run_scoped3A_240 = arith.constant 0 : i32
    "tpu.region"() ({
      %run_scoped3A_286 = tpu.sem_alloc : memref<!tpu.dma_semaphore, #tpu.memory_space<semaphore_mem>>
      %dma_start3A_287 = arith.constant 0 : i32
      %dma_start3A_288 = arith.constant 0 : i32
      %dma_start3A_289 = tpu.memref_slice %arg8[%run_scoped3A_240, %dma_start3A_287, %dma_start3A_288] : memref<2x128x128xf32, #tpu.memory_space<vmem>> -> memref<1x128x128xf32, #tpu.memory_space<vmem>>
      %dma_start3A_290 = tpu.memref_squeeze %dma_start3A_289 : memref<1x128x128xf32, #tpu.memory_space<vmem>> -> memref<128x128xf32, #tpu.memory_space<vmem>>
      %dma_start3A_291 = arith.constant 0 : i32
      %dma_start3A_292 = tpu.memref_slice %arg9[%add3A_239, %dma_start3A_291] : memref<10240x128xf32, #tpu.memory_space<vmem_shared>> -> memref<128x128xf32, #tpu.memory_space<vmem_shared>>
      %dma_start3A_293 = arith.constant 0 : i32
      %dma_start3A_294 = arith.constant 0 : i32
      %dma_start3A_295 = tpu.memref_slice %arg8[%run_scoped3A_240, %dma_start3A_293, %dma_start3A_294] : memref<2x128x128xf32, #tpu.memory_space<vmem>> -> memref<1x128x128xf32, #tpu.memory_space<vmem>>
      %dma_start3A_296 = tpu.memref_squeeze %dma_start3A_295 : memref<1x128x128xf32, #tpu.memory_space<vmem>> -> memref<128x128xf32, #tpu.memory_space<vmem>>
      %dma_start3A_297 = arith.constant 0 : i32
      %dma_start3A_298 = tpu.memref_slice %arg9[%add3A_239, %dma_start3A_297] : memref<10240x128xf32, #tpu.memory_space<vmem_shared>> -> memref<128x128xf32, #tpu.memory_space<vmem_shared>>
      tpu.enqueue_dma source(%dma_start3A_298 : memref<128x128xf32, #tpu.memory_space<vmem_shared>>) target(%dma_start3A_296 : memref<128x128xf32, #tpu.memory_space<vmem>>) target_semaphore(%run_scoped3A_286 : memref<!tpu.dma_semaphore, #tpu.memory_space<semaphore_mem>>)
      %dma_wait3A_299 = arith.constant 0 : i32
      %dma_wait3A_300 = arith.constant 0 : i32
      %dma_wait3A_301 = tpu.memref_slice %arg8[%run_scoped3A_240, %dma_wait3A_299, %dma_wait3A_300] : memref<2x128x128xf32, #tpu.memory_space<vmem>> -> memref<1x128x128xf32, #tpu.memory_space<vmem>>
      %dma_wait3A_302 = tpu.memref_squeeze %dma_wait3A_301 : memref<1x128x128xf32, #tpu.memory_space<vmem>> -> memref<128x128xf32, #tpu.memory_space<vmem>>
      %dma_wait3A_303 = arith.constant 0 : i32
      %dma_wait3A_304 = tpu.memref_slice %arg9[%add3A_239, %dma_wait3A_303] : memref<10240x128xf32, #tpu.memory_space<vmem_shared>> -> memref<128x128xf32, #tpu.memory_space<vmem_shared>>
      %dma_wait3A_305 = arith.constant 0 : i32
      %dma_wait3A_306 = arith.constant 0 : i32
      %dma_wait3A_307 = tpu.memref_slice %arg8[%run_scoped3A_240, %dma_wait3A_305, %dma_wait3A_306] : memref<2x128x128xf32, #tpu.memory_space<vmem>> -> memref<1x128x128xf32, #tpu.memory_space<vmem>>
      %dma_wait3A_308 = tpu.memref_squeeze %dma_wait3A_307 : memref<1x128x128xf32, #tpu.memory_space<vmem>> -> memref<128x128xf32, #tpu.memory_space<vmem>>
      %dma_wait3A_309 = arith.constant 0 : i32
      %dma_wait3A_310 = tpu.memref_slice %arg9[%add3A_239, %dma_wait3A_309] : memref<10240x128xf32, #tpu.memory_space<vmem_shared>> -> memref<128x128xf32, #tpu.memory_space<vmem_shared>>
      tpu.wait_dma2 semaphore(%run_scoped3A_286 : memref<!tpu.dma_semaphore, #tpu.memory_space<semaphore_mem>>) src(%dma_wait3A_310 : memref<128x128xf32, #tpu.memory_space<vmem_shared>>) dst(%dma_wait3A_308 : memref<128x128xf32, #tpu.memory_space<vmem>>)
      tpu.yield
    }) : () -> ()
    %mul3A_241 = arith.constant 640 : i32
    %mul3A_242 = arith.muli %arg1, %mul3A_241 : i32
    %add3A_243 = arith.constant 0 : i32
    %add3A_244 = arith.addi %mul3A_242, %add3A_243 : i32
    %run_scoped3A_245 = arith.constant 0 : i32
    "tpu.region"() ({
      %run_scoped3A_286 = tpu.sem_alloc : memref<!tpu.dma_semaphore, #tpu.memory_space<semaphore_mem>>
      %dma_start3A_287 = arith.constant 0 : i32
      %dma_start3A_288 = arith.constant 0 : i32
      %dma_start3A_289 = tpu.memref_slice %arg8[%run_scoped3A_245, %dma_start3A_287, %dma_start3A_288] : memref<2x128x128xf32, #tpu.memory_space<vmem>> -> memref<1x128x128xf32, #tpu.memory_space<vmem>>
      %dma_start3A_290 = tpu.memref_squeeze %dma_start3A_289 : memref<1x128x128xf32, #tpu.memory_space<vmem>> -> memref<128x128xf32, #tpu.memory_space<vmem>>
      %dma_start3A_291 = arith.constant 0 : i32
      %dma_start3A_292 = tpu.memref_slice %arg5[%arg0, %add3A_244, %dma_start3A_291] : memref<2x10240x128xf32, #tpu.memory_space<hbm>> -> memref<1x128x128xf32, #tpu.memory_space<hbm>>
      %dma_start3A_293 = tpu.memref_squeeze %dma_start3A_292 : memref<1x128x128xf32, #tpu.memory_space<hbm>> -> memref<128x128xf32, #tpu.memory_space<hbm>>
      %dma_start3A_294 = arith.constant 0 : i32
      %dma_start3A_295 = tpu.memref_slice %arg5[%arg0, %add3A_244, %dma_start3A_294] : memref<2x10240x128xf32, #tpu.memory_space<hbm>> -> memref<1x128x128xf32, #tpu.memory_space<hbm>>
      %dma_start3A_296 = tpu.memref_squeeze %dma_start3A_295 : memref<1x128x128xf32, #tpu.memory_space<hbm>> -> memref<128x128xf32, #tpu.memory_space<hbm>>
      %dma_start3A_297 = arith.constant 0 : i32
      %dma_start3A_298 = arith.constant 0 : i32
      %dma_start3A_299 = tpu.memref_slice %arg8[%run_scoped3A_245, %dma_start3A_297, %dma_start3A_298] : memref<2x128x128xf32, #tpu.memory_space<vmem>> -> memref<1x128x128xf32, #tpu.memory_space<vmem>>
      %dma_start3A_300 = tpu.memref_squeeze %dma_start3A_299 : memref<1x128x128xf32, #tpu.memory_space<vmem>> -> memref<128x128xf32, #tpu.memory_space<vmem>>
      tpu.enqueue_dma source(%dma_start3A_300 : memref<128x128xf32, #tpu.memory_space<vmem>>) target(%dma_start3A_296 : memref<128x128xf32, #tpu.memory_space<hbm>>) target_semaphore(%run_scoped3A_286 : memref<!tpu.dma_semaphore, #tpu.memory_space<semaphore_mem>>)
      %dma_wait3A_301 = arith.constant 0 : i32
      %dma_wait3A_302 = arith.constant 0 : i32
      %dma_wait3A_303 = tpu.memref_slice %arg8[%run_scoped3A_245, %dma_wait3A_301, %dma_wait3A_302] : memref<2x128x128xf32, #tpu.memory_space<vmem>> -> memref<1x128x128xf32, #tpu.memory_space<vmem>>
      %dma_wait3A_304 = tpu.memref_squeeze %dma_wait3A_303 : memref<1x128x128xf32, #tpu.memory_space<vmem>> -> memref<128x128xf32, #tpu.memory_space<vmem>>
      %dma_wait3A_305 = arith.constant 0 : i32
      %dma_wait3A_306 = tpu.memref_slice %arg5[%arg0, %add3A_244, %dma_wait3A_305] : memref<2x10240x128xf32, #tpu.memory_space<hbm>> -> memref<1x128x128xf32, #tpu.memory_space<hbm>>
      %dma_wait3A_307 = tpu.memref_squeeze %dma_wait3A_306 : memref<1x128x128xf32, #tpu.memory_space<hbm>> -> memref<128x128xf32, #tpu.memory_space<hbm>>
      %dma_wait3A_308 = arith.constant 0 : i32
      %dma_wait3A_309 = tpu.memref_slice %arg5[%arg0, %add3A_244, %dma_wait3A_308] : memref<2x10240x128xf32, #tpu.memory_space<hbm>> -> memref<1x128x128xf32, #tpu.memory_space<hbm>>
      %dma_wait3A_310 = tpu.memref_squeeze %dma_wait3A_309 : memref<1x128x128xf32, #tpu.memory_space<hbm>> -> memref<128x128xf32, #tpu.memory_space<hbm>>
      %dma_wait3A_311 = arith.constant 0 : i32
      %dma_wait3A_312 = arith.constant 0 : i32
      %dma_wait3A_313 = tpu.memref_slice %arg8[%run_scoped3A_245, %dma_wait3A_311, %dma_wait3A_312] : memref<2x128x128xf32, #tpu.memory_space<vmem>> -> memref<1x128x128xf32, #tpu.memory_space<vmem>>
      %dma_wait3A_314 = tpu.memref_squeeze %dma_wait3A_313 : memref<1x128x128xf32, #tpu.memory_space<vmem>> -> memref<128x128xf32, #tpu.memory_space<vmem>>
      tpu.wait_dma2 semaphore(%run_scoped3A_286 : memref<!tpu.dma_semaphore, #tpu.memory_space<semaphore_mem>>) src(%dma_wait3A_314 : memref<128x128xf32, #tpu.memory_space<vmem>>) dst(%dma_wait3A_310 : memref<128x128xf32, #tpu.memory_space<hbm>>)
      tpu.yield
    }) : () -> ()
    %mul3A_246 = arith.constant 640 : i32
    %mul3A_247 = arith.muli %arg1, %mul3A_246 : i32
    %add3A_248 = arith.constant 128 : i32
    %add3A_249 = arith.addi %mul3A_247, %add3A_248 : i32
    %run_scoped3A_250 = arith.constant 1 : i32
    "tpu.region"() ({
      %run_scoped3A_286 = tpu.sem_alloc : memref<!tpu.dma_semaphore, #tpu.memory_space<semaphore_mem>>
      %dma_start3A_287 = arith.constant 0 : i32
      %dma_start3A_288 = arith.constant 0 : i32
      %dma_start3A_289 = tpu.memref_slice %arg8[%run_scoped3A_250, %dma_start3A_287, %dma_start3A_288] : memref<2x128x128xf32, #tpu.memory_space<vmem>> -> memref<1x128x128xf32, #tpu.memory_space<vmem>>
      %dma_start3A_290 = tpu.memref_squeeze %dma_start3A_289 : memref<1x128x128xf32, #tpu.memory_space<vmem>> -> memref<128x128xf32, #tpu.memory_space<vmem>>
      %dma_start3A_291 = arith.constant 0 : i32
      %dma_start3A_292 = tpu.memref_slice %arg9[%add3A_249, %dma_start3A_291] : memref<10240x128xf32, #tpu.memory_space<vmem_shared>> -> memref<128x128xf32, #tpu.memory_space<vmem_shared>>
      %dma_start3A_293 = arith.constant 0 : i32
      %dma_start3A_294 = arith.constant 0 : i32
      %dma_start3A_295 = tpu.memref_slice %arg8[%run_scoped3A_250, %dma_start3A_293, %dma_start3A_294] : memref<2x128x128xf32, #tpu.memory_space<vmem>> -> memref<1x128x128xf32, #tpu.memory_space<vmem>>
      %dma_start3A_296 = tpu.memref_squeeze %dma_start3A_295 : memref<1x128x128xf32, #tpu.memory_space<vmem>> -> memref<128x128xf32, #tpu.memory_space<vmem>>
      %dma_start3A_297 = arith.constant 0 : i32
      %dma_start3A_298 = tpu.memref_slice %arg9[%add3A_249, %dma_start3A_297] : memref<10240x128xf32, #tpu.memory_space<vmem_shared>> -> memref<128x128xf32, #tpu.memory_space<vmem_shared>>
      tpu.enqueue_dma source(%dma_start3A_298 : memref<128x128xf32, #tpu.memory_space<vmem_shared>>) target(%dma_start3A_296 : memref<128x128xf32, #tpu.memory_space<vmem>>) target_semaphore(%run_scoped3A_286 : memref<!tpu.dma_semaphore, #tpu.memory_space<semaphore_mem>>)
      %dma_wait3A_299 = arith.constant 0 : i32
      %dma_wait3A_300 = arith.constant 0 : i32
      %dma_wait3A_301 = tpu.memref_slice %arg8[%run_scoped3A_250, %dma_wait3A_299, %dma_wait3A_300] : memref<2x128x128xf32, #tpu.memory_space<vmem>> -> memref<1x128x128xf32, #tpu.memory_space<vmem>>
      %dma_wait3A_302 = tpu.memref_squeeze %dma_wait3A_301 : memref<1x128x128xf32, #tpu.memory_space<vmem>> -> memref<128x128xf32, #tpu.memory_space<vmem>>
      %dma_wait3A_303 = arith.constant 0 : i32
      %dma_wait3A_304 = tpu.memref_slice %arg9[%add3A_249, %dma_wait3A_303] : memref<10240x128xf32, #tpu.memory_space<vmem_shared>> -> memref<128x128xf32, #tpu.memory_space<vmem_shared>>
      %dma_wait3A_305 = arith.constant 0 : i32
      %dma_wait3A_306 = arith.constant 0 : i32
      %dma_wait3A_307 = tpu.memref_slice %arg8[%run_scoped3A_250, %dma_wait3A_305, %dma_wait3A_306] : memref<2x128x128xf32, #tpu.memory_space<vmem>> -> memref<1x128x128xf32, #tpu.memory_space<vmem>>
      %dma_wait3A_308 = tpu.memref_squeeze %dma_wait3A_307 : memref<1x128x128xf32, #tpu.memory_space<vmem>> -> memref<128x128xf32, #tpu.memory_space<vmem>>
      %dma_wait3A_309 = arith.constant 0 : i32
      %dma_wait3A_310 = tpu.memref_slice %arg9[%add3A_249, %dma_wait3A_309] : memref<10240x128xf32, #tpu.memory_space<vmem_shared>> -> memref<128x128xf32, #tpu.memory_space<vmem_shared>>
      tpu.wait_dma2 semaphore(%run_scoped3A_286 : memref<!tpu.dma_semaphore, #tpu.memory_space<semaphore_mem>>) src(%dma_wait3A_310 : memref<128x128xf32, #tpu.memory_space<vmem_shared>>) dst(%dma_wait3A_308 : memref<128x128xf32, #tpu.memory_space<vmem>>)
      tpu.yield
    }) : () -> ()
    %mul3A_251 = arith.constant 640 : i32
    %mul3A_252 = arith.muli %arg1, %mul3A_251 : i32
    %add3A_253 = arith.constant 128 : i32
    %add3A_254 = arith.addi %mul3A_252, %add3A_253 : i32
    %run_scoped3A_255 = arith.constant 1 : i32
    "tpu.region"() ({
      %run_scoped3A_286 = tpu.sem_alloc : memref<!tpu.dma_semaphore, #tpu.memory_space<semaphore_mem>>
      %dma_start3A_287 = arith.constant 0 : i32
      %dma_start3A_288 = arith.constant 0 : i32
      %dma_start3A_289 = tpu.memref_slice %arg8[%run_scoped3A_255, %dma_start3A_287, %dma_start3A_288] : memref<2x128x128xf32, #tpu.memory_space<vmem>> -> memref<1x128x128xf32, #tpu.memory_space<vmem>>
      %dma_start3A_290 = tpu.memref_squeeze %dma_start3A_289 : memref<1x128x128xf32, #tpu.memory_space<vmem>> -> memref<128x128xf32, #tpu.memory_space<vmem>>
      %dma_start3A_291 = arith.constant 0 : i32
      %dma_start3A_292 = tpu.memref_slice %arg5[%arg0, %add3A_254, %dma_start3A_291] : memref<2x10240x128xf32, #tpu.memory_space<hbm>> -> memref<1x128x128xf32, #tpu.memory_space<hbm>>
      %dma_start3A_293 = tpu.memref_squeeze %dma_start3A_292 : memref<1x128x128xf32, #tpu.memory_space<hbm>> -> memref<128x128xf32, #tpu.memory_space<hbm>>
      %dma_start3A_294 = arith.constant 0 : i32
      %dma_start3A_295 = tpu.memref_slice %arg5[%arg0, %add3A_254, %dma_start3A_294] : memref<2x10240x128xf32, #tpu.memory_space<hbm>> -> memref<1x128x128xf32, #tpu.memory_space<hbm>>
      %dma_start3A_296 = tpu.memref_squeeze %dma_start3A_295 : memref<1x128x128xf32, #tpu.memory_space<hbm>> -> memref<128x128xf32, #tpu.memory_space<hbm>>
      %dma_start3A_297 = arith.constant 0 : i32
      %dma_start3A_298 = arith.constant 0 : i32
      %dma_start3A_299 = tpu.memref_slice %arg8[%run_scoped3A_255, %dma_start3A_297, %dma_start3A_298] : memref<2x128x128xf32, #tpu.memory_space<vmem>> -> memref<1x128x128xf32, #tpu.memory_space<vmem>>
      %dma_start3A_300 = tpu.memref_squeeze %dma_start3A_299 : memref<1x128x128xf32, #tpu.memory_space<vmem>> -> memref<128x128xf32, #tpu.memory_space<vmem>>
      tpu.enqueue_dma source(%dma_start3A_300 : memref<128x128xf32, #tpu.memory_space<vmem>>) target(%dma_start3A_296 : memref<128x128xf32, #tpu.memory_space<hbm>>) target_semaphore(%run_scoped3A_286 : memref<!tpu.dma_semaphore, #tpu.memory_space<semaphore_mem>>)
      %dma_wait3A_301 = arith.constant 0 : i32
      %dma_wait3A_302 = arith.constant 0 : i32
      %dma_wait3A_303 = tpu.memref_slice %arg8[%run_scoped3A_255, %dma_wait3A_301, %dma_wait3A_302] : memref<2x128x128xf32, #tpu.memory_space<vmem>> -> memref<1x128x128xf32, #tpu.memory_space<vmem>>
      %dma_wait3A_304 = tpu.memref_squeeze %dma_wait3A_303 : memref<1x128x128xf32, #tpu.memory_space<vmem>> -> memref<128x128xf32, #tpu.memory_space<vmem>>
      %dma_wait3A_305 = arith.constant 0 : i32
      %dma_wait3A_306 = tpu.memref_slice %arg5[%arg0, %add3A_254, %dma_wait3A_305] : memref<2x10240x128xf32, #tpu.memory_space<hbm>> -> memref<1x128x128xf32, #tpu.memory_space<hbm>>
      %dma_wait3A_307 = tpu.memref_squeeze %dma_wait3A_306 : memref<1x128x128xf32, #tpu.memory_space<hbm>> -> memref<128x128xf32, #tpu.memory_space<hbm>>
      %dma_wait3A_308 = arith.constant 0 : i32
      %dma_wait3A_309 = tpu.memref_slice %arg5[%arg0, %add3A_254, %dma_wait3A_308] : memref<2x10240x128xf32, #tpu.memory_space<hbm>> -> memref<1x128x128xf32, #tpu.memory_space<hbm>>
      %dma_wait3A_310 = tpu.memref_squeeze %dma_wait3A_309 : memref<1x128x128xf32, #tpu.memory_space<hbm>> -> memref<128x128xf32, #tpu.memory_space<hbm>>
      %dma_wait3A_311 = arith.constant 0 : i32
      %dma_wait3A_312 = arith.constant 0 : i32
      %dma_wait3A_313 = tpu.memref_slice %arg8[%run_scoped3A_255, %dma_wait3A_311, %dma_wait3A_312] : memref<2x128x128xf32, #tpu.memory_space<vmem>> -> memref<1x128x128xf32, #tpu.memory_space<vmem>>
      %dma_wait3A_314 = tpu.memref_squeeze %dma_wait3A_313 : memref<1x128x128xf32, #tpu.memory_space<vmem>> -> memref<128x128xf32, #tpu.memory_space<vmem>>
      tpu.wait_dma2 semaphore(%run_scoped3A_286 : memref<!tpu.dma_semaphore, #tpu.memory_space<semaphore_mem>>) src(%dma_wait3A_314 : memref<128x128xf32, #tpu.memory_space<vmem>>) dst(%dma_wait3A_310 : memref<128x128xf32, #tpu.memory_space<hbm>>)
      tpu.yield
    }) : () -> ()
    %mul3A_256 = arith.constant 640 : i32
    %mul3A_257 = arith.muli %arg1, %mul3A_256 : i32
    %add3A_258 = arith.constant 256 : i32
    %add3A_259 = arith.addi %mul3A_257, %add3A_258 : i32
    %run_scoped3A_260 = arith.constant 0 : i32
    "tpu.region"() ({
      %run_scoped3A_286 = tpu.sem_alloc : memref<!tpu.dma_semaphore, #tpu.memory_space<semaphore_mem>>
      %dma_start3A_287 = arith.constant 0 : i32
      %dma_start3A_288 = arith.constant 0 : i32
      %dma_start3A_289 = tpu.memref_slice %arg8[%run_scoped3A_260, %dma_start3A_287, %dma_start3A_288] : memref<2x128x128xf32, #tpu.memory_space<vmem>> -> memref<1x128x128xf32, #tpu.memory_space<vmem>>
      %dma_start3A_290 = tpu.memref_squeeze %dma_start3A_289 : memref<1x128x128xf32, #tpu.memory_space<vmem>> -> memref<128x128xf32, #tpu.memory_space<vmem>>
      %dma_start3A_291 = arith.constant 0 : i32
      %dma_start3A_292 = tpu.memref_slice %arg9[%add3A_259, %dma_start3A_291] : memref<10240x128xf32, #tpu.memory_space<vmem_shared>> -> memref<128x128xf32, #tpu.memory_space<vmem_shared>>
      %dma_start3A_293 = arith.constant 0 : i32
      %dma_start3A_294 = arith.constant 0 : i32
      %dma_start3A_295 = tpu.memref_slice %arg8[%run_scoped3A_260, %dma_start3A_293, %dma_start3A_294] : memref<2x128x128xf32, #tpu.memory_space<vmem>> -> memref<1x128x128xf32, #tpu.memory_space<vmem>>
      %dma_start3A_296 = tpu.memref_squeeze %dma_start3A_295 : memref<1x128x128xf32, #tpu.memory_space<vmem>> -> memref<128x128xf32, #tpu.memory_space<vmem>>
      %dma_start3A_297 = arith.constant 0 : i32
      %dma_start3A_298 = tpu.memref_slice %arg9[%add3A_259, %dma_start3A_297] : memref<10240x128xf32, #tpu.memory_space<vmem_shared>> -> memref<128x128xf32, #tpu.memory_space<vmem_shared>>
      tpu.enqueue_dma source(%dma_start3A_298 : memref<128x128xf32, #tpu.memory_space<vmem_shared>>) target(%dma_start3A_296 : memref<128x128xf32, #tpu.memory_space<vmem>>) target_semaphore(%run_scoped3A_286 : memref<!tpu.dma_semaphore, #tpu.memory_space<semaphore_mem>>)
      %dma_wait3A_299 = arith.constant 0 : i32
      %dma_wait3A_300 = arith.constant 0 : i32
      %dma_wait3A_301 = tpu.memref_slice %arg8[%run_scoped3A_260, %dma_wait3A_299, %dma_wait3A_300] : memref<2x128x128xf32, #tpu.memory_space<vmem>> -> memref<1x128x128xf32, #tpu.memory_space<vmem>>
      %dma_wait3A_302 = tpu.memref_squeeze %dma_wait3A_301 : memref<1x128x128xf32, #tpu.memory_space<vmem>> -> memref<128x128xf32, #tpu.memory_space<vmem>>
      %dma_wait3A_303 = arith.constant 0 : i32
      %dma_wait3A_304 = tpu.memref_slice %arg9[%add3A_259, %dma_wait3A_303] : memref<10240x128xf32, #tpu.memory_space<vmem_shared>> -> memref<128x128xf32, #tpu.memory_space<vmem_shared>>
      %dma_wait3A_305 = arith.constant 0 : i32
      %dma_wait3A_306 = arith.constant 0 : i32
      %dma_wait3A_307 = tpu.memref_slice %arg8[%run_scoped3A_260, %dma_wait3A_305, %dma_wait3A_306] : memref<2x128x128xf32, #tpu.memory_space<vmem>> -> memref<1x128x128xf32, #tpu.memory_space<vmem>>
      %dma_wait3A_308 = tpu.memref_squeeze %dma_wait3A_307 : memref<1x128x128xf32, #tpu.memory_space<vmem>> -> memref<128x128xf32, #tpu.memory_space<vmem>>
      %dma_wait3A_309 = arith.constant 0 : i32
      %dma_wait3A_310 = tpu.memref_slice %arg9[%add3A_259, %dma_wait3A_309] : memref<10240x128xf32, #tpu.memory_space<vmem_shared>> -> memref<128x128xf32, #tpu.memory_space<vmem_shared>>
      tpu.wait_dma2 semaphore(%run_scoped3A_286 : memref<!tpu.dma_semaphore, #tpu.memory_space<semaphore_mem>>) src(%dma_wait3A_310 : memref<128x128xf32, #tpu.memory_space<vmem_shared>>) dst(%dma_wait3A_308 : memref<128x128xf32, #tpu.memory_space<vmem>>)
      tpu.yield
    }) : () -> ()
    %mul3A_261 = arith.constant 640 : i32
    %mul3A_262 = arith.muli %arg1, %mul3A_261 : i32
    %add3A_263 = arith.constant 256 : i32
    %add3A_264 = arith.addi %mul3A_262, %add3A_263 : i32
    %run_scoped3A_265 = arith.constant 0 : i32
    "tpu.region"() ({
      %run_scoped3A_286 = tpu.sem_alloc : memref<!tpu.dma_semaphore, #tpu.memory_space<semaphore_mem>>
      %dma_start3A_287 = arith.constant 0 : i32
      %dma_start3A_288 = arith.constant 0 : i32
      %dma_start3A_289 = tpu.memref_slice %arg8[%run_scoped3A_265, %dma_start3A_287, %dma_start3A_288] : memref<2x128x128xf32, #tpu.memory_space<vmem>> -> memref<1x128x128xf32, #tpu.memory_space<vmem>>
      %dma_start3A_290 = tpu.memref_squeeze %dma_start3A_289 : memref<1x128x128xf32, #tpu.memory_space<vmem>> -> memref<128x128xf32, #tpu.memory_space<vmem>>
      %dma_start3A_291 = arith.constant 0 : i32
      %dma_start3A_292 = tpu.memref_slice %arg5[%arg0, %add3A_264, %dma_start3A_291] : memref<2x10240x128xf32, #tpu.memory_space<hbm>> -> memref<1x128x128xf32, #tpu.memory_space<hbm>>
      %dma_start3A_293 = tpu.memref_squeeze %dma_start3A_292 : memref<1x128x128xf32, #tpu.memory_space<hbm>> -> memref<128x128xf32, #tpu.memory_space<hbm>>
      %dma_start3A_294 = arith.constant 0 : i32
      %dma_start3A_295 = tpu.memref_slice %arg5[%arg0, %add3A_264, %dma_start3A_294] : memref<2x10240x128xf32, #tpu.memory_space<hbm>> -> memref<1x128x128xf32, #tpu.memory_space<hbm>>
      %dma_start3A_296 = tpu.memref_squeeze %dma_start3A_295 : memref<1x128x128xf32, #tpu.memory_space<hbm>> -> memref<128x128xf32, #tpu.memory_space<hbm>>
      %dma_start3A_297 = arith.constant 0 : i32
      %dma_start3A_298 = arith.constant 0 : i32
      %dma_start3A_299 = tpu.memref_slice %arg8[%run_scoped3A_265, %dma_start3A_297, %dma_start3A_298] : memref<2x128x128xf32, #tpu.memory_space<vmem>> -> memref<1x128x128xf32, #tpu.memory_space<vmem>>
      %dma_start3A_300 = tpu.memref_squeeze %dma_start3A_299 : memref<1x128x128xf32, #tpu.memory_space<vmem>> -> memref<128x128xf32, #tpu.memory_space<vmem>>
      tpu.enqueue_dma source(%dma_start3A_300 : memref<128x128xf32, #tpu.memory_space<vmem>>) target(%dma_start3A_296 : memref<128x128xf32, #tpu.memory_space<hbm>>) target_semaphore(%run_scoped3A_286 : memref<!tpu.dma_semaphore, #tpu.memory_space<semaphore_mem>>)
      %dma_wait3A_301 = arith.constant 0 : i32
      %dma_wait3A_302 = arith.constant 0 : i32
      %dma_wait3A_303 = tpu.memref_slice %arg8[%run_scoped3A_265, %dma_wait3A_301, %dma_wait3A_302] : memref<2x128x128xf32, #tpu.memory_space<vmem>> -> memref<1x128x128xf32, #tpu.memory_space<vmem>>
      %dma_wait3A_304 = tpu.memref_squeeze %dma_wait3A_303 : memref<1x128x128xf32, #tpu.memory_space<vmem>> -> memref<128x128xf32, #tpu.memory_space<vmem>>
      %dma_wait3A_305 = arith.constant 0 : i32
      %dma_wait3A_306 = tpu.memref_slice %arg5[%arg0, %add3A_264, %dma_wait3A_305] : memref<2x10240x128xf32, #tpu.memory_space<hbm>> -> memref<1x128x128xf32, #tpu.memory_space<hbm>>
      %dma_wait3A_307 = tpu.memref_squeeze %dma_wait3A_306 : memref<1x128x128xf32, #tpu.memory_space<hbm>> -> memref<128x128xf32, #tpu.memory_space<hbm>>
      %dma_wait3A_308 = arith.constant 0 : i32
      %dma_wait3A_309 = tpu.memref_slice %arg5[%arg0, %add3A_264, %dma_wait3A_308] : memref<2x10240x128xf32, #tpu.memory_space<hbm>> -> memref<1x128x128xf32, #tpu.memory_space<hbm>>
      %dma_wait3A_310 = tpu.memref_squeeze %dma_wait3A_309 : memref<1x128x128xf32, #tpu.memory_space<hbm>> -> memref<128x128xf32, #tpu.memory_space<hbm>>
      %dma_wait3A_311 = arith.constant 0 : i32
      %dma_wait3A_312 = arith.constant 0 : i32
      %dma_wait3A_313 = tpu.memref_slice %arg8[%run_scoped3A_265, %dma_wait3A_311, %dma_wait3A_312] : memref<2x128x128xf32, #tpu.memory_space<vmem>> -> memref<1x128x128xf32, #tpu.memory_space<vmem>>
      %dma_wait3A_314 = tpu.memref_squeeze %dma_wait3A_313 : memref<1x128x128xf32, #tpu.memory_space<vmem>> -> memref<128x128xf32, #tpu.memory_space<vmem>>
      tpu.wait_dma2 semaphore(%run_scoped3A_286 : memref<!tpu.dma_semaphore, #tpu.memory_space<semaphore_mem>>) src(%dma_wait3A_314 : memref<128x128xf32, #tpu.memory_space<vmem>>) dst(%dma_wait3A_310 : memref<128x128xf32, #tpu.memory_space<hbm>>)
      tpu.yield
    }) : () -> ()
    %mul3A_266 = arith.constant 640 : i32
    %mul3A_267 = arith.muli %arg1, %mul3A_266 : i32
    %add3A_268 = arith.constant 384 : i32
    %add3A_269 = arith.addi %mul3A_267, %add3A_268 : i32
    %run_scoped3A_270 = arith.constant 1 : i32
    "tpu.region"() ({
      %run_scoped3A_286 = tpu.sem_alloc : memref<!tpu.dma_semaphore, #tpu.memory_space<semaphore_mem>>
      %dma_start3A_287 = arith.constant 0 : i32
      %dma_start3A_288 = arith.constant 0 : i32
      %dma_start3A_289 = tpu.memref_slice %arg8[%run_scoped3A_270, %dma_start3A_287, %dma_start3A_288] : memref<2x128x128xf32, #tpu.memory_space<vmem>> -> memref<1x128x128xf32, #tpu.memory_space<vmem>>
      %dma_start3A_290 = tpu.memref_squeeze %dma_start3A_289 : memref<1x128x128xf32, #tpu.memory_space<vmem>> -> memref<128x128xf32, #tpu.memory_space<vmem>>
      %dma_start3A_291 = arith.constant 0 : i32
      %dma_start3A_292 = tpu.memref_slice %arg9[%add3A_269, %dma_start3A_291] : memref<10240x128xf32, #tpu.memory_space<vmem_shared>> -> memref<128x128xf32, #tpu.memory_space<vmem_shared>>
      %dma_start3A_293 = arith.constant 0 : i32
      %dma_start3A_294 = arith.constant 0 : i32
      %dma_start3A_295 = tpu.memref_slice %arg8[%run_scoped3A_270, %dma_start3A_293, %dma_start3A_294] : memref<2x128x128xf32, #tpu.memory_space<vmem>> -> memref<1x128x128xf32, #tpu.memory_space<vmem>>
      %dma_start3A_296 = tpu.memref_squeeze %dma_start3A_295 : memref<1x128x128xf32, #tpu.memory_space<vmem>> -> memref<128x128xf32, #tpu.memory_space<vmem>>
      %dma_start3A_297 = arith.constant 0 : i32
      %dma_start3A_298 = tpu.memref_slice %arg9[%add3A_269, %dma_start3A_297] : memref<10240x128xf32, #tpu.memory_space<vmem_shared>> -> memref<128x128xf32, #tpu.memory_space<vmem_shared>>
      tpu.enqueue_dma source(%dma_start3A_298 : memref<128x128xf32, #tpu.memory_space<vmem_shared>>) target(%dma_start3A_296 : memref<128x128xf32, #tpu.memory_space<vmem>>) target_semaphore(%run_scoped3A_286 : memref<!tpu.dma_semaphore, #tpu.memory_space<semaphore_mem>>)
      %dma_wait3A_299 = arith.constant 0 : i32
      %dma_wait3A_300 = arith.constant 0 : i32
      %dma_wait3A_301 = tpu.memref_slice %arg8[%run_scoped3A_270, %dma_wait3A_299, %dma_wait3A_300] : memref<2x128x128xf32, #tpu.memory_space<vmem>> -> memref<1x128x128xf32, #tpu.memory_space<vmem>>
      %dma_wait3A_302 = tpu.memref_squeeze %dma_wait3A_301 : memref<1x128x128xf32, #tpu.memory_space<vmem>> -> memref<128x128xf32, #tpu.memory_space<vmem>>
      %dma_wait3A_303 = arith.constant 0 : i32
      %dma_wait3A_304 = tpu.memref_slice %arg9[%add3A_269, %dma_wait3A_303] : memref<10240x128xf32, #tpu.memory_space<vmem_shared>> -> memref<128x128xf32, #tpu.memory_space<vmem_shared>>
      %dma_wait3A_305 = arith.constant 0 : i32
      %dma_wait3A_306 = arith.constant 0 : i32
      %dma_wait3A_307 = tpu.memref_slice %arg8[%run_scoped3A_270, %dma_wait3A_305, %dma_wait3A_306] : memref<2x128x128xf32, #tpu.memory_space<vmem>> -> memref<1x128x128xf32, #tpu.memory_space<vmem>>
      %dma_wait3A_308 = tpu.memref_squeeze %dma_wait3A_307 : memref<1x128x128xf32, #tpu.memory_space<vmem>> -> memref<128x128xf32, #tpu.memory_space<vmem>>
      %dma_wait3A_309 = arith.constant 0 : i32
      %dma_wait3A_310 = tpu.memref_slice %arg9[%add3A_269, %dma_wait3A_309] : memref<10240x128xf32, #tpu.memory_space<vmem_shared>> -> memref<128x128xf32, #tpu.memory_space<vmem_shared>>
      tpu.wait_dma2 semaphore(%run_scoped3A_286 : memref<!tpu.dma_semaphore, #tpu.memory_space<semaphore_mem>>) src(%dma_wait3A_310 : memref<128x128xf32, #tpu.memory_space<vmem_shared>>) dst(%dma_wait3A_308 : memref<128x128xf32, #tpu.memory_space<vmem>>)
      tpu.yield
    }) : () -> ()
    %mul3A_271 = arith.constant 640 : i32
    %mul3A_272 = arith.muli %arg1, %mul3A_271 : i32
    %add3A_273 = arith.constant 384 : i32
    %add3A_274 = arith.addi %mul3A_272, %add3A_273 : i32
    %run_scoped3A_275 = arith.constant 1 : i32
    "tpu.region"() ({
      %run_scoped3A_286 = tpu.sem_alloc : memref<!tpu.dma_semaphore, #tpu.memory_space<semaphore_mem>>
      %dma_start3A_287 = arith.constant 0 : i32
      %dma_start3A_288 = arith.constant 0 : i32
      %dma_start3A_289 = tpu.memref_slice %arg8[%run_scoped3A_275, %dma_start3A_287, %dma_start3A_288] : memref<2x128x128xf32, #tpu.memory_space<vmem>> -> memref<1x128x128xf32, #tpu.memory_space<vmem>>
      %dma_start3A_290 = tpu.memref_squeeze %dma_start3A_289 : memref<1x128x128xf32, #tpu.memory_space<vmem>> -> memref<128x128xf32, #tpu.memory_space<vmem>>
      %dma_start3A_291 = arith.constant 0 : i32
      %dma_start3A_292 = tpu.memref_slice %arg5[%arg0, %add3A_274, %dma_start3A_291] : memref<2x10240x128xf32, #tpu.memory_space<hbm>> -> memref<1x128x128xf32, #tpu.memory_space<hbm>>
      %dma_start3A_293 = tpu.memref_squeeze %dma_start3A_292 : memref<1x128x128xf32, #tpu.memory_space<hbm>> -> memref<128x128xf32, #tpu.memory_space<hbm>>
      %dma_start3A_294 = arith.constant 0 : i32
      %dma_start3A_295 = tpu.memref_slice %arg5[%arg0, %add3A_274, %dma_start3A_294] : memref<2x10240x128xf32, #tpu.memory_space<hbm>> -> memref<1x128x128xf32, #tpu.memory_space<hbm>>
      %dma_start3A_296 = tpu.memref_squeeze %dma_start3A_295 : memref<1x128x128xf32, #tpu.memory_space<hbm>> -> memref<128x128xf32, #tpu.memory_space<hbm>>
      %dma_start3A_297 = arith.constant 0 : i32
      %dma_start3A_298 = arith.constant 0 : i32
      %dma_start3A_299 = tpu.memref_slice %arg8[%run_scoped3A_275, %dma_start3A_297, %dma_start3A_298] : memref<2x128x128xf32, #tpu.memory_space<vmem>> -> memref<1x128x128xf32, #tpu.memory_space<vmem>>
      %dma_start3A_300 = tpu.memref_squeeze %dma_start3A_299 : memref<1x128x128xf32, #tpu.memory_space<vmem>> -> memref<128x128xf32, #tpu.memory_space<vmem>>
      tpu.enqueue_dma source(%dma_start3A_300 : memref<128x128xf32, #tpu.memory_space<vmem>>) target(%dma_start3A_296 : memref<128x128xf32, #tpu.memory_space<hbm>>) target_semaphore(%run_scoped3A_286 : memref<!tpu.dma_semaphore, #tpu.memory_space<semaphore_mem>>)
      %dma_wait3A_301 = arith.constant 0 : i32
      %dma_wait3A_302 = arith.constant 0 : i32
      %dma_wait3A_303 = tpu.memref_slice %arg8[%run_scoped3A_275, %dma_wait3A_301, %dma_wait3A_302] : memref<2x128x128xf32, #tpu.memory_space<vmem>> -> memref<1x128x128xf32, #tpu.memory_space<vmem>>
      %dma_wait3A_304 = tpu.memref_squeeze %dma_wait3A_303 : memref<1x128x128xf32, #tpu.memory_space<vmem>> -> memref<128x128xf32, #tpu.memory_space<vmem>>
      %dma_wait3A_305 = arith.constant 0 : i32
      %dma_wait3A_306 = tpu.memref_slice %arg5[%arg0, %add3A_274, %dma_wait3A_305] : memref<2x10240x128xf32, #tpu.memory_space<hbm>> -> memref<1x128x128xf32, #tpu.memory_space<hbm>>
      %dma_wait3A_307 = tpu.memref_squeeze %dma_wait3A_306 : memref<1x128x128xf32, #tpu.memory_space<hbm>> -> memref<128x128xf32, #tpu.memory_space<hbm>>
      %dma_wait3A_308 = arith.constant 0 : i32
      %dma_wait3A_309 = tpu.memref_slice %arg5[%arg0, %add3A_274, %dma_wait3A_308] : memref<2x10240x128xf32, #tpu.memory_space<hbm>> -> memref<1x128x128xf32, #tpu.memory_space<hbm>>
      %dma_wait3A_310 = tpu.memref_squeeze %dma_wait3A_309 : memref<1x128x128xf32, #tpu.memory_space<hbm>> -> memref<128x128xf32, #tpu.memory_space<hbm>>
      %dma_wait3A_311 = arith.constant 0 : i32
      %dma_wait3A_312 = arith.constant 0 : i32
      %dma_wait3A_313 = tpu.memref_slice %arg8[%run_scoped3A_275, %dma_wait3A_311, %dma_wait3A_312] : memref<2x128x128xf32, #tpu.memory_space<vmem>> -> memref<1x128x128xf32, #tpu.memory_space<vmem>>
      %dma_wait3A_314 = tpu.memref_squeeze %dma_wait3A_313 : memref<1x128x128xf32, #tpu.memory_space<vmem>> -> memref<128x128xf32, #tpu.memory_space<vmem>>
      tpu.wait_dma2 semaphore(%run_scoped3A_286 : memref<!tpu.dma_semaphore, #tpu.memory_space<semaphore_mem>>) src(%dma_wait3A_314 : memref<128x128xf32, #tpu.memory_space<vmem>>) dst(%dma_wait3A_310 : memref<128x128xf32, #tpu.memory_space<hbm>>)
      tpu.yield
    }) : () -> ()
    %mul3A_276 = arith.constant 640 : i32
    %mul3A_277 = arith.muli %arg1, %mul3A_276 : i32
    %add3A_278 = arith.constant 512 : i32
    %add3A_279 = arith.addi %mul3A_277, %add3A_278 : i32
    %run_scoped3A_280 = arith.constant 0 : i32
    "tpu.region"() ({
      %run_scoped3A_286 = tpu.sem_alloc : memref<!tpu.dma_semaphore, #tpu.memory_space<semaphore_mem>>
      %dma_start3A_287 = arith.constant 0 : i32
      %dma_start3A_288 = arith.constant 0 : i32
      %dma_start3A_289 = tpu.memref_slice %arg8[%run_scoped3A_280, %dma_start3A_287, %dma_start3A_288] : memref<2x128x128xf32, #tpu.memory_space<vmem>> -> memref<1x128x128xf32, #tpu.memory_space<vmem>>
      %dma_start3A_290 = tpu.memref_squeeze %dma_start3A_289 : memref<1x128x128xf32, #tpu.memory_space<vmem>> -> memref<128x128xf32, #tpu.memory_space<vmem>>
      %dma_start3A_291 = arith.constant 0 : i32
      %dma_start3A_292 = tpu.memref_slice %arg9[%add3A_279, %dma_start3A_291] : memref<10240x128xf32, #tpu.memory_space<vmem_shared>> -> memref<128x128xf32, #tpu.memory_space<vmem_shared>>
      %dma_start3A_293 = arith.constant 0 : i32
      %dma_start3A_294 = arith.constant 0 : i32
      %dma_start3A_295 = tpu.memref_slice %arg8[%run_scoped3A_280, %dma_start3A_293, %dma_start3A_294] : memref<2x128x128xf32, #tpu.memory_space<vmem>> -> memref<1x128x128xf32, #tpu.memory_space<vmem>>
      %dma_start3A_296 = tpu.memref_squeeze %dma_start3A_295 : memref<1x128x128xf32, #tpu.memory_space<vmem>> -> memref<128x128xf32, #tpu.memory_space<vmem>>
      %dma_start3A_297 = arith.constant 0 : i32
      %dma_start3A_298 = tpu.memref_slice %arg9[%add3A_279, %dma_start3A_297] : memref<10240x128xf32, #tpu.memory_space<vmem_shared>> -> memref<128x128xf32, #tpu.memory_space<vmem_shared>>
      tpu.enqueue_dma source(%dma_start3A_298 : memref<128x128xf32, #tpu.memory_space<vmem_shared>>) target(%dma_start3A_296 : memref<128x128xf32, #tpu.memory_space<vmem>>) target_semaphore(%run_scoped3A_286 : memref<!tpu.dma_semaphore, #tpu.memory_space<semaphore_mem>>)
      %dma_wait3A_299 = arith.constant 0 : i32
      %dma_wait3A_300 = arith.constant 0 : i32
      %dma_wait3A_301 = tpu.memref_slice %arg8[%run_scoped3A_280, %dma_wait3A_299, %dma_wait3A_300] : memref<2x128x128xf32, #tpu.memory_space<vmem>> -> memref<1x128x128xf32, #tpu.memory_space<vmem>>
      %dma_wait3A_302 = tpu.memref_squeeze %dma_wait3A_301 : memref<1x128x128xf32, #tpu.memory_space<vmem>> -> memref<128x128xf32, #tpu.memory_space<vmem>>
      %dma_wait3A_303 = arith.constant 0 : i32
      %dma_wait3A_304 = tpu.memref_slice %arg9[%add3A_279, %dma_wait3A_303] : memref<10240x128xf32, #tpu.memory_space<vmem_shared>> -> memref<128x128xf32, #tpu.memory_space<vmem_shared>>
      %dma_wait3A_305 = arith.constant 0 : i32
      %dma_wait3A_306 = arith.constant 0 : i32
      %dma_wait3A_307 = tpu.memref_slice %arg8[%run_scoped3A_280, %dma_wait3A_305, %dma_wait3A_306] : memref<2x128x128xf32, #tpu.memory_space<vmem>> -> memref<1x128x128xf32, #tpu.memory_space<vmem>>
      %dma_wait3A_308 = tpu.memref_squeeze %dma_wait3A_307 : memref<1x128x128xf32, #tpu.memory_space<vmem>> -> memref<128x128xf32, #tpu.memory_space<vmem>>
      %dma_wait3A_309 = arith.constant 0 : i32
      %dma_wait3A_310 = tpu.memref_slice %arg9[%add3A_279, %dma_wait3A_309] : memref<10240x128xf32, #tpu.memory_space<vmem_shared>> -> memref<128x128xf32, #tpu.memory_space<vmem_shared>>
      tpu.wait_dma2 semaphore(%run_scoped3A_286 : memref<!tpu.dma_semaphore, #tpu.memory_space<semaphore_mem>>) src(%dma_wait3A_310 : memref<128x128xf32, #tpu.memory_space<vmem_shared>>) dst(%dma_wait3A_308 : memref<128x128xf32, #tpu.memory_space<vmem>>)
      tpu.yield
    }) : () -> ()
    %mul3A_281 = arith.constant 640 : i32
    %mul3A_282 = arith.muli %arg1, %mul3A_281 : i32
    %add3A_283 = arith.constant 512 : i32
    %add3A_284 = arith.addi %mul3A_282, %add3A_283 : i32
    %run_scoped3A_285 = arith.constant 0 : i32
    "tpu.region"() ({
      %run_scoped3A_286 = tpu.sem_alloc : memref<!tpu.dma_semaphore, #tpu.memory_space<semaphore_mem>>
      %dma_start3A_287 = arith.constant 0 : i32
      %dma_start3A_288 = arith.constant 0 : i32
      %dma_start3A_289 = tpu.memref_slice %arg8[%run_scoped3A_285, %dma_start3A_287, %dma_start3A_288] : memref<2x128x128xf32, #tpu.memory_space<vmem>> -> memref<1x128x128xf32, #tpu.memory_space<vmem>>
      %dma_start3A_290 = tpu.memref_squeeze %dma_start3A_289 : memref<1x128x128xf32, #tpu.memory_space<vmem>> -> memref<128x128xf32, #tpu.memory_space<vmem>>
      %dma_start3A_291 = arith.constant 0 : i32
      %dma_start3A_292 = tpu.memref_slice %arg5[%arg0, %add3A_284, %dma_start3A_291] : memref<2x10240x128xf32, #tpu.memory_space<hbm>> -> memref<1x128x128xf32, #tpu.memory_space<hbm>>
      %dma_start3A_293 = tpu.memref_squeeze %dma_start3A_292 : memref<1x128x128xf32, #tpu.memory_space<hbm>> -> memref<128x128xf32, #tpu.memory_space<hbm>>
      %dma_start3A_294 = arith.constant 0 : i32
      %dma_start3A_295 = tpu.memref_slice %arg5[%arg0, %add3A_284, %dma_start3A_294] : memref<2x10240x128xf32, #tpu.memory_space<hbm>> -> memref<1x128x128xf32, #tpu.memory_space<hbm>>
      %dma_start3A_296 = tpu.memref_squeeze %dma_start3A_295 : memref<1x128x128xf32, #tpu.memory_space<hbm>> -> memref<128x128xf32, #tpu.memory_space<hbm>>
      %dma_start3A_297 = arith.constant 0 : i32
      %dma_start3A_298 = arith.constant 0 : i32
      %dma_start3A_299 = tpu.memref_slice %arg8[%run_scoped3A_285, %dma_start3A_297, %dma_start3A_298] : memref<2x128x128xf32, #tpu.memory_space<vmem>> -> memref<1x128x128xf32, #tpu.memory_space<vmem>>
      %dma_start3A_300 = tpu.memref_squeeze %dma_start3A_299 : memref<1x128x128xf32, #tpu.memory_space<vmem>> -> memref<128x128xf32, #tpu.memory_space<vmem>>
      tpu.enqueue_dma source(%dma_start3A_300 : memref<128x128xf32, #tpu.memory_space<vmem>>) target(%dma_start3A_296 : memref<128x128xf32, #tpu.memory_space<hbm>>) target_semaphore(%run_scoped3A_286 : memref<!tpu.dma_semaphore, #tpu.memory_space<semaphore_mem>>)
      %dma_wait3A_301 = arith.constant 0 : i32
      %dma_wait3A_302 = arith.constant 0 : i32
      %dma_wait3A_303 = tpu.memref_slice %arg8[%run_scoped3A_285, %dma_wait3A_301, %dma_wait3A_302] : memref<2x128x128xf32, #tpu.memory_space<vmem>> -> memref<1x128x128xf32, #tpu.memory_space<vmem>>
      %dma_wait3A_304 = tpu.memref_squeeze %dma_wait3A_303 : memref<1x128x128xf32, #tpu.memory_space<vmem>> -> memref<128x128xf32, #tpu.memory_space<vmem>>
      %dma_wait3A_305 = arith.constant 0 : i32
      %dma_wait3A_306 = tpu.memref_slice %arg5[%arg0, %add3A_284, %dma_wait3A_305] : memref<2x10240x128xf32, #tpu.memory_space<hbm>> -> memref<1x128x128xf32, #tpu.memory_space<hbm>>
      %dma_wait3A_307 = tpu.memref_squeeze %dma_wait3A_306 : memref<1x128x128xf32, #tpu.memory_space<hbm>> -> memref<128x128xf32, #tpu.memory_space<hbm>>
      %dma_wait3A_308 = arith.constant 0 : i32
      %dma_wait3A_309 = tpu.memref_slice %arg5[%arg0, %add3A_284, %dma_wait3A_308] : memref<2x10240x128xf32, #tpu.memory_space<hbm>> -> memref<1x128x128xf32, #tpu.memory_space<hbm>>
      %dma_wait3A_310 = tpu.memref_squeeze %dma_wait3A_309 : memref<1x128x128xf32, #tpu.memory_space<hbm>> -> memref<128x128xf32, #tpu.memory_space<hbm>>
      %dma_wait3A_311 = arith.constant 0 : i32
      %dma_wait3A_312 = arith.constant 0 : i32
      %dma_wait3A_313 = tpu.memref_slice %arg8[%run_scoped3A_285, %dma_wait3A_311, %dma_wait3A_312] : memref<2x128x128xf32, #tpu.memory_space<vmem>> -> memref<1x128x128xf32, #tpu.memory_space<vmem>>
      %dma_wait3A_314 = tpu.memref_squeeze %dma_wait3A_313 : memref<1x128x128xf32, #tpu.memory_space<vmem>> -> memref<128x128xf32, #tpu.memory_space<vmem>>
      tpu.wait_dma2 semaphore(%run_scoped3A_286 : memref<!tpu.dma_semaphore, #tpu.memory_space<semaphore_mem>>) src(%dma_wait3A_314 : memref<128x128xf32, #tpu.memory_space<vmem>>) dst(%dma_wait3A_310 : memref<128x128xf32, #tpu.memory_space<hbm>>)
      tpu.yield
    }) : () -> ()
    return
  }
}

#map = affine_map<(d0, d1) -> (0, 0)>
#map1 = affine_map<(d0, d1) -> (0, 0, 0, 0, 0)>
#map2 = affine_map<(d0, d1) -> (0, 0, 0)>
module attributes {stable_mosaic.version = 14 : i64} {
  func.func @seg_sum(%arg0: i32, %arg1: i32, %arg2: memref<10240x128xf32, #tpu.memory_space<hbm>>, %arg3: memref<2x16x2x40x128xi32, #tpu.memory_space<hbm>>, %arg4: memref<2x16x2x40x128xi32, #tpu.memory_space<hbm>>, %arg5: memref<2x10240x128xf32, #tpu.memory_space<hbm>>, %arg6: memref<40x128xi32, #tpu.memory_space<vmem>>, %arg7: memref<40x128xi32, #tpu.memory_space<vmem>>, %arg8: memref<2x128x128xf32, #tpu.memory_space<vmem>>, %arg9: memref<10240x128xf32, #tpu.memory_space<vmem_shared>>, %arg10: memref<!tpu.dma_semaphore, #tpu.memory_space<semaphore_mem>>, %arg11: memref<!tpu.dma_semaphore, #tpu.memory_space<semaphore_mem>>) attributes {dimension_semantics = [#tpu.dimension_semantics<core_parallel>, #tpu.dimension_semantics<subcore_parallel>], iteration_bounds = array<i64: 2, 16>, scalar_prefetch = 0 : i64, scratch_operands = 6 : i64, tpu.core_type = #tpu.core_type<sc_vector_subcore>, window_params = [{transform_indices = #map}, {transform_indices = #map1}, {transform_indices = #map1}, {transform_indices = #map2}]} {
    %broadcast_in_dim3A = arith.constant 0.000000e+00 : f32
    %broadcast_in_dim3A_0 = vector.broadcast %broadcast_in_dim3A : f32 to vector<16xf32>
    %scan3A = arith.constant 0 : i32
    %scan3A_1 = arith.constant 0 : i32
    %scan3A_2 = arith.constant 128 : i32
    %scan3A_3 = arith.addi %scan3A_1, %scan3A_2 : i32
    %scan3A_4 = arith.constant 1 : i32
    scf.for %scan3A_286 = %scan3A_1 to %scan3A_3 step %scan3A_4  : i32 {
      %swap3A = arith.constant 0 : i32
      %swap3A_287 = arith.index_cast %swap3A : i32 to index
      %swap3A_288 = arith.index_cast %scan3A_286 : i32 to index
      %swap3A_289 = arith.constant 0 : index
      %swap3A_290 = tpu.vector_load %arg8[%swap3A_287, %swap3A_288, %swap3A_289] {strides = array<i32>} : memref<2x128x128xf32, #tpu.memory_space<vmem>>, vector<1x1x16xf32>,
      %swap3A_291 = vector.shape_cast %swap3A_290 : vector<1x1x16xf32> to vector<16xf32>
      %swap3A_292 = vector.shape_cast %broadcast_in_dim3A_0 : vector<16xf32> to vector<1x1x16xf32>
      tpu.vector_store %arg8[%swap3A_287, %swap3A_288, %swap3A_289], %swap3A_292 {strides = array<i32>} : memref<2x128x128xf32, #tpu.memory_space<vmem>>, vector<1x1x16xf32>,
      %swap3A_293 = arith.constant 0 : i32
      %swap3A_294 = arith.index_cast %swap3A_293 : i32 to index
      %swap3A_295 = arith.index_cast %scan3A_286 : i32 to index
      %swap3A_296 = arith.constant 16 : index
      %swap3A_297 = tpu.vector_load %arg8[%swap3A_294, %swap3A_295, %swap3A_296] {strides = array<i32>} : memref<2x128x128xf32, #tpu.memory_space<vmem>>, vector<1x1x16xf32>,
      %swap3A_298 = vector.shape_cast %swap3A_297 : vector<1x1x16xf32> to vector<16xf32>
      %swap3A_299 = vector.shape_cast %broadcast_in_dim3A_0 : vector<16xf32> to vector<1x1x16xf32>
      tpu.vector_store %arg8[%swap3A_294, %swap3A_295, %swap3A_296], %swap3A_299 {strides = array<i32>} : memref<2x128x128xf32, #tpu.memory_space<vmem>>, vector<1x1x16xf32>,
      %swap3A_300 = arith.constant 0 : i32
      %swap3A_301 = arith.index_cast %swap3A_300 : i32 to index
      %swap3A_302 = arith.index_cast %scan3A_286 : i32 to index
      %swap3A_303 = arith.constant 32 : index
      %swap3A_304 = tpu.vector_load %arg8[%swap3A_301, %swap3A_302, %swap3A_303] {strides = array<i32>} : memref<2x128x128xf32, #tpu.memory_space<vmem>>, vector<1x1x16xf32>,
      %swap3A_305 = vector.shape_cast %swap3A_304 : vector<1x1x16xf32> to vector<16xf32>
      %swap3A_306 = vector.shape_cast %broadcast_in_dim3A_0 : vector<16xf32> to vector<1x1x16xf32>
      tpu.vector_store %arg8[%swap3A_301, %swap3A_302, %swap3A_303], %swap3A_306 {strides = array<i32>} : memref<2x128x128xf32, #tpu.memory_space<vmem>>, vector<1x1x16xf32>,
      %swap3A_307 = arith.constant 0 : i32
      %swap3A_308 = arith.index_cast %swap3A_307 : i32 to index
      %swap3A_309 = arith.index_cast %scan3A_286 : i32 to index
      %swap3A_310 = arith.constant 48 : index
      %swap3A_311 = tpu.vector_load %arg8[%swap3A_308, %swap3A_309, %swap3A_310] {strides = array<i32>} : memref<2x128x128xf32, #tpu.memory_space<vmem>>, vector<1x1x16xf32>,
      %swap3A_312 = vector.shape_cast %swap3A_311 : vector<1x1x16xf32> to vector<16xf32>
      %swap3A_313 = vector.shape_cast %broadcast_in_dim3A_0 : vector<16xf32> to vector<1x1x16xf32>
      tpu.vector_store %arg8[%swap3A_308, %swap3A_309, %swap3A_310], %swap3A_313 {strides = array<i32>} : memref<2x128x128xf32, #tpu.memory_space<vmem>>, vector<1x1x16xf32>,
      %swap3A_314 = arith.constant 0 : i32
      %swap3A_315 = arith.index_cast %swap3A_314 : i32 to index
      %swap3A_316 = arith.index_cast %scan3A_286 : i32 to index
      %swap3A_317 = arith.constant 64 : index
      %swap3A_318 = tpu.vector_load %arg8[%swap3A_315, %swap3A_316, %swap3A_317] {strides = array<i32>} : memref<2x128x128xf32, #tpu.memory_space<vmem>>, vector<1x1x16xf32>,
      %swap3A_319 = vector.shape_cast %swap3A_318 : vector<1x1x16xf32> to vector<16xf32>
      %swap3A_320 = vector.shape_cast %broadcast_in_dim3A_0 : vector<16xf32> to vector<1x1x16xf32>
      tpu.vector_store %arg8[%swap3A_315, %swap3A_316, %swap3A_317], %swap3A_320 {strides = array<i32>} : memref<2x128x128xf32, #tpu.memory_space<vmem>>, vector<1x1x16xf32>,
      %swap3A_321 = arith.constant 0 : i32
      %swap3A_322 = arith.index_cast %swap3A_321 : i32 to index
      %swap3A_323 = arith.index_cast %scan3A_286 : i32 to index
      %swap3A_324 = arith.constant 80 : index
      %swap3A_325 = tpu.vector_load %arg8[%swap3A_322, %swap3A_323, %swap3A_324] {strides = array<i32>} : memref<2x128x128xf32, #tpu.memory_space<vmem>>, vector<1x1x16xf32>,
      %swap3A_326 = vector.shape_cast %swap3A_325 : vector<1x1x16xf32> to vector<16xf32>
      %swap3A_327 = vector.shape_cast %broadcast_in_dim3A_0 : vector<16xf32> to vector<1x1x16xf32>
      tpu.vector_store %arg8[%swap3A_322, %swap3A_323, %swap3A_324], %swap3A_327 {strides = array<i32>} : memref<2x128x128xf32, #tpu.memory_space<vmem>>, vector<1x1x16xf32>,
      %swap3A_328 = arith.constant 0 : i32
      %swap3A_329 = arith.index_cast %swap3A_328 : i32 to index
      %swap3A_330 = arith.index_cast %scan3A_286 : i32 to index
      %swap3A_331 = arith.constant 96 : index
      %swap3A_332 = tpu.vector_load %arg8[%swap3A_329, %swap3A_330, %swap3A_331] {strides = array<i32>} : memref<2x128x128xf32, #tpu.memory_space<vmem>>, vector<1x1x16xf32>,
      %swap3A_333 = vector.shape_cast %swap3A_332 : vector<1x1x16xf32> to vector<16xf32>
      %swap3A_334 = vector.shape_cast %broadcast_in_dim3A_0 : vector<16xf32> to vector<1x1x16xf32>
      tpu.vector_store %arg8[%swap3A_329, %swap3A_330, %swap3A_331], %swap3A_334 {strides = array<i32>} : memref<2x128x128xf32, #tpu.memory_space<vmem>>, vector<1x1x16xf32>,
      %swap3A_335 = arith.constant 0 : i32
      %swap3A_336 = arith.index_cast %swap3A_335 : i32 to index
      %swap3A_337 = arith.index_cast %scan3A_286 : i32 to index
      %swap3A_338 = arith.constant 112 : index
      %swap3A_339 = tpu.vector_load %arg8[%swap3A_336, %swap3A_337, %swap3A_338] {strides = array<i32>} : memref<2x128x128xf32, #tpu.memory_space<vmem>>, vector<1x1x16xf32>,
      %swap3A_340 = vector.shape_cast %swap3A_339 : vector<1x1x16xf32> to vector<16xf32>
      %swap3A_341 = vector.shape_cast %broadcast_in_dim3A_0 : vector<16xf32> to vector<1x1x16xf32>
      tpu.vector_store %arg8[%swap3A_336, %swap3A_337, %swap3A_338], %swap3A_341 {strides = array<i32>} : memref<2x128x128xf32, #tpu.memory_space<vmem>>, vector<1x1x16xf32>,
    }
    %scan3A_5 = arith.constant 128 : i32
    %mul3A = arith.constant 640 : i32
    %mul3A_6 = arith.muli %arg1, %mul3A : i32
    %add3A = arith.constant 0 : i32
    %add3A_7 = arith.addi %mul3A_6, %add3A : i32
    %dma_start3A = arith.constant 0 : i32
    %dma_start3A_8 = arith.constant 0 : i32
    %dma_start3A_9 = arith.constant 0 : i32
    %dma_start3A_10 = tpu.memref_slice %arg8[%dma_start3A, %dma_start3A_8, %dma_start3A_9] : memref<2x128x128xf32, #tpu.memory_space<vmem>> -> memref<1x128x128xf32, #tpu.memory_space<vmem>>
    %dma_start3A_11 = tpu.memref_squeeze %dma_start3A_10 : memref<1x128x128xf32, #tpu.memory_space<vmem>> -> memref<128x128xf32, #tpu.memory_space<vmem>>
    %dma_start3A_12 = arith.constant 0 : i32
    %dma_start3A_13 = tpu.memref_slice %arg9[%add3A_7, %dma_start3A_12] : memref<10240x128xf32, #tpu.memory_space<vmem_shared>> -> memref<128x128xf32, #tpu.memory_space<vmem_shared>>
    %dma_start3A_14 = arith.constant 0 : i32
    %dma_start3A_15 = tpu.memref_slice %arg9[%add3A_7, %dma_start3A_14] : memref<10240x128xf32, #tpu.memory_space<vmem_shared>> -> memref<128x128xf32, #tpu.memory_space<vmem_shared>>
    %dma_start3A_16 = arith.constant 0 : i32
    %dma_start3A_17 = arith.constant 0 : i32
    %dma_start3A_18 = tpu.memref_slice %arg8[%dma_start3A, %dma_start3A_16, %dma_start3A_17] : memref<2x128x128xf32, #tpu.memory_space<vmem>> -> memref<1x128x128xf32, #tpu.memory_space<vmem>>
    %dma_start3A_19 = tpu.memref_squeeze %dma_start3A_18 : memref<1x128x128xf32, #tpu.memory_space<vmem>> -> memref<128x128xf32, #tpu.memory_space<vmem>>
    tpu.enqueue_dma source(%dma_start3A_19 : memref<128x128xf32, #tpu.memory_space<vmem>>) target(%dma_start3A_15 : memref<128x128xf32, #tpu.memory_space<vmem_shared>>) target_semaphore(%arg10 : memref<!tpu.dma_semaphore, #tpu.memory_space<semaphore_mem>>)
    %mul3A_20 = arith.constant 640 : i32
    %mul3A_21 = arith.muli %arg1, %mul3A_20 : i32
    %add3A_22 = arith.constant 128 : i32
    %add3A_23 = arith.addi %mul3A_21, %add3A_22 : i32
    %dma_start3A_24 = arith.constant 0 : i32
    %dma_start3A_25 = arith.constant 0 : i32
    %dma_start3A_26 = arith.constant 0 : i32
    %dma_start3A_27 = tpu.memref_slice %arg8[%dma_start3A_24, %dma_start3A_25, %dma_start3A_26] : memref<2x128x128xf32, #tpu.memory_space<vmem>> -> memref<1x128x128xf32, #tpu.memory_space<vmem>>
    %dma_start3A_28 = tpu.memref_squeeze %dma_start3A_27 : memref<1x128x128xf32, #tpu.memory_space<vmem>> -> memref<128x128xf32, #tpu.memory_space<vmem>>
    %dma_start3A_29 = arith.constant 0 : i32
    %dma_start3A_30 = tpu.memref_slice %arg9[%add3A_23, %dma_start3A_29] : memref<10240x128xf32, #tpu.memory_space<vmem_shared>> -> memref<128x128xf32, #tpu.memory_space<vmem_shared>>
    %dma_start3A_31 = arith.constant 0 : i32
    %dma_start3A_32 = tpu.memref_slice %arg9[%add3A_23, %dma_start3A_31] : memref<10240x128xf32, #tpu.memory_space<vmem_shared>> -> memref<128x128xf32, #tpu.memory_space<vmem_shared>>
    %dma_start3A_33 = arith.constant 0 : i32
    %dma_start3A_34 = arith.constant 0 : i32
    %dma_start3A_35 = tpu.memref_slice %arg8[%dma_start3A_24, %dma_start3A_33, %dma_start3A_34] : memref<2x128x128xf32, #tpu.memory_space<vmem>> -> memref<1x128x128xf32, #tpu.memory_space<vmem>>
    %dma_start3A_36 = tpu.memref_squeeze %dma_start3A_35 : memref<1x128x128xf32, #tpu.memory_space<vmem>> -> memref<128x128xf32, #tpu.memory_space<vmem>>
    tpu.enqueue_dma source(%dma_start3A_36 : memref<128x128xf32, #tpu.memory_space<vmem>>) target(%dma_start3A_32 : memref<128x128xf32, #tpu.memory_space<vmem_shared>>) target_semaphore(%arg10 : memref<!tpu.dma_semaphore, #tpu.memory_space<semaphore_mem>>)
    %mul3A_37 = arith.constant 640 : i32
    %mul3A_38 = arith.muli %arg1, %mul3A_37 : i32
    %add3A_39 = arith.constant 256 : i32
    %add3A_40 = arith.addi %mul3A_38, %add3A_39 : i32
    %dma_start3A_41 = arith.constant 0 : i32
    %dma_start3A_42 = arith.constant 0 : i32
    %dma_start3A_43 = arith.constant 0 : i32
    %dma_start3A_44 = tpu.memref_slice %arg8[%dma_start3A_41, %dma_start3A_42, %dma_start3A_43] : memref<2x128x128xf32, #tpu.memory_space<vmem>> -> memref<1x128x128xf32, #tpu.memory_space<vmem>>
    %dma_start3A_45 = tpu.memref_squeeze %dma_start3A_44 : memref<1x128x128xf32, #tpu.memory_space<vmem>> -> memref<128x128xf32, #tpu.memory_space<vmem>>
    %dma_start3A_46 = arith.constant 0 : i32
    %dma_start3A_47 = tpu.memref_slice %arg9[%add3A_40, %dma_start3A_46] : memref<10240x128xf32, #tpu.memory_space<vmem_shared>> -> memref<128x128xf32, #tpu.memory_space<vmem_shared>>
    %dma_start3A_48 = arith.constant 0 : i32
    %dma_start3A_49 = tpu.memref_slice %arg9[%add3A_40, %dma_start3A_48] : memref<10240x128xf32, #tpu.memory_space<vmem_shared>> -> memref<128x128xf32, #tpu.memory_space<vmem_shared>>
    %dma_start3A_50 = arith.constant 0 : i32
    %dma_start3A_51 = arith.constant 0 : i32
    %dma_start3A_52 = tpu.memref_slice %arg8[%dma_start3A_41, %dma_start3A_50, %dma_start3A_51] : memref<2x128x128xf32, #tpu.memory_space<vmem>> -> memref<1x128x128xf32, #tpu.memory_space<vmem>>
    %dma_start3A_53 = tpu.memref_squeeze %dma_start3A_52 : memref<1x128x128xf32, #tpu.memory_space<vmem>> -> memref<128x128xf32, #tpu.memory_space<vmem>>
    tpu.enqueue_dma source(%dma_start3A_53 : memref<128x128xf32, #tpu.memory_space<vmem>>) target(%dma_start3A_49 : memref<128x128xf32, #tpu.memory_space<vmem_shared>>) target_semaphore(%arg10 : memref<!tpu.dma_semaphore, #tpu.memory_space<semaphore_mem>>)
    %mul3A_54 = arith.constant 640 : i32
    %mul3A_55 = arith.muli %arg1, %mul3A_54 : i32
    %add3A_56 = arith.constant 384 : i32
    %add3A_57 = arith.addi %mul3A_55, %add3A_56 : i32
    %dma_start3A_58 = arith.constant 0 : i32
    %dma_start3A_59 = arith.constant 0 : i32
    %dma_start3A_60 = arith.constant 0 : i32
    %dma_start3A_61 = tpu.memref_slice %arg8[%dma_start3A_58, %dma_start3A_59, %dma_start3A_60] : memref<2x128x128xf32, #tpu.memory_space<vmem>> -> memref<1x128x128xf32, #tpu.memory_space<vmem>>
    %dma_start3A_62 = tpu.memref_squeeze %dma_start3A_61 : memref<1x128x128xf32, #tpu.memory_space<vmem>> -> memref<128x128xf32, #tpu.memory_space<vmem>>
    %dma_start3A_63 = arith.constant 0 : i32
    %dma_start3A_64 = tpu.memref_slice %arg9[%add3A_57, %dma_start3A_63] : memref<10240x128xf32, #tpu.memory_space<vmem_shared>> -> memref<128x128xf32, #tpu.memory_space<vmem_shared>>
    %dma_start3A_65 = arith.constant 0 : i32
    %dma_start3A_66 = tpu.memref_slice %arg9[%add3A_57, %dma_start3A_65] : memref<10240x128xf32, #tpu.memory_space<vmem_shared>> -> memref<128x128xf32, #tpu.memory_space<vmem_shared>>
    %dma_start3A_67 = arith.constant 0 : i32
    %dma_start3A_68 = arith.constant 0 : i32
    %dma_start3A_69 = tpu.memref_slice %arg8[%dma_start3A_58, %dma_start3A_67, %dma_start3A_68] : memref<2x128x128xf32, #tpu.memory_space<vmem>> -> memref<1x128x128xf32, #tpu.memory_space<vmem>>
    %dma_start3A_70 = tpu.memref_squeeze %dma_start3A_69 : memref<1x128x128xf32, #tpu.memory_space<vmem>> -> memref<128x128xf32, #tpu.memory_space<vmem>>
    tpu.enqueue_dma source(%dma_start3A_70 : memref<128x128xf32, #tpu.memory_space<vmem>>) target(%dma_start3A_66 : memref<128x128xf32, #tpu.memory_space<vmem_shared>>) target_semaphore(%arg10 : memref<!tpu.dma_semaphore, #tpu.memory_space<semaphore_mem>>)
    %mul3A_71 = arith.constant 640 : i32
    %mul3A_72 = arith.muli %arg1, %mul3A_71 : i32
    %add3A_73 = arith.constant 512 : i32
    %add3A_74 = arith.addi %mul3A_72, %add3A_73 : i32
    %dma_start3A_75 = arith.constant 0 : i32
    %dma_start3A_76 = arith.constant 0 : i32
    %dma_start3A_77 = arith.constant 0 : i32
    %dma_start3A_78 = tpu.memref_slice %arg8[%dma_start3A_75, %dma_start3A_76, %dma_start3A_77] : memref<2x128x128xf32, #tpu.memory_space<vmem>> -> memref<1x128x128xf32, #tpu.memory_space<vmem>>
    %dma_start3A_79 = tpu.memref_squeeze %dma_start3A_78 : memref<1x128x128xf32, #tpu.memory_space<vmem>> -> memref<128x128xf32, #tpu.memory_space<vmem>>
    %dma_start3A_80 = arith.constant 0 : i32
    %dma_start3A_81 = tpu.memref_slice %arg9[%add3A_74, %dma_start3A_80] : memref<10240x128xf32, #tpu.memory_space<vmem_shared>> -> memref<128x128xf32, #tpu.memory_space<vmem_shared>>
    %dma_start3A_82 = arith.constant 0 : i32
    %dma_start3A_83 = tpu.memref_slice %arg9[%add3A_74, %dma_start3A_82] : memref<10240x128xf32, #tpu.memory_space<vmem_shared>> -> memref<128x128xf32, #tpu.memory_space<vmem_shared>>
    %dma_start3A_84 = arith.constant 0 : i32
    %dma_start3A_85 = arith.constant 0 : i32
    %dma_start3A_86 = tpu.memref_slice %arg8[%dma_start3A_75, %dma_start3A_84, %dma_start3A_85] : memref<2x128x128xf32, #tpu.memory_space<vmem>> -> memref<1x128x128xf32, #tpu.memory_space<vmem>>
    %dma_start3A_87 = tpu.memref_squeeze %dma_start3A_86 : memref<1x128x128xf32, #tpu.memory_space<vmem>> -> memref<128x128xf32, #tpu.memory_space<vmem>>
    tpu.enqueue_dma source(%dma_start3A_87 : memref<128x128xf32, #tpu.memory_space<vmem>>) target(%dma_start3A_83 : memref<128x128xf32, #tpu.memory_space<vmem_shared>>) target_semaphore(%arg10 : memref<!tpu.dma_semaphore, #tpu.memory_space<semaphore_mem>>)
    %mul3A_88 = arith.constant 640 : i32
    %mul3A_89 = arith.muli %arg1, %mul3A_88 : i32
    %add3A_90 = arith.constant 0 : i32
    %add3A_91 = arith.addi %mul3A_89, %add3A_90 : i32
    %dma_wait3A = arith.constant 0 : i32
    %dma_wait3A_92 = arith.constant 0 : i32
    %dma_wait3A_93 = arith.constant 0 : i32
    %dma_wait3A_94 = tpu.memref_slice %arg8[%dma_wait3A, %dma_wait3A_92, %dma_wait3A_93] : memref<2x128x128xf32, #tpu.memory_space<vmem>> -> memref<1x128x128xf32, #tpu.memory_space<vmem>>
    %dma_wait3A_95 = tpu.memref_squeeze %dma_wait3A_94 : memref<1x128x128xf32, #tpu.memory_space<vmem>> -> memref<128x128xf32, #tpu.memory_space<vmem>>
    %dma_wait3A_96 = arith.constant 0 : i32
    %dma_wait3A_97 = tpu.memref_slice %arg9[%add3A_91, %dma_wait3A_96] : memref<10240x128xf32, #tpu.memory_space<vmem_shared>> -> memref<128x128xf32, #tpu.memory_space<vmem_shared>>
    %dma_wait3A_98 = arith.constant 0 : i32
    %dma_wait3A_99 = tpu.memref_slice %arg9[%add3A_91, %dma_wait3A_98] : memref<10240x128xf32, #tpu.memory_space<vmem_shared>> -> memref<128x128xf32, #tpu.memory_space<vmem_shared>>
    %dma_wait3A_100 = arith.constant 0 : i32
    %dma_wait3A_101 = arith.constant 0 : i32
    %dma_wait3A_102 = tpu.memref_slice %arg8[%dma_wait3A, %dma_wait3A_100, %dma_wait3A_101] : memref<2x128x128xf32, #tpu.memory_space<vmem>> -> memref<1x128x128xf32, #tpu.memory_space<vmem>>
    %dma_wait3A_103 = tpu.memref_squeeze %dma_wait3A_102 : memref<1x128x128xf32, #tpu.memory_space<vmem>> -> memref<128x128xf32, #tpu.memory_space<vmem>>
    tpu.wait_dma2 semaphore(%arg10 : memref<!tpu.dma_semaphore, #tpu.memory_space<semaphore_mem>>) src(%dma_wait3A_103 : memref<128x128xf32, #tpu.memory_space<vmem>>) dst(%dma_wait3A_99 : memref<128x128xf32, #tpu.memory_space<vmem_shared>>)
    %mul3A_104 = arith.constant 640 : i32
    %mul3A_105 = arith.muli %arg1, %mul3A_104 : i32
    %add3A_106 = arith.constant 128 : i32
    %add3A_107 = arith.addi %mul3A_105, %add3A_106 : i32
    %dma_wait3A_108 = arith.constant 0 : i32
    %dma_wait3A_109 = arith.constant 0 : i32
    %dma_wait3A_110 = arith.constant 0 : i32
    %dma_wait3A_111 = tpu.memref_slice %arg8[%dma_wait3A_108, %dma_wait3A_109, %dma_wait3A_110] : memref<2x128x128xf32, #tpu.memory_space<vmem>> -> memref<1x128x128xf32, #tpu.memory_space<vmem>>
    %dma_wait3A_112 = tpu.memref_squeeze %dma_wait3A_111 : memref<1x128x128xf32, #tpu.memory_space<vmem>> -> memref<128x128xf32, #tpu.memory_space<vmem>>
    %dma_wait3A_113 = arith.constant 0 : i32
    %dma_wait3A_114 = tpu.memref_slice %arg9[%add3A_107, %dma_wait3A_113] : memref<10240x128xf32, #tpu.memory_space<vmem_shared>> -> memref<128x128xf32, #tpu.memory_space<vmem_shared>>
    %dma_wait3A_115 = arith.constant 0 : i32
    %dma_wait3A_116 = tpu.memref_slice %arg9[%add3A_107, %dma_wait3A_115] : memref<10240x128xf32, #tpu.memory_space<vmem_shared>> -> memref<128x128xf32, #tpu.memory_space<vmem_shared>>
    %dma_wait3A_117 = arith.constant 0 : i32
    %dma_wait3A_118 = arith.constant 0 : i32
    %dma_wait3A_119 = tpu.memref_slice %arg8[%dma_wait3A_108, %dma_wait3A_117, %dma_wait3A_118] : memref<2x128x128xf32, #tpu.memory_space<vmem>> -> memref<1x128x128xf32, #tpu.memory_space<vmem>>
    %dma_wait3A_120 = tpu.memref_squeeze %dma_wait3A_119 : memref<1x128x128xf32, #tpu.memory_space<vmem>> -> memref<128x128xf32, #tpu.memory_space<vmem>>
    tpu.wait_dma2 semaphore(%arg10 : memref<!tpu.dma_semaphore, #tpu.memory_space<semaphore_mem>>) src(%dma_wait3A_120 : memref<128x128xf32, #tpu.memory_space<vmem>>) dst(%dma_wait3A_116 : memref<128x128xf32, #tpu.memory_space<vmem_shared>>)
    %mul3A_121 = arith.constant 640 : i32
    %mul3A_122 = arith.muli %arg1, %mul3A_121 : i32
    %add3A_123 = arith.constant 256 : i32
    %add3A_124 = arith.addi %mul3A_122, %add3A_123 : i32
    %dma_wait3A_125 = arith.constant 0 : i32
    %dma_wait3A_126 = arith.constant 0 : i32
    %dma_wait3A_127 = arith.constant 0 : i32
    %dma_wait3A_128 = tpu.memref_slice %arg8[%dma_wait3A_125, %dma_wait3A_126, %dma_wait3A_127] : memref<2x128x128xf32, #tpu.memory_space<vmem>> -> memref<1x128x128xf32, #tpu.memory_space<vmem>>
    %dma_wait3A_129 = tpu.memref_squeeze %dma_wait3A_128 : memref<1x128x128xf32, #tpu.memory_space<vmem>> -> memref<128x128xf32, #tpu.memory_space<vmem>>
    %dma_wait3A_130 = arith.constant 0 : i32
    %dma_wait3A_131 = tpu.memref_slice %arg9[%add3A_124, %dma_wait3A_130] : memref<10240x128xf32, #tpu.memory_space<vmem_shared>> -> memref<128x128xf32, #tpu.memory_space<vmem_shared>>
    %dma_wait3A_132 = arith.constant 0 : i32
    %dma_wait3A_133 = tpu.memref_slice %arg9[%add3A_124, %dma_wait3A_132] : memref<10240x128xf32, #tpu.memory_space<vmem_shared>> -> memref<128x128xf32, #tpu.memory_space<vmem_shared>>
    %dma_wait3A_134 = arith.constant 0 : i32
    %dma_wait3A_135 = arith.constant 0 : i32
    %dma_wait3A_136 = tpu.memref_slice %arg8[%dma_wait3A_125, %dma_wait3A_134, %dma_wait3A_135] : memref<2x128x128xf32, #tpu.memory_space<vmem>> -> memref<1x128x128xf32, #tpu.memory_space<vmem>>
    %dma_wait3A_137 = tpu.memref_squeeze %dma_wait3A_136 : memref<1x128x128xf32, #tpu.memory_space<vmem>> -> memref<128x128xf32, #tpu.memory_space<vmem>>
    tpu.wait_dma2 semaphore(%arg10 : memref<!tpu.dma_semaphore, #tpu.memory_space<semaphore_mem>>) src(%dma_wait3A_137 : memref<128x128xf32, #tpu.memory_space<vmem>>) dst(%dma_wait3A_133 : memref<128x128xf32, #tpu.memory_space<vmem_shared>>)
    %mul3A_138 = arith.constant 640 : i32
    %mul3A_139 = arith.muli %arg1, %mul3A_138 : i32
    %add3A_140 = arith.constant 384 : i32
    %add3A_141 = arith.addi %mul3A_139, %add3A_140 : i32
    %dma_wait3A_142 = arith.constant 0 : i32
    %dma_wait3A_143 = arith.constant 0 : i32
    %dma_wait3A_144 = arith.constant 0 : i32
    %dma_wait3A_145 = tpu.memref_slice %arg8[%dma_wait3A_142, %dma_wait3A_143, %dma_wait3A_144] : memref<2x128x128xf32, #tpu.memory_space<vmem>> -> memref<1x128x128xf32, #tpu.memory_space<vmem>>
    %dma_wait3A_146 = tpu.memref_squeeze %dma_wait3A_145 : memref<1x128x128xf32, #tpu.memory_space<vmem>> -> memref<128x128xf32, #tpu.memory_space<vmem>>
    %dma_wait3A_147 = arith.constant 0 : i32
    %dma_wait3A_148 = tpu.memref_slice %arg9[%add3A_141, %dma_wait3A_147] : memref<10240x128xf32, #tpu.memory_space<vmem_shared>> -> memref<128x128xf32, #tpu.memory_space<vmem_shared>>
    %dma_wait3A_149 = arith.constant 0 : i32
    %dma_wait3A_150 = tpu.memref_slice %arg9[%add3A_141, %dma_wait3A_149] : memref<10240x128xf32, #tpu.memory_space<vmem_shared>> -> memref<128x128xf32, #tpu.memory_space<vmem_shared>>
    %dma_wait3A_151 = arith.constant 0 : i32
    %dma_wait3A_152 = arith.constant 0 : i32
    %dma_wait3A_153 = tpu.memref_slice %arg8[%dma_wait3A_142, %dma_wait3A_151, %dma_wait3A_152] : memref<2x128x128xf32, #tpu.memory_space<vmem>> -> memref<1x128x128xf32, #tpu.memory_space<vmem>>
    %dma_wait3A_154 = tpu.memref_squeeze %dma_wait3A_153 : memref<1x128x128xf32, #tpu.memory_space<vmem>> -> memref<128x128xf32, #tpu.memory_space<vmem>>
    tpu.wait_dma2 semaphore(%arg10 : memref<!tpu.dma_semaphore, #tpu.memory_space<semaphore_mem>>) src(%dma_wait3A_154 : memref<128x128xf32, #tpu.memory_space<vmem>>) dst(%dma_wait3A_150 : memref<128x128xf32, #tpu.memory_space<vmem_shared>>)
    %mul3A_155 = arith.constant 640 : i32
    %mul3A_156 = arith.muli %arg1, %mul3A_155 : i32
    %add3A_157 = arith.constant 512 : i32
    %add3A_158 = arith.addi %mul3A_156, %add3A_157 : i32
    %dma_wait3A_159 = arith.constant 0 : i32
    %dma_wait3A_160 = arith.constant 0 : i32
    %dma_wait3A_161 = arith.constant 0 : i32
    %dma_wait3A_162 = tpu.memref_slice %arg8[%dma_wait3A_159, %dma_wait3A_160, %dma_wait3A_161] : memref<2x128x128xf32, #tpu.memory_space<vmem>> -> memref<1x128x128xf32, #tpu.memory_space<vmem>>
    %dma_wait3A_163 = tpu.memref_squeeze %dma_wait3A_162 : memref<1x128x128xf32, #tpu.memory_space<vmem>> -> memref<128x128xf32, #tpu.memory_space<vmem>>
    %dma_wait3A_164 = arith.constant 0 : i32
    %dma_wait3A_165 = tpu.memref_slice %arg9[%add3A_158, %dma_wait3A_164] : memref<10240x128xf32, #tpu.memory_space<vmem_shared>> -> memref<128x128xf32, #tpu.memory_space<vmem_shared>>
    %dma_wait3A_166 = arith.constant 0 : i32
    %dma_wait3A_167 = tpu.memref_slice %arg9[%add3A_158, %dma_wait3A_166] : memref<10240x128xf32, #tpu.memory_space<vmem_shared>> -> memref<128x128xf32, #tpu.memory_space<vmem_shared>>
    %dma_wait3A_168 = arith.constant 0 : i32
    %dma_wait3A_169 = arith.constant 0 : i32
    %dma_wait3A_170 = tpu.memref_slice %arg8[%dma_wait3A_159, %dma_wait3A_168, %dma_wait3A_169] : memref<2x128x128xf32, #tpu.memory_space<vmem>> -> memref<1x128x128xf32, #tpu.memory_space<vmem>>
    %dma_wait3A_171 = tpu.memref_squeeze %dma_wait3A_170 : memref<1x128x128xf32, #tpu.memory_space<vmem>> -> memref<128x128xf32, #tpu.memory_space<vmem>>
    tpu.wait_dma2 semaphore(%arg10 : memref<!tpu.dma_semaphore, #tpu.memory_space<semaphore_mem>>) src(%dma_wait3A_171 : memref<128x128xf32, #tpu.memory_space<vmem>>) dst(%dma_wait3A_167 : memref<128x128xf32, #tpu.memory_space<vmem_shared>>)
    %barrier3A = arith.constant 0 : index
    tpu.barrier barrier_id(%barrier3A)
    %run_scoped3A = arith.constant 0 : i32
    "tpu.region"() ({
      %run_scoped3A_286 = tpu.sem_alloc : memref<!tpu.dma_semaphore, #tpu.memory_space<semaphore_mem>>
      %dma_start3A_287 = arith.constant 0 : i32
      %dma_start3A_288 = arith.constant 0 : i32
      %dma_start3A_289 = tpu.memref_slice %arg3[%arg0, %arg1, %run_scoped3A, %dma_start3A_287, %dma_start3A_288] : memref<2x16x2x40x128xi32, #tpu.memory_space<hbm>> -> memref<1x1x1x40x128xi32, #tpu.memory_space<hbm>>
      %dma_start3A_290 = tpu.memref_squeeze %dma_start3A_289 : memref<1x1x1x40x128xi32, #tpu.memory_space<hbm>> -> memref<40x128xi32, #tpu.memory_space<hbm>>
      %dma_start3A_291 = arith.constant 0 : i32
      %dma_start3A_292 = arith.constant 0 : i32
      %dma_start3A_293 = tpu.memref_slice %arg3[%arg0, %arg1, %run_scoped3A, %dma_start3A_291, %dma_start3A_292] : memref<2x16x2x40x128xi32, #tpu.memory_space<hbm>> -> memref<1x1x1x40x128xi32, #tpu.memory_space<hbm>>
      %dma_start3A_294 = tpu.memref_squeeze %dma_start3A_293 : memref<1x1x1x40x128xi32, #tpu.memory_space<hbm>> -> memref<40x128xi32, #tpu.memory_space<hbm>>
      tpu.enqueue_dma source(%dma_start3A_294 : memref<40x128xi32, #tpu.memory_space<hbm>>) target(%arg6 : memref<40x128xi32, #tpu.memory_space<vmem>>) target_semaphore(%run_scoped3A_286 : memref<!tpu.dma_semaphore, #tpu.memory_space<semaphore_mem>>)
      %dma_wait3A_295 = arith.constant 0 : i32
      %dma_wait3A_296 = arith.constant 0 : i32
      %dma_wait3A_297 = tpu.memref_slice %arg3[%arg0, %arg1, %run_scoped3A, %dma_wait3A_295, %dma_wait3A_296] : memref<2x16x2x40x128xi32, #tpu.memory_space<hbm>> -> memref<1x1x1x40x128xi32, #tpu.memory_space<hbm>>
      %dma_wait3A_298 = tpu.memref_squeeze %dma_wait3A_297 : memref<1x1x1x40x128xi32, #tpu.memory_space<hbm>> -> memref<40x128xi32, #tpu.memory_space<hbm>>
      %dma_wait3A_299 = arith.constant 0 : i32
      %dma_wait3A_300 = arith.constant 0 : i32
      %dma_wait3A_301 = tpu.memref_slice %arg3[%arg0, %arg1, %run_scoped3A, %dma_wait3A_299, %dma_wait3A_300] : memref<2x16x2x40x128xi32, #tpu.memory_space<hbm>> -> memref<1x1x1x40x128xi32, #tpu.memory_space<hbm>>
      %dma_wait3A_302 = tpu.memref_squeeze %dma_wait3A_301 : memref<1x1x1x40x128xi32, #tpu.memory_space<hbm>> -> memref<40x128xi32, #tpu.memory_space<hbm>>
      tpu.wait_dma2 semaphore(%run_scoped3A_286 : memref<!tpu.dma_semaphore, #tpu.memory_space<semaphore_mem>>) src(%dma_wait3A_302 : memref<40x128xi32, #tpu.memory_space<hbm>>) dst(%arg6 : memref<40x128xi32, #tpu.memory_space<vmem>>)
      tpu.yield
    }) : () -> ()
    %run_scoped3A_172 = arith.constant 0 : i32
    "tpu.region"() ({
      %run_scoped3A_286 = tpu.sem_alloc : memref<!tpu.dma_semaphore, #tpu.memory_space<semaphore_mem>>
      %dma_start3A_287 = arith.constant 0 : i32
      %dma_start3A_288 = arith.constant 0 : i32
      %dma_start3A_289 = tpu.memref_slice %arg4[%arg0, %arg1, %run_scoped3A_172, %dma_start3A_287, %dma_start3A_288] : memref<2x16x2x40x128xi32, #tpu.memory_space<hbm>> -> memref<1x1x1x40x128xi32, #tpu.memory_space<hbm>>
      %dma_start3A_290 = tpu.memref_squeeze %dma_start3A_289 : memref<1x1x1x40x128xi32, #tpu.memory_space<hbm>> -> memref<40x128xi32, #tpu.memory_space<hbm>>
      %dma_start3A_291 = arith.constant 0 : i32
      %dma_start3A_292 = arith.constant 0 : i32
      %dma_start3A_293 = tpu.memref_slice %arg4[%arg0, %arg1, %run_scoped3A_172, %dma_start3A_291, %dma_start3A_292] : memref<2x16x2x40x128xi32, #tpu.memory_space<hbm>> -> memref<1x1x1x40x128xi32, #tpu.memory_space<hbm>>
      %dma_start3A_294 = tpu.memref_squeeze %dma_start3A_293 : memref<1x1x1x40x128xi32, #tpu.memory_space<hbm>> -> memref<40x128xi32, #tpu.memory_space<hbm>>
      tpu.enqueue_dma source(%dma_start3A_294 : memref<40x128xi32, #tpu.memory_space<hbm>>) target(%arg7 : memref<40x128xi32, #tpu.memory_space<vmem>>) target_semaphore(%run_scoped3A_286 : memref<!tpu.dma_semaphore, #tpu.memory_space<semaphore_mem>>)
      %dma_wait3A_295 = arith.constant 0 : i32
      %dma_wait3A_296 = arith.constant 0 : i32
      %dma_wait3A_297 = tpu.memref_slice %arg4[%arg0, %arg1, %run_scoped3A_172, %dma_wait3A_295, %dma_wait3A_296] : memref<2x16x2x40x128xi32, #tpu.memory_space<hbm>> -> memref<1x1x1x40x128xi32, #tpu.memory_space<hbm>>
      %dma_wait3A_298 = tpu.memref_squeeze %dma_wait3A_297 : memref<1x1x1x40x128xi32, #tpu.memory_space<hbm>> -> memref<40x128xi32, #tpu.memory_space<hbm>>
      %dma_wait3A_299 = arith.constant 0 : i32
      %dma_wait3A_300 = arith.constant 0 : i32
      %dma_wait3A_301 = tpu.memref_slice %arg4[%arg0, %arg1, %run_scoped3A_172, %dma_wait3A_299, %dma_wait3A_300] : memref<2x16x2x40x128xi32, #tpu.memory_space<hbm>> -> memref<1x1x1x40x128xi32, #tpu.memory_space<hbm>>
      %dma_wait3A_302 = tpu.memref_squeeze %dma_wait3A_301 : memref<1x1x1x40x128xi32, #tpu.memory_space<hbm>> -> memref<40x128xi32, #tpu.memory_space<hbm>>
      tpu.wait_dma2 semaphore(%run_scoped3A_286 : memref<!tpu.dma_semaphore, #tpu.memory_space<semaphore_mem>>) src(%dma_wait3A_302 : memref<40x128xi32, #tpu.memory_space<hbm>>) dst(%arg7 : memref<40x128xi32, #tpu.memory_space<vmem>>)
      tpu.yield
    }) : () -> ()
    %dma_start3A_173 = arith.constant 0 : i32
    %dma_start3A_174 = arith.constant 0 : i32
    %dma_start3A_175 = arith.constant 0 : i32
    %dma_start3A_176 = arith.constant 0 : i32
    %dma_start3A_177 = tpu.memref_slice %arg8[%dma_start3A_174, %dma_start3A_175, %dma_start3A_176] : memref<2x128x128xf32, #tpu.memory_space<vmem>> -> memref<1x128x128xf32, #tpu.memory_space<vmem>>
    %dma_start3A_178 = tpu.memref_squeeze %dma_start3A_177 : memref<1x128x128xf32, #tpu.memory_space<vmem>> -> memref<128x128xf32, #tpu.memory_space<vmem>>
    %dma_start3A_179 = arith.constant 0 : i32
    %dma_start3A_180 = tpu.memref_slice %arg6[%dma_start3A_173, %dma_start3A_179] : memref<40x128xi32, #tpu.memory_space<vmem>> -> memref<1x128xi32, #tpu.memory_space<vmem>>
    %dma_start3A_181 = tpu.memref_squeeze %dma_start3A_180 : memref<1x128xi32, #tpu.memory_space<vmem>> -> memref<128xi32, #tpu.memory_space<vmem>>
    %dma_start3A_182 = arith.constant 0 : i32
    %dma_start3A_183 = arith.constant 0 : i32
    %dma_start3A_184 = tpu.memref_slice %arg2[%dma_start3A_182, %dma_start3A_183] : memref<10240x128xf32, #tpu.memory_space<hbm>> -> memref<10240x128xf32, #tpu.memory_space<hbm>>
    tpu.enqueue_indirect_dma source(%dma_start3A_184 : memref<10240x128xf32, #tpu.memory_space<hbm>>) target(%dma_start3A_178 : memref<128x128xf32, #tpu.memory_space<vmem>>) offsets(%dma_start3A_181 : memref<128xi32, #tpu.memory_space<vmem>>) semaphore(%arg10 : memref<!tpu.dma_semaphore, #tpu.memory_space<semaphore_mem>>)
    %scan3A_185 = arith.constant 0 : i32
    %scan3A_186 = arith.constant 0 : i32
    %scan3A_187 = arith.constant 20 : i32
    %scan3A_188 = arith.addi %scan3A_186, %scan3A_187 : i32
    %scan3A_189 = arith.constant 1 : i32
    scf.for %scan3A_286 = %scan3A_186 to %scan3A_188 step %scan3A_189  : i32 {
      %mul3A_287 = arith.constant 2 : i32
      %mul3A_288 = arith.muli %mul3A_287, %scan3A_286 : i32
      %add3A_289 = arith.constant 1 : i32
      %add3A_290 = arith.addi %mul3A_288, %add3A_289 : i32
      %dma_start3A_291 = arith.constant 1 : i32
      %dma_start3A_292 = arith.constant 0 : i32
      %dma_start3A_293 = arith.constant 0 : i32
      %dma_start3A_294 = tpu.memref_slice %arg8[%dma_start3A_291, %dma_start3A_292, %dma_start3A_293] : memref<2x128x128xf32, #tpu.memory_space<vmem>> -> memref<1x128x128xf32, #tpu.memory_space<vmem>>
      %dma_start3A_295 = tpu.memref_squeeze %dma_start3A_294 : memref<1x128x128xf32, #tpu.memory_space<vmem>> -> memref<128x128xf32, #tpu.memory_space<vmem>>
      %dma_start3A_296 = arith.constant 0 : i32
      %dma_start3A_297 = tpu.memref_slice %arg6[%add3A_290, %dma_start3A_296] : memref<40x128xi32, #tpu.memory_space<vmem>> -> memref<1x128xi32, #tpu.memory_space<vmem>>
      %dma_start3A_298 = tpu.memref_squeeze %dma_start3A_297 : memref<1x128xi32, #tpu.memory_space<vmem>> -> memref<128xi32, #tpu.memory_space<vmem>>
      %dma_start3A_299 = arith.constant 0 : i32
      %dma_start3A_300 = arith.constant 0 : i32
      %dma_start3A_301 = tpu.memref_slice %arg2[%dma_start3A_299, %dma_start3A_300] : memref<10240x128xf32, #tpu.memory_space<hbm>> -> memref<10240x128xf32, #tpu.memory_space<hbm>>
      tpu.enqueue_indirect_dma source(%dma_start3A_301 : memref<10240x128xf32, #tpu.memory_space<hbm>>) target(%dma_start3A_295 : memref<128x128xf32, #tpu.memory_space<vmem>>) offsets(%dma_start3A_298 : memref<128xi32, #tpu.memory_space<vmem>>) semaphore(%arg11 : memref<!tpu.dma_semaphore, #tpu.memory_space<semaphore_mem>>)
      %dma_wait3A_302 = arith.constant 0 : i32
      %dma_wait3A_303 = arith.constant 0 : i32
      %dma_wait3A_304 = arith.constant 0 : i32
      %dma_wait3A_305 = tpu.memref_slice %arg8[%dma_wait3A_302, %dma_wait3A_303, %dma_wait3A_304] : memref<2x128x128xf32, #tpu.memory_space<vmem>> -> memref<1x128x128xf32, #tpu.memory_space<vmem>>
      %dma_wait3A_306 = tpu.memref_squeeze %dma_wait3A_305 : memref<1x128x128xf32, #tpu.memory_space<vmem>> -> memref<128x128xf32, #tpu.memory_space<vmem>>
      %dma_wait3A_307 = arith.constant 0 : i32
      %dma_wait3A_308 = tpu.memref_slice %arg6[%mul3A_288, %dma_wait3A_307] : memref<40x128xi32, #tpu.memory_space<vmem>> -> memref<1x128xi32, #tpu.memory_space<vmem>>
      %dma_wait3A_309 = tpu.memref_squeeze %dma_wait3A_308 : memref<1x128xi32, #tpu.memory_space<vmem>> -> memref<128xi32, #tpu.memory_space<vmem>>
      %dma_wait3A_310 = arith.constant 0 : i32
      %dma_wait3A_311 = arith.constant 0 : i32
      %dma_wait3A_312 = tpu.memref_slice %arg2[%dma_wait3A_310, %dma_wait3A_311] : memref<10240x128xf32, #tpu.memory_space<hbm>> -> memref<10240x128xf32, #tpu.memory_space<hbm>>
      tpu.wait_indirect_dma semaphore(%arg10 : memref<!tpu.dma_semaphore, #tpu.memory_space<semaphore_mem>>) src(%dma_wait3A_312 : memref<10240x128xf32, #tpu.memory_space<hbm>>) dst(%dma_wait3A_306 : memref<128x128xf32, #tpu.memory_space<vmem>>)
      %run_scoped3A_313 = arith.constant 0 : i32
      "tpu.region"() ({
        %run_scoped3A_344 = tpu.sem_alloc : memref<!tpu.dma_semaphore, #tpu.memory_space<semaphore_mem>>
        %dma_start3A_345 = arith.constant 0 : i32
        %dma_start3A_346 = arith.constant 0 : i32
        %dma_start3A_347 = tpu.memref_slice %arg8[%run_scoped3A_313, %dma_start3A_345, %dma_start3A_346] : memref<2x128x128xf32, #tpu.memory_space<vmem>> -> memref<1x128x128xf32, #tpu.memory_space<vmem>>
        %dma_start3A_348 = tpu.memref_squeeze %dma_start3A_347 : memref<1x128x128xf32, #tpu.memory_space<vmem>> -> memref<128x128xf32, #tpu.memory_space<vmem>>
        %dma_start3A_349 = arith.constant 0 : i32
        %dma_start3A_350 = tpu.memref_slice %arg7[%mul3A_288, %dma_start3A_349] : memref<40x128xi32, #tpu.memory_space<vmem>> -> memref<1x128xi32, #tpu.memory_space<vmem>>
        %dma_start3A_351 = tpu.memref_squeeze %dma_start3A_350 : memref<1x128xi32, #tpu.memory_space<vmem>> -> memref<128xi32, #tpu.memory_space<vmem>>
        %dma_start3A_352 = arith.constant 0 : i32
        %dma_start3A_353 = arith.constant 0 : i32
        %dma_start3A_354 = tpu.memref_slice %arg9[%dma_start3A_352, %dma_start3A_353] : memref<10240x128xf32, #tpu.memory_space<vmem_shared>> -> memref<10240x128xf32, #tpu.memory_space<vmem_shared>>
        tpu.enqueue_indirect_dma source(%dma_start3A_348 : memref<128x128xf32, #tpu.memory_space<vmem>>) target(%dma_start3A_354 : memref<10240x128xf32, #tpu.memory_space<vmem_shared>>) offsets(%dma_start3A_351 : memref<128xi32, #tpu.memory_space<vmem>>) semaphore(%run_scoped3A_344 : memref<!tpu.dma_semaphore, #tpu.memory_space<semaphore_mem>>) {add = true}
        %dma_wait3A_355 = arith.constant 0 : i32
        %dma_wait3A_356 = arith.constant 0 : i32
        %dma_wait3A_357 = tpu.memref_slice %arg8[%run_scoped3A_313, %dma_wait3A_355, %dma_wait3A_356] : memref<2x128x128xf32, #tpu.memory_space<vmem>> -> memref<1x128x128xf32, #tpu.memory_space<vmem>>
        %dma_wait3A_358 = tpu.memref_squeeze %dma_wait3A_357 : memref<1x128x128xf32, #tpu.memory_space<vmem>> -> memref<128x128xf32, #tpu.memory_space<vmem>>
        %dma_wait3A_359 = arith.constant 0 : i32
        %dma_wait3A_360 = tpu.memref_slice %arg7[%mul3A_288, %dma_wait3A_359] : memref<40x128xi32, #tpu.memory_space<vmem>> -> memref<1x128xi32, #tpu.memory_space<vmem>>
        %dma_wait3A_361 = tpu.memref_squeeze %dma_wait3A_360 : memref<1x128xi32, #tpu.memory_space<vmem>> -> memref<128xi32, #tpu.memory_space<vmem>>
        %dma_wait3A_362 = arith.constant 0 : i32
        %dma_wait3A_363 = arith.constant 0 : i32
        %dma_wait3A_364 = tpu.memref_slice %arg9[%dma_wait3A_362, %dma_wait3A_363] : memref<10240x128xf32, #tpu.memory_space<vmem_shared>> -> memref<10240x128xf32, #tpu.memory_space<vmem_shared>>
        tpu.wait_indirect_dma semaphore(%run_scoped3A_344 : memref<!tpu.dma_semaphore, #tpu.memory_space<semaphore_mem>>) src(%dma_wait3A_358 : memref<128x128xf32, #tpu.memory_space<vmem>>) dst(%dma_wait3A_364 : memref<10240x128xf32, #tpu.memory_space<vmem_shared>>)
        tpu.yield
      }) : () -> ()
      %add3A_314 = arith.constant 2 : i32
      %add3A_315 = arith.addi %mul3A_288, %add3A_314 : i32
      %min3A = arith.constant 39 : i32
      %min3A_316 = arith.minsi %add3A_315, %min3A : i32
      %dma_start3A_317 = arith.constant 0 : i32
      %dma_start3A_318 = arith.constant 0 : i32
      %dma_start3A_319 = arith.constant 0 : i32
      %dma_start3A_320 = tpu.memref_slice %arg8[%dma_start3A_317, %dma_start3A_318, %dma_start3A_319] : memref<2x128x128xf32, #tpu.memory_space<vmem>> -> memref<1x128x128xf32, #tpu.memory_space<vmem>>
      %dma_start3A_321 = tpu.memref_squeeze %dma_start3A_320 : memref<1x128x128xf32, #tpu.memory_space<vmem>> -> memref<128x128xf32, #tpu.memory_space<vmem>>
      %dma_start3A_322 = arith.constant 0 : i32
      %dma_start3A_323 = tpu.memref_slice %arg6[%min3A_316, %dma_start3A_322] : memref<40x128xi32, #tpu.memory_space<vmem>> -> memref<1x128xi32, #tpu.memory_space<vmem>>
      %dma_start3A_324 = tpu.memref_squeeze %dma_start3A_323 : memref<1x128xi32, #tpu.memory_space<vmem>> -> memref<128xi32, #tpu.memory_space<vmem>>
      %dma_start3A_325 = arith.constant 0 : i32
      %dma_start3A_326 = arith.constant 0 : i32
      %dma_start3A_327 = tpu.memref_slice %arg2[%dma_start3A_325, %dma_start3A_326] : memref<10240x128xf32, #tpu.memory_space<hbm>> -> memref<10240x128xf32, #tpu.memory_space<hbm>>
      tpu.enqueue_indirect_dma source(%dma_start3A_327 : memref<10240x128xf32, #tpu.memory_space<hbm>>) target(%dma_start3A_321 : memref<128x128xf32, #tpu.memory_space<vmem>>) offsets(%dma_start3A_324 : memref<128xi32, #tpu.memory_space<vmem>>) semaphore(%arg10 : memref<!tpu.dma_semaphore, #tpu.memory_space<semaphore_mem>>)
      %add3A_328 = arith.constant 1 : i32
      %add3A_329 = arith.addi %mul3A_288, %add3A_328 : i32
      %dma_wait3A_330 = arith.constant 1 : i32
      %dma_wait3A_331 = arith.constant 0 : i32
      %dma_wait3A_332 = arith.constant 0 : i32
      %dma_wait3A_333 = tpu.memref_slice %arg8[%dma_wait3A_330, %dma_wait3A_331, %dma_wait3A_332] : memref<2x128x128xf32, #tpu.memory_space<vmem>> -> memref<1x128x128xf32, #tpu.memory_space<vmem>>
      %dma_wait3A_334 = tpu.memref_squeeze %dma_wait3A_333 : memref<1x128x128xf32, #tpu.memory_space<vmem>> -> memref<128x128xf32, #tpu.memory_space<vmem>>
      %dma_wait3A_335 = arith.constant 0 : i32
      %dma_wait3A_336 = tpu.memref_slice %arg6[%add3A_329, %dma_wait3A_335] : memref<40x128xi32, #tpu.memory_space<vmem>> -> memref<1x128xi32, #tpu.memory_space<vmem>>
      %dma_wait3A_337 = tpu.memref_squeeze %dma_wait3A_336 : memref<1x128xi32, #tpu.memory_space<vmem>> -> memref<128xi32, #tpu.memory_space<vmem>>
      %dma_wait3A_338 = arith.constant 0 : i32
      %dma_wait3A_339 = arith.constant 0 : i32
      %dma_wait3A_340 = tpu.memref_slice %arg2[%dma_wait3A_338, %dma_wait3A_339] : memref<10240x128xf32, #tpu.memory_space<hbm>> -> memref<10240x128xf32, #tpu.memory_space<hbm>>
      tpu.wait_indirect_dma semaphore(%arg11 : memref<!tpu.dma_semaphore, #tpu.memory_space<semaphore_mem>>) src(%dma_wait3A_340 : memref<10240x128xf32, #tpu.memory_space<hbm>>) dst(%dma_wait3A_334 : memref<128x128xf32, #tpu.memory_space<vmem>>)
      %add3A_341 = arith.constant 1 : i32
      %add3A_342 = arith.addi %mul3A_288, %add3A_341 : i32
      %run_scoped3A_343 = arith.constant 1 : i32
      "tpu.region"() ({
        %run_scoped3A_344 = tpu.sem_alloc : memref<!tpu.dma_semaphore, #tpu.memory_space<semaphore_mem>>
        %dma_start3A_345 = arith.constant 0 : i32
        %dma_start3A_346 = arith.constant 0 : i32
        %dma_start3A_347 = tpu.memref_slice %arg8[%run_scoped3A_343, %dma_start3A_345, %dma_start3A_346] : memref<2x128x128xf32, #tpu.memory_space<vmem>> -> memref<1x128x128xf32, #tpu.memory_space<vmem>>
        %dma_start3A_348 = tpu.memref_squeeze %dma_start3A_347 : memref<1x128x128xf32, #tpu.memory_space<vmem>> -> memref<128x128xf32, #tpu.memory_space<vmem>>
        %dma_start3A_349 = arith.constant 0 : i32
        %dma_start3A_350 = tpu.memref_slice %arg7[%add3A_342, %dma_start3A_349] : memref<40x128xi32, #tpu.memory_space<vmem>> -> memref<1x128xi32, #tpu.memory_space<vmem>>
        %dma_start3A_351 = tpu.memref_squeeze %dma_start3A_350 : memref<1x128xi32, #tpu.memory_space<vmem>> -> memref<128xi32, #tpu.memory_space<vmem>>
        %dma_start3A_352 = arith.constant 0 : i32
        %dma_start3A_353 = arith.constant 0 : i32
        %dma_start3A_354 = tpu.memref_slice %arg9[%dma_start3A_352, %dma_start3A_353] : memref<10240x128xf32, #tpu.memory_space<vmem_shared>> -> memref<10240x128xf32, #tpu.memory_space<vmem_shared>>
        tpu.enqueue_indirect_dma source(%dma_start3A_348 : memref<128x128xf32, #tpu.memory_space<vmem>>) target(%dma_start3A_354 : memref<10240x128xf32, #tpu.memory_space<vmem_shared>>) offsets(%dma_start3A_351 : memref<128xi32, #tpu.memory_space<vmem>>) semaphore(%run_scoped3A_344 : memref<!tpu.dma_semaphore, #tpu.memory_space<semaphore_mem>>) {add = true}
        %dma_wait3A_355 = arith.constant 0 : i32
        %dma_wait3A_356 = arith.constant 0 : i32
        %dma_wait3A_357 = tpu.memref_slice %arg8[%run_scoped3A_343, %dma_wait3A_355, %dma_wait3A_356] : memref<2x128x128xf32, #tpu.memory_space<vmem>> -> memref<1x128x128xf32, #tpu.memory_space<vmem>>
        %dma_wait3A_358 = tpu.memref_squeeze %dma_wait3A_357 : memref<1x128x128xf32, #tpu.memory_space<vmem>> -> memref<128x128xf32, #tpu.memory_space<vmem>>
        %dma_wait3A_359 = arith.constant 0 : i32
        %dma_wait3A_360 = tpu.memref_slice %arg7[%add3A_342, %dma_wait3A_359] : memref<40x128xi32, #tpu.memory_space<vmem>> -> memref<1x128xi32, #tpu.memory_space<vmem>>
        %dma_wait3A_361 = tpu.memref_squeeze %dma_wait3A_360 : memref<1x128xi32, #tpu.memory_space<vmem>> -> memref<128xi32, #tpu.memory_space<vmem>>
        %dma_wait3A_362 = arith.constant 0 : i32
        %dma_wait3A_363 = arith.constant 0 : i32
        %dma_wait3A_364 = tpu.memref_slice %arg9[%dma_wait3A_362, %dma_wait3A_363] : memref<10240x128xf32, #tpu.memory_space<vmem_shared>> -> memref<10240x128xf32, #tpu.memory_space<vmem_shared>>
        tpu.wait_indirect_dma semaphore(%run_scoped3A_344 : memref<!tpu.dma_semaphore, #tpu.memory_space<semaphore_mem>>) src(%dma_wait3A_358 : memref<128x128xf32, #tpu.memory_space<vmem>>) dst(%dma_wait3A_364 : memref<10240x128xf32, #tpu.memory_space<vmem_shared>>)
        tpu.yield
      }) : () -> ()
    }
    %scan3A_190 = arith.constant 20 : i32
    %dma_wait3A_191 = arith.constant 0 : i32
    %dma_wait3A_192 = arith.constant 0 : i32
    %dma_wait3A_193 = arith.constant 0 : i32
    %dma_wait3A_194 = arith.constant 0 : i32
    %dma_wait3A_195 = tpu.memref_slice %arg8[%dma_wait3A_192, %dma_wait3A_193, %dma_wait3A_194] : memref<2x128x128xf32, #tpu.memory_space<vmem>> -> memref<1x128x128xf32, #tpu.memory_space<vmem>>
    %dma_wait3A_196 = tpu.memref_squeeze %dma_wait3A_195 : memref<1x128x128xf32, #tpu.memory_space<vmem>> -> memref<128x128xf32, #tpu.memory_space<vmem>>
    %dma_wait3A_197 = arith.constant 0 : i32
    %dma_wait3A_198 = tpu.memref_slice %arg6[%dma_wait3A_191, %dma_wait3A_197] : memref<40x128xi32, #tpu.memory_space<vmem>> -> memref<1x128xi32, #tpu.memory_space<vmem>>
    %dma_wait3A_199 = tpu.memref_squeeze %dma_wait3A_198 : memref<1x128xi32, #tpu.memory_space<vmem>> -> memref<128xi32, #tpu.memory_space<vmem>>
    %dma_wait3A_200 = arith.constant 0 : i32
    %dma_wait3A_201 = arith.constant 0 : i32
    %dma_wait3A_202 = tpu.memref_slice %arg2[%dma_wait3A_200, %dma_wait3A_201] : memref<10240x128xf32, #tpu.memory_space<hbm>> -> memref<10240x128xf32, #tpu.memory_space<hbm>>
    tpu.wait_indirect_dma semaphore(%arg10 : memref<!tpu.dma_semaphore, #tpu.memory_space<semaphore_mem>>) src(%dma_wait3A_202 : memref<10240x128xf32, #tpu.memory_space<hbm>>) dst(%dma_wait3A_196 : memref<128x128xf32, #tpu.memory_space<vmem>>)
    %run_scoped3A_203 = arith.constant 1 : i32
    "tpu.region"() ({
      %run_scoped3A_286 = tpu.sem_alloc : memref<!tpu.dma_semaphore, #tpu.memory_space<semaphore_mem>>
      %dma_start3A_287 = arith.constant 0 : i32
      %dma_start3A_288 = arith.constant 0 : i32
      %dma_start3A_289 = tpu.memref_slice %arg3[%arg0, %arg1, %run_scoped3A_203, %dma_start3A_287, %dma_start3A_288] : memref<2x16x2x40x128xi32, #tpu.memory_space<hbm>> -> memref<1x1x1x40x128xi32, #tpu.memory_space<hbm>>
      %dma_start3A_290 = tpu.memref_squeeze %dma_start3A_289 : memref<1x1x1x40x128xi32, #tpu.memory_space<hbm>> -> memref<40x128xi32, #tpu.memory_space<hbm>>
      %dma_start3A_291 = arith.constant 0 : i32
      %dma_start3A_292 = arith.constant 0 : i32
      %dma_start3A_293 = tpu.memref_slice %arg3[%arg0, %arg1, %run_scoped3A_203, %dma_start3A_291, %dma_start3A_292] : memref<2x16x2x40x128xi32, #tpu.memory_space<hbm>> -> memref<1x1x1x40x128xi32, #tpu.memory_space<hbm>>
      %dma_start3A_294 = tpu.memref_squeeze %dma_start3A_293 : memref<1x1x1x40x128xi32, #tpu.memory_space<hbm>> -> memref<40x128xi32, #tpu.memory_space<hbm>>
      tpu.enqueue_dma source(%dma_start3A_294 : memref<40x128xi32, #tpu.memory_space<hbm>>) target(%arg6 : memref<40x128xi32, #tpu.memory_space<vmem>>) target_semaphore(%run_scoped3A_286 : memref<!tpu.dma_semaphore, #tpu.memory_space<semaphore_mem>>)
      %dma_wait3A_295 = arith.constant 0 : i32
      %dma_wait3A_296 = arith.constant 0 : i32
      %dma_wait3A_297 = tpu.memref_slice %arg3[%arg0, %arg1, %run_scoped3A_203, %dma_wait3A_295, %dma_wait3A_296] : memref<2x16x2x40x128xi32, #tpu.memory_space<hbm>> -> memref<1x1x1x40x128xi32, #tpu.memory_space<hbm>>
      %dma_wait3A_298 = tpu.memref_squeeze %dma_wait3A_297 : memref<1x1x1x40x128xi32, #tpu.memory_space<hbm>> -> memref<40x128xi32, #tpu.memory_space<hbm>>
      %dma_wait3A_299 = arith.constant 0 : i32
      %dma_wait3A_300 = arith.constant 0 : i32
      %dma_wait3A_301 = tpu.memref_slice %arg3[%arg0, %arg1, %run_scoped3A_203, %dma_wait3A_299, %dma_wait3A_300] : memref<2x16x2x40x128xi32, #tpu.memory_space<hbm>> -> memref<1x1x1x40x128xi32, #tpu.memory_space<hbm>>
      %dma_wait3A_302 = tpu.memref_squeeze %dma_wait3A_301 : memref<1x1x1x40x128xi32, #tpu.memory_space<hbm>> -> memref<40x128xi32, #tpu.memory_space<hbm>>
      tpu.wait_dma2 semaphore(%run_scoped3A_286 : memref<!tpu.dma_semaphore, #tpu.memory_space<semaphore_mem>>) src(%dma_wait3A_302 : memref<40x128xi32, #tpu.memory_space<hbm>>) dst(%arg6 : memref<40x128xi32, #tpu.memory_space<vmem>>)
      tpu.yield
    }) : () -> ()
    %run_scoped3A_204 = arith.constant 1 : i32
    "tpu.region"() ({
      %run_scoped3A_286 = tpu.sem_alloc : memref<!tpu.dma_semaphore, #tpu.memory_space<semaphore_mem>>
      %dma_start3A_287 = arith.constant 0 : i32
      %dma_start3A_288 = arith.constant 0 : i32
      %dma_start3A_289 = tpu.memref_slice %arg4[%arg0, %arg1, %run_scoped3A_204, %dma_start3A_287, %dma_start3A_288] : memref<2x16x2x40x128xi32, #tpu.memory_space<hbm>> -> memref<1x1x1x40x128xi32, #tpu.memory_space<hbm>>
      %dma_start3A_290 = tpu.memref_squeeze %dma_start3A_289 : memref<1x1x1x40x128xi32, #tpu.memory_space<hbm>> -> memref<40x128xi32, #tpu.memory_space<hbm>>
      %dma_start3A_291 = arith.constant 0 : i32
      %dma_start3A_292 = arith.constant 0 : i32
      %dma_start3A_293 = tpu.memref_slice %arg4[%arg0, %arg1, %run_scoped3A_204, %dma_start3A_291, %dma_start3A_292] : memref<2x16x2x40x128xi32, #tpu.memory_space<hbm>> -> memref<1x1x1x40x128xi32, #tpu.memory_space<hbm>>
      %dma_start3A_294 = tpu.memref_squeeze %dma_start3A_293 : memref<1x1x1x40x128xi32, #tpu.memory_space<hbm>> -> memref<40x128xi32, #tpu.memory_space<hbm>>
      tpu.enqueue_dma source(%dma_start3A_294 : memref<40x128xi32, #tpu.memory_space<hbm>>) target(%arg7 : memref<40x128xi32, #tpu.memory_space<vmem>>) target_semaphore(%run_scoped3A_286 : memref<!tpu.dma_semaphore, #tpu.memory_space<semaphore_mem>>)
      %dma_wait3A_295 = arith.constant 0 : i32
      %dma_wait3A_296 = arith.constant 0 : i32
      %dma_wait3A_297 = tpu.memref_slice %arg4[%arg0, %arg1, %run_scoped3A_204, %dma_wait3A_295, %dma_wait3A_296] : memref<2x16x2x40x128xi32, #tpu.memory_space<hbm>> -> memref<1x1x1x40x128xi32, #tpu.memory_space<hbm>>
      %dma_wait3A_298 = tpu.memref_squeeze %dma_wait3A_297 : memref<1x1x1x40x128xi32, #tpu.memory_space<hbm>> -> memref<40x128xi32, #tpu.memory_space<hbm>>
      %dma_wait3A_299 = arith.constant 0 : i32
      %dma_wait3A_300 = arith.constant 0 : i32
      %dma_wait3A_301 = tpu.memref_slice %arg4[%arg0, %arg1, %run_scoped3A_204, %dma_wait3A_299, %dma_wait3A_300] : memref<2x16x2x40x128xi32, #tpu.memory_space<hbm>> -> memref<1x1x1x40x128xi32, #tpu.memory_space<hbm>>
      %dma_wait3A_302 = tpu.memref_squeeze %dma_wait3A_301 : memref<1x1x1x40x128xi32, #tpu.memory_space<hbm>> -> memref<40x128xi32, #tpu.memory_space<hbm>>
      tpu.wait_dma2 semaphore(%run_scoped3A_286 : memref<!tpu.dma_semaphore, #tpu.memory_space<semaphore_mem>>) src(%dma_wait3A_302 : memref<40x128xi32, #tpu.memory_space<hbm>>) dst(%arg7 : memref<40x128xi32, #tpu.memory_space<vmem>>)
      tpu.yield
    }) : () -> ()
    %dma_start3A_205 = arith.constant 0 : i32
    %dma_start3A_206 = arith.constant 0 : i32
    %dma_start3A_207 = arith.constant 0 : i32
    %dma_start3A_208 = arith.constant 0 : i32
    %dma_start3A_209 = tpu.memref_slice %arg8[%dma_start3A_206, %dma_start3A_207, %dma_start3A_208] : memref<2x128x128xf32, #tpu.memory_space<vmem>> -> memref<1x128x128xf32, #tpu.memory_space<vmem>>
    %dma_start3A_210 = tpu.memref_squeeze %dma_start3A_209 : memref<1x128x128xf32, #tpu.memory_space<vmem>> -> memref<128x128xf32, #tpu.memory_space<vmem>>
    %dma_start3A_211 = arith.constant 0 : i32
    %dma_start3A_212 = tpu.memref_slice %arg6[%dma_start3A_205, %dma_start3A_211] : memref<40x128xi32, #tpu.memory_space<vmem>> -> memref<1x128xi32, #tpu.memory_space<vmem>>
    %dma_start3A_213 = tpu.memref_squeeze %dma_start3A_212 : memref<1x128xi32, #tpu.memory_space<vmem>> -> memref<128xi32, #tpu.memory_space<vmem>>
    %dma_start3A_214 = arith.constant 0 : i32
    %dma_start3A_215 = arith.constant 0 : i32
    %dma_start3A_216 = tpu.memref_slice %arg2[%dma_start3A_214, %dma_start3A_215] : memref<10240x128xf32, #tpu.memory_space<hbm>> -> memref<10240x128xf32, #tpu.memory_space<hbm>>
    tpu.enqueue_indirect_dma source(%dma_start3A_216 : memref<10240x128xf32, #tpu.memory_space<hbm>>) target(%dma_start3A_210 : memref<128x128xf32, #tpu.memory_space<vmem>>) offsets(%dma_start3A_213 : memref<128xi32, #tpu.memory_space<vmem>>) semaphore(%arg10 : memref<!tpu.dma_semaphore, #tpu.memory_space<semaphore_mem>>)
    %scan3A_217 = arith.constant 0 : i32
    %scan3A_218 = arith.constant 0 : i32
    %scan3A_219 = arith.constant 20 : i32
    %scan3A_220 = arith.addi %scan3A_218, %scan3A_219 : i32
    %scan3A_221 = arith.constant 1 : i32
    scf.for %scan3A_286 = %scan3A_218 to %scan3A_220 step %scan3A_221  : i32 {
      %mul3A_287 = arith.constant 2 : i32
      %mul3A_288 = arith.muli %mul3A_287, %scan3A_286 : i32
      %add3A_289 = arith.constant 1 : i32
      %add3A_290 = arith.addi %mul3A_288, %add3A_289 : i32
      %dma_start3A_291 = arith.constant 1 : i32
      %dma_start3A_292 = arith.constant 0 : i32
      %dma_start3A_293 = arith.constant 0 : i32
      %dma_start3A_294 = tpu.memref_slice %arg8[%dma_start3A_291, %dma_start3A_292, %dma_start3A_293] : memref<2x128x128xf32, #tpu.memory_space<vmem>> -> memref<1x128x128xf32, #tpu.memory_space<vmem>>
      %dma_start3A_295 = tpu.memref_squeeze %dma_start3A_294 : memref<1x128x128xf32, #tpu.memory_space<vmem>> -> memref<128x128xf32, #tpu.memory_space<vmem>>
      %dma_start3A_296 = arith.constant 0 : i32
      %dma_start3A_297 = tpu.memref_slice %arg6[%add3A_290, %dma_start3A_296] : memref<40x128xi32, #tpu.memory_space<vmem>> -> memref<1x128xi32, #tpu.memory_space<vmem>>
      %dma_start3A_298 = tpu.memref_squeeze %dma_start3A_297 : memref<1x128xi32, #tpu.memory_space<vmem>> -> memref<128xi32, #tpu.memory_space<vmem>>
      %dma_start3A_299 = arith.constant 0 : i32
      %dma_start3A_300 = arith.constant 0 : i32
      %dma_start3A_301 = tpu.memref_slice %arg2[%dma_start3A_299, %dma_start3A_300] : memref<10240x128xf32, #tpu.memory_space<hbm>> -> memref<10240x128xf32, #tpu.memory_space<hbm>>
      tpu.enqueue_indirect_dma source(%dma_start3A_301 : memref<10240x128xf32, #tpu.memory_space<hbm>>) target(%dma_start3A_295 : memref<128x128xf32, #tpu.memory_space<vmem>>) offsets(%dma_start3A_298 : memref<128xi32, #tpu.memory_space<vmem>>) semaphore(%arg11 : memref<!tpu.dma_semaphore, #tpu.memory_space<semaphore_mem>>)
      %dma_wait3A_302 = arith.constant 0 : i32
      %dma_wait3A_303 = arith.constant 0 : i32
      %dma_wait3A_304 = arith.constant 0 : i32
      %dma_wait3A_305 = tpu.memref_slice %arg8[%dma_wait3A_302, %dma_wait3A_303, %dma_wait3A_304] : memref<2x128x128xf32, #tpu.memory_space<vmem>> -> memref<1x128x128xf32, #tpu.memory_space<vmem>>
      %dma_wait3A_306 = tpu.memref_squeeze %dma_wait3A_305 : memref<1x128x128xf32, #tpu.memory_space<vmem>> -> memref<128x128xf32, #tpu.memory_space<vmem>>
      %dma_wait3A_307 = arith.constant 0 : i32
      %dma_wait3A_308 = tpu.memref_slice %arg6[%mul3A_288, %dma_wait3A_307] : memref<40x128xi32, #tpu.memory_space<vmem>> -> memref<1x128xi32, #tpu.memory_space<vmem>>
      %dma_wait3A_309 = tpu.memref_squeeze %dma_wait3A_308 : memref<1x128xi32, #tpu.memory_space<vmem>> -> memref<128xi32, #tpu.memory_space<vmem>>
      %dma_wait3A_310 = arith.constant 0 : i32
      %dma_wait3A_311 = arith.constant 0 : i32
      %dma_wait3A_312 = tpu.memref_slice %arg2[%dma_wait3A_310, %dma_wait3A_311] : memref<10240x128xf32, #tpu.memory_space<hbm>> -> memref<10240x128xf32, #tpu.memory_space<hbm>>
      tpu.wait_indirect_dma semaphore(%arg10 : memref<!tpu.dma_semaphore, #tpu.memory_space<semaphore_mem>>) src(%dma_wait3A_312 : memref<10240x128xf32, #tpu.memory_space<hbm>>) dst(%dma_wait3A_306 : memref<128x128xf32, #tpu.memory_space<vmem>>)
      %run_scoped3A_313 = arith.constant 0 : i32
      "tpu.region"() ({
        %run_scoped3A_344 = tpu.sem_alloc : memref<!tpu.dma_semaphore, #tpu.memory_space<semaphore_mem>>
        %dma_start3A_345 = arith.constant 0 : i32
        %dma_start3A_346 = arith.constant 0 : i32
        %dma_start3A_347 = tpu.memref_slice %arg8[%run_scoped3A_313, %dma_start3A_345, %dma_start3A_346] : memref<2x128x128xf32, #tpu.memory_space<vmem>> -> memref<1x128x128xf32, #tpu.memory_space<vmem>>
        %dma_start3A_348 = tpu.memref_squeeze %dma_start3A_347 : memref<1x128x128xf32, #tpu.memory_space<vmem>> -> memref<128x128xf32, #tpu.memory_space<vmem>>
        %dma_start3A_349 = arith.constant 0 : i32
        %dma_start3A_350 = tpu.memref_slice %arg7[%mul3A_288, %dma_start3A_349] : memref<40x128xi32, #tpu.memory_space<vmem>> -> memref<1x128xi32, #tpu.memory_space<vmem>>
        %dma_start3A_351 = tpu.memref_squeeze %dma_start3A_350 : memref<1x128xi32, #tpu.memory_space<vmem>> -> memref<128xi32, #tpu.memory_space<vmem>>
        %dma_start3A_352 = arith.constant 0 : i32
        %dma_start3A_353 = arith.constant 0 : i32
        %dma_start3A_354 = tpu.memref_slice %arg9[%dma_start3A_352, %dma_start3A_353] : memref<10240x128xf32, #tpu.memory_space<vmem_shared>> -> memref<10240x128xf32, #tpu.memory_space<vmem_shared>>
        tpu.enqueue_indirect_dma source(%dma_start3A_348 : memref<128x128xf32, #tpu.memory_space<vmem>>) target(%dma_start3A_354 : memref<10240x128xf32, #tpu.memory_space<vmem_shared>>) offsets(%dma_start3A_351 : memref<128xi32, #tpu.memory_space<vmem>>) semaphore(%run_scoped3A_344 : memref<!tpu.dma_semaphore, #tpu.memory_space<semaphore_mem>>) {add = true}
        %dma_wait3A_355 = arith.constant 0 : i32
        %dma_wait3A_356 = arith.constant 0 : i32
        %dma_wait3A_357 = tpu.memref_slice %arg8[%run_scoped3A_313, %dma_wait3A_355, %dma_wait3A_356] : memref<2x128x128xf32, #tpu.memory_space<vmem>> -> memref<1x128x128xf32, #tpu.memory_space<vmem>>
        %dma_wait3A_358 = tpu.memref_squeeze %dma_wait3A_357 : memref<1x128x128xf32, #tpu.memory_space<vmem>> -> memref<128x128xf32, #tpu.memory_space<vmem>>
        %dma_wait3A_359 = arith.constant 0 : i32
        %dma_wait3A_360 = tpu.memref_slice %arg7[%mul3A_288, %dma_wait3A_359] : memref<40x128xi32, #tpu.memory_space<vmem>> -> memref<1x128xi32, #tpu.memory_space<vmem>>
        %dma_wait3A_361 = tpu.memref_squeeze %dma_wait3A_360 : memref<1x128xi32, #tpu.memory_space<vmem>> -> memref<128xi32, #tpu.memory_space<vmem>>
        %dma_wait3A_362 = arith.constant 0 : i32
        %dma_wait3A_363 = arith.constant 0 : i32
        %dma_wait3A_364 = tpu.memref_slice %arg9[%dma_wait3A_362, %dma_wait3A_363] : memref<10240x128xf32, #tpu.memory_space<vmem_shared>> -> memref<10240x128xf32, #tpu.memory_space<vmem_shared>>
        tpu.wait_indirect_dma semaphore(%run_scoped3A_344 : memref<!tpu.dma_semaphore, #tpu.memory_space<semaphore_mem>>) src(%dma_wait3A_358 : memref<128x128xf32, #tpu.memory_space<vmem>>) dst(%dma_wait3A_364 : memref<10240x128xf32, #tpu.memory_space<vmem_shared>>)
        tpu.yield
      }) : () -> ()
      %add3A_314 = arith.constant 2 : i32
      %add3A_315 = arith.addi %mul3A_288, %add3A_314 : i32
      %min3A = arith.constant 39 : i32
      %min3A_316 = arith.minsi %add3A_315, %min3A : i32
      %dma_start3A_317 = arith.constant 0 : i32
      %dma_start3A_318 = arith.constant 0 : i32
      %dma_start3A_319 = arith.constant 0 : i32
      %dma_start3A_320 = tpu.memref_slice %arg8[%dma_start3A_317, %dma_start3A_318, %dma_start3A_319] : memref<2x128x128xf32, #tpu.memory_space<vmem>> -> memref<1x128x128xf32, #tpu.memory_space<vmem>>
      %dma_start3A_321 = tpu.memref_squeeze %dma_start3A_320 : memref<1x128x128xf32, #tpu.memory_space<vmem>> -> memref<128x128xf32, #tpu.memory_space<vmem>>
      %dma_start3A_322 = arith.constant 0 : i32
      %dma_start3A_323 = tpu.memref_slice %arg6[%min3A_316, %dma_start3A_322] : memref<40x128xi32, #tpu.memory_space<vmem>> -> memref<1x128xi32, #tpu.memory_space<vmem>>
      %dma_start3A_324 = tpu.memref_squeeze %dma_start3A_323 : memref<1x128xi32, #tpu.memory_space<vmem>> -> memref<128xi32, #tpu.memory_space<vmem>>
      %dma_start3A_325 = arith.constant 0 : i32
      %dma_start3A_326 = arith.constant 0 : i32
      %dma_start3A_327 = tpu.memref_slice %arg2[%dma_start3A_325, %dma_start3A_326] : memref<10240x128xf32, #tpu.memory_space<hbm>> -> memref<10240x128xf32, #tpu.memory_space<hbm>>
      tpu.enqueue_indirect_dma source(%dma_start3A_327 : memref<10240x128xf32, #tpu.memory_space<hbm>>) target(%dma_start3A_321 : memref<128x128xf32, #tpu.memory_space<vmem>>) offsets(%dma_start3A_324 : memref<128xi32, #tpu.memory_space<vmem>>) semaphore(%arg10 : memref<!tpu.dma_semaphore, #tpu.memory_space<semaphore_mem>>)
      %add3A_328 = arith.constant 1 : i32
      %add3A_329 = arith.addi %mul3A_288, %add3A_328 : i32
      %dma_wait3A_330 = arith.constant 1 : i32
      %dma_wait3A_331 = arith.constant 0 : i32
      %dma_wait3A_332 = arith.constant 0 : i32
      %dma_wait3A_333 = tpu.memref_slice %arg8[%dma_wait3A_330, %dma_wait3A_331, %dma_wait3A_332] : memref<2x128x128xf32, #tpu.memory_space<vmem>> -> memref<1x128x128xf32, #tpu.memory_space<vmem>>
      %dma_wait3A_334 = tpu.memref_squeeze %dma_wait3A_333 : memref<1x128x128xf32, #tpu.memory_space<vmem>> -> memref<128x128xf32, #tpu.memory_space<vmem>>
      %dma_wait3A_335 = arith.constant 0 : i32
      %dma_wait3A_336 = tpu.memref_slice %arg6[%add3A_329, %dma_wait3A_335] : memref<40x128xi32, #tpu.memory_space<vmem>> -> memref<1x128xi32, #tpu.memory_space<vmem>>
      %dma_wait3A_337 = tpu.memref_squeeze %dma_wait3A_336 : memref<1x128xi32, #tpu.memory_space<vmem>> -> memref<128xi32, #tpu.memory_space<vmem>>
      %dma_wait3A_338 = arith.constant 0 : i32
      %dma_wait3A_339 = arith.constant 0 : i32
      %dma_wait3A_340 = tpu.memref_slice %arg2[%dma_wait3A_338, %dma_wait3A_339] : memref<10240x128xf32, #tpu.memory_space<hbm>> -> memref<10240x128xf32, #tpu.memory_space<hbm>>
      tpu.wait_indirect_dma semaphore(%arg11 : memref<!tpu.dma_semaphore, #tpu.memory_space<semaphore_mem>>) src(%dma_wait3A_340 : memref<10240x128xf32, #tpu.memory_space<hbm>>) dst(%dma_wait3A_334 : memref<128x128xf32, #tpu.memory_space<vmem>>)
      %add3A_341 = arith.constant 1 : i32
      %add3A_342 = arith.addi %mul3A_288, %add3A_341 : i32
      %run_scoped3A_343 = arith.constant 1 : i32
      "tpu.region"() ({
        %run_scoped3A_344 = tpu.sem_alloc : memref<!tpu.dma_semaphore, #tpu.memory_space<semaphore_mem>>
        %dma_start3A_345 = arith.constant 0 : i32
        %dma_start3A_346 = arith.constant 0 : i32
        %dma_start3A_347 = tpu.memref_slice %arg8[%run_scoped3A_343, %dma_start3A_345, %dma_start3A_346] : memref<2x128x128xf32, #tpu.memory_space<vmem>> -> memref<1x128x128xf32, #tpu.memory_space<vmem>>
        %dma_start3A_348 = tpu.memref_squeeze %dma_start3A_347 : memref<1x128x128xf32, #tpu.memory_space<vmem>> -> memref<128x128xf32, #tpu.memory_space<vmem>>
        %dma_start3A_349 = arith.constant 0 : i32
        %dma_start3A_350 = tpu.memref_slice %arg7[%add3A_342, %dma_start3A_349] : memref<40x128xi32, #tpu.memory_space<vmem>> -> memref<1x128xi32, #tpu.memory_space<vmem>>
        %dma_start3A_351 = tpu.memref_squeeze %dma_start3A_350 : memref<1x128xi32, #tpu.memory_space<vmem>> -> memref<128xi32, #tpu.memory_space<vmem>>
        %dma_start3A_352 = arith.constant 0 : i32
        %dma_start3A_353 = arith.constant 0 : i32
        %dma_start3A_354 = tpu.memref_slice %arg9[%dma_start3A_352, %dma_start3A_353] : memref<10240x128xf32, #tpu.memory_space<vmem_shared>> -> memref<10240x128xf32, #tpu.memory_space<vmem_shared>>
        tpu.enqueue_indirect_dma source(%dma_start3A_348 : memref<128x128xf32, #tpu.memory_space<vmem>>) target(%dma_start3A_354 : memref<10240x128xf32, #tpu.memory_space<vmem_shared>>) offsets(%dma_start3A_351 : memref<128xi32, #tpu.memory_space<vmem>>) semaphore(%run_scoped3A_344 : memref<!tpu.dma_semaphore, #tpu.memory_space<semaphore_mem>>) {add = true}
        %dma_wait3A_355 = arith.constant 0 : i32
        %dma_wait3A_356 = arith.constant 0 : i32
        %dma_wait3A_357 = tpu.memref_slice %arg8[%run_scoped3A_343, %dma_wait3A_355, %dma_wait3A_356] : memref<2x128x128xf32, #tpu.memory_space<vmem>> -> memref<1x128x128xf32, #tpu.memory_space<vmem>>
        %dma_wait3A_358 = tpu.memref_squeeze %dma_wait3A_357 : memref<1x128x128xf32, #tpu.memory_space<vmem>> -> memref<128x128xf32, #tpu.memory_space<vmem>>
        %dma_wait3A_359 = arith.constant 0 : i32
        %dma_wait3A_360 = tpu.memref_slice %arg7[%add3A_342, %dma_wait3A_359] : memref<40x128xi32, #tpu.memory_space<vmem>> -> memref<1x128xi32, #tpu.memory_space<vmem>>
        %dma_wait3A_361 = tpu.memref_squeeze %dma_wait3A_360 : memref<1x128xi32, #tpu.memory_space<vmem>> -> memref<128xi32, #tpu.memory_space<vmem>>
        %dma_wait3A_362 = arith.constant 0 : i32
        %dma_wait3A_363 = arith.constant 0 : i32
        %dma_wait3A_364 = tpu.memref_slice %arg9[%dma_wait3A_362, %dma_wait3A_363] : memref<10240x128xf32, #tpu.memory_space<vmem_shared>> -> memref<10240x128xf32, #tpu.memory_space<vmem_shared>>
        tpu.wait_indirect_dma semaphore(%run_scoped3A_344 : memref<!tpu.dma_semaphore, #tpu.memory_space<semaphore_mem>>) src(%dma_wait3A_358 : memref<128x128xf32, #tpu.memory_space<vmem>>) dst(%dma_wait3A_364 : memref<10240x128xf32, #tpu.memory_space<vmem_shared>>)
        tpu.yield
      }) : () -> ()
    }
    %scan3A_222 = arith.constant 20 : i32
    %dma_wait3A_223 = arith.constant 0 : i32
    %dma_wait3A_224 = arith.constant 0 : i32
    %dma_wait3A_225 = arith.constant 0 : i32
    %dma_wait3A_226 = arith.constant 0 : i32
    %dma_wait3A_227 = tpu.memref_slice %arg8[%dma_wait3A_224, %dma_wait3A_225, %dma_wait3A_226] : memref<2x128x128xf32, #tpu.memory_space<vmem>> -> memref<1x128x128xf32, #tpu.memory_space<vmem>>
    %dma_wait3A_228 = tpu.memref_squeeze %dma_wait3A_227 : memref<1x128x128xf32, #tpu.memory_space<vmem>> -> memref<128x128xf32, #tpu.memory_space<vmem>>
    %dma_wait3A_229 = arith.constant 0 : i32
    %dma_wait3A_230 = tpu.memref_slice %arg6[%dma_wait3A_223, %dma_wait3A_229] : memref<40x128xi32, #tpu.memory_space<vmem>> -> memref<1x128xi32, #tpu.memory_space<vmem>>
    %dma_wait3A_231 = tpu.memref_squeeze %dma_wait3A_230 : memref<1x128xi32, #tpu.memory_space<vmem>> -> memref<128xi32, #tpu.memory_space<vmem>>
    %dma_wait3A_232 = arith.constant 0 : i32
    %dma_wait3A_233 = arith.constant 0 : i32
    %dma_wait3A_234 = tpu.memref_slice %arg2[%dma_wait3A_232, %dma_wait3A_233] : memref<10240x128xf32, #tpu.memory_space<hbm>> -> memref<10240x128xf32, #tpu.memory_space<hbm>>
    tpu.wait_indirect_dma semaphore(%arg10 : memref<!tpu.dma_semaphore, #tpu.memory_space<semaphore_mem>>) src(%dma_wait3A_234 : memref<10240x128xf32, #tpu.memory_space<hbm>>) dst(%dma_wait3A_228 : memref<128x128xf32, #tpu.memory_space<vmem>>)
    %barrier3A_235 = arith.constant 0 : index
    tpu.barrier barrier_id(%barrier3A_235)
    %mul3A_236 = arith.constant 640 : i32
    %mul3A_237 = arith.muli %arg1, %mul3A_236 : i32
    %add3A_238 = arith.constant 0 : i32
    %add3A_239 = arith.addi %mul3A_237, %add3A_238 : i32
    %run_scoped3A_240 = arith.constant 0 : i32
    "tpu.region"() ({
      %run_scoped3A_286 = tpu.sem_alloc : memref<!tpu.dma_semaphore, #tpu.memory_space<semaphore_mem>>
      %dma_start3A_287 = arith.constant 0 : i32
      %dma_start3A_288 = arith.constant 0 : i32
      %dma_start3A_289 = tpu.memref_slice %arg8[%run_scoped3A_240, %dma_start3A_287, %dma_start3A_288] : memref<2x128x128xf32, #tpu.memory_space<vmem>> -> memref<1x128x128xf32, #tpu.memory_space<vmem>>
      %dma_start3A_290 = tpu.memref_squeeze %dma_start3A_289 : memref<1x128x128xf32, #tpu.memory_space<vmem>> -> memref<128x128xf32, #tpu.memory_space<vmem>>
      %dma_start3A_291 = arith.constant 0 : i32
      %dma_start3A_292 = tpu.memref_slice %arg9[%add3A_239, %dma_start3A_291] : memref<10240x128xf32, #tpu.memory_space<vmem_shared>> -> memref<128x128xf32, #tpu.memory_space<vmem_shared>>
      %dma_start3A_293 = arith.constant 0 : i32
      %dma_start3A_294 = arith.constant 0 : i32
      %dma_start3A_295 = tpu.memref_slice %arg8[%run_scoped3A_240, %dma_start3A_293, %dma_start3A_294] : memref<2x128x128xf32, #tpu.memory_space<vmem>> -> memref<1x128x128xf32, #tpu.memory_space<vmem>>
      %dma_start3A_296 = tpu.memref_squeeze %dma_start3A_295 : memref<1x128x128xf32, #tpu.memory_space<vmem>> -> memref<128x128xf32, #tpu.memory_space<vmem>>
      %dma_start3A_297 = arith.constant 0 : i32
      %dma_start3A_298 = tpu.memref_slice %arg9[%add3A_239, %dma_start3A_297] : memref<10240x128xf32, #tpu.memory_space<vmem_shared>> -> memref<128x128xf32, #tpu.memory_space<vmem_shared>>
      tpu.enqueue_dma source(%dma_start3A_298 : memref<128x128xf32, #tpu.memory_space<vmem_shared>>) target(%dma_start3A_296 : memref<128x128xf32, #tpu.memory_space<vmem>>) target_semaphore(%run_scoped3A_286 : memref<!tpu.dma_semaphore, #tpu.memory_space<semaphore_mem>>)
      %dma_wait3A_299 = arith.constant 0 : i32
      %dma_wait3A_300 = arith.constant 0 : i32
      %dma_wait3A_301 = tpu.memref_slice %arg8[%run_scoped3A_240, %dma_wait3A_299, %dma_wait3A_300] : memref<2x128x128xf32, #tpu.memory_space<vmem>> -> memref<1x128x128xf32, #tpu.memory_space<vmem>>
      %dma_wait3A_302 = tpu.memref_squeeze %dma_wait3A_301 : memref<1x128x128xf32, #tpu.memory_space<vmem>> -> memref<128x128xf32, #tpu.memory_space<vmem>>
      %dma_wait3A_303 = arith.constant 0 : i32
      %dma_wait3A_304 = tpu.memref_slice %arg9[%add3A_239, %dma_wait3A_303] : memref<10240x128xf32, #tpu.memory_space<vmem_shared>> -> memref<128x128xf32, #tpu.memory_space<vmem_shared>>
      %dma_wait3A_305 = arith.constant 0 : i32
      %dma_wait3A_306 = arith.constant 0 : i32
      %dma_wait3A_307 = tpu.memref_slice %arg8[%run_scoped3A_240, %dma_wait3A_305, %dma_wait3A_306] : memref<2x128x128xf32, #tpu.memory_space<vmem>> -> memref<1x128x128xf32, #tpu.memory_space<vmem>>
      %dma_wait3A_308 = tpu.memref_squeeze %dma_wait3A_307 : memref<1x128x128xf32, #tpu.memory_space<vmem>> -> memref<128x128xf32, #tpu.memory_space<vmem>>
      %dma_wait3A_309 = arith.constant 0 : i32
      %dma_wait3A_310 = tpu.memref_slice %arg9[%add3A_239, %dma_wait3A_309] : memref<10240x128xf32, #tpu.memory_space<vmem_shared>> -> memref<128x128xf32, #tpu.memory_space<vmem_shared>>
      tpu.wait_dma2 semaphore(%run_scoped3A_286 : memref<!tpu.dma_semaphore, #tpu.memory_space<semaphore_mem>>) src(%dma_wait3A_310 : memref<128x128xf32, #tpu.memory_space<vmem_shared>>) dst(%dma_wait3A_308 : memref<128x128xf32, #tpu.memory_space<vmem>>)
      tpu.yield
    }) : () -> ()
    %mul3A_241 = arith.constant 640 : i32
    %mul3A_242 = arith.muli %arg1, %mul3A_241 : i32
    %add3A_243 = arith.constant 0 : i32
    %add3A_244 = arith.addi %mul3A_242, %add3A_243 : i32
    %run_scoped3A_245 = arith.constant 0 : i32
    "tpu.region"() ({
      %run_scoped3A_286 = tpu.sem_alloc : memref<!tpu.dma_semaphore, #tpu.memory_space<semaphore_mem>>
      %dma_start3A_287 = arith.constant 0 : i32
      %dma_start3A_288 = arith.constant 0 : i32
      %dma_start3A_289 = tpu.memref_slice %arg8[%run_scoped3A_245, %dma_start3A_287, %dma_start3A_288] : memref<2x128x128xf32, #tpu.memory_space<vmem>> -> memref<1x128x128xf32, #tpu.memory_space<vmem>>
      %dma_start3A_290 = tpu.memref_squeeze %dma_start3A_289 : memref<1x128x128xf32, #tpu.memory_space<vmem>> -> memref<128x128xf32, #tpu.memory_space<vmem>>
      %dma_start3A_291 = arith.constant 0 : i32
      %dma_start3A_292 = tpu.memref_slice %arg5[%arg0, %add3A_244, %dma_start3A_291] : memref<2x10240x128xf32, #tpu.memory_space<hbm>> -> memref<1x128x128xf32, #tpu.memory_space<hbm>>
      %dma_start3A_293 = tpu.memref_squeeze %dma_start3A_292 : memref<1x128x128xf32, #tpu.memory_space<hbm>> -> memref<128x128xf32, #tpu.memory_space<hbm>>
      %dma_start3A_294 = arith.constant 0 : i32
      %dma_start3A_295 = tpu.memref_slice %arg5[%arg0, %add3A_244, %dma_start3A_294] : memref<2x10240x128xf32, #tpu.memory_space<hbm>> -> memref<1x128x128xf32, #tpu.memory_space<hbm>>
      %dma_start3A_296 = tpu.memref_squeeze %dma_start3A_295 : memref<1x128x128xf32, #tpu.memory_space<hbm>> -> memref<128x128xf32, #tpu.memory_space<hbm>>
      %dma_start3A_297 = arith.constant 0 : i32
      %dma_start3A_298 = arith.constant 0 : i32
      %dma_start3A_299 = tpu.memref_slice %arg8[%run_scoped3A_245, %dma_start3A_297, %dma_start3A_298] : memref<2x128x128xf32, #tpu.memory_space<vmem>> -> memref<1x128x128xf32, #tpu.memory_space<vmem>>
      %dma_start3A_300 = tpu.memref_squeeze %dma_start3A_299 : memref<1x128x128xf32, #tpu.memory_space<vmem>> -> memref<128x128xf32, #tpu.memory_space<vmem>>
      tpu.enqueue_dma source(%dma_start3A_300 : memref<128x128xf32, #tpu.memory_space<vmem>>) target(%dma_start3A_296 : memref<128x128xf32, #tpu.memory_space<hbm>>) target_semaphore(%run_scoped3A_286 : memref<!tpu.dma_semaphore, #tpu.memory_space<semaphore_mem>>)
      %dma_wait3A_301 = arith.constant 0 : i32
      %dma_wait3A_302 = arith.constant 0 : i32
      %dma_wait3A_303 = tpu.memref_slice %arg8[%run_scoped3A_245, %dma_wait3A_301, %dma_wait3A_302] : memref<2x128x128xf32, #tpu.memory_space<vmem>> -> memref<1x128x128xf32, #tpu.memory_space<vmem>>
      %dma_wait3A_304 = tpu.memref_squeeze %dma_wait3A_303 : memref<1x128x128xf32, #tpu.memory_space<vmem>> -> memref<128x128xf32, #tpu.memory_space<vmem>>
      %dma_wait3A_305 = arith.constant 0 : i32
      %dma_wait3A_306 = tpu.memref_slice %arg5[%arg0, %add3A_244, %dma_wait3A_305] : memref<2x10240x128xf32, #tpu.memory_space<hbm>> -> memref<1x128x128xf32, #tpu.memory_space<hbm>>
      %dma_wait3A_307 = tpu.memref_squeeze %dma_wait3A_306 : memref<1x128x128xf32, #tpu.memory_space<hbm>> -> memref<128x128xf32, #tpu.memory_space<hbm>>
      %dma_wait3A_308 = arith.constant 0 : i32
      %dma_wait3A_309 = tpu.memref_slice %arg5[%arg0, %add3A_244, %dma_wait3A_308] : memref<2x10240x128xf32, #tpu.memory_space<hbm>> -> memref<1x128x128xf32, #tpu.memory_space<hbm>>
      %dma_wait3A_310 = tpu.memref_squeeze %dma_wait3A_309 : memref<1x128x128xf32, #tpu.memory_space<hbm>> -> memref<128x128xf32, #tpu.memory_space<hbm>>
      %dma_wait3A_311 = arith.constant 0 : i32
      %dma_wait3A_312 = arith.constant 0 : i32
      %dma_wait3A_313 = tpu.memref_slice %arg8[%run_scoped3A_245, %dma_wait3A_311, %dma_wait3A_312] : memref<2x128x128xf32, #tpu.memory_space<vmem>> -> memref<1x128x128xf32, #tpu.memory_space<vmem>>
      %dma_wait3A_314 = tpu.memref_squeeze %dma_wait3A_313 : memref<1x128x128xf32, #tpu.memory_space<vmem>> -> memref<128x128xf32, #tpu.memory_space<vmem>>
      tpu.wait_dma2 semaphore(%run_scoped3A_286 : memref<!tpu.dma_semaphore, #tpu.memory_space<semaphore_mem>>) src(%dma_wait3A_314 : memref<128x128xf32, #tpu.memory_space<vmem>>) dst(%dma_wait3A_310 : memref<128x128xf32, #tpu.memory_space<hbm>>)
      tpu.yield
    }) : () -> ()
    %mul3A_246 = arith.constant 640 : i32
    %mul3A_247 = arith.muli %arg1, %mul3A_246 : i32
    %add3A_248 = arith.constant 128 : i32
    %add3A_249 = arith.addi %mul3A_247, %add3A_248 : i32
    %run_scoped3A_250 = arith.constant 1 : i32
    "tpu.region"() ({
      %run_scoped3A_286 = tpu.sem_alloc : memref<!tpu.dma_semaphore, #tpu.memory_space<semaphore_mem>>
      %dma_start3A_287 = arith.constant 0 : i32
      %dma_start3A_288 = arith.constant 0 : i32
      %dma_start3A_289 = tpu.memref_slice %arg8[%run_scoped3A_250, %dma_start3A_287, %dma_start3A_288] : memref<2x128x128xf32, #tpu.memory_space<vmem>> -> memref<1x128x128xf32, #tpu.memory_space<vmem>>
      %dma_start3A_290 = tpu.memref_squeeze %dma_start3A_289 : memref<1x128x128xf32, #tpu.memory_space<vmem>> -> memref<128x128xf32, #tpu.memory_space<vmem>>
      %dma_start3A_291 = arith.constant 0 : i32
      %dma_start3A_292 = tpu.memref_slice %arg9[%add3A_249, %dma_start3A_291] : memref<10240x128xf32, #tpu.memory_space<vmem_shared>> -> memref<128x128xf32, #tpu.memory_space<vmem_shared>>
      %dma_start3A_293 = arith.constant 0 : i32
      %dma_start3A_294 = arith.constant 0 : i32
      %dma_start3A_295 = tpu.memref_slice %arg8[%run_scoped3A_250, %dma_start3A_293, %dma_start3A_294] : memref<2x128x128xf32, #tpu.memory_space<vmem>> -> memref<1x128x128xf32, #tpu.memory_space<vmem>>
      %dma_start3A_296 = tpu.memref_squeeze %dma_start3A_295 : memref<1x128x128xf32, #tpu.memory_space<vmem>> -> memref<128x128xf32, #tpu.memory_space<vmem>>
      %dma_start3A_297 = arith.constant 0 : i32
      %dma_start3A_298 = tpu.memref_slice %arg9[%add3A_249, %dma_start3A_297] : memref<10240x128xf32, #tpu.memory_space<vmem_shared>> -> memref<128x128xf32, #tpu.memory_space<vmem_shared>>
      tpu.enqueue_dma source(%dma_start3A_298 : memref<128x128xf32, #tpu.memory_space<vmem_shared>>) target(%dma_start3A_296 : memref<128x128xf32, #tpu.memory_space<vmem>>) target_semaphore(%run_scoped3A_286 : memref<!tpu.dma_semaphore, #tpu.memory_space<semaphore_mem>>)
      %dma_wait3A_299 = arith.constant 0 : i32
      %dma_wait3A_300 = arith.constant 0 : i32
      %dma_wait3A_301 = tpu.memref_slice %arg8[%run_scoped3A_250, %dma_wait3A_299, %dma_wait3A_300] : memref<2x128x128xf32, #tpu.memory_space<vmem>> -> memref<1x128x128xf32, #tpu.memory_space<vmem>>
      %dma_wait3A_302 = tpu.memref_squeeze %dma_wait3A_301 : memref<1x128x128xf32, #tpu.memory_space<vmem>> -> memref<128x128xf32, #tpu.memory_space<vmem>>
      %dma_wait3A_303 = arith.constant 0 : i32
      %dma_wait3A_304 = tpu.memref_slice %arg9[%add3A_249, %dma_wait3A_303] : memref<10240x128xf32, #tpu.memory_space<vmem_shared>> -> memref<128x128xf32, #tpu.memory_space<vmem_shared>>
      %dma_wait3A_305 = arith.constant 0 : i32
      %dma_wait3A_306 = arith.constant 0 : i32
      %dma_wait3A_307 = tpu.memref_slice %arg8[%run_scoped3A_250, %dma_wait3A_305, %dma_wait3A_306] : memref<2x128x128xf32, #tpu.memory_space<vmem>> -> memref<1x128x128xf32, #tpu.memory_space<vmem>>
      %dma_wait3A_308 = tpu.memref_squeeze %dma_wait3A_307 : memref<1x128x128xf32, #tpu.memory_space<vmem>> -> memref<128x128xf32, #tpu.memory_space<vmem>>
      %dma_wait3A_309 = arith.constant 0 : i32
      %dma_wait3A_310 = tpu.memref_slice %arg9[%add3A_249, %dma_wait3A_309] : memref<10240x128xf32, #tpu.memory_space<vmem_shared>> -> memref<128x128xf32, #tpu.memory_space<vmem_shared>>
      tpu.wait_dma2 semaphore(%run_scoped3A_286 : memref<!tpu.dma_semaphore, #tpu.memory_space<semaphore_mem>>) src(%dma_wait3A_310 : memref<128x128xf32, #tpu.memory_space<vmem_shared>>) dst(%dma_wait3A_308 : memref<128x128xf32, #tpu.memory_space<vmem>>)
      tpu.yield
    }) : () -> ()
    %mul3A_251 = arith.constant 640 : i32
    %mul3A_252 = arith.muli %arg1, %mul3A_251 : i32
    %add3A_253 = arith.constant 128 : i32
    %add3A_254 = arith.addi %mul3A_252, %add3A_253 : i32
    %run_scoped3A_255 = arith.constant 1 : i32
    "tpu.region"() ({
      %run_scoped3A_286 = tpu.sem_alloc : memref<!tpu.dma_semaphore, #tpu.memory_space<semaphore_mem>>
      %dma_start3A_287 = arith.constant 0 : i32
      %dma_start3A_288 = arith.constant 0 : i32
      %dma_start3A_289 = tpu.memref_slice %arg8[%run_scoped3A_255, %dma_start3A_287, %dma_start3A_288] : memref<2x128x128xf32, #tpu.memory_space<vmem>> -> memref<1x128x128xf32, #tpu.memory_space<vmem>>
      %dma_start3A_290 = tpu.memref_squeeze %dma_start3A_289 : memref<1x128x128xf32, #tpu.memory_space<vmem>> -> memref<128x128xf32, #tpu.memory_space<vmem>>
      %dma_start3A_291 = arith.constant 0 : i32
      %dma_start3A_292 = tpu.memref_slice %arg5[%arg0, %add3A_254, %dma_start3A_291] : memref<2x10240x128xf32, #tpu.memory_space<hbm>> -> memref<1x128x128xf32, #tpu.memory_space<hbm>>
      %dma_start3A_293 = tpu.memref_squeeze %dma_start3A_292 : memref<1x128x128xf32, #tpu.memory_space<hbm>> -> memref<128x128xf32, #tpu.memory_space<hbm>>
      %dma_start3A_294 = arith.constant 0 : i32
      %dma_start3A_295 = tpu.memref_slice %arg5[%arg0, %add3A_254, %dma_start3A_294] : memref<2x10240x128xf32, #tpu.memory_space<hbm>> -> memref<1x128x128xf32, #tpu.memory_space<hbm>>
      %dma_start3A_296 = tpu.memref_squeeze %dma_start3A_295 : memref<1x128x128xf32, #tpu.memory_space<hbm>> -> memref<128x128xf32, #tpu.memory_space<hbm>>
      %dma_start3A_297 = arith.constant 0 : i32
      %dma_start3A_298 = arith.constant 0 : i32
      %dma_start3A_299 = tpu.memref_slice %arg8[%run_scoped3A_255, %dma_start3A_297, %dma_start3A_298] : memref<2x128x128xf32, #tpu.memory_space<vmem>> -> memref<1x128x128xf32, #tpu.memory_space<vmem>>
      %dma_start3A_300 = tpu.memref_squeeze %dma_start3A_299 : memref<1x128x128xf32, #tpu.memory_space<vmem>> -> memref<128x128xf32, #tpu.memory_space<vmem>>
      tpu.enqueue_dma source(%dma_start3A_300 : memref<128x128xf32, #tpu.memory_space<vmem>>) target(%dma_start3A_296 : memref<128x128xf32, #tpu.memory_space<hbm>>) target_semaphore(%run_scoped3A_286 : memref<!tpu.dma_semaphore, #tpu.memory_space<semaphore_mem>>)
      %dma_wait3A_301 = arith.constant 0 : i32
      %dma_wait3A_302 = arith.constant 0 : i32
      %dma_wait3A_303 = tpu.memref_slice %arg8[%run_scoped3A_255, %dma_wait3A_301, %dma_wait3A_302] : memref<2x128x128xf32, #tpu.memory_space<vmem>> -> memref<1x128x128xf32, #tpu.memory_space<vmem>>
      %dma_wait3A_304 = tpu.memref_squeeze %dma_wait3A_303 : memref<1x128x128xf32, #tpu.memory_space<vmem>> -> memref<128x128xf32, #tpu.memory_space<vmem>>
      %dma_wait3A_305 = arith.constant 0 : i32
      %dma_wait3A_306 = tpu.memref_slice %arg5[%arg0, %add3A_254, %dma_wait3A_305] : memref<2x10240x128xf32, #tpu.memory_space<hbm>> -> memref<1x128x128xf32, #tpu.memory_space<hbm>>
      %dma_wait3A_307 = tpu.memref_squeeze %dma_wait3A_306 : memref<1x128x128xf32, #tpu.memory_space<hbm>> -> memref<128x128xf32, #tpu.memory_space<hbm>>
      %dma_wait3A_308 = arith.constant 0 : i32
      %dma_wait3A_309 = tpu.memref_slice %arg5[%arg0, %add3A_254, %dma_wait3A_308] : memref<2x10240x128xf32, #tpu.memory_space<hbm>> -> memref<1x128x128xf32, #tpu.memory_space<hbm>>
      %dma_wait3A_310 = tpu.memref_squeeze %dma_wait3A_309 : memref<1x128x128xf32, #tpu.memory_space<hbm>> -> memref<128x128xf32, #tpu.memory_space<hbm>>
      %dma_wait3A_311 = arith.constant 0 : i32
      %dma_wait3A_312 = arith.constant 0 : i32
      %dma_wait3A_313 = tpu.memref_slice %arg8[%run_scoped3A_255, %dma_wait3A_311, %dma_wait3A_312] : memref<2x128x128xf32, #tpu.memory_space<vmem>> -> memref<1x128x128xf32, #tpu.memory_space<vmem>>
      %dma_wait3A_314 = tpu.memref_squeeze %dma_wait3A_313 : memref<1x128x128xf32, #tpu.memory_space<vmem>> -> memref<128x128xf32, #tpu.memory_space<vmem>>
      tpu.wait_dma2 semaphore(%run_scoped3A_286 : memref<!tpu.dma_semaphore, #tpu.memory_space<semaphore_mem>>) src(%dma_wait3A_314 : memref<128x128xf32, #tpu.memory_space<vmem>>) dst(%dma_wait3A_310 : memref<128x128xf32, #tpu.memory_space<hbm>>)
      tpu.yield
    }) : () -> ()
    %mul3A_256 = arith.constant 640 : i32
    %mul3A_257 = arith.muli %arg1, %mul3A_256 : i32
    %add3A_258 = arith.constant 256 : i32
    %add3A_259 = arith.addi %mul3A_257, %add3A_258 : i32
    %run_scoped3A_260 = arith.constant 0 : i32
    "tpu.region"() ({
      %run_scoped3A_286 = tpu.sem_alloc : memref<!tpu.dma_semaphore, #tpu.memory_space<semaphore_mem>>
      %dma_start3A_287 = arith.constant 0 : i32
      %dma_start3A_288 = arith.constant 0 : i32
      %dma_start3A_289 = tpu.memref_slice %arg8[%run_scoped3A_260, %dma_start3A_287, %dma_start3A_288] : memref<2x128x128xf32, #tpu.memory_space<vmem>> -> memref<1x128x128xf32, #tpu.memory_space<vmem>>
      %dma_start3A_290 = tpu.memref_squeeze %dma_start3A_289 : memref<1x128x128xf32, #tpu.memory_space<vmem>> -> memref<128x128xf32, #tpu.memory_space<vmem>>
      %dma_start3A_291 = arith.constant 0 : i32
      %dma_start3A_292 = tpu.memref_slice %arg9[%add3A_259, %dma_start3A_291] : memref<10240x128xf32, #tpu.memory_space<vmem_shared>> -> memref<128x128xf32, #tpu.memory_space<vmem_shared>>
      %dma_start3A_293 = arith.constant 0 : i32
      %dma_start3A_294 = arith.constant 0 : i32
      %dma_start3A_295 = tpu.memref_slice %arg8[%run_scoped3A_260, %dma_start3A_293, %dma_start3A_294] : memref<2x128x128xf32, #tpu.memory_space<vmem>> -> memref<1x128x128xf32, #tpu.memory_space<vmem>>
      %dma_start3A_296 = tpu.memref_squeeze %dma_start3A_295 : memref<1x128x128xf32, #tpu.memory_space<vmem>> -> memref<128x128xf32, #tpu.memory_space<vmem>>
      %dma_start3A_297 = arith.constant 0 : i32
      %dma_start3A_298 = tpu.memref_slice %arg9[%add3A_259, %dma_start3A_297] : memref<10240x128xf32, #tpu.memory_space<vmem_shared>> -> memref<128x128xf32, #tpu.memory_space<vmem_shared>>
      tpu.enqueue_dma source(%dma_start3A_298 : memref<128x128xf32, #tpu.memory_space<vmem_shared>>) target(%dma_start3A_296 : memref<128x128xf32, #tpu.memory_space<vmem>>) target_semaphore(%run_scoped3A_286 : memref<!tpu.dma_semaphore, #tpu.memory_space<semaphore_mem>>)
      %dma_wait3A_299 = arith.constant 0 : i32
      %dma_wait3A_300 = arith.constant 0 : i32
      %dma_wait3A_301 = tpu.memref_slice %arg8[%run_scoped3A_260, %dma_wait3A_299, %dma_wait3A_300] : memref<2x128x128xf32, #tpu.memory_space<vmem>> -> memref<1x128x128xf32, #tpu.memory_space<vmem>>
      %dma_wait3A_302 = tpu.memref_squeeze %dma_wait3A_301 : memref<1x128x128xf32, #tpu.memory_space<vmem>> -> memref<128x128xf32, #tpu.memory_space<vmem>>
      %dma_wait3A_303 = arith.constant 0 : i32
      %dma_wait3A_304 = tpu.memref_slice %arg9[%add3A_259, %dma_wait3A_303] : memref<10240x128xf32, #tpu.memory_space<vmem_shared>> -> memref<128x128xf32, #tpu.memory_space<vmem_shared>>
      %dma_wait3A_305 = arith.constant 0 : i32
      %dma_wait3A_306 = arith.constant 0 : i32
      %dma_wait3A_307 = tpu.memref_slice %arg8[%run_scoped3A_260, %dma_wait3A_305, %dma_wait3A_306] : memref<2x128x128xf32, #tpu.memory_space<vmem>> -> memref<1x128x128xf32, #tpu.memory_space<vmem>>
      %dma_wait3A_308 = tpu.memref_squeeze %dma_wait3A_307 : memref<1x128x128xf32, #tpu.memory_space<vmem>> -> memref<128x128xf32, #tpu.memory_space<vmem>>
      %dma_wait3A_309 = arith.constant 0 : i32
      %dma_wait3A_310 = tpu.memref_slice %arg9[%add3A_259, %dma_wait3A_309] : memref<10240x128xf32, #tpu.memory_space<vmem_shared>> -> memref<128x128xf32, #tpu.memory_space<vmem_shared>>
      tpu.wait_dma2 semaphore(%run_scoped3A_286 : memref<!tpu.dma_semaphore, #tpu.memory_space<semaphore_mem>>) src(%dma_wait3A_310 : memref<128x128xf32, #tpu.memory_space<vmem_shared>>) dst(%dma_wait3A_308 : memref<128x128xf32, #tpu.memory_space<vmem>>)
      tpu.yield
    }) : () -> ()
    %mul3A_261 = arith.constant 640 : i32
    %mul3A_262 = arith.muli %arg1, %mul3A_261 : i32
    %add3A_263 = arith.constant 256 : i32
    %add3A_264 = arith.addi %mul3A_262, %add3A_263 : i32
    %run_scoped3A_265 = arith.constant 0 : i32
    "tpu.region"() ({
      %run_scoped3A_286 = tpu.sem_alloc : memref<!tpu.dma_semaphore, #tpu.memory_space<semaphore_mem>>
      %dma_start3A_287 = arith.constant 0 : i32
      %dma_start3A_288 = arith.constant 0 : i32
      %dma_start3A_289 = tpu.memref_slice %arg8[%run_scoped3A_265, %dma_start3A_287, %dma_start3A_288] : memref<2x128x128xf32, #tpu.memory_space<vmem>> -> memref<1x128x128xf32, #tpu.memory_space<vmem>>
      %dma_start3A_290 = tpu.memref_squeeze %dma_start3A_289 : memref<1x128x128xf32, #tpu.memory_space<vmem>> -> memref<128x128xf32, #tpu.memory_space<vmem>>
      %dma_start3A_291 = arith.constant 0 : i32
      %dma_start3A_292 = tpu.memref_slice %arg5[%arg0, %add3A_264, %dma_start3A_291] : memref<2x10240x128xf32, #tpu.memory_space<hbm>> -> memref<1x128x128xf32, #tpu.memory_space<hbm>>
      %dma_start3A_293 = tpu.memref_squeeze %dma_start3A_292 : memref<1x128x128xf32, #tpu.memory_space<hbm>> -> memref<128x128xf32, #tpu.memory_space<hbm>>
      %dma_start3A_294 = arith.constant 0 : i32
      %dma_start3A_295 = tpu.memref_slice %arg5[%arg0, %add3A_264, %dma_start3A_294] : memref<2x10240x128xf32, #tpu.memory_space<hbm>> -> memref<1x128x128xf32, #tpu.memory_space<hbm>>
      %dma_start3A_296 = tpu.memref_squeeze %dma_start3A_295 : memref<1x128x128xf32, #tpu.memory_space<hbm>> -> memref<128x128xf32, #tpu.memory_space<hbm>>
      %dma_start3A_297 = arith.constant 0 : i32
      %dma_start3A_298 = arith.constant 0 : i32
      %dma_start3A_299 = tpu.memref_slice %arg8[%run_scoped3A_265, %dma_start3A_297, %dma_start3A_298] : memref<2x128x128xf32, #tpu.memory_space<vmem>> -> memref<1x128x128xf32, #tpu.memory_space<vmem>>
      %dma_start3A_300 = tpu.memref_squeeze %dma_start3A_299 : memref<1x128x128xf32, #tpu.memory_space<vmem>> -> memref<128x128xf32, #tpu.memory_space<vmem>>
      tpu.enqueue_dma source(%dma_start3A_300 : memref<128x128xf32, #tpu.memory_space<vmem>>) target(%dma_start3A_296 : memref<128x128xf32, #tpu.memory_space<hbm>>) target_semaphore(%run_scoped3A_286 : memref<!tpu.dma_semaphore, #tpu.memory_space<semaphore_mem>>)
      %dma_wait3A_301 = arith.constant 0 : i32
      %dma_wait3A_302 = arith.constant 0 : i32
      %dma_wait3A_303 = tpu.memref_slice %arg8[%run_scoped3A_265, %dma_wait3A_301, %dma_wait3A_302] : memref<2x128x128xf32, #tpu.memory_space<vmem>> -> memref<1x128x128xf32, #tpu.memory_space<vmem>>
      %dma_wait3A_304 = tpu.memref_squeeze %dma_wait3A_303 : memref<1x128x128xf32, #tpu.memory_space<vmem>> -> memref<128x128xf32, #tpu.memory_space<vmem>>
      %dma_wait3A_305 = arith.constant 0 : i32
      %dma_wait3A_306 = tpu.memref_slice %arg5[%arg0, %add3A_264, %dma_wait3A_305] : memref<2x10240x128xf32, #tpu.memory_space<hbm>> -> memref<1x128x128xf32, #tpu.memory_space<hbm>>
      %dma_wait3A_307 = tpu.memref_squeeze %dma_wait3A_306 : memref<1x128x128xf32, #tpu.memory_space<hbm>> -> memref<128x128xf32, #tpu.memory_space<hbm>>
      %dma_wait3A_308 = arith.constant 0 : i32
      %dma_wait3A_309 = tpu.memref_slice %arg5[%arg0, %add3A_264, %dma_wait3A_308] : memref<2x10240x128xf32, #tpu.memory_space<hbm>> -> memref<1x128x128xf32, #tpu.memory_space<hbm>>
      %dma_wait3A_310 = tpu.memref_squeeze %dma_wait3A_309 : memref<1x128x128xf32, #tpu.memory_space<hbm>> -> memref<128x128xf32, #tpu.memory_space<hbm>>
      %dma_wait3A_311 = arith.constant 0 : i32
      %dma_wait3A_312 = arith.constant 0 : i32
      %dma_wait3A_313 = tpu.memref_slice %arg8[%run_scoped3A_265, %dma_wait3A_311, %dma_wait3A_312] : memref<2x128x128xf32, #tpu.memory_space<vmem>> -> memref<1x128x128xf32, #tpu.memory_space<vmem>>
      %dma_wait3A_314 = tpu.memref_squeeze %dma_wait3A_313 : memref<1x128x128xf32, #tpu.memory_space<vmem>> -> memref<128x128xf32, #tpu.memory_space<vmem>>
      tpu.wait_dma2 semaphore(%run_scoped3A_286 : memref<!tpu.dma_semaphore, #tpu.memory_space<semaphore_mem>>) src(%dma_wait3A_314 : memref<128x128xf32, #tpu.memory_space<vmem>>) dst(%dma_wait3A_310 : memref<128x128xf32, #tpu.memory_space<hbm>>)
      tpu.yield
    }) : () -> ()
    %mul3A_266 = arith.constant 640 : i32
    %mul3A_267 = arith.muli %arg1, %mul3A_266 : i32
    %add3A_268 = arith.constant 384 : i32
    %add3A_269 = arith.addi %mul3A_267, %add3A_268 : i32
    %run_scoped3A_270 = arith.constant 1 : i32
    "tpu.region"() ({
      %run_scoped3A_286 = tpu.sem_alloc : memref<!tpu.dma_semaphore, #tpu.memory_space<semaphore_mem>>
      %dma_start3A_287 = arith.constant 0 : i32
      %dma_start3A_288 = arith.constant 0 : i32
      %dma_start3A_289 = tpu.memref_slice %arg8[%run_scoped3A_270, %dma_start3A_287, %dma_start3A_288] : memref<2x128x128xf32, #tpu.memory_space<vmem>> -> memref<1x128x128xf32, #tpu.memory_space<vmem>>
      %dma_start3A_290 = tpu.memref_squeeze %dma_start3A_289 : memref<1x128x128xf32, #tpu.memory_space<vmem>> -> memref<128x128xf32, #tpu.memory_space<vmem>>
      %dma_start3A_291 = arith.constant 0 : i32
      %dma_start3A_292 = tpu.memref_slice %arg9[%add3A_269, %dma_start3A_291] : memref<10240x128xf32, #tpu.memory_space<vmem_shared>> -> memref<128x128xf32, #tpu.memory_space<vmem_shared>>
      %dma_start3A_293 = arith.constant 0 : i32
      %dma_start3A_294 = arith.constant 0 : i32
      %dma_start3A_295 = tpu.memref_slice %arg8[%run_scoped3A_270, %dma_start3A_293, %dma_start3A_294] : memref<2x128x128xf32, #tpu.memory_space<vmem>> -> memref<1x128x128xf32, #tpu.memory_space<vmem>>
      %dma_start3A_296 = tpu.memref_squeeze %dma_start3A_295 : memref<1x128x128xf32, #tpu.memory_space<vmem>> -> memref<128x128xf32, #tpu.memory_space<vmem>>
      %dma_start3A_297 = arith.constant 0 : i32
      %dma_start3A_298 = tpu.memref_slice %arg9[%add3A_269, %dma_start3A_297] : memref<10240x128xf32, #tpu.memory_space<vmem_shared>> -> memref<128x128xf32, #tpu.memory_space<vmem_shared>>
      tpu.enqueue_dma source(%dma_start3A_298 : memref<128x128xf32, #tpu.memory_space<vmem_shared>>) target(%dma_start3A_296 : memref<128x128xf32, #tpu.memory_space<vmem>>) target_semaphore(%run_scoped3A_286 : memref<!tpu.dma_semaphore, #tpu.memory_space<semaphore_mem>>)
      %dma_wait3A_299 = arith.constant 0 : i32
      %dma_wait3A_300 = arith.constant 0 : i32
      %dma_wait3A_301 = tpu.memref_slice %arg8[%run_scoped3A_270, %dma_wait3A_299, %dma_wait3A_300] : memref<2x128x128xf32, #tpu.memory_space<vmem>> -> memref<1x128x128xf32, #tpu.memory_space<vmem>>
      %dma_wait3A_302 = tpu.memref_squeeze %dma_wait3A_301 : memref<1x128x128xf32, #tpu.memory_space<vmem>> -> memref<128x128xf32, #tpu.memory_space<vmem>>
      %dma_wait3A_303 = arith.constant 0 : i32
      %dma_wait3A_304 = tpu.memref_slice %arg9[%add3A_269, %dma_wait3A_303] : memref<10240x128xf32, #tpu.memory_space<vmem_shared>> -> memref<128x128xf32, #tpu.memory_space<vmem_shared>>
      %dma_wait3A_305 = arith.constant 0 : i32
      %dma_wait3A_306 = arith.constant 0 : i32
      %dma_wait3A_307 = tpu.memref_slice %arg8[%run_scoped3A_270, %dma_wait3A_305, %dma_wait3A_306] : memref<2x128x128xf32, #tpu.memory_space<vmem>> -> memref<1x128x128xf32, #tpu.memory_space<vmem>>
      %dma_wait3A_308 = tpu.memref_squeeze %dma_wait3A_307 : memref<1x128x128xf32, #tpu.memory_space<vmem>> -> memref<128x128xf32, #tpu.memory_space<vmem>>
      %dma_wait3A_309 = arith.constant 0 : i32
      %dma_wait3A_310 = tpu.memref_slice %arg9[%add3A_269, %dma_wait3A_309] : memref<10240x128xf32, #tpu.memory_space<vmem_shared>> -> memref<128x128xf32, #tpu.memory_space<vmem_shared>>
      tpu.wait_dma2 semaphore(%run_scoped3A_286 : memref<!tpu.dma_semaphore, #tpu.memory_space<semaphore_mem>>) src(%dma_wait3A_310 : memref<128x128xf32, #tpu.memory_space<vmem_shared>>) dst(%dma_wait3A_308 : memref<128x128xf32, #tpu.memory_space<vmem>>)
      tpu.yield
    }) : () -> ()
    %mul3A_271 = arith.constant 640 : i32
    %mul3A_272 = arith.muli %arg1, %mul3A_271 : i32
    %add3A_273 = arith.constant 384 : i32
    %add3A_274 = arith.addi %mul3A_272, %add3A_273 : i32
    %run_scoped3A_275 = arith.constant 1 : i32
    "tpu.region"() ({
      %run_scoped3A_286 = tpu.sem_alloc : memref<!tpu.dma_semaphore, #tpu.memory_space<semaphore_mem>>
      %dma_start3A_287 = arith.constant 0 : i32
      %dma_start3A_288 = arith.constant 0 : i32
      %dma_start3A_289 = tpu.memref_slice %arg8[%run_scoped3A_275, %dma_start3A_287, %dma_start3A_288] : memref<2x128x128xf32, #tpu.memory_space<vmem>> -> memref<1x128x128xf32, #tpu.memory_space<vmem>>
      %dma_start3A_290 = tpu.memref_squeeze %dma_start3A_289 : memref<1x128x128xf32, #tpu.memory_space<vmem>> -> memref<128x128xf32, #tpu.memory_space<vmem>>
      %dma_start3A_291 = arith.constant 0 : i32
      %dma_start3A_292 = tpu.memref_slice %arg5[%arg0, %add3A_274, %dma_start3A_291] : memref<2x10240x128xf32, #tpu.memory_space<hbm>> -> memref<1x128x128xf32, #tpu.memory_space<hbm>>
      %dma_start3A_293 = tpu.memref_squeeze %dma_start3A_292 : memref<1x128x128xf32, #tpu.memory_space<hbm>> -> memref<128x128xf32, #tpu.memory_space<hbm>>
      %dma_start3A_294 = arith.constant 0 : i32
      %dma_start3A_295 = tpu.memref_slice %arg5[%arg0, %add3A_274, %dma_start3A_294] : memref<2x10240x128xf32, #tpu.memory_space<hbm>> -> memref<1x128x128xf32, #tpu.memory_space<hbm>>
      %dma_start3A_296 = tpu.memref_squeeze %dma_start3A_295 : memref<1x128x128xf32, #tpu.memory_space<hbm>> -> memref<128x128xf32, #tpu.memory_space<hbm>>
      %dma_start3A_297 = arith.constant 0 : i32
      %dma_start3A_298 = arith.constant 0 : i32
      %dma_start3A_299 = tpu.memref_slice %arg8[%run_scoped3A_275, %dma_start3A_297, %dma_start3A_298] : memref<2x128x128xf32, #tpu.memory_space<vmem>> -> memref<1x128x128xf32, #tpu.memory_space<vmem>>
      %dma_start3A_300 = tpu.memref_squeeze %dma_start3A_299 : memref<1x128x128xf32, #tpu.memory_space<vmem>> -> memref<128x128xf32, #tpu.memory_space<vmem>>
      tpu.enqueue_dma source(%dma_start3A_300 : memref<128x128xf32, #tpu.memory_space<vmem>>) target(%dma_start3A_296 : memref<128x128xf32, #tpu.memory_space<hbm>>) target_semaphore(%run_scoped3A_286 : memref<!tpu.dma_semaphore, #tpu.memory_space<semaphore_mem>>)
      %dma_wait3A_301 = arith.constant 0 : i32
      %dma_wait3A_302 = arith.constant 0 : i32
      %dma_wait3A_303 = tpu.memref_slice %arg8[%run_scoped3A_275, %dma_wait3A_301, %dma_wait3A_302] : memref<2x128x128xf32, #tpu.memory_space<vmem>> -> memref<1x128x128xf32, #tpu.memory_space<vmem>>
      %dma_wait3A_304 = tpu.memref_squeeze %dma_wait3A_303 : memref<1x128x128xf32, #tpu.memory_space<vmem>> -> memref<128x128xf32, #tpu.memory_space<vmem>>
      %dma_wait3A_305 = arith.constant 0 : i32
      %dma_wait3A_306 = tpu.memref_slice %arg5[%arg0, %add3A_274, %dma_wait3A_305] : memref<2x10240x128xf32, #tpu.memory_space<hbm>> -> memref<1x128x128xf32, #tpu.memory_space<hbm>>
      %dma_wait3A_307 = tpu.memref_squeeze %dma_wait3A_306 : memref<1x128x128xf32, #tpu.memory_space<hbm>> -> memref<128x128xf32, #tpu.memory_space<hbm>>
      %dma_wait3A_308 = arith.constant 0 : i32
      %dma_wait3A_309 = tpu.memref_slice %arg5[%arg0, %add3A_274, %dma_wait3A_308] : memref<2x10240x128xf32, #tpu.memory_space<hbm>> -> memref<1x128x128xf32, #tpu.memory_space<hbm>>
      %dma_wait3A_310 = tpu.memref_squeeze %dma_wait3A_309 : memref<1x128x128xf32, #tpu.memory_space<hbm>> -> memref<128x128xf32, #tpu.memory_space<hbm>>
      %dma_wait3A_311 = arith.constant 0 : i32
      %dma_wait3A_312 = arith.constant 0 : i32
      %dma_wait3A_313 = tpu.memref_slice %arg8[%run_scoped3A_275, %dma_wait3A_311, %dma_wait3A_312] : memref<2x128x128xf32, #tpu.memory_space<vmem>> -> memref<1x128x128xf32, #tpu.memory_space<vmem>>
      %dma_wait3A_314 = tpu.memref_squeeze %dma_wait3A_313 : memref<1x128x128xf32, #tpu.memory_space<vmem>> -> memref<128x128xf32, #tpu.memory_space<vmem>>
      tpu.wait_dma2 semaphore(%run_scoped3A_286 : memref<!tpu.dma_semaphore, #tpu.memory_space<semaphore_mem>>) src(%dma_wait3A_314 : memref<128x128xf32, #tpu.memory_space<vmem>>) dst(%dma_wait3A_310 : memref<128x128xf32, #tpu.memory_space<hbm>>)
      tpu.yield
    }) : () -> ()
    %mul3A_276 = arith.constant 640 : i32
    %mul3A_277 = arith.muli %arg1, %mul3A_276 : i32
    %add3A_278 = arith.constant 512 : i32
    %add3A_279 = arith.addi %mul3A_277, %add3A_278 : i32
    %run_scoped3A_280 = arith.constant 0 : i32
    "tpu.region"() ({
      %run_scoped3A_286 = tpu.sem_alloc : memref<!tpu.dma_semaphore, #tpu.memory_space<semaphore_mem>>
      %dma_start3A_287 = arith.constant 0 : i32
      %dma_start3A_288 = arith.constant 0 : i32
      %dma_start3A_289 = tpu.memref_slice %arg8[%run_scoped3A_280, %dma_start3A_287, %dma_start3A_288] : memref<2x128x128xf32, #tpu.memory_space<vmem>> -> memref<1x128x128xf32, #tpu.memory_space<vmem>>
      %dma_start3A_290 = tpu.memref_squeeze %dma_start3A_289 : memref<1x128x128xf32, #tpu.memory_space<vmem>> -> memref<128x128xf32, #tpu.memory_space<vmem>>
      %dma_start3A_291 = arith.constant 0 : i32
      %dma_start3A_292 = tpu.memref_slice %arg9[%add3A_279, %dma_start3A_291] : memref<10240x128xf32, #tpu.memory_space<vmem_shared>> -> memref<128x128xf32, #tpu.memory_space<vmem_shared>>
      %dma_start3A_293 = arith.constant 0 : i32
      %dma_start3A_294 = arith.constant 0 : i32
      %dma_start3A_295 = tpu.memref_slice %arg8[%run_scoped3A_280, %dma_start3A_293, %dma_start3A_294] : memref<2x128x128xf32, #tpu.memory_space<vmem>> -> memref<1x128x128xf32, #tpu.memory_space<vmem>>
      %dma_start3A_296 = tpu.memref_squeeze %dma_start3A_295 : memref<1x128x128xf32, #tpu.memory_space<vmem>> -> memref<128x128xf32, #tpu.memory_space<vmem>>
      %dma_start3A_297 = arith.constant 0 : i32
      %dma_start3A_298 = tpu.memref_slice %arg9[%add3A_279, %dma_start3A_297] : memref<10240x128xf32, #tpu.memory_space<vmem_shared>> -> memref<128x128xf32, #tpu.memory_space<vmem_shared>>
      tpu.enqueue_dma source(%dma_start3A_298 : memref<128x128xf32, #tpu.memory_space<vmem_shared>>) target(%dma_start3A_296 : memref<128x128xf32, #tpu.memory_space<vmem>>) target_semaphore(%run_scoped3A_286 : memref<!tpu.dma_semaphore, #tpu.memory_space<semaphore_mem>>)
      %dma_wait3A_299 = arith.constant 0 : i32
      %dma_wait3A_300 = arith.constant 0 : i32
      %dma_wait3A_301 = tpu.memref_slice %arg8[%run_scoped3A_280, %dma_wait3A_299, %dma_wait3A_300] : memref<2x128x128xf32, #tpu.memory_space<vmem>> -> memref<1x128x128xf32, #tpu.memory_space<vmem>>
      %dma_wait3A_302 = tpu.memref_squeeze %dma_wait3A_301 : memref<1x128x128xf32, #tpu.memory_space<vmem>> -> memref<128x128xf32, #tpu.memory_space<vmem>>
      %dma_wait3A_303 = arith.constant 0 : i32
      %dma_wait3A_304 = tpu.memref_slice %arg9[%add3A_279, %dma_wait3A_303] : memref<10240x128xf32, #tpu.memory_space<vmem_shared>> -> memref<128x128xf32, #tpu.memory_space<vmem_shared>>
      %dma_wait3A_305 = arith.constant 0 : i32
      %dma_wait3A_306 = arith.constant 0 : i32
      %dma_wait3A_307 = tpu.memref_slice %arg8[%run_scoped3A_280, %dma_wait3A_305, %dma_wait3A_306] : memref<2x128x128xf32, #tpu.memory_space<vmem>> -> memref<1x128x128xf32, #tpu.memory_space<vmem>>
      %dma_wait3A_308 = tpu.memref_squeeze %dma_wait3A_307 : memref<1x128x128xf32, #tpu.memory_space<vmem>> -> memref<128x128xf32, #tpu.memory_space<vmem>>
      %dma_wait3A_309 = arith.constant 0 : i32
      %dma_wait3A_310 = tpu.memref_slice %arg9[%add3A_279, %dma_wait3A_309] : memref<10240x128xf32, #tpu.memory_space<vmem_shared>> -> memref<128x128xf32, #tpu.memory_space<vmem_shared>>
      tpu.wait_dma2 semaphore(%run_scoped3A_286 : memref<!tpu.dma_semaphore, #tpu.memory_space<semaphore_mem>>) src(%dma_wait3A_310 : memref<128x128xf32, #tpu.memory_space<vmem_shared>>) dst(%dma_wait3A_308 : memref<128x128xf32, #tpu.memory_space<vmem>>)
      tpu.yield
    }) : () -> ()
    %mul3A_281 = arith.constant 640 : i32
    %mul3A_282 = arith.muli %arg1, %mul3A_281 : i32
    %add3A_283 = arith.constant 512 : i32
    %add3A_284 = arith.addi %mul3A_282, %add3A_283 : i32
    %run_scoped3A_285 = arith.constant 0 : i32
    "tpu.region"() ({
      %run_scoped3A_286 = tpu.sem_alloc : memref<!tpu.dma_semaphore, #tpu.memory_space<semaphore_mem>>
      %dma_start3A_287 = arith.constant 0 : i32
      %dma_start3A_288 = arith.constant 0 : i32
      %dma_start3A_289 = tpu.memref_slice %arg8[%run_scoped3A_285, %dma_start3A_287, %dma_start3A_288] : memref<2x128x128xf32, #tpu.memory_space<vmem>> -> memref<1x128x128xf32, #tpu.memory_space<vmem>>
      %dma_start3A_290 = tpu.memref_squeeze %dma_start3A_289 : memref<1x128x128xf32, #tpu.memory_space<vmem>> -> memref<128x128xf32, #tpu.memory_space<vmem>>
      %dma_start3A_291 = arith.constant 0 : i32
      %dma_start3A_292 = tpu.memref_slice %arg5[%arg0, %add3A_284, %dma_start3A_291] : memref<2x10240x128xf32, #tpu.memory_space<hbm>> -> memref<1x128x128xf32, #tpu.memory_space<hbm>>
      %dma_start3A_293 = tpu.memref_squeeze %dma_start3A_292 : memref<1x128x128xf32, #tpu.memory_space<hbm>> -> memref<128x128xf32, #tpu.memory_space<hbm>>
      %dma_start3A_294 = arith.constant 0 : i32
      %dma_start3A_295 = tpu.memref_slice %arg5[%arg0, %add3A_284, %dma_start3A_294] : memref<2x10240x128xf32, #tpu.memory_space<hbm>> -> memref<1x128x128xf32, #tpu.memory_space<hbm>>
      %dma_start3A_296 = tpu.memref_squeeze %dma_start3A_295 : memref<1x128x128xf32, #tpu.memory_space<hbm>> -> memref<128x128xf32, #tpu.memory_space<hbm>>
      %dma_start3A_297 = arith.constant 0 : i32
      %dma_start3A_298 = arith.constant 0 : i32
      %dma_start3A_299 = tpu.memref_slice %arg8[%run_scoped3A_285, %dma_start3A_297, %dma_start3A_298] : memref<2x128x128xf32, #tpu.memory_space<vmem>> -> memref<1x128x128xf32, #tpu.memory_space<vmem>>
      %dma_start3A_300 = tpu.memref_squeeze %dma_start3A_299 : memref<1x128x128xf32, #tpu.memory_space<vmem>> -> memref<128x128xf32, #tpu.memory_space<vmem>>
      tpu.enqueue_dma source(%dma_start3A_300 : memref<128x128xf32, #tpu.memory_space<vmem>>) target(%dma_start3A_296 : memref<128x128xf32, #tpu.memory_space<hbm>>) target_semaphore(%run_scoped3A_286 : memref<!tpu.dma_semaphore, #tpu.memory_space<semaphore_mem>>)
      %dma_wait3A_301 = arith.constant 0 : i32
      %dma_wait3A_302 = arith.constant 0 : i32
      %dma_wait3A_303 = tpu.memref_slice %arg8[%run_scoped3A_285, %dma_wait3A_301, %dma_wait3A_302] : memref<2x128x128xf32, #tpu.memory_space<vmem>> -> memref<1x128x128xf32, #tpu.memory_space<vmem>>
      %dma_wait3A_304 = tpu.memref_squeeze %dma_wait3A_303 : memref<1x128x128xf32, #tpu.memory_space<vmem>> -> memref<128x128xf32, #tpu.memory_space<vmem>>
      %dma_wait3A_305 = arith.constant 0 : i32
      %dma_wait3A_306 = tpu.memref_slice %arg5[%arg0, %add3A_284, %dma_wait3A_305] : memref<2x10240x128xf32, #tpu.memory_space<hbm>> -> memref<1x128x128xf32, #tpu.memory_space<hbm>>
      %dma_wait3A_307 = tpu.memref_squeeze %dma_wait3A_306 : memref<1x128x128xf32, #tpu.memory_space<hbm>> -> memref<128x128xf32, #tpu.memory_space<hbm>>
      %dma_wait3A_308 = arith.constant 0 : i32
      %dma_wait3A_309 = tpu.memref_slice %arg5[%arg0, %add3A_284, %dma_wait3A_308] : memref<2x10240x128xf32, #tpu.memory_space<hbm>> -> memref<1x128x128xf32, #tpu.memory_space<hbm>>
      %dma_wait3A_310 = tpu.memref_squeeze %dma_wait3A_309 : memref<1x128x128xf32, #tpu.memory_space<hbm>> -> memref<128x128xf32, #tpu.memory_space<hbm>>
      %dma_wait3A_311 = arith.constant 0 : i32
      %dma_wait3A_312 = arith.constant 0 : i32
      %dma_wait3A_313 = tpu.memref_slice %arg8[%run_scoped3A_285, %dma_wait3A_311, %dma_wait3A_312] : memref<2x128x128xf32, #tpu.memory_space<vmem>> -> memref<1x128x128xf32, #tpu.memory_space<vmem>>
      %dma_wait3A_314 = tpu.memref_squeeze %dma_wait3A_313 : memref<1x128x128xf32, #tpu.memory_space<vmem>> -> memref<128x128xf32, #tpu.memory_space<vmem>>
      tpu.wait_dma2 semaphore(%run_scoped3A_286 : memref<!tpu.dma_semaphore, #tpu.memory_space<semaphore_mem>>) src(%dma_wait3A_314 : memref<128x128xf32, #tpu.memory_space<vmem>>) dst(%dma_wait3A_310 : memref<128x128xf32, #tpu.memory_space<hbm>>)
      tpu.yield
    }) : () -> ()
    return
  }
}

#map = affine_map<(d0, d1) -> (0, 0, 0, 0)>
#map1 = affine_map<(d0, d1) -> (0, 0, 0)>
module attributes {stable_mosaic.version = 14 : i64} {
  func.func @deg_count(%arg0: i32, %arg1: i32, %arg2: memref<2x16x80x128xi32, #tpu.memory_space<hbm>>, %arg3: memref<2x16x10240xf32, #tpu.memory_space<hbm>>, %arg4: memref<80x128xi32, #tpu.memory_space<vmem>>, %arg5: memref<10240xf32, #tpu.memory_space<vmem>>) attributes {dimension_semantics = [#tpu.dimension_semantics<core_parallel>, #tpu.dimension_semantics<subcore_parallel>], iteration_bounds = array<i64: 2, 16>, scalar_prefetch = 0 : i64, scratch_operands = 2 : i64, tpu.core_type = #tpu.core_type<sc_vector_subcore>, window_params = [{transform_indices = #map}, {transform_indices = #map1}]} {
    "tpu.region"() ({
      %run_scoped3A = tpu.sem_alloc : memref<!tpu.dma_semaphore, #tpu.memory_space<semaphore_mem>>
      %dma_start3A = arith.constant 0 : i32
      %dma_start3A_14 = arith.constant 0 : i32
      %dma_start3A_15 = tpu.memref_slice %arg2[%arg0, %arg1, %dma_start3A, %dma_start3A_14] : memref<2x16x80x128xi32, #tpu.memory_space<hbm>> -> memref<1x1x80x128xi32, #tpu.memory_space<hbm>>
      %dma_start3A_16 = tpu.memref_squeeze %dma_start3A_15 : memref<1x1x80x128xi32, #tpu.memory_space<hbm>> -> memref<80x128xi32, #tpu.memory_space<hbm>>
      %dma_start3A_17 = arith.constant 0 : i32
      %dma_start3A_18 = arith.constant 0 : i32
      %dma_start3A_19 = tpu.memref_slice %arg2[%arg0, %arg1, %dma_start3A_17, %dma_start3A_18] : memref<2x16x80x128xi32, #tpu.memory_space<hbm>> -> memref<1x1x80x128xi32, #tpu.memory_space<hbm>>
      %dma_start3A_20 = tpu.memref_squeeze %dma_start3A_19 : memref<1x1x80x128xi32, #tpu.memory_space<hbm>> -> memref<80x128xi32, #tpu.memory_space<hbm>>
      tpu.enqueue_dma source(%dma_start3A_20 : memref<80x128xi32, #tpu.memory_space<hbm>>) target(%arg4 : memref<80x128xi32, #tpu.memory_space<vmem>>) target_semaphore(%run_scoped3A : memref<!tpu.dma_semaphore, #tpu.memory_space<semaphore_mem>>)
      %dma_wait3A = arith.constant 0 : i32
      %dma_wait3A_21 = arith.constant 0 : i32
      %dma_wait3A_22 = tpu.memref_slice %arg2[%arg0, %arg1, %dma_wait3A, %dma_wait3A_21] : memref<2x16x80x128xi32, #tpu.memory_space<hbm>> -> memref<1x1x80x128xi32, #tpu.memory_space<hbm>>
      %dma_wait3A_23 = tpu.memref_squeeze %dma_wait3A_22 : memref<1x1x80x128xi32, #tpu.memory_space<hbm>> -> memref<80x128xi32, #tpu.memory_space<hbm>>
      %dma_wait3A_24 = arith.constant 0 : i32
      %dma_wait3A_25 = arith.constant 0 : i32
      %dma_wait3A_26 = tpu.memref_slice %arg2[%arg0, %arg1, %dma_wait3A_24, %dma_wait3A_25] : memref<2x16x80x128xi32, #tpu.memory_space<hbm>> -> memref<1x1x80x128xi32, #tpu.memory_space<hbm>>
      %dma_wait3A_27 = tpu.memref_squeeze %dma_wait3A_26 : memref<1x1x80x128xi32, #tpu.memory_space<hbm>> -> memref<80x128xi32, #tpu.memory_space<hbm>>
      tpu.wait_dma2 semaphore(%run_scoped3A : memref<!tpu.dma_semaphore, #tpu.memory_space<semaphore_mem>>) src(%dma_wait3A_27 : memref<80x128xi32, #tpu.memory_space<hbm>>) dst(%arg4 : memref<80x128xi32, #tpu.memory_space<vmem>>)
      tpu.yield
    }) : () -> ()
    %broadcast_in_dim3A = arith.constant 0.000000e+00 : f32
    %broadcast_in_dim3A_0 = vector.broadcast %broadcast_in_dim3A : f32 to vector<16xf32>
    %scan3A = arith.constant 0 : i32
    %scan3A_1 = arith.constant 0 : i32
    %scan3A_2 = arith.constant 640 : i32
    %scan3A_3 = arith.addi %scan3A_1, %scan3A_2 : i32
    %scan3A_4 = arith.constant 1 : i32
    scf.for %scan3A_14 = %scan3A_1 to %scan3A_3 step %scan3A_4  : i32 {
      %mul3A = arith.constant 16 : i32
      %mul3A_15 = arith.muli %scan3A_14, %mul3A : i32
      %swap3A = arith.index_cast %mul3A_15 : i32 to index
      %swap3A_16 = tpu.vector_load %arg5[%swap3A] {strides = array<i32>} : memref<10240xf32, #tpu.memory_space<vmem>>, vector<16xf32>,
      tpu.vector_store %arg5[%swap3A], %broadcast_in_dim3A_0 {strides = array<i32>} : memref<10240xf32, #tpu.memory_space<vmem>>, vector<16xf32>,
    }
    %scan3A_5 = arith.constant 640 : i32
    %broadcast_in_dim3A_6 = arith.constant 1.000000e+00 : f32
    %broadcast_in_dim3A_7 = vector.broadcast %broadcast_in_dim3A_6 : f32 to vector<16xf32>
    %scan3A_8 = arith.constant 0 : i32
    %scan3A_9 = arith.constant 0 : i32
    %scan3A_10 = arith.constant 80 : i32
    %scan3A_11 = arith.addi %scan3A_9, %scan3A_10 : i32
    %scan3A_12 = arith.constant 1 : i32
    scf.for %scan3A_14 = %scan3A_9 to %scan3A_11 step %scan3A_12  : i32 {
      %get3A = arith.index_cast %scan3A_14 : i32 to index
      %get3A_15 = arith.constant 0 : index
      %get3A_16 = tpu.vector_load %arg4[%get3A, %get3A_15] {strides = array<i32>} : memref<80x128xi32, #tpu.memory_space<vmem>>, vector<16xi32>,
      tpu.vector_store_idx %arg5[%get3A_16], %broadcast_in_dim3A_7 {add = true} : memref<10240xf32, #tpu.memory_space<vmem>>[vector<16xi32>], vector<16xf32>,
      %get3A_17 = arith.index_cast %scan3A_14 : i32 to index
      %get3A_18 = arith.constant 16 : index
      %get3A_19 = tpu.vector_load %arg4[%get3A_17, %get3A_18] {strides = array<i32>} : memref<80x128xi32, #tpu.memory_space<vmem>>, vector<16xi32>,
      tpu.vector_store_idx %arg5[%get3A_19], %broadcast_in_dim3A_7 {add = true} : memref<10240xf32, #tpu.memory_space<vmem>>[vector<16xi32>], vector<16xf32>,
      %get3A_20 = arith.index_cast %scan3A_14 : i32 to index
      %get3A_21 = arith.constant 32 : index
      %get3A_22 = tpu.vector_load %arg4[%get3A_20, %get3A_21] {strides = array<i32>} : memref<80x128xi32, #tpu.memory_space<vmem>>, vector<16xi32>,
      tpu.vector_store_idx %arg5[%get3A_22], %broadcast_in_dim3A_7 {add = true} : memref<10240xf32, #tpu.memory_space<vmem>>[vector<16xi32>], vector<16xf32>,
      %get3A_23 = arith.index_cast %scan3A_14 : i32 to index
      %get3A_24 = arith.constant 48 : index
      %get3A_25 = tpu.vector_load %arg4[%get3A_23, %get3A_24] {strides = array<i32>} : memref<80x128xi32, #tpu.memory_space<vmem>>, vector<16xi32>,
      tpu.vector_store_idx %arg5[%get3A_25], %broadcast_in_dim3A_7 {add = true} : memref<10240xf32, #tpu.memory_space<vmem>>[vector<16xi32>], vector<16xf32>,
      %get3A_26 = arith.index_cast %scan3A_14 : i32 to index
      %get3A_27 = arith.constant 64 : index
      %get3A_28 = tpu.vector_load %arg4[%get3A_26, %get3A_27] {strides = array<i32>} : memref<80x128xi32, #tpu.memory_space<vmem>>, vector<16xi32>,
      tpu.vector_store_idx %arg5[%get3A_28], %broadcast_in_dim3A_7 {add = true} : memref<10240xf32, #tpu.memory_space<vmem>>[vector<16xi32>], vector<16xf32>,
      %get3A_29 = arith.index_cast %scan3A_14 : i32 to index
      %get3A_30 = arith.constant 80 : index
      %get3A_31 = tpu.vector_load %arg4[%get3A_29, %get3A_30] {strides = array<i32>} : memref<80x128xi32, #tpu.memory_space<vmem>>, vector<16xi32>,
      tpu.vector_store_idx %arg5[%get3A_31], %broadcast_in_dim3A_7 {add = true} : memref<10240xf32, #tpu.memory_space<vmem>>[vector<16xi32>], vector<16xf32>,
      %get3A_32 = arith.index_cast %scan3A_14 : i32 to index
      %get3A_33 = arith.constant 96 : index
      %get3A_34 = tpu.vector_load %arg4[%get3A_32, %get3A_33] {strides = array<i32>} : memref<80x128xi32, #tpu.memory_space<vmem>>, vector<16xi32>,
      tpu.vector_store_idx %arg5[%get3A_34], %broadcast_in_dim3A_7 {add = true} : memref<10240xf32, #tpu.memory_space<vmem>>[vector<16xi32>], vector<16xf32>,
      %get3A_35 = arith.index_cast %scan3A_14 : i32 to index
      %get3A_36 = arith.constant 112 : index
      %get3A_37 = tpu.vector_load %arg4[%get3A_35, %get3A_36] {strides = array<i32>} : memref<80x128xi32, #tpu.memory_space<vmem>>, vector<16xi32>,
      tpu.vector_store_idx %arg5[%get3A_37], %broadcast_in_dim3A_7 {add = true} : memref<10240xf32, #tpu.memory_space<vmem>>[vector<16xi32>], vector<16xf32>,
    }
    %scan3A_13 = arith.constant 80 : i32
    "tpu.region"() ({
      %run_scoped3A = tpu.sem_alloc : memref<!tpu.dma_semaphore, #tpu.memory_space<semaphore_mem>>
      %dma_start3A = arith.constant 0 : i32
      %dma_start3A_14 = tpu.memref_slice %arg3[%arg0, %arg1, %dma_start3A] : memref<2x16x10240xf32, #tpu.memory_space<hbm>> -> memref<1x1x10240xf32, #tpu.memory_space<hbm>>
      %dma_start3A_15 = tpu.memref_squeeze %dma_start3A_14 : memref<1x1x10240xf32, #tpu.memory_space<hbm>> -> memref<10240xf32, #tpu.memory_space<hbm>>
      %dma_start3A_16 = arith.constant 0 : i32
      %dma_start3A_17 = tpu.memref_slice %arg3[%arg0, %arg1, %dma_start3A_16] : memref<2x16x10240xf32, #tpu.memory_space<hbm>> -> memref<1x1x10240xf32, #tpu.memory_space<hbm>>
      %dma_start3A_18 = tpu.memref_squeeze %dma_start3A_17 : memref<1x1x10240xf32, #tpu.memory_space<hbm>> -> memref<10240xf32, #tpu.memory_space<hbm>>
      tpu.enqueue_dma source(%arg5 : memref<10240xf32, #tpu.memory_space<vmem>>) target(%dma_start3A_18 : memref<10240xf32, #tpu.memory_space<hbm>>) target_semaphore(%run_scoped3A : memref<!tpu.dma_semaphore, #tpu.memory_space<semaphore_mem>>)
      %dma_wait3A = arith.constant 0 : i32
      %dma_wait3A_19 = tpu.memref_slice %arg3[%arg0, %arg1, %dma_wait3A] : memref<2x16x10240xf32, #tpu.memory_space<hbm>> -> memref<1x1x10240xf32, #tpu.memory_space<hbm>>
      %dma_wait3A_20 = tpu.memref_squeeze %dma_wait3A_19 : memref<1x1x10240xf32, #tpu.memory_space<hbm>> -> memref<10240xf32, #tpu.memory_space<hbm>>
      %dma_wait3A_21 = arith.constant 0 : i32
      %dma_wait3A_22 = tpu.memref_slice %arg3[%arg0, %arg1, %dma_wait3A_21] : memref<2x16x10240xf32, #tpu.memory_space<hbm>> -> memref<1x1x10240xf32, #tpu.memory_space<hbm>>
      %dma_wait3A_23 = tpu.memref_squeeze %dma_wait3A_22 : memref<1x1x10240xf32, #tpu.memory_space<hbm>> -> memref<10240xf32, #tpu.memory_space<hbm>>
      tpu.wait_dma2 semaphore(%run_scoped3A : memref<!tpu.dma_semaphore, #tpu.memory_space<semaphore_mem>>) src(%arg5 : memref<10240xf32, #tpu.memory_space<vmem>>) dst(%dma_wait3A_23 : memref<10240xf32, #tpu.memory_space<hbm>>)
      tpu.yield
    }) : () -> ()
    return
  }
}

module attributes {stable_mosaic.version = 14 : i64} {
  func.func @_pre_body(%arg0: i32, %arg1: memref<1024x128xf32, #tpu.memory_space<vmem>>, %arg2: memref<128x128xf32, #tpu.memory_space<vmem>>, %arg3: memref<128x128xf32, #tpu.memory_space<vmem>>, %arg4: memref<1x128xf32, #tpu.memory_space<vmem>>, %arg5: memref<1024x128xf32, #tpu.memory_space<vmem>>, %arg6: memref<1024x128xf32, #tpu.memory_space<vmem>>) attributes {dimension_semantics = [#tpu.dimension_semantics<arbitrary>], iteration_bounds = array<i64: 10>, scalar_prefetch = 0 : i64, scratch_operands = 0 : i64, tpu.core_type = #tpu.core_type<tc>, window_params = [{transform_indices = @transform_0, window_bounds = array<i64: 1024, 128>}, {pipeline_mode = #tpu.pipeline_mode<synchronous>, transform_indices = @transform_1, window_bounds = array<i64: 128, 128>}, {pipeline_mode = #tpu.pipeline_mode<synchronous>, transform_indices = @transform_2, window_bounds = array<i64: 128, 128>}, {pipeline_mode = #tpu.pipeline_mode<synchronous>, transform_indices = @transform_3, window_bounds = array<i64: 1, 128>}, {transform_indices = @transform_4, window_bounds = array<i64: 1024, 128>}, {transform_indices = @transform_5, window_bounds = array<i64: 1024, 128>}]} {
    %get3A = arith.constant 0 : index
    %get3A_0 = arith.constant 0 : index
    %get3A_1 = vector.load %arg1[%get3A, %get3A_0] : memref<1024x128xf32, #tpu.memory_space<vmem>>, vector<1024x128xf32>
    %get3A_2 = arith.constant 0 : index
    %get3A_3 = arith.constant 0 : index
    %get3A_4 = vector.load %arg2[%get3A_2, %get3A_3] : memref<128x128xf32, #tpu.memory_space<vmem>>, vector<128x128xf32>
    %dot_general3A = arith.constant dense<0.000000e+00> : vector<1024x128xf32>
    %dot_general3A_5 = tpu.matmul %get3A_1, %get3A_4, %dot_general3A {dimension_numbers = #tpu.dot_dimension_numbers<[1], [0], [0], [1], [0, 0, 1, 1], [], []>, transpose_lhs_hint = false} : vector<1024x128xf32>, vector<128x128xf32>, vector<1024x128xf32> -> vector<1024x128xf32>
    %swap3A = arith.constant 0 : index
    %swap3A_6 = arith.constant 0 : index
    %swap3A_7 = vector.load %arg5[%swap3A, %swap3A_6] : memref<1024x128xf32, #tpu.memory_space<vmem>>, vector<1024x128xf32>
    tpu.vector_store %arg5[%swap3A, %swap3A_6], %dot_general3A_5 {strides = array<i32>} : memref<1024x128xf32, #tpu.memory_space<vmem>>, vector<1024x128xf32>,
    %get3A_8 = arith.constant 0 : index
    %get3A_9 = arith.constant 0 : index
    %get3A_10 = vector.load %arg3[%get3A_8, %get3A_9] : memref<128x128xf32, #tpu.memory_space<vmem>>, vector<128x128xf32>
    %dot_general3A_11 = arith.constant dense<0.000000e+00> : vector<1024x128xf32>
    %dot_general3A_12 = tpu.matmul %get3A_1, %get3A_10, %dot_general3A_11 {dimension_numbers = #tpu.dot_dimension_numbers<[1], [0], [0], [1], [0, 0, 1, 1], [], []>, transpose_lhs_hint = false} : vector<1024x128xf32>, vector<128x128xf32>, vector<1024x128xf32> -> vector<1024x128xf32>
    %get3A_13 = arith.constant 0 : index
    %get3A_14 = arith.constant 0 : index
    %get3A_15 = vector.load %arg4[%get3A_13, %get3A_14] : memref<1x128xf32, #tpu.memory_space<vmem>>, vector<1x128xf32>
    %add3A = vector.broadcast %get3A_15 : vector<1x128xf32> to vector<1024x128xf32>
    %add3A_16 = arith.addf %dot_general3A_12, %add3A : vector<1024x128xf32>
    %swap3A_17 = arith.constant 0 : index
    %swap3A_18 = arith.constant 0 : index
    %swap3A_19 = vector.load %arg6[%swap3A_17, %swap3A_18] : memref<1024x128xf32, #tpu.memory_space<vmem>>, vector<1024x128xf32>
    tpu.vector_store %arg6[%swap3A_17, %swap3A_18], %add3A_16 {strides = array<i32>} : memref<1024x128xf32, #tpu.memory_space<vmem>>, vector<1024x128xf32>,
    return
  }
  func.func @transform_0(%arg0: i32) -> (i32, i32) {
    %c0_i32 = arith.constant 0 : i32
    %c0_i32_0 = arith.constant 0 : i32
    return %arg0, %c0_i32 : i32, i32
  }
  func.func @transform_1(%arg0: i32) -> (i32, i32) {
    %c0_i32 = arith.constant 0 : i32
    %c0_i32_0 = arith.constant 0 : i32
    %c0_i32_1 = arith.constant 0 : i32
    return %c0_i32, %c0_i32_0 : i32, i32
  }
  func.func @transform_2(%arg0: i32) -> (i32, i32) {
    %c0_i32 = arith.constant 0 : i32
    %c0_i32_0 = arith.constant 0 : i32
    %c0_i32_1 = arith.constant 0 : i32
    return %c0_i32, %c0_i32_0 : i32, i32
  }
  func.func @transform_3(%arg0: i32) -> (i32, i32) {
    %c0_i32 = arith.constant 0 : i32
    %c0_i32_0 = arith.constant 0 : i32
    %c0_i32_1 = arith.constant 0 : i32
    return %c0_i32, %c0_i32_0 : i32, i32
  }
  func.func @transform_4(%arg0: i32) -> (i32, i32) {
    %c0_i32 = arith.constant 0 : i32
    %c0_i32_0 = arith.constant 0 : i32
    return %arg0, %c0_i32 : i32, i32
  }
  func.func @transform_5(%arg0: i32) -> (i32, i32) {
    %c0_i32 = arith.constant 0 : i32
    %c0_i32_0 = arith.constant 0 : i32
    return %arg0, %c0_i32 : i32, i32
  }
}

module attributes {stable_mosaic.version = 14 : i64} {
  func.func @_mid_body(%arg0: i32, %arg1: memref<2x1024x128xf32, #tpu.memory_space<vmem>>, %arg2: memref<32x1024xf32, #tpu.memory_space<vmem>>, %arg3: memref<1024x128xf32, #tpu.memory_space<vmem>>, %arg4: memref<128x128xf32, #tpu.memory_space<vmem>>, %arg5: memref<128x128xf32, #tpu.memory_space<vmem>>, %arg6: memref<1x128xf32, #tpu.memory_space<vmem>>, %arg7: memref<1024x128xf32, #tpu.memory_space<vmem>>, %arg8: memref<1024x128xf32, #tpu.memory_space<vmem>>) attributes {dimension_semantics = [#tpu.dimension_semantics<arbitrary>], iteration_bounds = array<i64: 10>, scalar_prefetch = 0 : i64, scratch_operands = 0 : i64, tpu.core_type = #tpu.core_type<tc>, window_params = [{transform_indices = @transform_0, window_bounds = array<i64: 2, 1024, 128>}, {transform_indices = @transform_1, window_bounds = array<i64: 32, 1024>}, {transform_indices = @transform_2, window_bounds = array<i64: 1024, 128>}, {pipeline_mode = #tpu.pipeline_mode<synchronous>, transform_indices = @transform_3, window_bounds = array<i64: 128, 128>}, {pipeline_mode = #tpu.pipeline_mode<synchronous>, transform_indices = @transform_4, window_bounds = array<i64: 128, 128>}, {pipeline_mode = #tpu.pipeline_mode<synchronous>, transform_indices = @transform_5, window_bounds = array<i64: 1, 128>}, {transform_indices = @transform_6, window_bounds = array<i64: 1024, 128>}, {transform_indices = @transform_7, window_bounds = array<i64: 1024, 128>}]} {
    %get3A = arith.constant 0 : index
    %get3A_0 = arith.constant 0 : index
    %get3A_1 = arith.constant 0 : index
    %get3A_2 = vector.load %arg1[%get3A, %get3A_0, %get3A_1] : memref<2x1024x128xf32, #tpu.memory_space<vmem>>, vector<1x1024x128xf32>
    %get3A_3 = vector.shape_cast %get3A_2 : vector<1x1024x128xf32> to vector<1024x128xf32>
    %get3A_4 = arith.constant 1 : index
    %get3A_5 = arith.constant 0 : index
    %get3A_6 = arith.constant 0 : index
    %get3A_7 = vector.load %arg1[%get3A_4, %get3A_5, %get3A_6] : memref<2x1024x128xf32, #tpu.memory_space<vmem>>, vector<1x1024x128xf32>
    %get3A_8 = vector.shape_cast %get3A_7 : vector<1x1024x128xf32> to vector<1024x128xf32>
    %add3A = arith.addf %get3A_3, %get3A_8 : vector<1024x128xf32>
    %get3A_9 = arith.constant 0 : index
    %get3A_10 = arith.constant 0 : index
    %get3A_11 = vector.load %arg2[%get3A_9, %get3A_10] : memref<32x1024xf32, #tpu.memory_space<vmem>>, vector<32x1024xf32>
    %reduce_sum3A = arith.constant dense<0.000000e+00> : vector<1024xf32>
    %reduce_sum3A_12 = vector.multi_reduction <add>, %get3A_11, %reduce_sum3A [0] : vector<32x1024xf32> to vector<1024xf32>
    %broadcast_in_dim3A = vector.shape_cast %reduce_sum3A_12 : vector<1024xf32> to vector<1024x1xf32>
    %max3A = arith.constant 1.000000e+00 : f32
    %max3A_13 = vector.broadcast %max3A : f32 to vector<1024x1xf32>
    %max3A_14 = arith.maximumf %broadcast_in_dim3A, %max3A_13 : vector<1024x1xf32>
    %div3A = vector.broadcast %max3A_14 : vector<1024x1xf32> to vector<1024x128xf32>
    %div3A_15 = arith.divf %add3A, %div3A : vector<1024x128xf32>
    %get3A_16 = arith.constant 0 : index
    %get3A_17 = arith.constant 0 : index
    %get3A_18 = vector.load %arg3[%get3A_16, %get3A_17] : memref<1024x128xf32, #tpu.memory_space<vmem>>, vector<1024x128xf32>
    %add3A_19 = arith.addf %div3A_15, %get3A_18 : vector<1024x128xf32>
    %max3A_20 = arith.constant 0.000000e+00 : f32
    %max3A_21 = vector.broadcast %max3A_20 : f32 to vector<1024x128xf32>
    %max3A_22 = arith.maximumf %add3A_19, %max3A_21 : vector<1024x128xf32>
    %get3A_23 = arith.constant 0 : index
    %get3A_24 = arith.constant 0 : index
    %get3A_25 = vector.load %arg4[%get3A_23, %get3A_24] : memref<128x128xf32, #tpu.memory_space<vmem>>, vector<128x128xf32>
    %dot_general3A = arith.constant dense<0.000000e+00> : vector<1024x128xf32>
    %dot_general3A_26 = tpu.matmul %max3A_22, %get3A_25, %dot_general3A {dimension_numbers = #tpu.dot_dimension_numbers<[1], [0], [0], [1], [0, 0, 1, 1], [], []>, transpose_lhs_hint = false} : vector<1024x128xf32>, vector<128x128xf32>, vector<1024x128xf32> -> vector<1024x128xf32>
    %swap3A = arith.constant 0 : index
    %swap3A_27 = arith.constant 0 : index
    %swap3A_28 = vector.load %arg7[%swap3A, %swap3A_27] : memref<1024x128xf32, #tpu.memory_space<vmem>>, vector<1024x128xf32>
    tpu.vector_store %arg7[%swap3A, %swap3A_27], %dot_general3A_26 {strides = array<i32>} : memref<1024x128xf32, #tpu.memory_space<vmem>>, vector<1024x128xf32>,
    %get3A_29 = arith.constant 0 : index
    %get3A_30 = arith.constant 0 : index
    %get3A_31 = vector.load %arg5[%get3A_29, %get3A_30] : memref<128x128xf32, #tpu.memory_space<vmem>>, vector<128x128xf32>
    %dot_general3A_32 = arith.constant dense<0.000000e+00> : vector<1024x128xf32>
    %dot_general3A_33 = tpu.matmul %max3A_22, %get3A_31, %dot_general3A_32 {dimension_numbers = #tpu.dot_dimension_numbers<[1], [0], [0], [1], [0, 0, 1, 1], [], []>, transpose_lhs_hint = false} : vector<1024x128xf32>, vector<128x128xf32>, vector<1024x128xf32> -> vector<1024x128xf32>
    %get3A_34 = arith.constant 0 : index
    %get3A_35 = arith.constant 0 : index
    %get3A_36 = vector.load %arg6[%get3A_34, %get3A_35] : memref<1x128xf32, #tpu.memory_space<vmem>>, vector<1x128xf32>
    %add3A_37 = vector.broadcast %get3A_36 : vector<1x128xf32> to vector<1024x128xf32>
    %add3A_38 = arith.addf %dot_general3A_33, %add3A_37 : vector<1024x128xf32>
    %swap3A_39 = arith.constant 0 : index
    %swap3A_40 = arith.constant 0 : index
    %swap3A_41 = vector.load %arg8[%swap3A_39, %swap3A_40] : memref<1024x128xf32, #tpu.memory_space<vmem>>, vector<1024x128xf32>
    tpu.vector_store %arg8[%swap3A_39, %swap3A_40], %add3A_38 {strides = array<i32>} : memref<1024x128xf32, #tpu.memory_space<vmem>>, vector<1024x128xf32>,
    return
  }
  func.func @transform_0(%arg0: i32) -> (i32, i32, i32) {
    %c0_i32 = arith.constant 0 : i32
    %c0_i32_0 = arith.constant 0 : i32
    %c0_i32_1 = arith.constant 0 : i32
    return %c0_i32, %arg0, %c0_i32_0 : i32, i32, i32
  }
  func.func @transform_1(%arg0: i32) -> (i32, i32) {
    %c0_i32 = arith.constant 0 : i32
    %c0_i32_0 = arith.constant 0 : i32
    return %c0_i32, %arg0 : i32, i32
  }
  func.func @transform_2(%arg0: i32) -> (i32, i32) {
    %c0_i32 = arith.constant 0 : i32
    %c0_i32_0 = arith.constant 0 : i32
    return %arg0, %c0_i32 : i32, i32
  }
  func.func @transform_3(%arg0: i32) -> (i32, i32) {
    %c0_i32 = arith.constant 0 : i32
    %c0_i32_0 = arith.constant 0 : i32
    %c0_i32_1 = arith.constant 0 : i32
    return %c0_i32, %c0_i32_0 : i32, i32
  }
  func.func @transform_4(%arg0: i32) -> (i32, i32) {
    %c0_i32 = arith.constant 0 : i32
    %c0_i32_0 = arith.constant 0 : i32
    %c0_i32_1 = arith.constant 0 : i32
    return %c0_i32, %c0_i32_0 : i32, i32
  }
  func.func @transform_5(%arg0: i32) -> (i32, i32) {
    %c0_i32 = arith.constant 0 : i32
    %c0_i32_0 = arith.constant 0 : i32
    %c0_i32_1 = arith.constant 0 : i32
    return %c0_i32, %c0_i32_0 : i32, i32
  }
  func.func @transform_6(%arg0: i32) -> (i32, i32) {
    %c0_i32 = arith.constant 0 : i32
    %c0_i32_0 = arith.constant 0 : i32
    return %arg0, %c0_i32 : i32, i32
  }
  func.func @transform_7(%arg0: i32) -> (i32, i32) {
    %c0_i32 = arith.constant 0 : i32
    %c0_i32_0 = arith.constant 0 : i32
    return %arg0, %c0_i32 : i32, i32
  }
}

module attributes {stable_mosaic.version = 14 : i64} {
  func.func @_fin_body(%arg0: i32, %arg1: memref<2x1024x128xf32, #tpu.memory_space<vmem>>, %arg2: memref<32x1024xf32, #tpu.memory_space<vmem>>, %arg3: memref<1024x128xf32, #tpu.memory_space<vmem>>, %arg4: memref<1024x128xf32, #tpu.memory_space<vmem>>) attributes {dimension_semantics = [#tpu.dimension_semantics<arbitrary>], iteration_bounds = array<i64: 10>, scalar_prefetch = 0 : i64, scratch_operands = 0 : i64, tpu.core_type = #tpu.core_type<tc>, window_params = [{transform_indices = @transform_0, window_bounds = array<i64: 2, 1024, 128>}, {transform_indices = @transform_1, window_bounds = array<i64: 32, 1024>}, {transform_indices = @transform_2, window_bounds = array<i64: 1024, 128>}, {transform_indices = @transform_3, window_bounds = array<i64: 1024, 128>}]} {
    %get3A = arith.constant 0 : index
    %get3A_0 = arith.constant 0 : index
    %get3A_1 = arith.constant 0 : index
    %get3A_2 = vector.load %arg1[%get3A, %get3A_0, %get3A_1] : memref<2x1024x128xf32, #tpu.memory_space<vmem>>, vector<1x1024x128xf32>
    %get3A_3 = vector.shape_cast %get3A_2 : vector<1x1024x128xf32> to vector<1024x128xf32>
    %get3A_4 = arith.constant 1 : index
    %get3A_5 = arith.constant 0 : index
    %get3A_6 = arith.constant 0 : index
    %get3A_7 = vector.load %arg1[%get3A_4, %get3A_5, %get3A_6] : memref<2x1024x128xf32, #tpu.memory_space<vmem>>, vector<1x1024x128xf32>
    %get3A_8 = vector.shape_cast %get3A_7 : vector<1x1024x128xf32> to vector<1024x128xf32>
    %add3A = arith.addf %get3A_3, %get3A_8 : vector<1024x128xf32>
    %get3A_9 = arith.constant 0 : index
    %get3A_10 = arith.constant 0 : index
    %get3A_11 = vector.load %arg2[%get3A_9, %get3A_10] : memref<32x1024xf32, #tpu.memory_space<vmem>>, vector<32x1024xf32>
    %reduce_sum3A = arith.constant dense<0.000000e+00> : vector<1024xf32>
    %reduce_sum3A_12 = vector.multi_reduction <add>, %get3A_11, %reduce_sum3A [0] : vector<32x1024xf32> to vector<1024xf32>
    %broadcast_in_dim3A = vector.shape_cast %reduce_sum3A_12 : vector<1024xf32> to vector<1024x1xf32>
    %max3A = arith.constant 1.000000e+00 : f32
    %max3A_13 = vector.broadcast %max3A : f32 to vector<1024x1xf32>
    %max3A_14 = arith.maximumf %broadcast_in_dim3A, %max3A_13 : vector<1024x1xf32>
    %div3A = vector.broadcast %max3A_14 : vector<1024x1xf32> to vector<1024x128xf32>
    %div3A_15 = arith.divf %add3A, %div3A : vector<1024x128xf32>
    %get3A_16 = arith.constant 0 : index
    %get3A_17 = arith.constant 0 : index
    %get3A_18 = vector.load %arg3[%get3A_16, %get3A_17] : memref<1024x128xf32, #tpu.memory_space<vmem>>, vector<1024x128xf32>
    %add3A_19 = arith.addf %div3A_15, %get3A_18 : vector<1024x128xf32>
    %logistic3A = arith.negf %add3A_19 : vector<1024x128xf32>
    %logistic3A_20 = math.exp %logistic3A : vector<1024x128xf32>
    %logistic3A_21 = arith.constant 1.000000e+00 : f32
    %logistic3A_22 = vector.broadcast %logistic3A_21 : f32 to vector<1024x128xf32>
    %logistic3A_23 = arith.addf %logistic3A_22, %logistic3A_20 : vector<1024x128xf32>
    %logistic3A_24 = arith.divf %logistic3A_22, %logistic3A_23 : vector<1024x128xf32>
    %swap3A = arith.constant 0 : index
    %swap3A_25 = arith.constant 0 : index
    %swap3A_26 = vector.load %arg4[%swap3A, %swap3A_25] : memref<1024x128xf32, #tpu.memory_space<vmem>>, vector<1024x128xf32>
    tpu.vector_store %arg4[%swap3A, %swap3A_25], %logistic3A_24 {strides = array<i32>} : memref<1024x128xf32, #tpu.memory_space<vmem>>, vector<1024x128xf32>,
    return
  }
  func.func @transform_0(%arg0: i32) -> (i32, i32, i32) {
    %c0_i32 = arith.constant 0 : i32
    %c0_i32_0 = arith.constant 0 : i32
    %c0_i32_1 = arith.constant 0 : i32
    return %c0_i32, %arg0, %c0_i32_0 : i32, i32, i32
  }
  func.func @transform_1(%arg0: i32) -> (i32, i32) {
    %c0_i32 = arith.constant 0 : i32
    %c0_i32_0 = arith.constant 0 : i32
    return %c0_i32, %arg0 : i32, i32
  }
  func.func @transform_2(%arg0: i32) -> (i32, i32) {
    %c0_i32 = arith.constant 0 : i32
    %c0_i32_0 = arith.constant 0 : i32
    return %arg0, %c0_i32 : i32, i32
  }
  func.func @transform_3(%arg0: i32) -> (i32, i32) {
    %c0_i32 = arith.constant 0 : i32
    %c0_i32_0 = arith.constant 0 : i32
    return %arg0, %c0_i32 : i32, i32
  }
}

</mosaic_0001>

<sc_bundles>
// kernel: deg_count.3.cloned.1.call-start
scs
__scs_entry_jumppad:
0x0: {  	(pc) =	sbr.rel $0x88, $3  }
0x1: {  	(tag) =	ssettag $0x0;
	lr =	simm.s32 $0x1  }
0x2: {  	[smem:$0x3F99] =	sst lr;
	_ =	strace $0xD0000000  }
0x3: {  	_ = 	snop  }
0x4: {  	_ = 	snop  }
0x5: {  	_ = 	snop  }
0x6: {  	_ = 	snop  }
0x7: {  	_ = 	snop  }
__scs_overlays_trampoline_lowered:
0x8: {  	[smem:$0x3FA8] =	sst s0  }
0x9: {  	[smem:$0x3FA9] =	sst s1  }
0xa: {  	[smem:$0x3FAA] =	sst s2  }
0xb: {  	[smem:$0x3FAB] =	sst s3  }
0xc: {  	[smem:$0x3FAC] =	sst s4  }
0xd: {  	[smem:$0x3FAD] =	sst s5  }
0xe: {  	[smem:$0x3FAE] =	sst s6  }
0xf: {  	[smem:$0x3FAF] =	sst s7  }
0x10: {  	[smem:$0x3FB0] =	sst s8  }
0x11: {  	[smem:$0x3FB1] =	sst s9;
	s0 =	simm.s32 @!p0 $0x0  }
0x12: {  	s1 =	sld [smem:$0x3F97];
	s0 =	simm.s32 @p0 $0x1  }
0x13: {  	[smem:$0x3FB2] =	sst s0;
	s0 =	simm.s32 @!p1 $0x0  }
0x14: {  	s2 =	sld [smem:$0x3F96];
	s0 =	simm.s32 @p1 $0x1  }
0x15: {  	[smem:$0x3FB3] =	sst s0;
	s0 =	simm.s32 @!p2 $0x0  }
0x16: {  	s3 =	sld [smem:$0x3FDB];
	s0 =	simm.s32 @p2 $0x1  }
0x17: {  	s4 =	simm.s32 $0x1BF5;
	[smem:$0x3FB5] =	sst s0  }
0x18: {  	s0 =	sld [smem:$0x3F98];
	_ =	swait.ge [sflag:s4], $0x0  }
0x19: {  	s7 =	sld [smem:$0x3F99]  }
0x1a: {  	s8 =	sadd.s32 $0xFFFFE003, lr  }
0x1b: {  	s9 =	sadd.s32 $0xFFFFFEF7, lr;
	s5 =	simm.s32 $0xFFFFFFFF;
	p2 =	slt.u32 s8, $0xFFFFF086  }
0x1c: {  	p1 =	slt.u32 s9, $0xF7A;
	s5 =	simm.s32 @!p2 $0x0  }
0x1d: {  	s5 =	simm.s32 @p1 $0x1;
	p0 =	seq.s32 s7, s2  }
0x1e: {  	s7 =	smul.u32 @!p0 $0xF7A, s2;
	p2 =	seq.s32 @!p0 s5, $0x0  }
0x1f: {  	s9 =	smul.u32 $0xF7A, s1;
	s8 =	simm.s32 @!p0 $0x1BF5;
	p2 =	por !p2, p0  }
0x20: {  	[sflag:s8] =	ssyncset.s32 @!p0 $0xFFFFF086;
	s6 =	sadd.s32 @!p0 s3, s7;
	s7 =	simm.s32 @!p0 $0x108  }
0x21: {  	s3 =	sadd.s32 s3, s9;
	s6 =	sadd.s32 @!p0 $0x88, s6;
	s7 =	simm.s32 @p2 $0x1082  }
0x22: {  	[simem:s7], [sflag:s8] =	dma.local @!p0 [hbm:s6], $0xF7A  }
0x23: {  	s9 =	sor.u32 $0xD0000000, s2;
	s6 =	simm.s32 $0x108;
	_ =	swait.ge @!p0 [sflag:s8], $0x0  }
0x24: {  	s3 =	sadd.s32 $0x88, s3;
	s6 =	simm.s32 @!p1 $0x1082;
	[sflag:s4] =	ssyncset.s32 $0xFFFFF086  }
0x25: {  	[simem:s6], [sflag:s4] =	dma.local [hbm:s3], $0xF7A  }
0x26: {  	[smem:$0x3F99] =	sst s1;
	(tag) =	ssettag s2;
	_ =	strace s9  }
0x27: {  	s1 =	sld [smem:$0x3FA9]  }
0x28: {  	s2 =	sld [smem:$0x3FAA]  }
0x29: {  	s4 =	sld [smem:$0x3FAC]  }
0x2a: {  	p0 =	seq.s32 s5, $0x0;
	s5 =	sld [smem:$0x3FAD]  }
0x2b: {  	s6 =	sld [smem:$0x3FAE]  }
0x2c: {  	s7 =	sld [smem:$0x3FAF]  }
0x2d: {  	s3 =	simm.s32 $0x108;
	s8 =	sld [smem:$0x3FB0]  }
0x2e: {  	s3 =	simm.s32 @!p0 $0x1082;
	s9 =	sld [smem:$0x3FB1]  }
0x2f: {  	lr =	sadd.s32 s0, s3;
	s0 =	sld [smem:$0x3FA8]  }
0x30: {  	s3 =	sld [smem:$0x3FAB]  }
0x31: {  	[smem:$0x3FB4] =	sst s10  }
0x32: {  	s10 =	sld [smem:$0x3FB2];
	_ =	sdelay $0x3  }
0x33: {  	p0 =	seq.s32 s10, $0x1;
	s10 =	sld [smem:$0x3FB4];
	_ =	sdelay $0x3  }
0x34: {  	[smem:$0x3FB4] =	sst s10  }
0x35: {  	s10 =	sld [smem:$0x3FB3];
	_ =	sdelay $0x3  }
0x36: {  	p1 =	seq.s32 s10, $0x1;
	s10 =	sld [smem:$0x3FB4];
	_ =	sdelay $0x3  }
0x37: {  	[smem:$0x3FB4] =	sst s10  }
0x38: {  	s10 =	sld [smem:$0x3FB5]  }
0x39: {  	_ = 	snop;
	(pc) =	sbr.ind lr, $3  }
0x3a: {  	_ = 	snop  }
0x3b: {  	_ = 	snop  }
0x3c: {  	p2 =	seq.s32 s10, $0x1;
	s10 =	sld [smem:$0x3FB4]  }
0x3d: {  	_ =	shalt  }
0x3e: {  	_ =	shalt  }
0x3f: {  	_ =	shalt  }
0x40: {  	_ =	shalt  }
0x41: {  	_ =	shalt  }
0x42: {  	_ =	shalt  }
0x43: {  	_ =	shalt  }
0x44: {  	_ =	shalt  }
0x45: {  	_ =	shalt  }
0x46: {  	_ =	shalt  }
0x47: {  	_ =	shalt  }
0x48: {  	_ =	shalt  }
0x49: {  	_ =	shalt  }
0x4a: {  	_ =	shalt  }
0x4b: {  	_ =	shalt  }
0x4c: {  	_ =	shalt  }
0x4d: {  	_ =	shalt  }
0x4e: {  	_ =	shalt  }
0x4f: {  	_ =	shalt  }
0x50: {  	_ =	shalt  }
0x51: {  	_ =	shalt  }
0x52: {  	_ =	shalt  }
0x53: {  	_ =	shalt  }
0x54: {  	_ =	shalt  }
0x55: {  	_ =	shalt  }
0x56: {  	_ =	shalt  }
0x57: {  	_ =	shalt  }
0x58: {  	_ =	shalt  }
0x59: {  	_ =	shalt  }
0x5a: {  	_ =	shalt  }
0x5b: {  	_ =	shalt  }
0x5c: {  	_ =	shalt  }
0x5d: {  	_ =	shalt  }
0x5e: {  	_ =	shalt  }
0x5f: {  	_ =	shalt  }
0x60: {  	_ =	shalt  }
0x61: {  	_ =	shalt  }
0x62: {  	_ =	shalt  }
0x63: {  	_ =	shalt  }
0x64: {  	_ =	shalt  }
0x65: {  	_ =	shalt  }
0x66: {  	_ =	shalt  }
0x67: {  	_ =	shalt  }
0x68: {  	_ =	shalt  }
0x69: {  	_ =	shalt  }
0x6a: {  	_ =	shalt  }
0x6b: {  	_ =	shalt  }
0x6c: {  	_ =	shalt  }
0x6d: {  	_ =	shalt  }
0x6e: {  	_ =	shalt  }
0x6f: {  	_ =	shalt  }
0x70: {  	_ =	shalt  }
0x71: {  	_ =	shalt  }
0x72: {  	_ =	shalt  }
0x73: {  	_ =	shalt  }
0x74: {  	_ =	shalt  }
0x75: {  	_ =	shalt  }
0x76: {  	_ =	shalt  }
0x77: {  	_ =	shalt  }
0x78: {  	_ =	shalt  }
0x79: {  	_ =	shalt  }
0x7a: {  	_ =	shalt  }
0x7b: {  	_ =	shalt  }
0x7c: {  	_ =	shalt  }
0x7d: {  	_ =	shalt  }
0x7e: {  	_ =	shalt  }
0x7f: {  	_ =	shalt  }
0x80: {  	_ =	shalt  }
0x81: {  	_ =	shalt  }
0x82: {  	_ =	shalt  }
0x83: {  	_ =	shalt  }
0x84: {  	_ =	shalt  }
0x85: {  	_ =	shalt  }
0x86: {  	_ =	shalt  }
0x87: {  	_ =	shalt  }
.Lfunc_end0:
.L_simem_size_0:
called_computation_lowered:
.L_overlay_start_0:
0x88: {  	s2 =	sld [smem:$0x3FD9]  }
0x89: {  	s3 =	sld [smem:$0x3FFE];
	_ =	sdelay $0x1  }
0x8a: {  	s1 =	srdreg.scid  }
0x8b: {  	s0 =	sand.u32 $0x1, s1  }
0x8c: {  	s17 =	sshll.u32 s0, $0xA;
	s2 =	sadd.s32 s3, s2  }
0x8d: {  	s2 =	sadd.s32 s2, s17  }
0x8e: {  	[smem:$0x3FC0] =	sst s2  }
0x8f: {  	_ = 	snop  }
0x90: {  	s2 =	sld [smem:$0x3FD0];
	(tm) =	ssettm $0x1  }
0x91: {  	s18 =	sld [smem:$0x3FFB];
	_ =	sdelay $0x3  }
0x92: {  	_ =	strace s18  }
0x93: {  	s3 =	sld [smem:$0x3FFC];
	_ =	sdelay $0x3  }
0x94: {  	_ =	strace s3  }
0x95: {  	s3 =	sld [smem:$0x3FFD];
	_ =	sdelay $0x3  }
0x96: {  	_ =	strace s3  }
0x97: {  	_ =	strace $0x8FFFFFFF  }
0x98: {  	s19 =	sld [smem:$0x3FDB];
	_ =	sdelay $0x1  }
0x99: {  	s4 =	simm.s32 $_scs_section_size  }
0x9a: {  	s5 =	simm.s32 $_size__tile_overlayer_lowered;
	s6 =	simm.s32 $_tile_overlayer_lowered  }
0x9b: {  	s22 =	simm.s32 $0x1BFF;
	s21 =	sshll.u32 s6, $0x1;
	s3 =	sadd.s32 s4, s19  }
0x9c: {  	s7 =	simm.s32 $0x0;
	s20 =	sshll.u32 s5, $0x1;
	s5 =	sadd.s32 s21, s3  }
0x9d: {  	[timem:s7], [sflag:s22] =	dma.local [hbm:s5], s20  }
0x9e: {  	_ =	swait.ge [sflag:s22], s20  }
0x9f: {  	s4 =	ssub.s32 $0x0, s20;
	[sflag:s22] =	ssyncset.done $0x0  }
0xa0: {  	[sflag:s22] =	ssyncadd.s32 s4;
	_ =	sdelay $0x1  }
0xa1: {  	s23 =	simm.s32 $0x1B8B  }
0xa2: {  	_ =	swait.ge [sflag:s23], $0x1  }
0xa3: {  	[sflag:s23] =	ssyncset.done $0x0  }
0xa4: {  	s25 =	simm.s32 $0x1B8E;
	s24 =	sld [smem:$0x3FFE];
	[sflag:s23] =	ssyncadd.s32 $0xFFFFFFFF  }
0xa5: {  	s26 =	simm.s32 $execute0_lowered;
	[smem:$0x3FD2] =	sst s25  }
0xa6: {  	s5 =	sshll.u32 s26, $0x1;
	_ =	strace $0x80000046;
	[dreg:$0x1] =	wrdreg $0xFFFFFFFF  }
0xa7: {  	s28 =	simm.s32 $_size_execute0_lowered;
	s3 =	sadd.s32 s3, s5;
	[dreg:$0x0] =	wrdreg $0x0  }
0xa8: {  	s5 =	sshll.u32 s28, $0x1;
	[dreg:$0x2] =	wrdreg s3  }
0xa9: {  	[dreg:$0x3] =	wrdreg s5  }
0xaa: {  	[dreg:$0x4] =	wrdreg $0xC0  }
0xab: {  	_ =	task [dreg:s7], $0x5FFFF  }
0xac: {  	[dreg:$0x1] =	wrdreg $0xFFFFFFFF  }
0xad: {  	[dreg:$0x0] =	wrdreg $0x60  }
0xae: {  	[dreg:$0x2] =	wrdreg s2  }
0xaf: {  	[dreg:$0x3] =	wrdreg s24  }
0xb0: {  	[dreg:$0x4] =	wrdreg $0x9  }
0xb1: {  	_ =	task.clear_ibuf [dreg:s7], $0x5FFFF;
	_ =	strace $0x90000046  }
0xb2: {  	s29 =	simm.s32 $0x9;
	_ =	strace $0x80000048  }
0xb3: {  	_ =	swait.ge [sflag:s29], $0x1  }
0xb4: {  	[sflag:s29] =	ssyncadd.s32 $0xFFFFFFFF  }
0xb5: {  	_ =	strace $0x90000048  }
0xb6: {  	_ =	sfence  }
0xb7: {  	s30 =	sld [smem:$0x0];
	_ =	sdelay $0x2  }
0xb8: {  	s31 =	sshll.u32 s1, $0xD;
	s1 =	sshrl.u32 s1, $0x2  }
0xb9: {  	s3 =	sand.u32 $0x4000, s31;
	s1 =	sadd.s32 s1, s30  }
0xba: {  	s0 =	sor.u32 s3, s0;
	s1 =	sshll.u32 s1, $0x11  }
0xbb: {  	s0 =	sor.u32 s1, s0  }
0xbc: {  	s0 =	sadd.s32 $0x8F2B, s0  }
0xbd: {  	[sflag:s0] =	ssyncadd.remote.s32 $0x1  }
0xbe: {  	_ =	sfence.sel $0xFFFF  }
0xbf: {  	[dreg:$0x0] =	wrdreg $0xFFFFFFFF;
	(pc) =	sbr.abs _section_cstart, $3  }
0xc0: {  	[dreg:$0x1] =	wrdreg $0xFFFFFFFF  }
0xc1: {  	_ =	task.clear_ibuf [dreg:s7], $0x2FFFF;
	_ =	strace $0x9FFFFFFF  }
0xc2: {  	(tm) =	ssettm $0x7FFFFFFF  }
0xc3: {  	_ =	shalt  }
tec
execute0_lowered:
.L_overlay_start_1:
0x0: {  	(tag) =	ssettag $0x1  }
0x1: {  	s1 =	srdreg.scid;
	s3 =	rddreg [dreg:$0x0]  }
0x2: {  	s0 =	stileid.u32;
	s5 =	rddreg [dreg:$0x1];
	s2 =	simm.s32 $0x0  }
0x3: {  	s10 =	simm.s32 $0x0;
	s4 =	sand.u32 $0x1, s1;
	s9 =	smul.u32 $0x2800, s0  }
0x4: {  	s7 =	sshrl.u32 s0, $0x3;
	s1 =	rddreg [dreg:$0x2];
	s6 =	smul.u32 $0x28000, s4  }
0x5: {  	[smem:$0x7FF] =	sst s2;
	s8 =	sshll.u32 s0, $0x7;
	s7 =	smul.u32 $0x14000, s7  }
0x6: {  	s8 =	sand.u32 $0x380, s8;
	_ =	strace $0x80000047;
	s4 =	ssub.s32 $0x2, s4  }
0x7: {  	s31 =	sshrl.u32 s4, $0x1;
	s7 =	sadd.s32 s6, s7;
	s6 =	sadd.s32 s9, s6  }
0x8: {  	s9 =	simm.s32 $0x400;
	s7 =	sor.u32 s8, s7;
	s6 =	sshrl.u32 s6, $0x3  }
0x9: {  	s8 =	simm.s32 $0x80;
	s7 =	sshrl.u32 s7, $0x3;
	s3 =	sadd.s32 s3, s6  }
0xa: {  	s6 =	simm.s32 $0x1;
	s5 =	sadd.s32 s7, s5;
	s7 =	ssub.s32 s4, s31  }
0xb: {  	v0 =	vimm.f32 $0.0e+00;
	v1 =	vimm.f32 $1.000000000e+00;
	s4 =	sadd.s32 $0xCE00, s5;
	s5 =	smax.u32 s7, $0x1;
	s7 =	simm.s32 $0x2800  }
.LBB2_1:
0xc: {  	[tilespmem:s2], [sflag:$0x1] =	stream.linear.gather [hbm4b:s3+s2], $0x2800, $0x38;
	[tilespmem:$0x5000] =	vst v63  }
0xd: {  	_ =	swait.ge [sflag:s6], $0x2800  }
0xe: {  	[sflag:s6] =	ssyncset.done $0x0  }
0xf: {  	s11 =	simm.s32 $0x0;
	[sflag:s6] =	ssyncadd.s32 $0xFFFFD800  }
.LBB2_2:
0x10: {  	p0 =	sne.s32 s11, $0x9FC0  }
.Ltmp0:
0x11: {  	_ = 	snop;
	(pc) =	sbr.rel @p0 .LBB2_2-.Ltmp0, $3  }
0x12: {  	_ =	sdelay $0x1  }
0x13: {  	s12 =	sshra.s32 s11, $0x2  }
0x14: {  	s11 =	sadd.s32 $0x40, s11;
	[tilespmem:s12+$0x2800] =	vst v0  }
0x15: {  	s11 =	simm.s32 $0x0  }
.LBB2_4:
0x16: {  	s12 =	sshra.s32 s11, $0x2  }
0x17: {  	v2 =	vld [tilespmem:s12+$0x0];
	_ =	sdelay $0x7  }
0x18: {  	[tilespmem:v2+s7+$0x0] =	vst.idx.add.f32.msk $0xffff, v1  }
0x19: {  	v2 =	vld [tilespmem:s12+$0x10];
	_ =	sdelay $0x7  }
0x1a: {  	[tilespmem:v2+s7+$0x0] =	vst.idx.add.f32.msk $0xffff, v1  }
0x1b: {  	v2 =	vld [tilespmem:s12+$0x20];
	_ =	sdelay $0x7  }
0x1c: {  	[tilespmem:v2+s7+$0x0] =	vst.idx.add.f32.msk $0xffff, v1  }
0x1d: {  	v2 =	vld [tilespmem:s12+$0x30];
	_ =	sdelay $0x7  }
0x1e: {  	[tilespmem:v2+s7+$0x0] =	vst.idx.add.f32.msk $0xffff, v1  }
0x1f: {  	v2 =	vld [tilespmem:s12+$0x40];
	_ =	sdelay $0x7  }
0x20: {  	[tilespmem:v2+s7+$0x0] =	vst.idx.add.f32.msk $0xffff, v1  }
0x21: {  	v2 =	vld [tilespmem:s12+$0x50];
	_ =	sdelay $0x7  }
0x22: {  	[tilespmem:v2+s7+$0x0] =	vst.idx.add.f32.msk $0xffff, v1  }
0x23: {  	v2 =	vld [tilespmem:s12+$0x60];
	_ =	sdelay $0x7  }
0x24: {  	[tilespmem:v2+s7+$0x0] =	vst.idx.add.f32.msk $0xffff, v1  }
0x25: {  	v2 =	vld [tilespmem:s12+$0x70];
	_ =	sdelay $0x2  }
0x26: {  	p0 =	sne.s32 s11, $0x9E00  }
.Ltmp1:
0x27: {  	_ = 	snop;
	(pc) =	sbr.rel @p0 .LBB2_4-.Ltmp1, $2  }
0x28: {  	_ =	sdelay $0x2  }
0x29: {  	s11 =	sadd.s32 $0x200, s11;
	[tilespmem:v2+s7+$0x0] =	vst.idx.add.f32.msk $0xffff, v1  }
0x2a: {  	s10 =	sadd.s32 $0x1, s10  }
0x2b: {  	p0 =	sne.s32 s10, s5  }
.Ltmp2:
0x2c: {  	_ = 	snop;
	(pc) =	sbr.rel @p0 .LBB2_1-.Ltmp2, $4  }
0x2d: {  	[hbm4b:s4+s8] =	stream.strided.scatter [tilespmem:s7], [sflag:$0x1], $0x2800, s9, s8, $0x38;
	[tilespmem:$0x5000] =	vst v63  }
0x2e: {  	_ =	swait.ge [sflag:s6], $0x2800  }
0x2f: {  	[sflag:s6] =	ssyncset.done $0x0  }
0x30: {  	[sflag:s6] =	ssyncadd.s32 $0xFFFFD800  }
0x31: {  	_ =	sfence.sel $0x180000  }
0x32: {  	[bflag:$0x0] =	sbarrier.arrive $0xFFFF  }
0x33: {  	p0 =	sne.s32 s0, $0x0;
	_ =	strace $0x90000047  }
0x34: {  	s0 =	sadd.s32 @!p0 $0x100000, s1;
	[bflag:$0x2] =	sbarrier.arrive $0xFFFF  }
0x35: {  	[sflag:s0] =	ssyncadd.tile.s32 @!p0 $0x1;
	_ =	shalt  }
.Lfunc_end2:
_tile_overlayer_lowered:
.L_overlay_start_2:
0x36: {  	(tag) =	ssettag $0x2  }
0x37: {  	s0 =	rddreg [dreg:$0x0];
	s2 =	stileid.u32  }
0x38: {  	s1 =	rddreg [dreg:$0x1];
	p0 =	sne.s32 s2, $0x0  }
0x39: {  	s3 =	rddreg [dreg:$0x2];
	[bflag:$0x3] =	sbarrier.arrive $0xFFFF;
	s2 =	simm.s32 @!p0 $0x1C01  }
0x3a: {  	[timem:s3], [sflag:s2] =	dma.local @!p0 [hbm:s0], s1  }
0x3b: {  	s0 =	simm.s32 @!p0 $0x1  }
0x3c: {  	_ =	swait.ge @!p0 [sflag:s0], s1  }
0x3d: {  	s1 =	ssub.s32 @!p0 $0x0, s1;
	[sflag:s0] =	ssyncset.done @!p0 $0x0  }
0x3e: {  	[sflag:s0] =	ssyncadd.s32 @!p0 s1  }
0x3f: {  	[bflag:$0x3] =	sbarrier.arrive $0xFFFF  }
0x40: {  	_ =	shalt  }

// kernel: seg_sum.4.cloned.1.call-start
scs
__scs_entry_jumppad:
0x0: {  	(pc) =	sbr.rel $0x88, $3  }
0x1: {  	(tag) =	ssettag $0x0;
	lr =	simm.s32 $0x1  }
0x2: {  	[smem:$0x3F99] =	sst lr;
	_ =	strace $0xD0000000  }
0x3: {  	_ = 	snop  }
0x4: {  	_ = 	snop  }
0x5: {  	_ = 	snop  }
0x6: {  	_ = 	snop  }
0x7: {  	_ = 	snop  }
__scs_overlays_trampoline_lowered:
0x8: {  	[smem:$0x3FA8] =	sst s0  }
0x9: {  	[smem:$0x3FA9] =	sst s1  }
0xa: {  	[smem:$0x3FAA] =	sst s2  }
0xb: {  	[smem:$0x3FAB] =	sst s3  }
0xc: {  	[smem:$0x3FAC] =	sst s4  }
0xd: {  	[smem:$0x3FAD] =	sst s5  }
0xe: {  	[smem:$0x3FAE] =	sst s6  }
0xf: {  	[smem:$0x3FAF] =	sst s7  }
0x10: {  	[smem:$0x3FB0] =	sst s8  }
0x11: {  	[smem:$0x3FB1] =	sst s9;
	s0 =	simm.s32 @!p0 $0x0  }
0x12: {  	s1 =	sld [smem:$0x3F97];
	s0 =	simm.s32 @p0 $0x1  }
0x13: {  	[smem:$0x3FB2] =	sst s0;
	s0 =	simm.s32 @!p1 $0x0  }
0x14: {  	s2 =	sld [smem:$0x3F96];
	s0 =	simm.s32 @p1 $0x1  }
0x15: {  	[smem:$0x3FB3] =	sst s0;
	s0 =	simm.s32 @!p2 $0x0  }
0x16: {  	s3 =	sld [smem:$0x3FDB];
	s0 =	simm.s32 @p2 $0x1  }
0x17: {  	s4 =	simm.s32 $0x1BF5;
	[smem:$0x3FB5] =	sst s0  }
0x18: {  	s0 =	sld [smem:$0x3F98];
	_ =	swait.ge [sflag:s4], $0x0  }
0x19: {  	s7 =	sld [smem:$0x3F99]  }
0x1a: {  	s8 =	sadd.s32 $0xFFFFE003, lr  }
0x1b: {  	s9 =	sadd.s32 $0xFFFFFEF7, lr;
	s5 =	simm.s32 $0xFFFFFFFF;
	p2 =	slt.u32 s8, $0xFFFFF086  }
0x1c: {  	p1 =	slt.u32 s9, $0xF7A;
	s5 =	simm.s32 @!p2 $0x0  }
0x1d: {  	s5 =	simm.s32 @p1 $0x1;
	p0 =	seq.s32 s7, s2  }
0x1e: {  	s7 =	smul.u32 @!p0 $0xF7A, s2;
	p2 =	seq.s32 @!p0 s5, $0x0  }
0x1f: {  	s9 =	smul.u32 $0xF7A, s1;
	s8 =	simm.s32 @!p0 $0x1BF5;
	p2 =	por !p2, p0  }
0x20: {  	[sflag:s8] =	ssyncset.s32 @!p0 $0xFFFFF086;
	s6 =	sadd.s32 @!p0 s3, s7;
	s7 =	simm.s32 @!p0 $0x108  }
0x21: {  	s3 =	sadd.s32 s3, s9;
	s6 =	sadd.s32 @!p0 $0x88, s6;
	s7 =	simm.s32 @p2 $0x1082  }
0x22: {  	[simem:s7], [sflag:s8] =	dma.local @!p0 [hbm:s6], $0xF7A  }
0x23: {  	s9 =	sor.u32 $0xD0000000, s2;
	s6 =	simm.s32 $0x108;
	_ =	swait.ge @!p0 [sflag:s8], $0x0  }
0x24: {  	s3 =	sadd.s32 $0x88, s3;
	s6 =	simm.s32 @!p1 $0x1082;
	[sflag:s4] =	ssyncset.s32 $0xFFFFF086  }
0x25: {  	[simem:s6], [sflag:s4] =	dma.local [hbm:s3], $0xF7A  }
0x26: {  	[smem:$0x3F99] =	sst s1;
	(tag) =	ssettag s2;
	_ =	strace s9  }
0x27: {  	s1 =	sld [smem:$0x3FA9]  }
0x28: {  	s2 =	sld [smem:$0x3FAA]  }
0x29: {  	s4 =	sld [smem:$0x3FAC]  }
0x2a: {  	p0 =	seq.s32 s5, $0x0;
	s5 =	sld [smem:$0x3FAD]  }
0x2b: {  	s6 =	sld [smem:$0x3FAE]  }
0x2c: {  	s7 =	sld [smem:$0x3FAF]  }
0x2d: {  	s3 =	simm.s32 $0x108;
	s8 =	sld [smem:$0x3FB0]  }
0x2e: {  	s3 =	simm.s32 @!p0 $0x1082;
	s9 =	sld [smem:$0x3FB1]  }
0x2f: {  	lr =	sadd.s32 s0, s3;
	s0 =	sld [smem:$0x3FA8]  }
0x30: {  	s3 =	sld [smem:$0x3FAB]  }
0x31: {  	[smem:$0x3FB4] =	sst s10  }
0x32: {  	s10 =	sld [smem:$0x3FB2];
	_ =	sdelay $0x3  }
0x33: {  	p0 =	seq.s32 s10, $0x1;
	s10 =	sld [smem:$0x3FB4];
	_ =	sdelay $0x3  }
0x34: {  	[smem:$0x3FB4] =	sst s10  }
0x35: {  	s10 =	sld [smem:$0x3FB3];
	_ =	sdelay $0x3  }
0x36: {  	p1 =	seq.s32 s10, $0x1;
	s10 =	sld [smem:$0x3FB4];
	_ =	sdelay $0x3  }
0x37: {  	[smem:$0x3FB4] =	sst s10  }
0x38: {  	s10 =	sld [smem:$0x3FB5]  }
0x39: {  	_ = 	snop;
	(pc) =	sbr.ind lr, $3  }
0x3a: {  	_ = 	snop  }
0x3b: {  	_ = 	snop  }
0x3c: {  	p2 =	seq.s32 s10, $0x1;
	s10 =	sld [smem:$0x3FB4]  }
0x3d: {  	_ =	shalt  }
0x3e: {  	_ =	shalt  }
0x3f: {  	_ =	shalt  }
0x40: {  	_ =	shalt  }
0x41: {  	_ =	shalt  }
0x42: {  	_ =	shalt  }
0x43: {  	_ =	shalt  }
0x44: {  	_ =	shalt  }
0x45: {  	_ =	shalt  }
0x46: {  	_ =	shalt  }
0x47: {  	_ =	shalt  }
0x48: {  	_ =	shalt  }
0x49: {  	_ =	shalt  }
0x4a: {  	_ =	shalt  }
0x4b: {  	_ =	shalt  }
0x4c: {  	_ =	shalt  }
0x4d: {  	_ =	shalt  }
0x4e: {  	_ =	shalt  }
0x4f: {  	_ =	shalt  }
0x50: {  	_ =	shalt  }
0x51: {  	_ =	shalt  }
0x52: {  	_ =	shalt  }
0x53: {  	_ =	shalt  }
0x54: {  	_ =	shalt  }
0x55: {  	_ =	shalt  }
0x56: {  	_ =	shalt  }
0x57: {  	_ =	shalt  }
0x58: {  	_ =	shalt  }
0x59: {  	_ =	shalt  }
0x5a: {  	_ =	shalt  }
0x5b: {  	_ =	shalt  }
0x5c: {  	_ =	shalt  }
0x5d: {  	_ =	shalt  }
0x5e: {  	_ =	shalt  }
0x5f: {  	_ =	shalt  }
0x60: {  	_ =	shalt  }
0x61: {  	_ =	shalt  }
0x62: {  	_ =	shalt  }
0x63: {  	_ =	shalt  }
0x64: {  	_ =	shalt  }
0x65: {  	_ =	shalt  }
0x66: {  	_ =	shalt  }
0x67: {  	_ =	shalt  }
0x68: {  	_ =	shalt  }
0x69: {  	_ =	shalt  }
0x6a: {  	_ =	shalt  }
0x6b: {  	_ =	shalt  }
0x6c: {  	_ =	shalt  }
0x6d: {  	_ =	shalt  }
0x6e: {  	_ =	shalt  }
0x6f: {  	_ =	shalt  }
0x70: {  	_ =	shalt  }
0x71: {  	_ =	shalt  }
0x72: {  	_ =	shalt  }
0x73: {  	_ =	shalt  }
0x74: {  	_ =	shalt  }
0x75: {  	_ =	shalt  }
0x76: {  	_ =	shalt  }
0x77: {  	_ =	shalt  }
0x78: {  	_ =	shalt  }
0x79: {  	_ =	shalt  }
0x7a: {  	_ =	shalt  }
0x7b: {  	_ =	shalt  }
0x7c: {  	_ =	shalt  }
0x7d: {  	_ =	shalt  }
0x7e: {  	_ =	shalt  }
0x7f: {  	_ =	shalt  }
0x80: {  	_ =	shalt  }
0x81: {  	_ =	shalt  }
0x82: {  	_ =	shalt  }
0x83: {  	_ =	shalt  }
0x84: {  	_ =	shalt  }
0x85: {  	_ =	shalt  }
0x86: {  	_ =	shalt  }
0x87: {  	_ =	shalt  }
.Lfunc_end0:
.L_simem_size_0:
called_computation.1_lowered:
.L_overlay_start_0:
0x88: {  	s2 =	sld [smem:$0x3FD9]  }
0x89: {  	s3 =	sld [smem:$0x3FFE];
	_ =	sdelay $0x1  }
0x8a: {  	s1 =	srdreg.scid  }
0x8b: {  	s0 =	sand.u32 $0x1, s1  }
0x8c: {  	s17 =	sshll.u32 s0, $0xA;
	s2 =	sadd.s32 s3, s2  }
0x8d: {  	s2 =	sadd.s32 s2, s17  }
0x8e: {  	[smem:$0x3FC0] =	sst s2  }
0x8f: {  	_ = 	snop  }
0x90: {  	s18 =	sld [smem:$0x3FD0];
	(tm) =	ssettm $0x1  }
0x91: {  	s19 =	sld [smem:$0x3FFB];
	_ =	sdelay $0x3  }
0x92: {  	_ =	strace s19  }
0x93: {  	s2 =	sld [smem:$0x3FFC];
	_ =	sdelay $0x3  }
0x94: {  	_ =	strace s2  }
0x95: {  	s2 =	sld [smem:$0x3FFD];
	_ =	sdelay $0x3  }
0x96: {  	_ =	strace s2  }
0x97: {  	_ =	strace $0x8FFFFFFF  }
0x98: {  	s20 =	sld [smem:$0x3FDB];
	_ =	sdelay $0x1  }
0x99: {  	s4 =	simm.s32 $_scs_section_size  }
0x9a: {  	s5 =	simm.s32 $_size__tile_overlayer_lowered;
	s6 =	simm.s32 $_tile_overlayer_lowered  }
0x9b: {  	s7 =	simm.s32 $0x1BFF;
	s21 =	sshll.u32 s6, $0x1;
	s4 =	sadd.s32 s4, s20  }
0x9c: {  	s22 =	simm.s32 $0x0;
	s5 =	sshll.u32 s5, $0x1;
	s6 =	sadd.s32 s21, s4  }
0x9d: {  	[timem:s22], [sflag:s7] =	dma.local [hbm:s6], s5  }
0x9e: {  	_ =	swait.ge [sflag:s7], s5  }
0x9f: {  	s5 =	ssub.s32 $0x0, s5;
	[sflag:s7] =	ssyncset.done $0x0  }
0xa0: {  	[sflag:s7] =	ssyncadd.s32 s5;
	_ =	sdelay $0x1  }
0xa1: {  	s23 =	simm.s32 $0x1B8B  }
0xa2: {  	_ =	swait.ge [sflag:s23], $0x1  }
0xa3: {  	[sflag:s23] =	ssyncset.done $0x0  }
0xa4: {  	[sflag:s23] =	ssyncadd.s32 $0xFFFFFFFF  }
0xa5: {  	s5 =	sld [smem:$0x0]  }
0xa6: {  	s6 =	sand.u32 $0xFFFFFFFE, s1  }
0xa7: {  	p0 =	sne.s32 s1, s6  }
0xa8: {  	s6 =	sshll.u32 @p0 s6, $0xE  }
0xa9: {  	s6 =	sadd.s32 @p0 $0x11B8D, s6;
	s7 =	sshll.u32 @p0 s5, $0x11  }
0xaa: {  	s6 =	sor.u32 @p0 s7, s6  }
0xab: {  	[sflag:s6] =	ssyncadd.remote.s32 @p0 $0x1;
	_ =	sdelay $0x1  }
0xac: {  	s6 =	simm.s32 @p0 $0x1B8D  }
0xad: {  	_ =	swait.eq @p0 [sflag:s6], $0x1  }
0xae: {  	[sflag:s6] =	ssyncadd.s32 @p0 $0xFFFFFFFF  }
0xaf: {  	s7 =	sshll.u32 @!p0 s1, $0xE  }
0xb0: {  	s7 =	sor.u32 @!p0 $0x4000, s7;
	s6 =	simm.s32 @!p0 $0x1B8D  }
0xb1: {  	s5 =	sshll.u32 @!p0 s5, $0x11;
	s7 =	sadd.s32 @!p0 $0x11B8D, s7;
	_ =	swait.eq @!p0 [sflag:s6], $0x1  }
0xb2: {  	s5 =	sor.u32 @!p0 s5, s7;
	[sflag:s6] =	ssyncadd.s32 @!p0 $0xFFFFFFFF  }
0xb3: {  	s25 =	simm.s32 $0x1B8E;
	s24 =	sld [smem:$0x3FFE];
	[sflag:s5] =	ssyncadd.remote.s32 @!p0 $0x1  }
0xb4: {  	s26 =	simm.s32 $execute0_lowered;
	[smem:$0x3FD2] =	sst s25  }
0xb5: {  	s6 =	sshll.u32 s26, $0x1;
	_ =	strace $0x80000049;
	[dreg:$0x1] =	wrdreg $0xFFFFFFFF  }
0xb6: {  	s28 =	simm.s32 $_size_execute0_lowered;
	s4 =	sadd.s32 s4, s6;
	[dreg:$0x0] =	wrdreg $0x0  }
0xb7: {  	s6 =	sshll.u32 s28, $0x1;
	[dreg:$0x2] =	wrdreg s4  }
0xb8: {  	[dreg:$0x3] =	wrdreg s6  }
0xb9: {  	[dreg:$0x4] =	wrdreg $0xC0  }
0xba: {  	_ =	task [dreg:s22], $0x5FFFF  }
0xbb: {  	[dreg:$0x1] =	wrdreg $0xFFFFFFFF  }
0xbc: {  	[dreg:$0x0] =	wrdreg $0x60  }
0xbd: {  	[dreg:$0x2] =	wrdreg s24  }
0xbe: {  	[dreg:$0x3] =	wrdreg s18  }
0xbf: {  	[dreg:$0x4] =	wrdreg $0xA8000  }
0xc0: {  	[dreg:$0x5] =	wrdreg $0xA  }
0xc1: {  	_ =	task.clear_ibuf [dreg:s22], $0x6FFFF;
	_ =	strace $0x90000049  }
0xc2: {  	s29 =	simm.s32 $0xA;
	_ =	strace $0x8000004B  }
0xc3: {  	_ =	swait.ge [sflag:s29], $0x1  }
0xc4: {  	[sflag:s29] =	ssyncadd.s32 $0xFFFFFFFF  }
0xc5: {  	_ =	strace $0x9000004B  }
0xc6: {  	_ =	sfence  }
0xc7: {  	s30 =	sld [smem:$0x0];
	_ =	sdelay $0x2  }
0xc8: {  	s31 =	sshll.u32 s1, $0xD;
	s1 =	sshrl.u32 s1, $0x2  }
0xc9: {  	s4 =	sand.u32 $0x4000, s31;
	s1 =	sadd.s32 s1, s30  }
0xca: {  	s0 =	sor.u32 s4, s0;
	s1 =	sshll.u32 s1, $0x11  }
0xcb: {  	s0 =	sor.u32 s1, s0  }
0xcc: {  	s0 =	sadd.s32 $0x8F2B, s0  }
0xcd: {  	[sflag:s0] =	ssyncadd.remote.s32 $0x1  }
0xce: {  	_ =	sfence.sel $0xFFFF  }
0xcf: {  	[dreg:$0x0] =	wrdreg $0xFFFFFFFF;
	(pc) =	sbr.abs _section_cstart, $3  }
0xd0: {  	[dreg:$0x1] =	wrdreg $0xFFFFFFFF  }
0xd1: {  	_ =	task.clear_ibuf [dreg:s22], $0x2FFFF;
	_ =	strace $0x9FFFFFFF  }
0xd2: {  	(tm) =	ssettm $0x7FFFFFFF  }
0xd3: {  	_ =	shalt  }
tec
execute0_lowered:
.L_overlay_start_1:
0x0: {  	(tag) =	ssettag $0x1  }
0x1: {  	s0 =	rddreg [dreg:$0x0]  }
0x2: {  	s3 =	rddreg [dreg:$0x1]  }
0x3: {  	s1 =	rddreg [dreg:$0x2];
	s2 =	simm.s32 $0x0  }
0x4: {  	s5 =	srdreg.scid;
	s8 =	stileid.u32;
	s28 =	simm.s32 $0x1380  }
0x5: {  	s29 =	simm.s32 $0x2700;
	s30 =	simm.s32 $0x2780;
	s31 =	simm.s32 $0x0  }
0x6: {  	[smem:$0x7FF] =	sst s2;
	s4 =	sadd.s32 $0x16E00, s0;
	s6 =	smul.u32 $0x50000, s8  }
0x7: {  	s9 =	sand.u32 $0x1, s5;
	s12 =	sadd.s32 $0x2E00, s0;
	s13 =	smul.u32 $0x14000, s8  }
0x8: {  	s0 =	sadd.s32 $0x3EE00, s0;
	s11 =	smul.u32 $0x2800, s8;
	s5 =	ssub.s32 $0x2, s9  }
0x9: {  	_ =	strace $0x8000004A;
	s10 =	smul.u32 $0x28000, s9;
	s7 =	sshrl.u32 s5, $0x1  }
0xa: {  	s20 =	sshrl.u32 s6, $0x2;
	s14 =	sadd.s32 $0x4000, s13;
	s16 =	sadd.s32 $0x8000, s13  }
0xb: {  	s17 =	sadd.s32 $0xC000, s13;
	s18 =	sadd.s32 $0x10000, s13;
	s19 =	ssub.s32 s5, s7  }
0xc: {  	s5 =	sadd.s32 s20, s1;
	s6 =	sadd.s32 s14, s1;
	s7 =	sadd.s32 s16, s1  }
0xd: {  	s8 =	sadd.s32 s17, s1;
	s10 =	sadd.s32 s11, s10;
	s20 =	smul.u32 $0x140000, s9  }
0xe: {  	s9 =	sadd.s32 s18, s1;
	s15 =	sshrl.u32 s10, $0x3;
	s19 =	smax.u32 s19, $0x1  }
0xf: {  	s10 =	sadd.s32 s12, s15;
	s21 =	sadd.s32 s3, s15;
	s15 =	sadd.s32 $0x280, s15  }
0x10: {  	s13 =	sadd.s32 s13, s20;
	s14 =	sadd.s32 s20, s14;
	s23 =	sadd.s32 s20, s16  }
0x11: {  	s24 =	sadd.s32 s20, s17;
	s25 =	sadd.s32 s20, s18;
	[dreg:$0x4] =	wrdreg s10  }
0x12: {  	[dreg:$0x5] =	wrdreg s21;
	s22 =	sadd.s32 s12, s15;
	s21 =	sshrl.u32 s13, $0x3  }
0x13: {  	s13 =	sadd.s32 s3, s15;
	s3 =	sshrl.u32 s23, $0x3;
	s26 =	sshrl.u32 s24, $0x3  }
0x14: {  	s20 =	sshrl.u32 s25, $0x3;
	s23 =	simm.s32 $0x1400;
	s24 =	simm.s32 $0x80  }
0x15: {  	s25 =	simm.s32 $0x6800;
	[dreg:$0x6] =	wrdreg s22;
	s22 =	sshrl.u32 s14, $0x3  }
0x16: {  	s14 =	sadd.s32 s0, s21;
	s16 =	sadd.s32 s0, s3;
	s17 =	sadd.s32 s0, s26  }
0x17: {  	s18 =	sadd.s32 s0, s20;
	s20 =	simm.s32 $0x2800;
	s21 =	simm.s32 $0x1  }
0x18: {  	v0 =	vimm.f32 $0.0e+00;
	s26 =	simm.s32 $0x2;
	s15 =	sadd.s32 s0, s22;
	s22 =	simm.s32 $0x3  }
.LBB2_1:
0x19: {  	s0 =	simm.s32 $0x0;
	s3 =	simm.s32 $0x200  }
.LBB2_2:
0x1a: {  	p0 =	sne.s32 s3, $0xFE00;
	[tilespmem:s0+$0x2870] =	vst v0  }
0x1b: {  	[tilespmem:s0+$0x2800] =	vst v0  }
0x1c: {  	[tilespmem:s0+$0x2810] =	vst v0  }
.Ltmp0:
0x1d: {  	[tilespmem:s0+$0x2820] =	vst v0;
	(pc) =	sbr.rel @p0 .LBB2_2-.Ltmp0, $4  }
0x1e: {  	[tilespmem:s0+$0x2830] =	vst v0  }
0x1f: {  	[tilespmem:s0+$0x2840] =	vst v0  }
0x20: {  	[tilespmem:s0+$0x2850] =	vst v0  }
0x21: {  	[tilespmem:s0+$0x2860] =	vst v0;
	s0 =	sshra.s32 s3, $0x2;
	s3 =	sadd.s32 $0x200, s3  }
0x22: {  	[tilespmem:s0+$0x2870] =	vst v0  }
0x23: {  	[tilespmem:s0+$0x2800] =	vst v0  }
0x24: {  	[tilespmem:s0+$0x2810] =	vst v0  }
0x25: {  	[tilespmem:s0+$0x2820] =	vst v0  }
0x26: {  	[tilespmem:s0+$0x2830] =	vst v0  }
0x27: {  	[tilespmem:s0+$0x2840] =	vst v0  }
0x28: {  	[tilespmem:s0+$0x2850] =	vst v0  }
0x29: {  	[tilespmem:s0+$0x2860] =	vst v0  }
0x2a: {  	[spmem:s5] =	stream.linear.scatter [tilespmem:s20], [sflag:$0x1], $0x4000, $0x38;
	[tilespmem:$0x1E800] =	vst v63  }
0x2b: {  	_ = 	snop  }
0x2c: {  	[spmem:s6] =	stream.linear.scatter [tilespmem:s20], [sflag:$0x1], $0x4000, $0x38;
	[tilespmem:$0x1E800] =	vst v63  }
0x2d: {  	_ = 	snop  }
0x2e: {  	[spmem:s7] =	stream.linear.scatter [tilespmem:s20], [sflag:$0x1], $0x4000, $0x38;
	[tilespmem:$0x1E800] =	vst v63  }
0x2f: {  	_ = 	snop  }
0x30: {  	[spmem:s8] =	stream.linear.scatter [tilespmem:s20], [sflag:$0x1], $0x4000, $0x38;
	[tilespmem:$0x1E800] =	vst v63  }
0x31: {  	_ = 	snop  }
0x32: {  	[spmem:s9] =	stream.linear.scatter [tilespmem:s20], [sflag:$0x1], $0x4000, $0x38;
	[tilespmem:$0x1E800] =	vst v63  }
0x33: {  	_ =	swait.ge [sflag:s21], $0x4000  }
0x34: {  	[sflag:s21] =	ssyncset.done $0x0  }
0x35: {  	[sflag:s21] =	ssyncadd.s32 $0xFFFFC000  }
0x36: {  	_ =	swait.ge [sflag:s21], $0x4000  }
0x37: {  	[sflag:s21] =	ssyncset.done $0x0  }
0x38: {  	[sflag:s21] =	ssyncadd.s32 $0xFFFFC000  }
0x39: {  	_ =	swait.ge [sflag:s21], $0x4000  }
0x3a: {  	[sflag:s21] =	ssyncset.done $0x0  }
0x3b: {  	[sflag:s21] =	ssyncadd.s32 $0xFFFFC000  }
0x3c: {  	_ =	swait.ge [sflag:s21], $0x4000  }
0x3d: {  	[sflag:s21] =	ssyncset.done $0x0  }
0x3e: {  	[sflag:s21] =	ssyncadd.s32 $0xFFFFC000  }
0x3f: {  	_ =	swait.ge [sflag:s21], $0x4000  }
0x40: {  	[sflag:s21] =	ssyncset.done $0x0  }
0x41: {  	[sflag:s21] =	ssyncadd.s32 $0xFFFFC000  }
0x42: {  	[bflag:$0x0] =	sbarrier.arrive $0xFFFF  }
0x43: {  	s11 =	simm.s32 $0x0;
	s3 =	rddreg [dreg:$0x4]  }
0x44: {  	[tilespmem:s11], [sflag:$0x3] =	stream.linear.gather [hbm4b:s3+s11], $0x1400, $0x38;
	[tilespmem:$0x1E800] =	vst v63  }
0x45: {  	_ =	swait.ge [sflag:s22], $0x1400  }
0x46: {  	[sflag:s22] =	ssyncset.done $0x0  }
0x47: {  	s12 =	rddreg [dreg:$0x5];
	[sflag:s22] =	ssyncadd.s32 $0xFFFFEC00  }
0x48: {  	[tilespmem:s23], [sflag:$0x3] =	stream.linear.gather [hbm4b:s12+s11], $0x1400, $0x38;
	[tilespmem:$0x1E800] =	vst v63  }
0x49: {  	_ =	swait.ge [sflag:s22], $0x1400  }
0x4a: {  	[sflag:s22] =	ssyncset.done $0x0  }
0x4b: {  	[sflag:s22] =	ssyncadd.s32 $0xFFFFEC00  }
0x4c: {  	[tilespmem:s20], [sflag:$0x1] =	stream.indirect.gather [hbm4b:s4+s24], $0x80, s11, s24, $0xb8;
	[tilespmem:$0x1E800] =	vst v63  }
0x4d: {  	s3 =	simm.s32 $0x80  }
0x4e: {  	[tilespmem:s25], [sflag:$0x2] =	stream.indirect.gather [hbm4b:s4+s24], $0x80, s3, s24, $0xb8;
	[tilespmem:$0x1E800] =	vst v63  }
0x4f: {  	_ =	swait.ge [sflag:s21], $0x4000  }
0x50: {  	[sflag:s21] =	ssyncset.done $0x0  }
0x51: {  	s10 =	simm.s32 $0x1400;
	[sflag:s21] =	ssyncadd.s32 $0xFFFFC000  }
0x52: {  	[spmem:s1] =	stream.indirect.scatter.add.f32 [tilespmem:s20], [sflag:$0x3], $0x80, s10, s24, $0xb8;
	[tilespmem:$0x1E800] =	vst v63  }
0x53: {  	_ =	swait.ge [sflag:s22], $0x4000  }
0x54: {  	[sflag:s22] =	ssyncset.done $0x0  }
0x55: {  	s11 =	simm.s32 $0x100;
	[sflag:s22] =	ssyncadd.s32 $0xFFFFC000  }
0x56: {  	[tilespmem:s20], [sflag:$0x1] =	stream.indirect.gather [hbm4b:s4+s24], $0x80, s11, s24, $0xb8;
	[tilespmem:$0x1E800] =	vst v63  }
0x57: {  	_ =	swait.ge [sflag:s26], $0x4000  }
0x58: {  	[sflag:s26] =	ssyncset.done $0x0  }
0x59: {  	s12 =	simm.s32 $0x1480;
	[sflag:s26] =	ssyncadd.s32 $0xFFFFC000  }
0x5a: {  	[spmem:s1] =	stream.indirect.scatter.add.f32 [tilespmem:s25], [sflag:$0x3], $0x80, s12, s24, $0xb8;
	[tilespmem:$0x1E800] =	vst v63  }
0x5b: {  	_ =	swait.ge [sflag:s22], $0x4000  }
0x5c: {  	s0 =	simm.s32 $0x100;
	s3 =	simm.s32 $0x800;
	[sflag:s22] =	ssyncset.done $0x0  }
.LBB2_4:
0x5d: {  	s10 =	sadd.s32 $0x80, s0  }
0x5e: {  	[sflag:s22] =	ssyncadd.s32 $0xFFFFC000;
	s11 =	smov.u32 s3;
	s12 =	sadd.s32 $0x400, s3  }
0x5f: {  	[tilespmem:s25], [sflag:$0x2] =	stream.indirect.gather [hbm4b:s4+s24], $0x80, s10, s24, $0xb8;
	[tilespmem:$0x1E800] =	vst v63  }
0x60: {  	p0 =	sne.s32 s3, $0x4800;
	_ =	swait.ge [sflag:s21], $0x4000  }
0x61: {  	[sflag:s21] =	ssyncset.done $0x0  }
0x62: {  	s3 =	sadd.s32 $0x1400, s0;
	[sflag:s21] =	ssyncadd.s32 $0xFFFFC000  }
0x63: {  	[spmem:s1] =	stream.indirect.scatter.add.f32 [tilespmem:s20], [sflag:$0x3], $0x80, s3, s24, $0xb8;
	[tilespmem:$0x1E800] =	vst v63  }
0x64: {  	_ =	swait.ge [sflag:s22], $0x4000  }
0x65: {  	[sflag:s22] =	ssyncset.done $0x0  }
0x66: {  	s3 =	sadd.s32 $0x100, s0;
	[sflag:s22] =	ssyncadd.s32 $0xFFFFC000  }
0x67: {  	[tilespmem:s20], [sflag:$0x1] =	stream.indirect.gather [hbm4b:s4+s24], $0x80, s3, s24, $0xb8;
	[tilespmem:$0x1E800] =	vst v63  }
0x68: {  	_ =	swait.ge [sflag:s26], $0x4000  }
.Ltmp1:
0x69: {  	[sflag:s26] =	ssyncset.done $0x0;
	(pc) =	sbr.rel @p0 .LBB2_4-.Ltmp1, $4  }
0x6a: {  	s0 =	sadd.s32 $0x1480, s0;
	[sflag:s26] =	ssyncadd.s32 $0xFFFFC000  }
0x6b: {  	[spmem:s1] =	stream.indirect.scatter.add.f32 [tilespmem:s25], [sflag:$0x3], $0x80, s0, s24, $0xb8;
	[tilespmem:$0x1E800] =	vst v63  }
0x6c: {  	_ =	swait.ge [sflag:s22], $0x4000  }
0x6d: {  	s3 =	smov.u32 s12;
	s0 =	sshra.s32 s11, $0x2;
	[sflag:s22] =	ssyncset.done $0x0  }
0x6e: {  	s3 =	sadd.s32 $0x80, s0;
	[sflag:s22] =	ssyncadd.s32 $0xFFFFC000  }
0x6f: {  	[tilespmem:s25], [sflag:$0x2] =	stream.indirect.gather [hbm4b:s4+s24], $0x80, s3, s24, $0xb8;
	[tilespmem:$0x1E800] =	vst v63  }
0x70: {  	_ =	swait.ge [sflag:s21], $0x4000  }
0x71: {  	[sflag:s21] =	ssyncset.done $0x0  }
0x72: {  	s11 =	sadd.s32 $0x1400, s0;
	[sflag:s21] =	ssyncadd.s32 $0xFFFFC000  }
0x73: {  	[spmem:s1] =	stream.indirect.scatter.add.f32 [tilespmem:s20], [sflag:$0x3], $0x80, s11, s24, $0xb8;
	[tilespmem:$0x1E800] =	vst v63  }
0x74: {  	_ =	swait.ge [sflag:s22], $0x4000  }
0x75: {  	[sflag:s22] =	ssyncset.done $0x0  }
0x76: {  	s12 =	sadd.s32 $0x100, s0;
	[sflag:s22] =	ssyncadd.s32 $0xFFFFC000  }
0x77: {  	[tilespmem:s20], [sflag:$0x1] =	stream.indirect.gather [hbm4b:s4+s24], $0x80, s12, s24, $0xb8;
	[tilespmem:$0x1E800] =	vst v63  }
0x78: {  	_ =	swait.ge [sflag:s26], $0x4000  }
0x79: {  	[sflag:s26] =	ssyncset.done $0x0  }
0x7a: {  	s10 =	sadd.s32 $0x1480, s0;
	[sflag:s26] =	ssyncadd.s32 $0xFFFFC000  }
0x7b: {  	[spmem:s1] =	stream.indirect.scatter.add.f32 [tilespmem:s25], [sflag:$0x3], $0x80, s10, s24, $0xb8;
	[tilespmem:$0x1E800] =	vst v63  }
0x7c: {  	_ =	swait.ge [sflag:s22], $0x4000  }
0x7d: {  	[sflag:s22] =	ssyncset.done $0x0  }
0x7e: {  	[sflag:s22] =	ssyncadd.s32 $0xFFFFC000  }
0x7f: {  	[tilespmem:s25], [sflag:$0x2] =	stream.indirect.gather [hbm4b:s4+s24], $0x80, s28, s24, $0xb8;
	[tilespmem:$0x1E800] =	vst v63  }
0x80: {  	_ =	swait.ge [sflag:s21], $0x4000  }
0x81: {  	[sflag:s21] =	ssyncset.done $0x0  }
0x82: {  	[sflag:s21] =	ssyncadd.s32 $0xFFFFC000  }
0x83: {  	[spmem:s1] =	stream.indirect.scatter.add.f32 [tilespmem:s20], [sflag:$0x3], $0x80, s29, s24, $0xb8;
	[tilespmem:$0x1E800] =	vst v63  }
0x84: {  	_ =	swait.ge [sflag:s22], $0x4000  }
0x85: {  	[sflag:s22] =	ssyncset.done $0x0  }
0x86: {  	[sflag:s22] =	ssyncadd.s32 $0xFFFFC000  }
0x87: {  	[tilespmem:s20], [sflag:$0x1] =	stream.indirect.gather [hbm4b:s4+s24], $0x80, s28, s24, $0xb8;
	[tilespmem:$0x1E800] =	vst v63  }
0x88: {  	_ =	swait.ge [sflag:s26], $0x4000  }
0x89: {  	[sflag:s26] =	ssyncset.done $0x0  }
0x8a: {  	[sflag:s26] =	ssyncadd.s32 $0xFFFFC000  }
0x8b: {  	[spmem:s1] =	stream.indirect.scatter.add.f32 [tilespmem:s25], [sflag:$0x3], $0x80, s30, s24, $0xb8;
	[tilespmem:$0x1E800] =	vst v63  }
0x8c: {  	_ =	swait.ge [sflag:s22], $0x4000  }
0x8d: {  	[sflag:s22] =	ssyncset.done $0x0  }
0x8e: {  	[sflag:s22] =	ssyncadd.s32 $0xFFFFC000  }
0x8f: {  	_ =	swait.ge [sflag:s21], $0x4000  }
0x90: {  	[sflag:s21] =	ssyncset.done $0x0  }
0x91: {  	s11 =	simm.s32 $0x0;
	s12 =	rddreg [dreg:$0x6];
	[sflag:s21] =	ssyncadd.s32 $0xFFFFC000  }
0x92: {  	[tilespmem:s11], [sflag:$0x3] =	stream.linear.gather [hbm4b:s12+s11], $0x1400, $0x38;
	[tilespmem:$0x1E800] =	vst v63  }
0x93: {  	_ =	swait.ge [sflag:s22], $0x1400  }
0x94: {  	[sflag:s22] =	ssyncset.done $0x0  }
0x95: {  	[sflag:s22] =	ssyncadd.s32 $0xFFFFEC00  }
0x96: {  	[tilespmem:s23], [sflag:$0x3] =	stream.linear.gather [hbm4b:s13+s11], $0x1400, $0x38;
	[tilespmem:$0x1E800] =	vst v63  }
0x97: {  	_ =	swait.ge [sflag:s22], $0x1400  }
0x98: {  	[sflag:s22] =	ssyncset.done $0x0  }
0x99: {  	[sflag:s22] =	ssyncadd.s32 $0xFFFFEC00  }
0x9a: {  	[tilespmem:s20], [sflag:$0x1] =	stream.indirect.gather [hbm4b:s4+s24], $0x80, s11, s24, $0xb8;
	[tilespmem:$0x1E800] =	vst v63  }
0x9b: {  	s3 =	simm.s32 $0x80  }
0x9c: {  	[tilespmem:s25], [sflag:$0x2] =	stream.indirect.gather [hbm4b:s4+s24], $0x80, s3, s24, $0xb8;
	[tilespmem:$0x1E800] =	vst v63  }
0x9d: {  	_ =	swait.ge [sflag:s21], $0x4000  }
0x9e: {  	[sflag:s21] =	ssyncset.done $0x0  }
0x9f: {  	s10 =	simm.s32 $0x1400;
	[sflag:s21] =	ssyncadd.s32 $0xFFFFC000  }
0xa0: {  	[spmem:s1] =	stream.indirect.scatter.add.f32 [tilespmem:s20], [sflag:$0x3], $0x80, s10, s24, $0xb8;
	[tilespmem:$0x1E800] =	vst v63  }
0xa1: {  	_ =	swait.ge [sflag:s22], $0x4000  }
0xa2: {  	[sflag:s22] =	ssyncset.done $0x0  }
0xa3: {  	s11 =	simm.s32 $0x100;
	[sflag:s22] =	ssyncadd.s32 $0xFFFFC000  }
0xa4: {  	[tilespmem:s20], [sflag:$0x1] =	stream.indirect.gather [hbm4b:s4+s24], $0x80, s11, s24, $0xb8;
	[tilespmem:$0x1E800] =	vst v63  }
0xa5: {  	_ =	swait.ge [sflag:s26], $0x4000  }
0xa6: {  	[sflag:s26] =	ssyncset.done $0x0  }
0xa7: {  	s12 =	simm.s32 $0x1480;
	[sflag:s26] =	ssyncadd.s32 $0xFFFFC000  }
0xa8: {  	[spmem:s1] =	stream.indirect.scatter.add.f32 [tilespmem:s25], [sflag:$0x3], $0x80, s12, s24, $0xb8;
	[tilespmem:$0x1E800] =	vst v63  }
0xa9: {  	_ =	swait.ge [sflag:s22], $0x4000  }
0xaa: {  	s0 =	simm.s32 $0x100;
	s3 =	simm.s32 $0x800;
	[sflag:s22] =	ssyncset.done $0x0  }
.LBB2_6:
0xab: {  	s10 =	sadd.s32 $0x80, s0  }
0xac: {  	[sflag:s22] =	ssyncadd.s32 $0xFFFFC000;
	s11 =	smov.u32 s3;
	s12 =	sadd.s32 $0x400, s3  }
0xad: {  	[tilespmem:s25], [sflag:$0x2] =	stream.indirect.gather [hbm4b:s4+s24], $0x80, s10, s24, $0xb8;
	[tilespmem:$0x1E800] =	vst v63  }
0xae: {  	p0 =	sne.s32 s3, $0x4800;
	_ =	swait.ge [sflag:s21], $0x4000  }
0xaf: {  	[sflag:s21] =	ssyncset.done $0x0  }
0xb0: {  	s3 =	sadd.s32 $0x1400, s0;
	[sflag:s21] =	ssyncadd.s32 $0xFFFFC000  }
0xb1: {  	[spmem:s1] =	stream.indirect.scatter.add.f32 [tilespmem:s20], [sflag:$0x3], $0x80, s3, s24, $0xb8;
	[tilespmem:$0x1E800] =	vst v63  }
0xb2: {  	_ =	swait.ge [sflag:s22], $0x4000  }
0xb3: {  	[sflag:s22] =	ssyncset.done $0x0  }
0xb4: {  	s3 =	sadd.s32 $0x100, s0;
	[sflag:s22] =	ssyncadd.s32 $0xFFFFC000  }
0xb5: {  	[tilespmem:s20], [sflag:$0x1] =	stream.indirect.gather [hbm4b:s4+s24], $0x80, s3, s24, $0xb8;
	[tilespmem:$0x1E800] =	vst v63  }
0xb6: {  	_ =	swait.ge [sflag:s26], $0x4000  }
.Ltmp2:
0xb7: {  	[sflag:s26] =	ssyncset.done $0x0;
	(pc) =	sbr.rel @p0 .LBB2_6-.Ltmp2, $4  }
0xb8: {  	s0 =	sadd.s32 $0x1480, s0;
	[sflag:s26] =	ssyncadd.s32 $0xFFFFC000  }
0xb9: {  	[spmem:s1] =	stream.indirect.scatter.add.f32 [tilespmem:s25], [sflag:$0x3], $0x80, s0, s24, $0xb8;
	[tilespmem:$0x1E800] =	vst v63  }
0xba: {  	_ =	swait.ge [sflag:s22], $0x4000  }
0xbb: {  	s3 =	smov.u32 s12;
	s0 =	sshra.s32 s11, $0x2;
	[sflag:s22] =	ssyncset.done $0x0  }
0xbc: {  	s3 =	sadd.s32 $0x80, s0;
	[sflag:s22] =	ssyncadd.s32 $0xFFFFC000  }
0xbd: {  	[tilespmem:s25], [sflag:$0x2] =	stream.indirect.gather [hbm4b:s4+s24], $0x80, s3, s24, $0xb8;
	[tilespmem:$0x1E800] =	vst v63  }
0xbe: {  	_ =	swait.ge [sflag:s21], $0x4000  }
0xbf: {  	[sflag:s21] =	ssyncset.done $0x0  }
0xc0: {  	s10 =	sadd.s32 $0x1400, s0;
	[sflag:s21] =	ssyncadd.s32 $0xFFFFC000  }
0xc1: {  	[spmem:s1] =	stream.indirect.scatter.add.f32 [tilespmem:s20], [sflag:$0x3], $0x80, s10, s24, $0xb8;
	[tilespmem:$0x1E800] =	vst v63  }
0xc2: {  	_ =	swait.ge [sflag:s22], $0x4000  }
0xc3: {  	[sflag:s22] =	ssyncset.done $0x0  }
0xc4: {  	s11 =	sadd.s32 $0x100, s0;
	[sflag:s22] =	ssyncadd.s32 $0xFFFFC000  }
0xc5: {  	[tilespmem:s20], [sflag:$0x1] =	stream.indirect.gather [hbm4b:s4+s24], $0x80, s11, s24, $0xb8;
	[tilespmem:$0x1E800] =	vst v63  }
0xc6: {  	_ =	swait.ge [sflag:s26], $0x4000  }
0xc7: {  	[sflag:s26] =	ssyncset.done $0x0  }
0xc8: {  	s12 =	sadd.s32 $0x1480, s0;
	[sflag:s26] =	ssyncadd.s32 $0xFFFFC000  }
0xc9: {  	[spmem:s1] =	stream.indirect.scatter.add.f32 [tilespmem:s25], [sflag:$0x3], $0x80, s12, s24, $0xb8;
	[tilespmem:$0x1E800] =	vst v63  }
0xca: {  	_ =	swait.ge [sflag:s22], $0x4000  }
0xcb: {  	[sflag:s22] =	ssyncset.done $0x0  }
0xcc: {  	[sflag:s22] =	ssyncadd.s32 $0xFFFFC000  }
0xcd: {  	[tilespmem:s25], [sflag:$0x2] =	stream.indirect.gather [hbm4b:s4+s24], $0x80, s28, s24, $0xb8;
	[tilespmem:$0x1E800] =	vst v63  }
0xce: {  	_ =	swait.ge [sflag:s21], $0x4000  }
0xcf: {  	[sflag:s21] =	ssyncset.done $0x0  }
0xd0: {  	[sflag:s21] =	ssyncadd.s32 $0xFFFFC000  }
0xd1: {  	[spmem:s1] =	stream.indirect.scatter.add.f32 [tilespmem:s20], [sflag:$0x3], $0x80, s29, s24, $0xb8;
	[tilespmem:$0x1E800] =	vst v63  }
0xd2: {  	_ =	swait.ge [sflag:s22], $0x4000  }
0xd3: {  	[sflag:s22] =	ssyncset.done $0x0  }
0xd4: {  	[sflag:s22] =	ssyncadd.s32 $0xFFFFC000  }
0xd5: {  	[tilespmem:s20], [sflag:$0x1] =	stream.indirect.gather [hbm4b:s4+s24], $0x80, s28, s24, $0xb8;
	[tilespmem:$0x1E800] =	vst v63  }
0xd6: {  	_ =	swait.ge [sflag:s26], $0x4000  }
0xd7: {  	[sflag:s26] =	ssyncset.done $0x0  }
0xd8: {  	[sflag:s26] =	ssyncadd.s32 $0xFFFFC000  }
0xd9: {  	[spmem:s1] =	stream.indirect.scatter.add.f32 [tilespmem:s25], [sflag:$0x3], $0x80, s30, s24, $0xb8;
	[tilespmem:$0x1E800] =	vst v63  }
0xda: {  	_ =	swait.ge [sflag:s22], $0x4000  }
0xdb: {  	[sflag:s22] =	ssyncset.done $0x0  }
0xdc: {  	[sflag:s22] =	ssyncadd.s32 $0xFFFFC000  }
0xdd: {  	_ =	swait.ge [sflag:s21], $0x4000  }
0xde: {  	[sflag:s21] =	ssyncset.done $0x0  }
0xdf: {  	[sflag:s21] =	ssyncadd.s32 $0xFFFFC000  }
0xe0: {  	[bflag:$0x0] =	sbarrier.arrive $0xFFFF  }
0xe1: {  	[tilespmem:s20], [sflag:$0x3] =	stream.linear.gather [spmem:s5], $0x4000, $0x38;
	[tilespmem:$0x1E800] =	vst v63  }
0xe2: {  	_ =	swait.ge [sflag:s22], $0x4000  }
0xe3: {  	[sflag:s22] =	ssyncset.done $0x0  }
0xe4: {  	[sflag:s22] =	ssyncadd.s32 $0xFFFFC000  }
0xe5: {  	[hbm4b:s14+s2] =	stream.linear.scatter [tilespmem:s20], [sflag:$0x3], $0x4000, $0x38;
	[tilespmem:$0x1E800] =	vst v63  }
0xe6: {  	_ =	swait.ge [sflag:s22], $0x4000  }
0xe7: {  	[sflag:s22] =	ssyncset.done $0x0  }
0xe8: {  	[sflag:s22] =	ssyncadd.s32 $0xFFFFC000  }
0xe9: {  	[tilespmem:s25], [sflag:$0x3] =	stream.linear.gather [spmem:s6], $0x4000, $0x38;
	[tilespmem:$0x1E800] =	vst v63  }
0xea: {  	_ =	swait.ge [sflag:s22], $0x4000  }
0xeb: {  	[sflag:s22] =	ssyncset.done $0x0  }
0xec: {  	[sflag:s22] =	ssyncadd.s32 $0xFFFFC000  }
0xed: {  	[hbm4b:s15+s2] =	stream.linear.scatter [tilespmem:s25], [sflag:$0x3], $0x4000, $0x38;
	[tilespmem:$0x1E800] =	vst v63  }
0xee: {  	_ =	swait.ge [sflag:s22], $0x4000  }
0xef: {  	[sflag:s22] =	ssyncset.done $0x0  }
0xf0: {  	[sflag:s22] =	ssyncadd.s32 $0xFFFFC000  }
0xf1: {  	[tilespmem:s20], [sflag:$0x3] =	stream.linear.gather [spmem:s7], $0x4000, $0x38;
	[tilespmem:$0x1E800] =	vst v63  }
0xf2: {  	_ =	swait.ge [sflag:s22], $0x4000  }
0xf3: {  	[sflag:s22] =	ssyncset.done $0x0  }
0xf4: {  	[sflag:s22] =	ssyncadd.s32 $0xFFFFC000  }
0xf5: {  	[hbm4b:s16+s2] =	stream.linear.scatter [tilespmem:s20], [sflag:$0x3], $0x4000, $0x38;
	[tilespmem:$0x1E800] =	vst v63  }
0xf6: {  	_ =	swait.ge [sflag:s22], $0x4000  }
0xf7: {  	[sflag:s22] =	ssyncset.done $0x0  }
0xf8: {  	[sflag:s22] =	ssyncadd.s32 $0xFFFFC000  }
0xf9: {  	[tilespmem:s25], [sflag:$0x3] =	stream.linear.gather [spmem:s8], $0x4000, $0x38;
	[tilespmem:$0x1E800] =	vst v63  }
0xfa: {  	_ =	swait.ge [sflag:s22], $0x4000  }
0xfb: {  	[sflag:s22] =	ssyncset.done $0x0  }
0xfc: {  	[sflag:s22] =	ssyncadd.s32 $0xFFFFC000  }
0xfd: {  	[hbm4b:s17+s2] =	stream.linear.scatter [tilespmem:s25], [sflag:$0x3], $0x4000, $0x38;
	[tilespmem:$0x1E800] =	vst v63  }
0xfe: {  	_ =	swait.ge [sflag:s22], $0x4000  }
0xff: {  	[sflag:s22] =	ssyncset.done $0x0  }
0x100: {  	[sflag:s22] =	ssyncadd.s32 $0xFFFFC000  }
0x101: {  	[tilespmem:s20], [sflag:$0x3] =	stream.linear.gather [spmem:s9], $0x4000, $0x38;
	[tilespmem:$0x1E800] =	vst v63  }
0x102: {  	s31 =	sadd.s32 $0x1, s31;
	_ =	swait.ge [sflag:s22], $0x4000  }
0x103: {  	p0 =	sne.s32 s31, s19;
	[sflag:s22] =	ssyncset.done $0x0  }
.Ltmp3:
0x104: {  	[sflag:s22] =	ssyncadd.s32 $0xFFFFC000;
	(pc) =	sbr.rel @p0 .LBB2_1-.Ltmp3, $4  }
0x105: {  	[hbm4b:s18+s2] =	stream.linear.scatter [tilespmem:s20], [sflag:$0x3], $0x4000, $0x38;
	[tilespmem:$0x1E800] =	vst v63  }
0x106: {  	_ =	swait.ge [sflag:s22], $0x4000  }
0x107: {  	[sflag:s22] =	ssyncset.done $0x0  }
0x108: {  	[sflag:s22] =	ssyncadd.s32 $0xFFFFC000  }
0x109: {  	_ =	sfence.sel $0x180000  }
0x10a: {  	[bflag:$0x0] =	sbarrier.arrive $0xFFFF  }
0x10b: {  	_ =	strace $0x9000004A  }
0x10c: {  	s0 =	stileid.u32;
	[bflag:$0x2] =	sbarrier.arrive $0xFFFF  }
0x10d: {  	p0 =	sne.s32 s0, $0x0;
	s0 =	rddreg [dreg:$0x3]  }
0x10e: {  	s0 =	sadd.s32 @!p0 $0x100000, s0  }
0x10f: {  	[sflag:s0] =	ssyncadd.tile.s32 @!p0 $0x1;
	_ =	shalt  }
.Lfunc_end2:
_tile_overlayer_lowered:
.L_overlay_start_2:
0x110: {  	(tag) =	ssettag $0x2  }
0x111: {  	s0 =	rddreg [dreg:$0x0];
	s2 =	stileid.u32  }
0x112: {  	s1 =	rddreg [dreg:$0x1];
	p0 =	sne.s32 s2, $0x0  }
0x113: {  	s3 =	rddreg [dreg:$0x2];
	[bflag:$0x3] =	sbarrier.arrive $0xFFFF;
	s2 =	simm.s32 @!p0 $0x1C03  }
0x114: {  	[timem:s3], [sflag:s2] =	dma.local @!p0 [hbm:s0], s1  }
0x115: {  	s0 =	simm.s32 @!p0 $0x3  }
0x116: {  	_ =	swait.ge @!p0 [sflag:s0], s1  }
0x117: {  	s1 =	ssub.s32 @!p0 $0x0, s1;
	[sflag:s0] =	ssyncset.done @!p0 $0x0  }
0x118: {  	[sflag:s0] =	ssyncadd.s32 @!p0 s1  }
0x119: {  	[bflag:$0x3] =	sbarrier.arrive $0xFFFF  }
0x11a: {  	_ =	shalt  }

// kernel: seg_sum.7.cloned.1.call-start
scs
__scs_entry_jumppad:
0x0: {  	(pc) =	sbr.rel $0x88, $3  }
0x1: {  	(tag) =	ssettag $0x0;
	lr =	simm.s32 $0x1  }
0x2: {  	[smem:$0x3F99] =	sst lr;
	_ =	strace $0xD0000000  }
0x3: {  	_ = 	snop  }
0x4: {  	_ = 	snop  }
0x5: {  	_ = 	snop  }
0x6: {  	_ = 	snop  }
0x7: {  	_ = 	snop  }
__scs_overlays_trampoline_lowered:
0x8: {  	[smem:$0x3FA8] =	sst s0  }
0x9: {  	[smem:$0x3FA9] =	sst s1  }
0xa: {  	[smem:$0x3FAA] =	sst s2  }
0xb: {  	[smem:$0x3FAB] =	sst s3  }
0xc: {  	[smem:$0x3FAC] =	sst s4  }
0xd: {  	[smem:$0x3FAD] =	sst s5  }
0xe: {  	[smem:$0x3FAE] =	sst s6  }
0xf: {  	[smem:$0x3FAF] =	sst s7  }
0x10: {  	[smem:$0x3FB0] =	sst s8  }
0x11: {  	[smem:$0x3FB1] =	sst s9;
	s0 =	simm.s32 @!p0 $0x0  }
0x12: {  	s1 =	sld [smem:$0x3F97];
	s0 =	simm.s32 @p0 $0x1  }
0x13: {  	[smem:$0x3FB2] =	sst s0;
	s0 =	simm.s32 @!p1 $0x0  }
0x14: {  	s2 =	sld [smem:$0x3F96];
	s0 =	simm.s32 @p1 $0x1  }
0x15: {  	[smem:$0x3FB3] =	sst s0;
	s0 =	simm.s32 @!p2 $0x0  }
0x16: {  	s3 =	sld [smem:$0x3FDB];
	s0 =	simm.s32 @p2 $0x1  }
0x17: {  	s4 =	simm.s32 $0x1BF5;
	[smem:$0x3FB5] =	sst s0  }
0x18: {  	s0 =	sld [smem:$0x3F98];
	_ =	swait.ge [sflag:s4], $0x0  }
0x19: {  	s7 =	sld [smem:$0x3F99]  }
0x1a: {  	s8 =	sadd.s32 $0xFFFFE003, lr  }
0x1b: {  	s9 =	sadd.s32 $0xFFFFFEF7, lr;
	s5 =	simm.s32 $0xFFFFFFFF;
	p2 =	slt.u32 s8, $0xFFFFF086  }
0x1c: {  	p1 =	slt.u32 s9, $0xF7A;
	s5 =	simm.s32 @!p2 $0x0  }
0x1d: {  	s5 =	simm.s32 @p1 $0x1;
	p0 =	seq.s32 s7, s2  }
0x1e: {  	s7 =	smul.u32 @!p0 $0xF7A, s2;
	p2 =	seq.s32 @!p0 s5, $0x0  }
0x1f: {  	s9 =	smul.u32 $0xF7A, s1;
	s8 =	simm.s32 @!p0 $0x1BF5;
	p2 =	por !p2, p0  }
0x20: {  	[sflag:s8] =	ssyncset.s32 @!p0 $0xFFFFF086;
	s6 =	sadd.s32 @!p0 s3, s7;
	s7 =	simm.s32 @!p0 $0x108  }
0x21: {  	s3 =	sadd.s32 s3, s9;
	s6 =	sadd.s32 @!p0 $0x88, s6;
	s7 =	simm.s32 @p2 $0x1082  }
0x22: {  	[simem:s7], [sflag:s8] =	dma.local @!p0 [hbm:s6], $0xF7A  }
0x23: {  	s9 =	sor.u32 $0xD0000000, s2;
	s6 =	simm.s32 $0x108;
	_ =	swait.ge @!p0 [sflag:s8], $0x0  }
0x24: {  	s3 =	sadd.s32 $0x88, s3;
	s6 =	simm.s32 @!p1 $0x1082;
	[sflag:s4] =	ssyncset.s32 $0xFFFFF086  }
0x25: {  	[simem:s6], [sflag:s4] =	dma.local [hbm:s3], $0xF7A  }
0x26: {  	[smem:$0x3F99] =	sst s1;
	(tag) =	ssettag s2;
	_ =	strace s9  }
0x27: {  	s1 =	sld [smem:$0x3FA9]  }
0x28: {  	s2 =	sld [smem:$0x3FAA]  }
0x29: {  	s4 =	sld [smem:$0x3FAC]  }
0x2a: {  	p0 =	seq.s32 s5, $0x0;
	s5 =	sld [smem:$0x3FAD]  }
0x2b: {  	s6 =	sld [smem:$0x3FAE]  }
0x2c: {  	s7 =	sld [smem:$0x3FAF]  }
0x2d: {  	s3 =	simm.s32 $0x108;
	s8 =	sld [smem:$0x3FB0]  }
0x2e: {  	s3 =	simm.s32 @!p0 $0x1082;
	s9 =	sld [smem:$0x3FB1]  }
0x2f: {  	lr =	sadd.s32 s0, s3;
	s0 =	sld [smem:$0x3FA8]  }
0x30: {  	s3 =	sld [smem:$0x3FAB]  }
0x31: {  	[smem:$0x3FB4] =	sst s10  }
0x32: {  	s10 =	sld [smem:$0x3FB2];
	_ =	sdelay $0x3  }
0x33: {  	p0 =	seq.s32 s10, $0x1;
	s10 =	sld [smem:$0x3FB4];
	_ =	sdelay $0x3  }
0x34: {  	[smem:$0x3FB4] =	sst s10  }
0x35: {  	s10 =	sld [smem:$0x3FB3];
	_ =	sdelay $0x3  }
0x36: {  	p1 =	seq.s32 s10, $0x1;
	s10 =	sld [smem:$0x3FB4];
	_ =	sdelay $0x3  }
0x37: {  	[smem:$0x3FB4] =	sst s10  }
0x38: {  	s10 =	sld [smem:$0x3FB5]  }
0x39: {  	_ = 	snop;
	(pc) =	sbr.ind lr, $3  }
0x3a: {  	_ = 	snop  }
0x3b: {  	_ = 	snop  }
0x3c: {  	p2 =	seq.s32 s10, $0x1;
	s10 =	sld [smem:$0x3FB4]  }
0x3d: {  	_ =	shalt  }
0x3e: {  	_ =	shalt  }
0x3f: {  	_ =	shalt  }
0x40: {  	_ =	shalt  }
0x41: {  	_ =	shalt  }
0x42: {  	_ =	shalt  }
0x43: {  	_ =	shalt  }
0x44: {  	_ =	shalt  }
0x45: {  	_ =	shalt  }
0x46: {  	_ =	shalt  }
0x47: {  	_ =	shalt  }
0x48: {  	_ =	shalt  }
0x49: {  	_ =	shalt  }
0x4a: {  	_ =	shalt  }
0x4b: {  	_ =	shalt  }
0x4c: {  	_ =	shalt  }
0x4d: {  	_ =	shalt  }
0x4e: {  	_ =	shalt  }
0x4f: {  	_ =	shalt  }
0x50: {  	_ =	shalt  }
0x51: {  	_ =	shalt  }
0x52: {  	_ =	shalt  }
0x53: {  	_ =	shalt  }
0x54: {  	_ =	shalt  }
0x55: {  	_ =	shalt  }
0x56: {  	_ =	shalt  }
0x57: {  	_ =	shalt  }
0x58: {  	_ =	shalt  }
0x59: {  	_ =	shalt  }
0x5a: {  	_ =	shalt  }
0x5b: {  	_ =	shalt  }
0x5c: {  	_ =	shalt  }
0x5d: {  	_ =	shalt  }
0x5e: {  	_ =	shalt  }
0x5f: {  	_ =	shalt  }
0x60: {  	_ =	shalt  }
0x61: {  	_ =	shalt  }
0x62: {  	_ =	shalt  }
0x63: {  	_ =	shalt  }
0x64: {  	_ =	shalt  }
0x65: {  	_ =	shalt  }
0x66: {  	_ =	shalt  }
0x67: {  	_ =	shalt  }
0x68: {  	_ =	shalt  }
0x69: {  	_ =	shalt  }
0x6a: {  	_ =	shalt  }
0x6b: {  	_ =	shalt  }
0x6c: {  	_ =	shalt  }
0x6d: {  	_ =	shalt  }
0x6e: {  	_ =	shalt  }
0x6f: {  	_ =	shalt  }
0x70: {  	_ =	shalt  }
0x71: {  	_ =	shalt  }
0x72: {  	_ =	shalt  }
0x73: {  	_ =	shalt  }
0x74: {  	_ =	shalt  }
0x75: {  	_ =	shalt  }
0x76: {  	_ =	shalt  }
0x77: {  	_ =	shalt  }
0x78: {  	_ =	shalt  }
0x79: {  	_ =	shalt  }
0x7a: {  	_ =	shalt  }
0x7b: {  	_ =	shalt  }
0x7c: {  	_ =	shalt  }
0x7d: {  	_ =	shalt  }
0x7e: {  	_ =	shalt  }
0x7f: {  	_ =	shalt  }
0x80: {  	_ =	shalt  }
0x81: {  	_ =	shalt  }
0x82: {  	_ =	shalt  }
0x83: {  	_ =	shalt  }
0x84: {  	_ =	shalt  }
0x85: {  	_ =	shalt  }
0x86: {  	_ =	shalt  }
0x87: {  	_ =	shalt  }
.Lfunc_end0:
.L_simem_size_0:
called_computation.2_lowered:
.L_overlay_start_0:
0x88: {  	s2 =	sld [smem:$0x3FD9]  }
0x89: {  	s3 =	sld [smem:$0x3FFE];
	_ =	sdelay $0x1  }
0x8a: {  	s1 =	srdreg.scid  }
0x8b: {  	s0 =	sand.u32 $0x1, s1  }
0x8c: {  	s17 =	sshll.u32 s0, $0xA;
	s2 =	sadd.s32 s3, s2  }
0x8d: {  	s2 =	sadd.s32 s2, s17  }
0x8e: {  	[smem:$0x3FC0] =	sst s2  }
0x8f: {  	_ = 	snop  }
0x90: {  	s2 =	sld [smem:$0x3FD0];
	(tm) =	ssettm $0x1  }
0x91: {  	s18 =	sld [smem:$0x3FFB];
	_ =	sdelay $0x3  }
0x92: {  	_ =	strace s18  }
0x93: {  	s3 =	sld [smem:$0x3FFC];
	_ =	sdelay $0x3  }
0x94: {  	_ =	strace s3  }
0x95: {  	s3 =	sld [smem:$0x3FFD];
	_ =	sdelay $0x3  }
0x96: {  	_ =	strace s3  }
0x97: {  	_ =	strace $0x8FFFFFFF  }
0x98: {  	s19 =	sld [smem:$0x3FDB];
	_ =	sdelay $0x1  }
0x99: {  	s4 =	simm.s32 $_scs_section_size  }
0x9a: {  	s5 =	simm.s32 $_size__tile_overlayer_lowered;
	s6 =	simm.s32 $_tile_overlayer_lowered  }
0x9b: {  	s22 =	simm.s32 $0x1BFF;
	s21 =	sshll.u32 s6, $0x1;
	s3 =	sadd.s32 s4, s19  }
0x9c: {  	s7 =	simm.s32 $0x0;
	s20 =	sshll.u32 s5, $0x1;
	s5 =	sadd.s32 s21, s3  }
0x9d: {  	[timem:s7], [sflag:s22] =	dma.local [hbm:s5], s20  }
0x9e: {  	_ =	swait.ge [sflag:s22], s20  }
0x9f: {  	s4 =	ssub.s32 $0x0, s20;
	[sflag:s22] =	ssyncset.done $0x0  }
0xa0: {  	[sflag:s22] =	ssyncadd.s32 s4;
	_ =	sdelay $0x1  }
0xa1: {  	s23 =	simm.s32 $0x1B8B  }
0xa2: {  	_ =	swait.ge [sflag:s23], $0x1  }
0xa3: {  	[sflag:s23] =	ssyncset.done $0x0  }
0xa4: {  	s25 =	simm.s32 $0x1B8E;
	s24 =	sld [smem:$0x3FFE];
	[sflag:s23] =	ssyncadd.s32 $0xFFFFFFFF  }
0xa5: {  	s26 =	simm.s32 $execute0_lowered;
	[smem:$0x3FD2] =	sst s25  }
0xa6: {  	s5 =	sshll.u32 s26, $0x1;
	_ =	strace $0x8000004C;
	[dreg:$0x1] =	wrdreg $0xFFFFFFFF  }
0xa7: {  	s28 =	simm.s32 $_size_execute0_lowered;
	s3 =	sadd.s32 s3, s5;
	[dreg:$0x0] =	wrdreg $0x0  }
0xa8: {  	s5 =	sshll.u32 s28, $0x1;
	[dreg:$0x2] =	wrdreg s3  }
0xa9: {  	[dreg:$0x3] =	wrdreg s5  }
0xaa: {  	[dreg:$0x4] =	wrdreg $0xC0  }
0xab: {  	_ =	task [dreg:s7], $0x5FFFF  }
0xac: {  	[dreg:$0x1] =	wrdreg $0xFFFFFFFF  }
0xad: {  	[dreg:$0x0] =	wrdreg $0x60  }
0xae: {  	[dreg:$0x2] =	wrdreg s24  }
0xaf: {  	[dreg:$0x3] =	wrdreg s2  }
0xb0: {  	[dreg:$0x4] =	wrdreg $0xA8000  }
0xb1: {  	[dreg:$0x5] =	wrdreg $0x9  }
0xb2: {  	_ =	task.clear_ibuf [dreg:s7], $0x6FFFF;
	_ =	strace $0x9000004C  }
0xb3: {  	s29 =	simm.s32 $0x9;
	_ =	strace $0x8000004E  }
0xb4: {  	_ =	swait.ge [sflag:s29], $0x1  }
0xb5: {  	[sflag:s29] =	ssyncadd.s32 $0xFFFFFFFF  }
0xb6: {  	_ =	strace $0x9000004E  }
0xb7: {  	_ =	sfence  }
0xb8: {  	s30 =	sld [smem:$0x0];
	_ =	sdelay $0x2  }
0xb9: {  	s31 =	sshll.u32 s1, $0xD;
	s1 =	sshrl.u32 s1, $0x2  }
0xba: {  	s3 =	sand.u32 $0x4000, s31;
	s1 =	sadd.s32 s1, s30  }
0xbb: {  	s0 =	sor.u32 s3, s0;
	s1 =	sshll.u32 s1, $0x11  }
0xbc: {  	s0 =	sor.u32 s1, s0  }
0xbd: {  	s0 =	sadd.s32 $0x8F2B, s0  }
0xbe: {  	[sflag:s0] =	ssyncadd.remote.s32 $0x1  }
0xbf: {  	_ =	sfence.sel $0xFFFF  }
0xc0: {  	[dreg:$0x0] =	wrdreg $0xFFFFFFFF;
	(pc) =	sbr.abs _section_cstart, $3  }
0xc1: {  	[dreg:$0x1] =	wrdreg $0xFFFFFFFF  }
0xc2: {  	_ =	task.clear_ibuf [dreg:s7], $0x2FFFF;
	_ =	strace $0x9FFFFFFF  }
0xc3: {  	(tm) =	ssettm $0x7FFFFFFF  }
tec
execute0_lowered:
.L_overlay_start_1:
0x0: {  	(tag) =	ssettag $0x1  }
0x1: {  	s0 =	rddreg [dreg:$0x0]  }
0x2: {  	s3 =	rddreg [dreg:$0x1]  }
0x3: {  	s1 =	rddreg [dreg:$0x2];
	s2 =	simm.s32 $0x0  }
0x4: {  	s5 =	srdreg.scid;
	s8 =	stileid.u32;
	s28 =	simm.s32 $0x1380  }
0x5: {  	s29 =	simm.s32 $0x2700;
	s30 =	simm.s32 $0x2780;
	s31 =	simm.s32 $0x0  }
0x6: {  	[smem:$0x7FF] =	sst s2;
	s4 =	sadd.s32 $0xCE00, s0;
	s6 =	smul.u32 $0x50000, s8  }
0x7: {  	s9 =	sand.u32 $0x1, s5;
	s12 =	sadd.s32 $0x2E00, s0;
	s13 =	smul.u32 $0x14000, s8  }
0x8: {  	s0 =	sadd.s32 $0x34E00, s0;
	s11 =	smul.u32 $0x2800, s8;
	s5 =	ssub.s32 $0x2, s9  }
0x9: {  	_ =	strace $0x8000004D;
	s10 =	smul.u32 $0x28000, s9;
	s7 =	sshrl.u32 s5, $0x1  }
0xa: {  	s20 =	sshrl.u32 s6, $0x2;
	s14 =	sadd.s32 $0x4000, s13;
	s16 =	sadd.s32 $0x8000, s13  }
0xb: {  	s17 =	sadd.s32 $0xC000, s13;
	s18 =	sadd.s32 $0x10000, s13;
	s19 =	ssub.s32 s5, s7  }
0xc: {  	s5 =	sadd.s32 s20, s1;
	s6 =	sadd.s32 s14, s1;
	s7 =	sadd.s32 s16, s1  }
0xd: {  	s8 =	sadd.s32 s17, s1;
	s10 =	sadd.s32 s11, s10;
	s20 =	smul.u32 $0x140000, s9  }
0xe: {  	s9 =	sadd.s32 s18, s1;
	s15 =	sshrl.u32 s10, $0x3;
	s19 =	smax.u32 s19, $0x1  }
0xf: {  	s10 =	sadd.s32 s12, s15;
	s21 =	sadd.s32 s3, s15;
	s15 =	sadd.s32 $0x280, s15  }
0x10: {  	s13 =	sadd.s32 s13, s20;
	s14 =	sadd.s32 s20, s14;
	s23 =	sadd.s32 s20, s16  }
0x11: {  	s24 =	sadd.s32 s20, s17;
	s25 =	sadd.s32 s20, s18;
	[dreg:$0x4] =	wrdreg s10  }
0x12: {  	[dreg:$0x5] =	wrdreg s21;
	s22 =	sadd.s32 s12, s15;
	s21 =	sshrl.u32 s13, $0x3  }
0x13: {  	s13 =	sadd.s32 s3, s15;
	s3 =	sshrl.u32 s23, $0x3;
	s26 =	sshrl.u32 s24, $0x3  }
0x14: {  	s20 =	sshrl.u32 s25, $0x3;
	s23 =	simm.s32 $0x1400;
	s24 =	simm.s32 $0x80  }
0x15: {  	s25 =	simm.s32 $0x6800;
	[dreg:$0x6] =	wrdreg s22;
	s22 =	sshrl.u32 s14, $0x3  }
0x16: {  	s14 =	sadd.s32 s0, s21;
	s16 =	sadd.s32 s0, s3;
	s17 =	sadd.s32 s0, s26  }
0x17: {  	s18 =	sadd.s32 s0, s20;
	s20 =	simm.s32 $0x2800;
	s21 =	simm.s32 $0x1  }
0x18: {  	v0 =	vimm.f32 $0.0e+00;
	s26 =	simm.s32 $0x2;
	s15 =	sadd.s32 s0, s22;
	s22 =	simm.s32 $0x3  }
.LBB2_1:
0x19: {  	s0 =	simm.s32 $0x0;
	s3 =	simm.s32 $0x200  }
.LBB2_2:
0x1a: {  	p0 =	sne.s32 s3, $0xFE00;
	[tilespmem:s0+$0x2870] =	vst v0  }
0x1b: {  	[tilespmem:s0+$0x2800] =	vst v0  }
0x1c: {  	[tilespmem:s0+$0x2810] =	vst v0  }
.Ltmp0:
0x1d: {  	[tilespmem:s0+$0x2820] =	vst v0;
	(pc) =	sbr.rel @p0 .LBB2_2-.Ltmp0, $4  }
0x1e: {  	[tilespmem:s0+$0x2830] =	vst v0  }
0x1f: {  	[tilespmem:s0+$0x2840] =	vst v0  }
0x20: {  	[tilespmem:s0+$0x2850] =	vst v0  }
0x21: {  	[tilespmem:s0+$0x2860] =	vst v0;
	s0 =	sshra.s32 s3, $0x2;
	s3 =	sadd.s32 $0x200, s3  }
0x22: {  	[tilespmem:s0+$0x2870] =	vst v0  }
0x23: {  	[tilespmem:s0+$0x2800] =	vst v0  }
0x24: {  	[tilespmem:s0+$0x2810] =	vst v0  }
0x25: {  	[tilespmem:s0+$0x2820] =	vst v0  }
0x26: {  	[tilespmem:s0+$0x2830] =	vst v0  }
0x27: {  	[tilespmem:s0+$0x2840] =	vst v0  }
0x28: {  	[tilespmem:s0+$0x2850] =	vst v0  }
0x29: {  	[tilespmem:s0+$0x2860] =	vst v0  }
0x2a: {  	[spmem:s5] =	stream.linear.scatter [tilespmem:s20], [sflag:$0x1], $0x4000, $0x38;
	[tilespmem:$0x1E800] =	vst v63  }
0x2b: {  	_ = 	snop  }
0x2c: {  	[spmem:s6] =	stream.linear.scatter [tilespmem:s20], [sflag:$0x1], $0x4000, $0x38;
	[tilespmem:$0x1E800] =	vst v63  }
0x2d: {  	_ = 	snop  }
0x2e: {  	[spmem:s7] =	stream.linear.scatter [tilespmem:s20], [sflag:$0x1], $0x4000, $0x38;
	[tilespmem:$0x1E800] =	vst v63  }
0x2f: {  	_ = 	snop  }
0x30: {  	[spmem:s8] =	stream.linear.scatter [tilespmem:s20], [sflag:$0x1], $0x4000, $0x38;
	[tilespmem:$0x1E800] =	vst v63  }
0x31: {  	_ = 	snop  }
0x32: {  	[spmem:s9] =	stream.linear.scatter [tilespmem:s20], [sflag:$0x1], $0x4000, $0x38;
	[tilespmem:$0x1E800] =	vst v63  }
0x33: {  	_ =	swait.ge [sflag:s21], $0x4000  }
0x34: {  	[sflag:s21] =	ssyncset.done $0x0  }
0x35: {  	[sflag:s21] =	ssyncadd.s32 $0xFFFFC000  }
0x36: {  	_ =	swait.ge [sflag:s21], $0x4000  }
0x37: {  	[sflag:s21] =	ssyncset.done $0x0  }
0x38: {  	[sflag:s21] =	ssyncadd.s32 $0xFFFFC000  }
0x39: {  	_ =	swait.ge [sflag:s21], $0x4000  }
0x3a: {  	[sflag:s21] =	ssyncset.done $0x0  }
0x3b: {  	[sflag:s21] =	ssyncadd.s32 $0xFFFFC000  }
0x3c: {  	_ =	swait.ge [sflag:s21], $0x4000  }
0x3d: {  	[sflag:s21] =	ssyncset.done $0x0  }
0x3e: {  	[sflag:s21] =	ssyncadd.s32 $0xFFFFC000  }
0x3f: {  	_ =	swait.ge [sflag:s21], $0x4000  }
0x40: {  	[sflag:s21] =	ssyncset.done $0x0  }
0x41: {  	[sflag:s21] =	ssyncadd.s32 $0xFFFFC000  }
0x42: {  	[bflag:$0x0] =	sbarrier.arrive $0xFFFF  }
0x43: {  	s11 =	simm.s32 $0x0;
	s3 =	rddreg [dreg:$0x4]  }
0x44: {  	[tilespmem:s11], [sflag:$0x3] =	stream.linear.gather [hbm4b:s3+s11], $0x1400, $0x38;
	[tilespmem:$0x1E800] =	vst v63  }
0x45: {  	_ =	swait.ge [sflag:s22], $0x1400  }
0x46: {  	[sflag:s22] =	ssyncset.done $0x0  }
0x47: {  	s12 =	rddreg [dreg:$0x5];
	[sflag:s22] =	ssyncadd.s32 $0xFFFFEC00  }
0x48: {  	[tilespmem:s23], [sflag:$0x3] =	stream.linear.gather [hbm4b:s12+s11], $0x1400, $0x38;
	[tilespmem:$0x1E800] =	vst v63  }
0x49: {  	_ =	swait.ge [sflag:s22], $0x1400  }
0x4a: {  	[sflag:s22] =	ssyncset.done $0x0  }
0x4b: {  	[sflag:s22] =	ssyncadd.s32 $0xFFFFEC00  }
0x4c: {  	[tilespmem:s20], [sflag:$0x1] =	stream.indirect.gather [hbm4b:s4+s24], $0x80, s11, s24, $0xb8;
	[tilespmem:$0x1E800] =	vst v63  }
0x4d: {  	s3 =	simm.s32 $0x80  }
0x4e: {  	[tilespmem:s25], [sflag:$0x2] =	stream.indirect.gather [hbm4b:s4+s24], $0x80, s3, s24, $0xb8;
	[tilespmem:$0x1E800] =	vst v63  }
0x4f: {  	_ =	swait.ge [sflag:s21], $0x4000  }
0x50: {  	[sflag:s21] =	ssyncset.done $0x0  }
0x51: {  	s10 =	simm.s32 $0x1400;
	[sflag:s21] =	ssyncadd.s32 $0xFFFFC000  }
0x52: {  	[spmem:s1] =	stream.indirect.scatter.add.f32 [tilespmem:s20], [sflag:$0x3], $0x80, s10, s24, $0xb8;
	[tilespmem:$0x1E800] =	vst v63  }
0x53: {  	_ =	swait.ge [sflag:s22], $0x4000  }
0x54: {  	[sflag:s22] =	ssyncset.done $0x0  }
0x55: {  	s11 =	simm.s32 $0x100;
	[sflag:s22] =	ssyncadd.s32 $0xFFFFC000  }
0x56: {  	[tilespmem:s20], [sflag:$0x1] =	stream.indirect.gather [hbm4b:s4+s24], $0x80, s11, s24, $0xb8;
	[tilespmem:$0x1E800] =	vst v63  }
0x57: {  	_ =	swait.ge [sflag:s26], $0x4000  }
0x58: {  	[sflag:s26] =	ssyncset.done $0x0  }
0x59: {  	s12 =	simm.s32 $0x1480;
	[sflag:s26] =	ssyncadd.s32 $0xFFFFC000  }
0x5a: {  	[spmem:s1] =	stream.indirect.scatter.add.f32 [tilespmem:s25], [sflag:$0x3], $0x80, s12, s24, $0xb8;
	[tilespmem:$0x1E800] =	vst v63  }
0x5b: {  	_ =	swait.ge [sflag:s22], $0x4000  }
0x5c: {  	s0 =	simm.s32 $0x100;
	s3 =	simm.s32 $0x800;
	[sflag:s22] =	ssyncset.done $0x0  }
.LBB2_4:
0x5d: {  	s10 =	sadd.s32 $0x80, s0  }
0x5e: {  	[sflag:s22] =	ssyncadd.s32 $0xFFFFC000;
	s11 =	smov.u32 s3;
	s12 =	sadd.s32 $0x400, s3  }
0x5f: {  	[tilespmem:s25], [sflag:$0x2] =	stream.indirect.gather [hbm4b:s4+s24], $0x80, s10, s24, $0xb8;
	[tilespmem:$0x1E800] =	vst v63  }
0x60: {  	p0 =	sne.s32 s3, $0x4800;
	_ =	swait.ge [sflag:s21], $0x4000  }
0x61: {  	[sflag:s21] =	ssyncset.done $0x0  }
0x62: {  	s3 =	sadd.s32 $0x1400, s0;
	[sflag:s21] =	ssyncadd.s32 $0xFFFFC000  }
0x63: {  	[spmem:s1] =	stream.indirect.scatter.add.f32 [tilespmem:s20], [sflag:$0x3], $0x80, s3, s24, $0xb8;
	[tilespmem:$0x1E800] =	vst v63  }
0x64: {  	_ =	swait.ge [sflag:s22], $0x4000  }
0x65: {  	[sflag:s22] =	ssyncset.done $0x0  }
0x66: {  	s3 =	sadd.s32 $0x100, s0;
	[sflag:s22] =	ssyncadd.s32 $0xFFFFC000  }
0x67: {  	[tilespmem:s20], [sflag:$0x1] =	stream.indirect.gather [hbm4b:s4+s24], $0x80, s3, s24, $0xb8;
	[tilespmem:$0x1E800] =	vst v63  }
0x68: {  	_ =	swait.ge [sflag:s26], $0x4000  }
.Ltmp1:
0x69: {  	[sflag:s26] =	ssyncset.done $0x0;
	(pc) =	sbr.rel @p0 .LBB2_4-.Ltmp1, $4  }
0x6a: {  	s0 =	sadd.s32 $0x1480, s0;
	[sflag:s26] =	ssyncadd.s32 $0xFFFFC000  }
0x6b: {  	[spmem:s1] =	stream.indirect.scatter.add.f32 [tilespmem:s25], [sflag:$0x3], $0x80, s0, s24, $0xb8;
	[tilespmem:$0x1E800] =	vst v63  }
0x6c: {  	_ =	swait.ge [sflag:s22], $0x4000  }
0x6d: {  	s3 =	smov.u32 s12;
	s0 =	sshra.s32 s11, $0x2;
	[sflag:s22] =	ssyncset.done $0x0  }
0x6e: {  	s3 =	sadd.s32 $0x80, s0;
	[sflag:s22] =	ssyncadd.s32 $0xFFFFC000  }
0x6f: {  	[tilespmem:s25], [sflag:$0x2] =	stream.indirect.gather [hbm4b:s4+s24], $0x80, s3, s24, $0xb8;
	[tilespmem:$0x1E800] =	vst v63  }
0x70: {  	_ =	swait.ge [sflag:s21], $0x4000  }
0x71: {  	[sflag:s21] =	ssyncset.done $0x0  }
0x72: {  	s11 =	sadd.s32 $0x1400, s0;
	[sflag:s21] =	ssyncadd.s32 $0xFFFFC000  }
0x73: {  	[spmem:s1] =	stream.indirect.scatter.add.f32 [tilespmem:s20], [sflag:$0x3], $0x80, s11, s24, $0xb8;
	[tilespmem:$0x1E800] =	vst v63  }
0x74: {  	_ =	swait.ge [sflag:s22], $0x4000  }
0x75: {  	[sflag:s22] =	ssyncset.done $0x0  }
0x76: {  	s12 =	sadd.s32 $0x100, s0;
	[sflag:s22] =	ssyncadd.s32 $0xFFFFC000  }
0x77: {  	[tilespmem:s20], [sflag:$0x1] =	stream.indirect.gather [hbm4b:s4+s24], $0x80, s12, s24, $0xb8;
	[tilespmem:$0x1E800] =	vst v63  }
0x78: {  	_ =	swait.ge [sflag:s26], $0x4000  }
0x79: {  	[sflag:s26] =	ssyncset.done $0x0  }
0x7a: {  	s10 =	sadd.s32 $0x1480, s0;
	[sflag:s26] =	ssyncadd.s32 $0xFFFFC000  }
0x7b: {  	[spmem:s1] =	stream.indirect.scatter.add.f32 [tilespmem:s25], [sflag:$0x3], $0x80, s10, s24, $0xb8;
	[tilespmem:$0x1E800] =	vst v63  }
0x7c: {  	_ =	swait.ge [sflag:s22], $0x4000  }
0x7d: {  	[sflag:s22] =	ssyncset.done $0x0  }
0x7e: {  	[sflag:s22] =	ssyncadd.s32 $0xFFFFC000  }
0x7f: {  	[tilespmem:s25], [sflag:$0x2] =	stream.indirect.gather [hbm4b:s4+s24], $0x80, s28, s24, $0xb8;
	[tilespmem:$0x1E800] =	vst v63  }
0x80: {  	_ =	swait.ge [sflag:s21], $0x4000  }
0x81: {  	[sflag:s21] =	ssyncset.done $0x0  }
0x82: {  	[sflag:s21] =	ssyncadd.s32 $0xFFFFC000  }
0x83: {  	[spmem:s1] =	stream.indirect.scatter.add.f32 [tilespmem:s20], [sflag:$0x3], $0x80, s29, s24, $0xb8;
	[tilespmem:$0x1E800] =	vst v63  }
0x84: {  	_ =	swait.ge [sflag:s22], $0x4000  }
0x85: {  	[sflag:s22] =	ssyncset.done $0x0  }
0x86: {  	[sflag:s22] =	ssyncadd.s32 $0xFFFFC000  }
0x87: {  	[tilespmem:s20], [sflag:$0x1] =	stream.indirect.gather [hbm4b:s4+s24], $0x80, s28, s24, $0xb8;
	[tilespmem:$0x1E800] =	vst v63  }
0x88: {  	_ =	swait.ge [sflag:s26], $0x4000  }
0x89: {  	[sflag:s26] =	ssyncset.done $0x0  }
0x8a: {  	[sflag:s26] =	ssyncadd.s32 $0xFFFFC000  }
0x8b: {  	[spmem:s1] =	stream.indirect.scatter.add.f32 [tilespmem:s25], [sflag:$0x3], $0x80, s30, s24, $0xb8;
	[tilespmem:$0x1E800] =	vst v63  }
0x8c: {  	_ =	swait.ge [sflag:s22], $0x4000  }
0x8d: {  	[sflag:s22] =	ssyncset.done $0x0  }
0x8e: {  	[sflag:s22] =	ssyncadd.s32 $0xFFFFC000  }
0x8f: {  	_ =	swait.ge [sflag:s21], $0x4000  }
0x90: {  	[sflag:s21] =	ssyncset.done $0x0  }
0x91: {  	s11 =	simm.s32 $0x0;
	s12 =	rddreg [dreg:$0x6];
	[sflag:s21] =	ssyncadd.s32 $0xFFFFC000  }
0x92: {  	[tilespmem:s11], [sflag:$0x3] =	stream.linear.gather [hbm4b:s12+s11], $0x1400, $0x38;
	[tilespmem:$0x1E800] =	vst v63  }
0x93: {  	_ =	swait.ge [sflag:s22], $0x1400  }
0x94: {  	[sflag:s22] =	ssyncset.done $0x0  }
0x95: {  	[sflag:s22] =	ssyncadd.s32 $0xFFFFEC00  }
0x96: {  	[tilespmem:s23], [sflag:$0x3] =	stream.linear.gather [hbm4b:s13+s11], $0x1400, $0x38;
	[tilespmem:$0x1E800] =	vst v63  }
0x97: {  	_ =	swait.ge [sflag:s22], $0x1400  }
0x98: {  	[sflag:s22] =	ssyncset.done $0x0  }
0x99: {  	[sflag:s22] =	ssyncadd.s32 $0xFFFFEC00  }
0x9a: {  	[tilespmem:s20], [sflag:$0x1] =	stream.indirect.gather [hbm4b:s4+s24], $0x80, s11, s24, $0xb8;
	[tilespmem:$0x1E800] =	vst v63  }
0x9b: {  	s3 =	simm.s32 $0x80  }
0x9c: {  	[tilespmem:s25], [sflag:$0x2] =	stream.indirect.gather [hbm4b:s4+s24], $0x80, s3, s24, $0xb8;
	[tilespmem:$0x1E800] =	vst v63  }
0x9d: {  	_ =	swait.ge [sflag:s21], $0x4000  }
0x9e: {  	[sflag:s21] =	ssyncset.done $0x0  }
0x9f: {  	s10 =	simm.s32 $0x1400;
	[sflag:s21] =	ssyncadd.s32 $0xFFFFC000  }
0xa0: {  	[spmem:s1] =	stream.indirect.scatter.add.f32 [tilespmem:s20], [sflag:$0x3], $0x80, s10, s24, $0xb8;
	[tilespmem:$0x1E800] =	vst v63  }
0xa1: {  	_ =	swait.ge [sflag:s22], $0x4000  }
0xa2: {  	[sflag:s22] =	ssyncset.done $0x0  }
0xa3: {  	s11 =	simm.s32 $0x100;
	[sflag:s22] =	ssyncadd.s32 $0xFFFFC000  }
0xa4: {  	[tilespmem:s20], [sflag:$0x1] =	stream.indirect.gather [hbm4b:s4+s24], $0x80, s11, s24, $0xb8;
	[tilespmem:$0x1E800] =	vst v63  }
0xa5: {  	_ =	swait.ge [sflag:s26], $0x4000  }
0xa6: {  	[sflag:s26] =	ssyncset.done $0x0  }
0xa7: {  	s12 =	simm.s32 $0x1480;
	[sflag:s26] =	ssyncadd.s32 $0xFFFFC000  }
0xa8: {  	[spmem:s1] =	stream.indirect.scatter.add.f32 [tilespmem:s25], [sflag:$0x3], $0x80, s12, s24, $0xb8;
	[tilespmem:$0x1E800] =	vst v63  }
0xa9: {  	_ =	swait.ge [sflag:s22], $0x4000  }
0xaa: {  	s0 =	simm.s32 $0x100;
	s3 =	simm.s32 $0x800;
	[sflag:s22] =	ssyncset.done $0x0  }
.LBB2_6:
0xab: {  	s10 =	sadd.s32 $0x80, s0  }
0xac: {  	[sflag:s22] =	ssyncadd.s32 $0xFFFFC000;
	s11 =	smov.u32 s3;
	s12 =	sadd.s32 $0x400, s3  }
0xad: {  	[tilespmem:s25], [sflag:$0x2] =	stream.indirect.gather [hbm4b:s4+s24], $0x80, s10, s24, $0xb8;
	[tilespmem:$0x1E800] =	vst v63  }
0xae: {  	p0 =	sne.s32 s3, $0x4800;
	_ =	swait.ge [sflag:s21], $0x4000  }
0xaf: {  	[sflag:s21] =	ssyncset.done $0x0  }
0xb0: {  	s3 =	sadd.s32 $0x1400, s0;
	[sflag:s21] =	ssyncadd.s32 $0xFFFFC000  }
0xb1: {  	[spmem:s1] =	stream.indirect.scatter.add.f32 [tilespmem:s20], [sflag:$0x3], $0x80, s3, s24, $0xb8;
	[tilespmem:$0x1E800] =	vst v63  }
0xb2: {  	_ =	swait.ge [sflag:s22], $0x4000  }
0xb3: {  	[sflag:s22] =	ssyncset.done $0x0  }
0xb4: {  	s3 =	sadd.s32 $0x100, s0;
	[sflag:s22] =	ssyncadd.s32 $0xFFFFC000  }
0xb5: {  	[tilespmem:s20], [sflag:$0x1] =	stream.indirect.gather [hbm4b:s4+s24], $0x80, s3, s24, $0xb8;
	[tilespmem:$0x1E800] =	vst v63  }
0xb6: {  	_ =	swait.ge [sflag:s26], $0x4000  }
.Ltmp2:
0xb7: {  	[sflag:s26] =	ssyncset.done $0x0;
	(pc) =	sbr.rel @p0 .LBB2_6-.Ltmp2, $4  }
0xb8: {  	s0 =	sadd.s32 $0x1480, s0;
	[sflag:s26] =	ssyncadd.s32 $0xFFFFC000  }
0xb9: {  	[spmem:s1] =	stream.indirect.scatter.add.f32 [tilespmem:s25], [sflag:$0x3], $0x80, s0, s24, $0xb8;
	[tilespmem:$0x1E800] =	vst v63  }
0xba: {  	_ =	swait.ge [sflag:s22], $0x4000  }
0xbb: {  	s3 =	smov.u32 s12;
	s0 =	sshra.s32 s11, $0x2;
	[sflag:s22] =	ssyncset.done $0x0  }
0xbc: {  	s3 =	sadd.s32 $0x80, s0;
	[sflag:s22] =	ssyncadd.s32 $0xFFFFC000  }
0xbd: {  	[tilespmem:s25], [sflag:$0x2] =	stream.indirect.gather [hbm4b:s4+s24], $0x80, s3, s24, $0xb8;
	[tilespmem:$0x1E800] =	vst v63  }
0xbe: {  	_ =	swait.ge [sflag:s21], $0x4000  }
0xbf: {  	[sflag:s21] =	ssyncset.done $0x0  }
0xc0: {  	s10 =	sadd.s32 $0x1400, s0;
	[sflag:s21] =	ssyncadd.s32 $0xFFFFC000  }
0xc1: {  	[spmem:s1] =	stream.indirect.scatter.add.f32 [tilespmem:s20], [sflag:$0x3], $0x80, s10, s24, $0xb8;
	[tilespmem:$0x1E800] =	vst v63  }
0xc2: {  	_ =	swait.ge [sflag:s22], $0x4000  }
0xc3: {  	[sflag:s22] =	ssyncset.done $0x0  }
0xc4: {  	s11 =	sadd.s32 $0x100, s0;
	[sflag:s22] =	ssyncadd.s32 $0xFFFFC000  }
0xc5: {  	[tilespmem:s20], [sflag:$0x1] =	stream.indirect.gather [hbm4b:s4+s24], $0x80, s11, s24, $0xb8;
	[tilespmem:$0x1E800] =	vst v63  }
0xc6: {  	_ =	swait.ge [sflag:s26], $0x4000  }
0xc7: {  	[sflag:s26] =	ssyncset.done $0x0  }
0xc8: {  	s12 =	sadd.s32 $0x1480, s0;
	[sflag:s26] =	ssyncadd.s32 $0xFFFFC000  }
0xc9: {  	[spmem:s1] =	stream.indirect.scatter.add.f32 [tilespmem:s25], [sflag:$0x3], $0x80, s12, s24, $0xb8;
	[tilespmem:$0x1E800] =	vst v63  }
0xca: {  	_ =	swait.ge [sflag:s22], $0x4000  }
0xcb: {  	[sflag:s22] =	ssyncset.done $0x0  }
0xcc: {  	[sflag:s22] =	ssyncadd.s32 $0xFFFFC000  }
0xcd: {  	[tilespmem:s25], [sflag:$0x2] =	stream.indirect.gather [hbm4b:s4+s24], $0x80, s28, s24, $0xb8;
	[tilespmem:$0x1E800] =	vst v63  }
0xce: {  	_ =	swait.ge [sflag:s21], $0x4000  }
0xcf: {  	[sflag:s21] =	ssyncset.done $0x0  }
0xd0: {  	[sflag:s21] =	ssyncadd.s32 $0xFFFFC000  }
0xd1: {  	[spmem:s1] =	stream.indirect.scatter.add.f32 [tilespmem:s20], [sflag:$0x3], $0x80, s29, s24, $0xb8;
	[tilespmem:$0x1E800] =	vst v63  }
0xd2: {  	_ =	swait.ge [sflag:s22], $0x4000  }
0xd3: {  	[sflag:s22] =	ssyncset.done $0x0  }
0xd4: {  	[sflag:s22] =	ssyncadd.s32 $0xFFFFC000  }
0xd5: {  	[tilespmem:s20], [sflag:$0x1] =	stream.indirect.gather [hbm4b:s4+s24], $0x80, s28, s24, $0xb8;
	[tilespmem:$0x1E800] =	vst v63  }
0xd6: {  	_ =	swait.ge [sflag:s26], $0x4000  }
0xd7: {  	[sflag:s26] =	ssyncset.done $0x0  }
0xd8: {  	[sflag:s26] =	ssyncadd.s32 $0xFFFFC000  }
0xd9: {  	[spmem:s1] =	stream.indirect.scatter.add.f32 [tilespmem:s25], [sflag:$0x3], $0x80, s30, s24, $0xb8;
	[tilespmem:$0x1E800] =	vst v63  }
0xda: {  	_ =	swait.ge [sflag:s22], $0x4000  }
0xdb: {  	[sflag:s22] =	ssyncset.done $0x0  }
0xdc: {  	[sflag:s22] =	ssyncadd.s32 $0xFFFFC000  }
0xdd: {  	_ =	swait.ge [sflag:s21], $0x4000  }
0xde: {  	[sflag:s21] =	ssyncset.done $0x0  }
0xdf: {  	[sflag:s21] =	ssyncadd.s32 $0xFFFFC000  }
0xe0: {  	[bflag:$0x0] =	sbarrier.arrive $0xFFFF  }
0xe1: {  	[tilespmem:s20], [sflag:$0x3] =	stream.linear.gather [spmem:s5], $0x4000, $0x38;
	[tilespmem:$0x1E800] =	vst v63  }
0xe2: {  	_ =	swait.ge [sflag:s22], $0x4000  }
0xe3: {  	[sflag:s22] =	ssyncset.done $0x0  }
0xe4: {  	[sflag:s22] =	ssyncadd.s32 $0xFFFFC000  }
0xe5: {  	[hbm4b:s14+s2] =	stream.linear.scatter [tilespmem:s20], [sflag:$0x3], $0x4000, $0x38;
	[tilespmem:$0x1E800] =	vst v63  }
0xe6: {  	_ =	swait.ge [sflag:s22], $0x4000  }
0xe7: {  	[sflag:s22] =	ssyncset.done $0x0  }
0xe8: {  	[sflag:s22] =	ssyncadd.s32 $0xFFFFC000  }
0xe9: {  	[tilespmem:s25], [sflag:$0x3] =	stream.linear.gather [spmem:s6], $0x4000, $0x38;
	[tilespmem:$0x1E800] =	vst v63  }
0xea: {  	_ =	swait.ge [sflag:s22], $0x4000  }
0xeb: {  	[sflag:s22] =	ssyncset.done $0x0  }
0xec: {  	[sflag:s22] =	ssyncadd.s32 $0xFFFFC000  }
0xed: {  	[hbm4b:s15+s2] =	stream.linear.scatter [tilespmem:s25], [sflag:$0x3], $0x4000, $0x38;
	[tilespmem:$0x1E800] =	vst v63  }
0xee: {  	_ =	swait.ge [sflag:s22], $0x4000  }
0xef: {  	[sflag:s22] =	ssyncset.done $0x0  }
0xf0: {  	[sflag:s22] =	ssyncadd.s32 $0xFFFFC000  }
0xf1: {  	[tilespmem:s20], [sflag:$0x3] =	stream.linear.gather [spmem:s7], $0x4000, $0x38;
	[tilespmem:$0x1E800] =	vst v63  }
0xf2: {  	_ =	swait.ge [sflag:s22], $0x4000  }
0xf3: {  	[sflag:s22] =	ssyncset.done $0x0  }
0xf4: {  	[sflag:s22] =	ssyncadd.s32 $0xFFFFC000  }
0xf5: {  	[hbm4b:s16+s2] =	stream.linear.scatter [tilespmem:s20], [sflag:$0x3], $0x4000, $0x38;
	[tilespmem:$0x1E800] =	vst v63  }
0xf6: {  	_ =	swait.ge [sflag:s22], $0x4000  }
0xf7: {  	[sflag:s22] =	ssyncset.done $0x0  }
0xf8: {  	[sflag:s22] =	ssyncadd.s32 $0xFFFFC000  }
0xf9: {  	[tilespmem:s25], [sflag:$0x3] =	stream.linear.gather [spmem:s8], $0x4000, $0x38;
	[tilespmem:$0x1E800] =	vst v63  }
0xfa: {  	_ =	swait.ge [sflag:s22], $0x4000  }
0xfb: {  	[sflag:s22] =	ssyncset.done $0x0  }
0xfc: {  	[sflag:s22] =	ssyncadd.s32 $0xFFFFC000  }
0xfd: {  	[hbm4b:s17+s2] =	stream.linear.scatter [tilespmem:s25], [sflag:$0x3], $0x4000, $0x38;
	[tilespmem:$0x1E800] =	vst v63  }
0xfe: {  	_ =	swait.ge [sflag:s22], $0x4000  }
0xff: {  	[sflag:s22] =	ssyncset.done $0x0  }
0x100: {  	[sflag:s22] =	ssyncadd.s32 $0xFFFFC000  }
0x101: {  	[tilespmem:s20], [sflag:$0x3] =	stream.linear.gather [spmem:s9], $0x4000, $0x38;
	[tilespmem:$0x1E800] =	vst v63  }
0x102: {  	s31 =	sadd.s32 $0x1, s31;
	_ =	swait.ge [sflag:s22], $0x4000  }
0x103: {  	p0 =	sne.s32 s31, s19;
	[sflag:s22] =	ssyncset.done $0x0  }
.Ltmp3:
0x104: {  	[sflag:s22] =	ssyncadd.s32 $0xFFFFC000;
	(pc) =	sbr.rel @p0 .LBB2_1-.Ltmp3, $4  }
0x105: {  	[hbm4b:s18+s2] =	stream.linear.scatter [tilespmem:s20], [sflag:$0x3], $0x4000, $0x38;
	[tilespmem:$0x1E800] =	vst v63  }
0x106: {  	_ =	swait.ge [sflag:s22], $0x4000  }
0x107: {  	[sflag:s22] =	ssyncset.done $0x0  }
0x108: {  	[sflag:s22] =	ssyncadd.s32 $0xFFFFC000  }
0x109: {  	_ =	sfence.sel $0x180000  }
0x10a: {  	[bflag:$0x0] =	sbarrier.arrive $0xFFFF  }
0x10b: {  	_ =	strace $0x9000004D  }
0x10c: {  	s0 =	stileid.u32;
	[bflag:$0x2] =	sbarrier.arrive $0xFFFF  }
0x10d: {  	p0 =	sne.s32 s0, $0x0;
	s0 =	rddreg [dreg:$0x3]  }
0x10e: {  	s0 =	sadd.s32 @!p0 $0x100000, s0  }
0x10f: {  	[sflag:s0] =	ssyncadd.tile.s32 @!p0 $0x1;
	_ =	shalt  }
.Lfunc_end2:
_tile_overlayer_lowered:
.L_overlay_start_2:
0x110: {  	(tag) =	ssettag $0x2  }
0x111: {  	s0 =	rddreg [dreg:$0x0];
	s2 =	stileid.u32  }
0x112: {  	s1 =	rddreg [dreg:$0x1];
	p0 =	sne.s32 s2, $0x0  }
0x113: {  	s3 =	rddreg [dreg:$0x2];
	[bflag:$0x3] =	sbarrier.arrive $0xFFFF;
	s2 =	simm.s32 @!p0 $0x1C03  }
0x114: {  	[timem:s3], [sflag:s2] =	dma.local @!p0 [hbm:s0], s1  }
0x115: {  	s0 =	simm.s32 @!p0 $0x3  }
0x116: {  	_ =	swait.ge @!p0 [sflag:s0], s1  }
0x117: {  	s1 =	ssub.s32 @!p0 $0x0, s1;
	[sflag:s0] =	ssyncset.done @!p0 $0x0  }
0x118: {  	[sflag:s0] =	ssyncadd.s32 @!p0 s1  }
0x119: {  	[bflag:$0x3] =	sbarrier.arrive $0xFFFF  }
0x11a: {  	_ =	shalt  }

</sc_bundles>
